<compile_context>
chip_gen: v7x
topology: tpu7x:2x2x1
jax: 0.10.2.dev20260603
libtpu: 0.0.44.dev20260713+nightly
codegen_flags: <defaults>
</compile_context>

<pallas_src>
import functools

import jax
import jax.numpy as jnp
from jax import lax
from jax.experimental import pallas as pl
from jax.experimental.pallas import tpu as pltpu
from jax.experimental.pallas import tpu_sc as plsc

_VOCAB = 100000
_MAXLEN = 200
_EMBED = 128
_BATCH = 4096

_NC = 2
_NS = 16
_NW = _NC * _NS

_TOTAL = _BATCH * _MAXLEN
_PER_W = _TOTAL // _NW
_UNIT = 128
_UNITS = _PER_W // _UNIT
_LANES = 16
_PK = _EMBED // 2
_PGRP = _PK // _LANES
_HALF = _EMBED // 2

_NBUF = 3


def _sc_body(tok_hbm, idx_hbm, pos_hbm, out_hbm, idx_v, rows_v, outb_v, pos_v,
             gsem0, gsem1, gsem2, osem0, osem1, osem2):
  gsem = (gsem0, gsem1, gsem2)
  osem = (osem0, osem1, osem2)
  wid = lax.axis_index("c") * _NS + lax.axis_index("s")
  base = wid * _PER_W

  pltpu.sync_copy(idx_hbm.at[pl.ds(base, _PER_W)], idx_v)
  pltpu.sync_copy(pos_hbm, pos_v)

  def gather_copy(u, b):
    return pltpu.make_async_copy(
        tok_hbm.at[idx_v.at[pl.ds(u * _UNIT, _UNIT)]], rows_v.at[b], gsem[b])

  def out_copy(u, b):
    return pltpu.make_async_copy(
        outb_v.at[b], out_hbm.at[pl.ds(base + u * _UNIT, _UNIT)], osem[b])

  def compute(u, b):
    p0 = lax.rem(u * _UNIT, _MAXLEN)
    hi_mask = jnp.full((_LANES,), -65536, jnp.int32)

    @plsc.parallel_loop(0, _UNIT, 1, unroll=4)
    def _row(r):
      for g in range(_PGRP):
        sl = pl.ds(g * _LANES, _LANES)
        t = rows_v[b, r, sl]
        p = pos_v[p0 + r, sl]
        ta = plsc.bitcast(t << 16, jnp.float32)
        tb = plsc.bitcast(t & hi_mask, jnp.float32)
        pa = plsc.bitcast(p << 16, jnp.float32)
        pb = plsc.bitcast(p & hi_mask, jnp.float32)
        outb_v[b, r, sl] = ta + pa
        outb_v[b, r, pl.ds(_HALF + g * _LANES, _LANES)] = tb + pb

  for u in range(_NBUF):
    gather_copy(u, u).start()

  _MAIN = _UNITS - (_UNITS % _NBUF or _NBUF)

  @pl.loop(0, _MAIN, step=_NBUF)
  def _unit_group(u0):
    for b in range(_NBUF):
      u = u0 + b

      @pl.when(u >= _NBUF)
      def _():
        out_copy(u - _NBUF, b).wait()

      gather_copy(u, b).wait()
      compute(u, b)

      @pl.when(u + _NBUF < _UNITS)
      def _():
        gather_copy(u + _NBUF, b).start()

      out_copy(u, b).start()

  for u in range(_MAIN, _UNITS):
    b = u % _NBUF
    out_copy(u - _NBUF, b).wait()
    gather_copy(u, b).wait()
    compute(u, b)
    if u + _NBUF < _UNITS:
      gather_copy(u + _NBUF, b).start()
    out_copy(u, b).start()

  for u in range(_UNITS - _NBUF, _UNITS):
    out_copy(u, u % _NBUF).wait()


_PROWS = 3128
_PUNIT = 136
_PUNITS = _PROWS // _PUNIT
_PLAST = _VOCAB - _PROWS


def _pack_body(tok_hbm, pk_hbm, in_v, out_v, isem0, isem1, osem0, osem1):
  isem = (isem0, isem1)
  osem = (osem0, osem1)
  wid = lax.axis_index("c") * _NS + lax.axis_index("s")
  base = jnp.where(wid < _NW - 1, wid * _PROWS, _PLAST)

  def in_copy(u, b):
    return pltpu.make_async_copy(
        tok_hbm.at[pl.ds(base + u * _PUNIT, _PUNIT)], in_v.at[b], isem[b])

  def out_copy(u, b):
    return pltpu.make_async_copy(
        out_v.at[b], pk_hbm.at[pl.ds(base + u * _PUNIT, _PUNIT)], osem[b])

  def pack(b):
    half_bias = jnp.full((_LANES,), 0x8000, jnp.int32)
    hi_mask = jnp.full((_LANES,), -65536, jnp.int32)

    @plsc.parallel_loop(0, _PUNIT, 1, unroll=4)
    def _row(r):
      for g in range(_PGRP):
        lo_f = in_v[b, r, pl.ds(g * _LANES, _LANES)]
        hi_f = in_v[b, r, pl.ds(_HALF + g * _LANES, _LANES)]
        lo = lax.shift_right_logical(
            plsc.bitcast(lo_f, jnp.int32) + half_bias, 16)
        hi = (plsc.bitcast(hi_f, jnp.int32) + half_bias) & hi_mask
        out_v[b, r, pl.ds(g * _LANES, _LANES)] = lo | hi

  in_copy(0, 0).start()

  @pl.loop(0, _PUNITS - 1, step=2)
  def _unit_pair(u0):
    for b in range(2):
      u = u0 + b

      @pl.when(u >= 1)
      def _():
        out_copy(u - 1, 1 - b).wait()

      @pl.when(u + 1 < _PUNITS)
      def _():
        in_copy(u + 1, 1 - b).start()

      in_copy(u, b).wait()
      pack(b)
      out_copy(u, b).start()

  u = _PUNITS - 1
  b = u % 2
  out_copy(u - 1, 1 - b).wait()
  in_copy(u, b).wait()
  pack(b)
  out_copy(u, b).start()
  out_copy(u, b).wait()


@functools.cache
def _build_pack():
  mesh = plsc.VectorSubcoreMesh(core_axis_name="c", subcore_axis_name="s")
  return pl.kernel(
      _pack_body,
      out_type=jax.ShapeDtypeStruct((_VOCAB, _PK), jnp.int32),
      mesh=mesh,
      compiler_params=pltpu.CompilerParams(
          use_tc_tiling_on_sc=False, needs_layout_passes=False),
      scratch_types=[
          pltpu.VMEM((2, _PUNIT, _EMBED), jnp.float32),
          pltpu.VMEM((2, _PUNIT, _PK), jnp.int32),
          pltpu.SemaphoreType.DMA,
          pltpu.SemaphoreType.DMA,
          pltpu.SemaphoreType.DMA,
          pltpu.SemaphoreType.DMA,
      ],
  )


@functools.cache
def _build():
  mesh = plsc.VectorSubcoreMesh(core_axis_name="c", subcore_axis_name="s")
  return pl.kernel(
      _sc_body,
      out_type=jax.ShapeDtypeStruct((_TOTAL, _EMBED), jnp.float32),
      mesh=mesh,
      compiler_params=pltpu.CompilerParams(
          use_tc_tiling_on_sc=False, needs_layout_passes=False),
      scratch_types=[
          pltpu.VMEM((_PER_W,), jnp.int32),
          pltpu.VMEM((_NBUF, _UNIT, _PK), jnp.int32),
          pltpu.VMEM((_NBUF, _UNIT, _EMBED), jnp.float32),
          pltpu.VMEM((2 * _MAXLEN, _PK), jnp.int32),
          pltpu.SemaphoreType.DMA,
          pltpu.SemaphoreType.DMA,
          pltpu.SemaphoreType.DMA,
          pltpu.SemaphoreType.DMA,
          pltpu.SemaphoreType.DMA,
          pltpu.SemaphoreType.DMA,
      ],
  )


def _pack_pairs(table):
  xi = lax.bitcast_convert_type(table, jnp.int32) + 0x8000
  lo = lax.shift_right_logical(xi[:, :_HALF], 16)
  hi = xi[:, _HALF:] & -65536
  return lo | hi


def kernel(x, token_table, pos_table):
  xf = x.astype(jnp.int32).reshape(_TOTAL)
  tok_pk = _build_pack()(token_table)
  pos_pk = _pack_pairs(jnp.concatenate([pos_table, pos_table], axis=0))
  out = _build()(tok_pk, xf, pos_pk)
  return out.reshape(_BATCH, _MAXLEN, _EMBED)

# --- scband reference (transcript-rebuilt; emitter-appended) ---
"""Pipeline reference for scband-token-and-position-embedding-17394617549265 (READ-ONLY COPY).

The authoritative reference and input builder live on the scoring server;
editing this copy changes nothing except your own understanding.
"""

import jax, jax.numpy as jnp
import numpy as np

VOCAB = 100000
MAXLEN = 200
EMBED = 128
BATCH = 4096

def setup_inputs(seed: int = 0) -> dict:
    key = jax.random.key(seed)
    k1, k2, k3 = jax.random.split(key, 3)
    x = jax.random.randint(k1, (BATCH, MAXLEN), 0, VOCAB, dtype=jnp.int32).astype(jnp.int64)
    token_table = jax.random.normal(k2, (VOCAB, EMBED), dtype=jnp.float32) * 0.05
    pos_table = jax.random.normal(k3, (MAXLEN, EMBED), dtype=jnp.float32) * 0.05
    return {"x": x, "token_table": token_table, "pos_table": pos_table}

def reference(x, token_table, pos_table):
    seq_len = x.shape[-1]
    positions = jnp.arange(0, seq_len)
    pos_embed = jnp.take(pos_table, positions, axis=0)  # [seq_len, embed]
    tok_embed = jnp.take(token_table, x, axis=0)        # [batch, seq_len, embed]
    return tok_embed + pos_embed

if __name__ == "__main__":
    import jax
    _d = setup_inputs()
    print(jax.jit(kernel)(*tuple(_d.values())))

</pallas_src>

<mosaic_0001>
#map = affine_map<(d0, d1) -> (0, 0)>
#map1 = affine_map<(d0, d1) -> (0)>
module attributes {stable_mosaic.version = 14 : i64} {
  func.func @_sc_body(%arg0: i32, %arg1: i32, %arg2: memref<100000x64xi32, #tpu.memory_space<hbm>>, %arg3: memref<819200xi32, #tpu.memory_space<hbm>>, %arg4: memref<400x64xi32, #tpu.memory_space<hbm>>, %arg5: memref<819200x128xf32, #tpu.memory_space<hbm>>, %arg6: memref<25600xi32, #tpu.memory_space<vmem>>, %arg7: memref<3x128x64xi32, #tpu.memory_space<vmem>>, %arg8: memref<3x128x128xf32, #tpu.memory_space<vmem>>, %arg9: memref<400x64xi32, #tpu.memory_space<vmem>>, %arg10: memref<!tpu.dma_semaphore, #tpu.memory_space<semaphore_mem>>, %arg11: memref<!tpu.dma_semaphore, #tpu.memory_space<semaphore_mem>>, %arg12: memref<!tpu.dma_semaphore, #tpu.memory_space<semaphore_mem>>, %arg13: memref<!tpu.dma_semaphore, #tpu.memory_space<semaphore_mem>>, %arg14: memref<!tpu.dma_semaphore, #tpu.memory_space<semaphore_mem>>, %arg15: memref<!tpu.dma_semaphore, #tpu.memory_space<semaphore_mem>>) attributes {dimension_semantics = [#tpu.dimension_semantics<core_parallel>, #tpu.dimension_semantics<subcore_parallel>], iteration_bounds = array<i64: 2, 16>, scalar_prefetch = 0 : i64, scratch_operands = 10 : i64, tpu.core_type = #tpu.core_type<sc_vector_subcore>, window_params = [{transform_indices = #map}, {transform_indices = #map1}, {transform_indices = #map}, {transform_indices = #map}]} {
    %mul3A = arith.constant 16 : i32
    %mul3A_0 = arith.muli %arg0, %mul3A : i32
    %add3A = arith.addi %mul3A_0, %arg1 : i32
    %mul3A_1 = arith.constant 25600 : i32
    %mul3A_2 = arith.muli %add3A, %mul3A_1 : i32
    "tpu.region"() ({
      %run_scoped3A = tpu.sem_alloc : memref<!tpu.dma_semaphore, #tpu.memory_space<semaphore_mem>>
      %dma_start3A_173 = tpu.memref_slice %arg3[%mul3A_2] : memref<819200xi32, #tpu.memory_space<hbm>> -> memref<25600xi32, #tpu.memory_space<hbm>>
      %dma_start3A_174 = tpu.memref_slice %arg3[%mul3A_2] : memref<819200xi32, #tpu.memory_space<hbm>> -> memref<25600xi32, #tpu.memory_space<hbm>>
      tpu.enqueue_dma source(%dma_start3A_174 : memref<25600xi32, #tpu.memory_space<hbm>>) target(%arg6 : memref<25600xi32, #tpu.memory_space<vmem>>) target_semaphore(%run_scoped3A : memref<!tpu.dma_semaphore, #tpu.memory_space<semaphore_mem>>)
      %dma_wait3A_175 = tpu.memref_slice %arg3[%mul3A_2] : memref<819200xi32, #tpu.memory_space<hbm>> -> memref<25600xi32, #tpu.memory_space<hbm>>
      %dma_wait3A_176 = tpu.memref_slice %arg3[%mul3A_2] : memref<819200xi32, #tpu.memory_space<hbm>> -> memref<25600xi32, #tpu.memory_space<hbm>>
      tpu.wait_dma2 semaphore(%run_scoped3A : memref<!tpu.dma_semaphore, #tpu.memory_space<semaphore_mem>>) src(%dma_wait3A_176 : memref<25600xi32, #tpu.memory_space<hbm>>) dst(%arg6 : memref<25600xi32, #tpu.memory_space<vmem>>)
      tpu.yield
    }) : () -> ()
    "tpu.region"() ({
      %run_scoped3A = tpu.sem_alloc : memref<!tpu.dma_semaphore, #tpu.memory_space<semaphore_mem>>
      tpu.enqueue_dma source(%arg4 : memref<400x64xi32, #tpu.memory_space<hbm>>) target(%arg9 : memref<400x64xi32, #tpu.memory_space<vmem>>) target_semaphore(%run_scoped3A : memref<!tpu.dma_semaphore, #tpu.memory_space<semaphore_mem>>)
      tpu.wait_dma2 semaphore(%run_scoped3A : memref<!tpu.dma_semaphore, #tpu.memory_space<semaphore_mem>>) src(%arg4 : memref<400x64xi32, #tpu.memory_space<hbm>>) dst(%arg9 : memref<400x64xi32, #tpu.memory_space<vmem>>)
      tpu.yield
    }) : () -> ()
    %dma_start3A = arith.constant 0 : i32
    %dma_start3A_3 = arith.constant 0 : i32
    %dma_start3A_4 = arith.constant 0 : i32
    %dma_start3A_5 = tpu.memref_slice %arg7[%dma_start3A, %dma_start3A_3, %dma_start3A_4] : memref<3x128x64xi32, #tpu.memory_space<vmem>> -> memref<1x128x64xi32, #tpu.memory_space<vmem>>
    %dma_start3A_6 = tpu.memref_squeeze %dma_start3A_5 : memref<1x128x64xi32, #tpu.memory_space<vmem>> -> memref<128x64xi32, #tpu.memory_space<vmem>>
    %dma_start3A_7 = arith.constant 0 : i32
    %dma_start3A_8 = tpu.memref_slice %arg6[%dma_start3A_7] : memref<25600xi32, #tpu.memory_space<vmem>> -> memref<128xi32, #tpu.memory_space<vmem>>
    %dma_start3A_9 = arith.constant 0 : i32
    %dma_start3A_10 = arith.constant 0 : i32
    %dma_start3A_11 = tpu.memref_slice %arg2[%dma_start3A_9, %dma_start3A_10] : memref<100000x64xi32, #tpu.memory_space<hbm>> -> memref<100000x64xi32, #tpu.memory_space<hbm>>
    tpu.enqueue_indirect_dma source(%dma_start3A_11 : memref<100000x64xi32, #tpu.memory_space<hbm>>) target(%dma_start3A_6 : memref<128x64xi32, #tpu.memory_space<vmem>>) offsets(%dma_start3A_8 : memref<128xi32, #tpu.memory_space<vmem>>) semaphore(%arg10 : memref<!tpu.dma_semaphore, #tpu.memory_space<semaphore_mem>>)
    %dma_start3A_12 = arith.constant 1 : i32
    %dma_start3A_13 = arith.constant 0 : i32
    %dma_start3A_14 = arith.constant 0 : i32
    %dma_start3A_15 = tpu.memref_slice %arg7[%dma_start3A_12, %dma_start3A_13, %dma_start3A_14] : memref<3x128x64xi32, #tpu.memory_space<vmem>> -> memref<1x128x64xi32, #tpu.memory_space<vmem>>
    %dma_start3A_16 = tpu.memref_squeeze %dma_start3A_15 : memref<1x128x64xi32, #tpu.memory_space<vmem>> -> memref<128x64xi32, #tpu.memory_space<vmem>>
    %dma_start3A_17 = arith.constant 128 : i32
    %dma_start3A_18 = tpu.memref_slice %arg6[%dma_start3A_17] : memref<25600xi32, #tpu.memory_space<vmem>> -> memref<128xi32, #tpu.memory_space<vmem>>
    %dma_start3A_19 = arith.constant 0 : i32
    %dma_start3A_20 = arith.constant 0 : i32
    %dma_start3A_21 = tpu.memref_slice %arg2[%dma_start3A_19, %dma_start3A_20] : memref<100000x64xi32, #tpu.memory_space<hbm>> -> memref<100000x64xi32, #tpu.memory_space<hbm>>
    tpu.enqueue_indirect_dma source(%dma_start3A_21 : memref<100000x64xi32, #tpu.memory_space<hbm>>) target(%dma_start3A_16 : memref<128x64xi32, #tpu.memory_space<vmem>>) offsets(%dma_start3A_18 : memref<128xi32, #tpu.memory_space<vmem>>) semaphore(%arg11 : memref<!tpu.dma_semaphore, #tpu.memory_space<semaphore_mem>>)
    %dma_start3A_22 = arith.constant 2 : i32
    %dma_start3A_23 = arith.constant 0 : i32
    %dma_start3A_24 = arith.constant 0 : i32
    %dma_start3A_25 = tpu.memref_slice %arg7[%dma_start3A_22, %dma_start3A_23, %dma_start3A_24] : memref<3x128x64xi32, #tpu.memory_space<vmem>> -> memref<1x128x64xi32, #tpu.memory_space<vmem>>
    %dma_start3A_26 = tpu.memref_squeeze %dma_start3A_25 : memref<1x128x64xi32, #tpu.memory_space<vmem>> -> memref<128x64xi32, #tpu.memory_space<vmem>>
    %dma_start3A_27 = arith.constant 256 : i32
    %dma_start3A_28 = tpu.memref_slice %arg6[%dma_start3A_27] : memref<25600xi32, #tpu.memory_space<vmem>> -> memref<128xi32, #tpu.memory_space<vmem>>
    %dma_start3A_29 = arith.constant 0 : i32
    %dma_start3A_30 = arith.constant 0 : i32
    %dma_start3A_31 = tpu.memref_slice %arg2[%dma_start3A_29, %dma_start3A_30] : memref<100000x64xi32, #tpu.memory_space<hbm>> -> memref<100000x64xi32, #tpu.memory_space<hbm>>
    tpu.enqueue_indirect_dma source(%dma_start3A_31 : memref<100000x64xi32, #tpu.memory_space<hbm>>) target(%dma_start3A_26 : memref<128x64xi32, #tpu.memory_space<vmem>>) offsets(%dma_start3A_28 : memref<128xi32, #tpu.memory_space<vmem>>) semaphore(%arg12 : memref<!tpu.dma_semaphore, #tpu.memory_space<semaphore_mem>>)
    %scan3A = arith.constant 0 : i32
    %scan3A_32 = arith.constant 66 : i32
    %scan3A_33 = arith.addi %scan3A, %scan3A_32 : i32
    %scan3A_34 = arith.constant 1 : i32
    scf.for %scan3A_173 = %scan3A to %scan3A_33 step %scan3A_34  : i32 {
      %mul3A_174 = arith.constant 3 : i32
      %mul3A_175 = arith.muli %scan3A_173, %mul3A_174 : i32
      %add3A_176 = arith.constant 0 : i32
      %add3A_177 = arith.addi %add3A_176, %mul3A_175 : i32
      %add3A_178 = arith.constant 0 : i32
      %add3A_179 = arith.addi %add3A_177, %add3A_178 : i32
      %ge3A = arith.constant 3 : i32
      %ge3A_180 = arith.cmpi sge, %add3A_179, %ge3A : i32
      %convert_element_type3A = arith.extui %ge3A_180 : i1 to i32
      %cond3A = arith.constant 0 : i32
      %cond3A_181 = arith.cmpi ne, %convert_element_type3A, %cond3A : i32
      scf.if %cond3A_181 {
        %sub3A = arith.constant 3 : i32
        %sub3A_324 = arith.subi %add3A_179, %sub3A : i32
        %mul3A_325 = arith.constant 128 : i32
        %mul3A_326 = arith.muli %sub3A_324, %mul3A_325 : i32
        %add3A_327 = arith.addi %mul3A_2, %mul3A_326 : i32
        %dma_wait3A_328 = arith.constant 0 : i32
        %dma_wait3A_329 = arith.constant 0 : i32
        %dma_wait3A_330 = arith.constant 0 : i32
        %dma_wait3A_331 = tpu.memref_slice %arg8[%dma_wait3A_328, %dma_wait3A_329, %dma_wait3A_330] : memref<3x128x128xf32, #tpu.memory_space<vmem>> -> memref<1x128x128xf32, #tpu.memory_space<vmem>>
        %dma_wait3A_332 = tpu.memref_squeeze %dma_wait3A_331 : memref<1x128x128xf32, #tpu.memory_space<vmem>> -> memref<128x128xf32, #tpu.memory_space<vmem>>
        %dma_wait3A_333 = arith.constant 0 : i32
        %dma_wait3A_334 = tpu.memref_slice %arg5[%add3A_327, %dma_wait3A_333] : memref<819200x128xf32, #tpu.memory_space<hbm>> -> memref<128x128xf32, #tpu.memory_space<hbm>>
        %dma_wait3A_335 = arith.constant 0 : i32
        %dma_wait3A_336 = tpu.memref_slice %arg5[%add3A_327, %dma_wait3A_335] : memref<819200x128xf32, #tpu.memory_space<hbm>> -> memref<128x128xf32, #tpu.memory_space<hbm>>
        %dma_wait3A_337 = arith.constant 0 : i32
        %dma_wait3A_338 = arith.constant 0 : i32
        %dma_wait3A_339 = tpu.memref_slice %arg8[%dma_wait3A_328, %dma_wait3A_337, %dma_wait3A_338] : memref<3x128x128xf32, #tpu.memory_space<vmem>> -> memref<1x128x128xf32, #tpu.memory_space<vmem>>
        %dma_wait3A_340 = tpu.memref_squeeze %dma_wait3A_339 : memref<1x128x128xf32, #tpu.memory_space<vmem>> -> memref<128x128xf32, #tpu.memory_space<vmem>>
        tpu.wait_dma2 semaphore(%arg13 : memref<!tpu.dma_semaphore, #tpu.memory_space<semaphore_mem>>) src(%dma_wait3A_340 : memref<128x128xf32, #tpu.memory_space<vmem>>) dst(%dma_wait3A_336 : memref<128x128xf32, #tpu.memory_space<hbm>>)
      } else {
      }
      %mul3A_182 = arith.constant 128 : i32
      %mul3A_183 = arith.muli %add3A_179, %mul3A_182 : i32
      %dma_wait3A_184 = arith.constant 0 : i32
      %dma_wait3A_185 = arith.constant 0 : i32
      %dma_wait3A_186 = arith.constant 0 : i32
      %dma_wait3A_187 = tpu.memref_slice %arg7[%dma_wait3A_184, %dma_wait3A_185, %dma_wait3A_186] : memref<3x128x64xi32, #tpu.memory_space<vmem>> -> memref<1x128x64xi32, #tpu.memory_space<vmem>>
      %dma_wait3A_188 = tpu.memref_squeeze %dma_wait3A_187 : memref<1x128x64xi32, #tpu.memory_space<vmem>> -> memref<128x64xi32, #tpu.memory_space<vmem>>
      %dma_wait3A_189 = tpu.memref_slice %arg6[%mul3A_183] : memref<25600xi32, #tpu.memory_space<vmem>> -> memref<128xi32, #tpu.memory_space<vmem>>
      %dma_wait3A_190 = arith.constant 0 : i32
      %dma_wait3A_191 = arith.constant 0 : i32
      %dma_wait3A_192 = tpu.memref_slice %arg2[%dma_wait3A_190, %dma_wait3A_191] : memref<100000x64xi32, #tpu.memory_space<hbm>> -> memref<100000x64xi32, #tpu.memory_space<hbm>>
      tpu.wait_indirect_dma semaphore(%arg10 : memref<!tpu.dma_semaphore, #tpu.memory_space<semaphore_mem>>) src(%dma_wait3A_192 : memref<100000x64xi32, #tpu.memory_space<hbm>>) dst(%dma_wait3A_188 : memref<128x64xi32, #tpu.memory_space<vmem>>)
      %mul3A_193 = arith.constant 128 : i32
      %mul3A_194 = arith.muli %add3A_179, %mul3A_193 : i32
      %rem3A_195 = arith.constant 200 : i32
      %rem3A_196 = arith.remsi %mul3A_194, %rem3A_195 : i32
      %broadcast_in_dim3A_197 = arith.constant -65536 : i32
      %broadcast_in_dim3A_198 = vector.broadcast %broadcast_in_dim3A_197 : i32 to vector<16xi32>
      %parallel_loop3A_199 = arith.constant 0 : i32
      %parallel_loop3A_200 = arith.constant 128 : i32
      %parallel_loop3A_201 = arith.constant 1 : i32
      scf.for %parallel_loop3A_324 = %parallel_loop3A_199 to %parallel_loop3A_200 step %parallel_loop3A_201  : i32 {
        %parallel_loop3A_325 = arith.constant 0 : i32
        %parallel_loop3A_326 = arith.index_cast %parallel_loop3A_325 : i32 to index
        %parallel_loop3A_327 = arith.index_cast %parallel_loop3A_324 : i32 to index
        %parallel_loop3A_328 = arith.constant 0 : index
        %parallel_loop3A_329 = tpu.vector_load %arg7[%parallel_loop3A_326, %parallel_loop3A_327, %parallel_loop3A_328] {strides = array<i32>} : memref<3x128x64xi32, #tpu.memory_space<vmem>>, vector<16xi32>,
        %parallel_loop3A_330 = arith.addi %rem3A_196, %parallel_loop3A_324 : i32
        %parallel_loop3A_331 = arith.index_cast %parallel_loop3A_330 : i32 to index
        %parallel_loop3A_332 = arith.constant 0 : index
        %parallel_loop3A_333 = tpu.vector_load %arg9[%parallel_loop3A_331, %parallel_loop3A_332] {strides = array<i32>} : memref<400x64xi32, #tpu.memory_space<vmem>>, vector<16xi32>,
        %parallel_loop3A_334 = arith.constant 16 : i32
        %parallel_loop3A_335 = vector.broadcast %parallel_loop3A_334 : i32 to vector<16xi32>
        %parallel_loop3A_336 = arith.shli %parallel_loop3A_329, %parallel_loop3A_335 : vector<16xi32>
        %parallel_loop3A_337 = vector.bitcast %parallel_loop3A_336 : vector<16xi32> to vector<16xf32>
        %parallel_loop3A_338 = arith.andi %parallel_loop3A_329, %broadcast_in_dim3A_198 : vector<16xi32>
        %parallel_loop3A_339 = vector.bitcast %parallel_loop3A_338 : vector<16xi32> to vector<16xf32>
        %parallel_loop3A_340 = arith.constant 16 : i32
        %parallel_loop3A_341 = vector.broadcast %parallel_loop3A_340 : i32 to vector<16xi32>
        %parallel_loop3A_342 = arith.shli %parallel_loop3A_333, %parallel_loop3A_341 : vector<16xi32>
        %parallel_loop3A_343 = vector.bitcast %parallel_loop3A_342 : vector<16xi32> to vector<16xf32>
        %parallel_loop3A_344 = arith.andi %parallel_loop3A_333, %broadcast_in_dim3A_198 : vector<16xi32>
        %parallel_loop3A_345 = vector.bitcast %parallel_loop3A_344 : vector<16xi32> to vector<16xf32>
        %parallel_loop3A_346 = arith.addf %parallel_loop3A_337, %parallel_loop3A_343 : vector<16xf32>
        %parallel_loop3A_347 = arith.constant 0 : i32
        %parallel_loop3A_348 = arith.index_cast %parallel_loop3A_347 : i32 to index
        %parallel_loop3A_349 = arith.index_cast %parallel_loop3A_324 : i32 to index
        %parallel_loop3A_350 = arith.constant 0 : index
        %parallel_loop3A_351 = tpu.vector_load %arg8[%parallel_loop3A_348, %parallel_loop3A_349, %parallel_loop3A_350] {strides = array<i32>} : memref<3x128x128xf32, #tpu.memory_space<vmem>>, vector<16xf32>,
        tpu.vector_store %arg8[%parallel_loop3A_348, %parallel_loop3A_349, %parallel_loop3A_350], %parallel_loop3A_346 {strides = array<i32>} : memref<3x128x128xf32, #tpu.memory_space<vmem>>, vector<16xf32>,
        %parallel_loop3A_352 = arith.addf %parallel_loop3A_339, %parallel_loop3A_345 : vector<16xf32>
        %parallel_loop3A_353 = arith.constant 0 : i32
        %parallel_loop3A_354 = arith.index_cast %parallel_loop3A_353 : i32 to index
        %parallel_loop3A_355 = arith.index_cast %parallel_loop3A_324 : i32 to index
        %parallel_loop3A_356 = arith.constant 64 : index
        %parallel_loop3A_357 = tpu.vector_load %arg8[%parallel_loop3A_354, %parallel_loop3A_355, %parallel_loop3A_356] {strides = array<i32>} : memref<3x128x128xf32, #tpu.memory_space<vmem>>, vector<16xf32>,
        tpu.vector_store %arg8[%parallel_loop3A_354, %parallel_loop3A_355, %parallel_loop3A_356], %parallel_loop3A_352 {strides = array<i32>} : memref<3x128x128xf32, #tpu.memory_space<vmem>>, vector<16xf32>,
        %parallel_loop3A_358 = arith.constant 0 : i32
        %parallel_loop3A_359 = arith.index_cast %parallel_loop3A_358 : i32 to index
        %parallel_loop3A_360 = arith.index_cast %parallel_loop3A_324 : i32 to index
        %parallel_loop3A_361 = arith.constant 16 : index
        %parallel_loop3A_362 = tpu.vector_load %arg7[%parallel_loop3A_359, %parallel_loop3A_360, %parallel_loop3A_361] {strides = array<i32>} : memref<3x128x64xi32, #tpu.memory_space<vmem>>, vector<16xi32>,
        %parallel_loop3A_363 = arith.addi %rem3A_196, %parallel_loop3A_324 : i32
        %parallel_loop3A_364 = arith.index_cast %parallel_loop3A_363 : i32 to index
        %parallel_loop3A_365 = arith.constant 16 : index
        %parallel_loop3A_366 = tpu.vector_load %arg9[%parallel_loop3A_364, %parallel_loop3A_365] {strides = array<i32>} : memref<400x64xi32, #tpu.memory_space<vmem>>, vector<16xi32>,
        %parallel_loop3A_367 = arith.constant 16 : i32
        %parallel_loop3A_368 = vector.broadcast %parallel_loop3A_367 : i32 to vector<16xi32>
        %parallel_loop3A_369 = arith.shli %parallel_loop3A_362, %parallel_loop3A_368 : vector<16xi32>
        %parallel_loop3A_370 = vector.bitcast %parallel_loop3A_369 : vector<16xi32> to vector<16xf32>
        %parallel_loop3A_371 = arith.andi %parallel_loop3A_362, %broadcast_in_dim3A_198 : vector<16xi32>
        %parallel_loop3A_372 = vector.bitcast %parallel_loop3A_371 : vector<16xi32> to vector<16xf32>
        %parallel_loop3A_373 = arith.constant 16 : i32
        %parallel_loop3A_374 = vector.broadcast %parallel_loop3A_373 : i32 to vector<16xi32>
        %parallel_loop3A_375 = arith.shli %parallel_loop3A_366, %parallel_loop3A_374 : vector<16xi32>
        %parallel_loop3A_376 = vector.bitcast %parallel_loop3A_375 : vector<16xi32> to vector<16xf32>
        %parallel_loop3A_377 = arith.andi %parallel_loop3A_366, %broadcast_in_dim3A_198 : vector<16xi32>
        %parallel_loop3A_378 = vector.bitcast %parallel_loop3A_377 : vector<16xi32> to vector<16xf32>
        %parallel_loop3A_379 = arith.addf %parallel_loop3A_370, %parallel_loop3A_376 : vector<16xf32>
        %parallel_loop3A_380 = arith.constant 0 : i32
        %parallel_loop3A_381 = arith.index_cast %parallel_loop3A_380 : i32 to index
        %parallel_loop3A_382 = arith.index_cast %parallel_loop3A_324 : i32 to index
        %parallel_loop3A_383 = arith.constant 16 : index
        %parallel_loop3A_384 = tpu.vector_load %arg8[%parallel_loop3A_381, %parallel_loop3A_382, %parallel_loop3A_383] {strides = array<i32>} : memref<3x128x128xf32, #tpu.memory_space<vmem>>, vector<16xf32>,
        tpu.vector_store %arg8[%parallel_loop3A_381, %parallel_loop3A_382, %parallel_loop3A_383], %parallel_loop3A_379 {strides = array<i32>} : memref<3x128x128xf32, #tpu.memory_space<vmem>>, vector<16xf32>,
        %parallel_loop3A_385 = arith.addf %parallel_loop3A_372, %parallel_loop3A_378 : vector<16xf32>
        %parallel_loop3A_386 = arith.constant 0 : i32
        %parallel_loop3A_387 = arith.index_cast %parallel_loop3A_386 : i32 to index
        %parallel_loop3A_388 = arith.index_cast %parallel_loop3A_324 : i32 to index
        %parallel_loop3A_389 = arith.constant 80 : index
        %parallel_loop3A_390 = tpu.vector_load %arg8[%parallel_loop3A_387, %parallel_loop3A_388, %parallel_loop3A_389] {strides = array<i32>} : memref<3x128x128xf32, #tpu.memory_space<vmem>>, vector<16xf32>,
        tpu.vector_store %arg8[%parallel_loop3A_387, %parallel_loop3A_388, %parallel_loop3A_389], %parallel_loop3A_385 {strides = array<i32>} : memref<3x128x128xf32, #tpu.memory_space<vmem>>, vector<16xf32>,
        %parallel_loop3A_391 = arith.constant 0 : i32
        %parallel_loop3A_392 = arith.index_cast %parallel_loop3A_391 : i32 to index
        %parallel_loop3A_393 = arith.index_cast %parallel_loop3A_324 : i32 to index
        %parallel_loop3A_394 = arith.constant 32 : index
        %parallel_loop3A_395 = tpu.vector_load %arg7[%parallel_loop3A_392, %parallel_loop3A_393, %parallel_loop3A_394] {strides = array<i32>} : memref<3x128x64xi32, #tpu.memory_space<vmem>>, vector<16xi32>,
        %parallel_loop3A_396 = arith.addi %rem3A_196, %parallel_loop3A_324 : i32
        %parallel_loop3A_397 = arith.index_cast %parallel_loop3A_396 : i32 to index
        %parallel_loop3A_398 = arith.constant 32 : index
        %parallel_loop3A_399 = tpu.vector_load %arg9[%parallel_loop3A_397, %parallel_loop3A_398] {strides = array<i32>} : memref<400x64xi32, #tpu.memory_space<vmem>>, vector<16xi32>,
        %parallel_loop3A_400 = arith.constant 16 : i32
        %parallel_loop3A_401 = vector.broadcast %parallel_loop3A_400 : i32 to vector<16xi32>
        %parallel_loop3A_402 = arith.shli %parallel_loop3A_395, %parallel_loop3A_401 : vector<16xi32>
        %parallel_loop3A_403 = vector.bitcast %parallel_loop3A_402 : vector<16xi32> to vector<16xf32>
        %parallel_loop3A_404 = arith.andi %parallel_loop3A_395, %broadcast_in_dim3A_198 : vector<16xi32>
        %parallel_loop3A_405 = vector.bitcast %parallel_loop3A_404 : vector<16xi32> to vector<16xf32>
        %parallel_loop3A_406 = arith.constant 16 : i32
        %parallel_loop3A_407 = vector.broadcast %parallel_loop3A_406 : i32 to vector<16xi32>
        %parallel_loop3A_408 = arith.shli %parallel_loop3A_399, %parallel_loop3A_407 : vector<16xi32>
        %parallel_loop3A_409 = vector.bitcast %parallel_loop3A_408 : vector<16xi32> to vector<16xf32>
        %parallel_loop3A_410 = arith.andi %parallel_loop3A_399, %broadcast_in_dim3A_198 : vector<16xi32>
        %parallel_loop3A_411 = vector.bitcast %parallel_loop3A_410 : vector<16xi32> to vector<16xf32>
        %parallel_loop3A_412 = arith.addf %parallel_loop3A_403, %parallel_loop3A_409 : vector<16xf32>
        %parallel_loop3A_413 = arith.constant 0 : i32
        %parallel_loop3A_414 = arith.index_cast %parallel_loop3A_413 : i32 to index
        %parallel_loop3A_415 = arith.index_cast %parallel_loop3A_324 : i32 to index
        %parallel_loop3A_416 = arith.constant 32 : index
        %parallel_loop3A_417 = tpu.vector_load %arg8[%parallel_loop3A_414, %parallel_loop3A_415, %parallel_loop3A_416] {strides = array<i32>} : memref<3x128x128xf32, #tpu.memory_space<vmem>>, vector<16xf32>,
        tpu.vector_store %arg8[%parallel_loop3A_414, %parallel_loop3A_415, %parallel_loop3A_416], %parallel_loop3A_412 {strides = array<i32>} : memref<3x128x128xf32, #tpu.memory_space<vmem>>, vector<16xf32>,
        %parallel_loop3A_418 = arith.addf %parallel_loop3A_405, %parallel_loop3A_411 : vector<16xf32>
        %parallel_loop3A_419 = arith.constant 0 : i32
        %parallel_loop3A_420 = arith.index_cast %parallel_loop3A_419 : i32 to index
        %parallel_loop3A_421 = arith.index_cast %parallel_loop3A_324 : i32 to index
        %parallel_loop3A_422 = arith.constant 96 : index
        %parallel_loop3A_423 = tpu.vector_load %arg8[%parallel_loop3A_420, %parallel_loop3A_421, %parallel_loop3A_422] {strides = array<i32>} : memref<3x128x128xf32, #tpu.memory_space<vmem>>, vector<16xf32>,
        tpu.vector_store %arg8[%parallel_loop3A_420, %parallel_loop3A_421, %parallel_loop3A_422], %parallel_loop3A_418 {strides = array<i32>} : memref<3x128x128xf32, #tpu.memory_space<vmem>>, vector<16xf32>,
        %parallel_loop3A_424 = arith.constant 0 : i32
        %parallel_loop3A_425 = arith.index_cast %parallel_loop3A_424 : i32 to index
        %parallel_loop3A_426 = arith.index_cast %parallel_loop3A_324 : i32 to index
        %parallel_loop3A_427 = arith.constant 48 : index
        %parallel_loop3A_428 = tpu.vector_load %arg7[%parallel_loop3A_425, %parallel_loop3A_426, %parallel_loop3A_427] {strides = array<i32>} : memref<3x128x64xi32, #tpu.memory_space<vmem>>, vector<16xi32>,
        %parallel_loop3A_429 = arith.addi %rem3A_196, %parallel_loop3A_324 : i32
        %parallel_loop3A_430 = arith.index_cast %parallel_loop3A_429 : i32 to index
        %parallel_loop3A_431 = arith.constant 48 : index
        %parallel_loop3A_432 = tpu.vector_load %arg9[%parallel_loop3A_430, %parallel_loop3A_431] {strides = array<i32>} : memref<400x64xi32, #tpu.memory_space<vmem>>, vector<16xi32>,
        %parallel_loop3A_433 = arith.constant 16 : i32
        %parallel_loop3A_434 = vector.broadcast %parallel_loop3A_433 : i32 to vector<16xi32>
        %parallel_loop3A_435 = arith.shli %parallel_loop3A_428, %parallel_loop3A_434 : vector<16xi32>
        %parallel_loop3A_436 = vector.bitcast %parallel_loop3A_435 : vector<16xi32> to vector<16xf32>
        %parallel_loop3A_437 = arith.andi %parallel_loop3A_428, %broadcast_in_dim3A_198 : vector<16xi32>
        %parallel_loop3A_438 = vector.bitcast %parallel_loop3A_437 : vector<16xi32> to vector<16xf32>
        %parallel_loop3A_439 = arith.constant 16 : i32
        %parallel_loop3A_440 = vector.broadcast %parallel_loop3A_439 : i32 to vector<16xi32>
        %parallel_loop3A_441 = arith.shli %parallel_loop3A_432, %parallel_loop3A_440 : vector<16xi32>
        %parallel_loop3A_442 = vector.bitcast %parallel_loop3A_441 : vector<16xi32> to vector<16xf32>
        %parallel_loop3A_443 = arith.andi %parallel_loop3A_432, %broadcast_in_dim3A_198 : vector<16xi32>
        %parallel_loop3A_444 = vector.bitcast %parallel_loop3A_443 : vector<16xi32> to vector<16xf32>
        %parallel_loop3A_445 = arith.addf %parallel_loop3A_436, %parallel_loop3A_442 : vector<16xf32>
        %parallel_loop3A_446 = arith.constant 0 : i32
        %parallel_loop3A_447 = arith.index_cast %parallel_loop3A_446 : i32 to index
        %parallel_loop3A_448 = arith.index_cast %parallel_loop3A_324 : i32 to index
        %parallel_loop3A_449 = arith.constant 48 : index
        %parallel_loop3A_450 = tpu.vector_load %arg8[%parallel_loop3A_447, %parallel_loop3A_448, %parallel_loop3A_449] {strides = array<i32>} : memref<3x128x128xf32, #tpu.memory_space<vmem>>, vector<16xf32>,
        tpu.vector_store %arg8[%parallel_loop3A_447, %parallel_loop3A_448, %parallel_loop3A_449], %parallel_loop3A_445 {strides = array<i32>} : memref<3x128x128xf32, #tpu.memory_space<vmem>>, vector<16xf32>,
        %parallel_loop3A_451 = arith.addf %parallel_loop3A_438, %parallel_loop3A_444 : vector<16xf32>
        %parallel_loop3A_452 = arith.constant 0 : i32
        %parallel_loop3A_453 = arith.index_cast %parallel_loop3A_452 : i32 to index
        %parallel_loop3A_454 = arith.index_cast %parallel_loop3A_324 : i32 to index
        %parallel_loop3A_455 = arith.constant 112 : index
        %parallel_loop3A_456 = tpu.vector_load %arg8[%parallel_loop3A_453, %parallel_loop3A_454, %parallel_loop3A_455] {strides = array<i32>} : memref<3x128x128xf32, #tpu.memory_space<vmem>>, vector<16xf32>,
        tpu.vector_store %arg8[%parallel_loop3A_453, %parallel_loop3A_454, %parallel_loop3A_455], %parallel_loop3A_451 {strides = array<i32>} : memref<3x128x128xf32, #tpu.memory_space<vmem>>, vector<16xf32>,
      } {sc.loop_unroll_factor = 4 : i64, sc.parallel_access}
      %add3A_202 = arith.constant 3 : i32
      %add3A_203 = arith.addi %add3A_179, %add3A_202 : i32
      %lt3A = arith.constant 200 : i32
      %lt3A_204 = arith.cmpi slt, %add3A_203, %lt3A : i32
      %convert_element_type3A_205 = arith.extui %lt3A_204 : i1 to i32
      %cond3A_206 = arith.constant 0 : i32
      %cond3A_207 = arith.cmpi ne, %convert_element_type3A_205, %cond3A_206 : i32
      scf.if %cond3A_207 {
        %add3A_324 = arith.constant 3 : i32
        %add3A_325 = arith.addi %add3A_179, %add3A_324 : i32
        %mul3A_326 = arith.constant 128 : i32
        %mul3A_327 = arith.muli %add3A_325, %mul3A_326 : i32
        %dma_start3A_328 = arith.constant 0 : i32
        %dma_start3A_329 = arith.constant 0 : i32
        %dma_start3A_330 = arith.constant 0 : i32
        %dma_start3A_331 = tpu.memref_slice %arg7[%dma_start3A_328, %dma_start3A_329, %dma_start3A_330] : memref<3x128x64xi32, #tpu.memory_space<vmem>> -> memref<1x128x64xi32, #tpu.memory_space<vmem>>
        %dma_start3A_332 = tpu.memref_squeeze %dma_start3A_331 : memref<1x128x64xi32, #tpu.memory_space<vmem>> -> memref<128x64xi32, #tpu.memory_space<vmem>>
        %dma_start3A_333 = tpu.memref_slice %arg6[%mul3A_327] : memref<25600xi32, #tpu.memory_space<vmem>> -> memref<128xi32, #tpu.memory_space<vmem>>
        %dma_start3A_334 = arith.constant 0 : i32
        %dma_start3A_335 = arith.constant 0 : i32
        %dma_start3A_336 = tpu.memref_slice %arg2[%dma_start3A_334, %dma_start3A_335] : memref<100000x64xi32, #tpu.memory_space<hbm>> -> memref<100000x64xi32, #tpu.memory_space<hbm>>
        tpu.enqueue_indirect_dma source(%dma_start3A_336 : memref<100000x64xi32, #tpu.memory_space<hbm>>) target(%dma_start3A_332 : memref<128x64xi32, #tpu.memory_space<vmem>>) offsets(%dma_start3A_333 : memref<128xi32, #tpu.memory_space<vmem>>) semaphore(%arg10 : memref<!tpu.dma_semaphore, #tpu.memory_space<semaphore_mem>>)
      } else {
      }
      %mul3A_208 = arith.constant 128 : i32
      %mul3A_209 = arith.muli %add3A_179, %mul3A_208 : i32
      %add3A_210 = arith.addi %mul3A_2, %mul3A_209 : i32
      %dma_start3A_211 = arith.constant 0 : i32
      %dma_start3A_212 = arith.constant 0 : i32
      %dma_start3A_213 = arith.constant 0 : i32
      %dma_start3A_214 = tpu.memref_slice %arg8[%dma_start3A_211, %dma_start3A_212, %dma_start3A_213] : memref<3x128x128xf32, #tpu.memory_space<vmem>> -> memref<1x128x128xf32, #tpu.memory_space<vmem>>
      %dma_start3A_215 = tpu.memref_squeeze %dma_start3A_214 : memref<1x128x128xf32, #tpu.memory_space<vmem>> -> memref<128x128xf32, #tpu.memory_space<vmem>>
      %dma_start3A_216 = arith.constant 0 : i32
      %dma_start3A_217 = tpu.memref_slice %arg5[%add3A_210, %dma_start3A_216] : memref<819200x128xf32, #tpu.memory_space<hbm>> -> memref<128x128xf32, #tpu.memory_space<hbm>>
      %dma_start3A_218 = arith.constant 0 : i32
      %dma_start3A_219 = tpu.memref_slice %arg5[%add3A_210, %dma_start3A_218] : memref<819200x128xf32, #tpu.memory_space<hbm>> -> memref<128x128xf32, #tpu.memory_space<hbm>>
      %dma_start3A_220 = arith.constant 0 : i32
      %dma_start3A_221 = arith.constant 0 : i32
      %dma_start3A_222 = tpu.memref_slice %arg8[%dma_start3A_211, %dma_start3A_220, %dma_start3A_221] : memref<3x128x128xf32, #tpu.memory_space<vmem>> -> memref<1x128x128xf32, #tpu.memory_space<vmem>>
      %dma_start3A_223 = tpu.memref_squeeze %dma_start3A_222 : memref<1x128x128xf32, #tpu.memory_space<vmem>> -> memref<128x128xf32, #tpu.memory_space<vmem>>
      tpu.enqueue_dma source(%dma_start3A_223 : memref<128x128xf32, #tpu.memory_space<vmem>>) target(%dma_start3A_219 : memref<128x128xf32, #tpu.memory_space<hbm>>) target_semaphore(%arg13 : memref<!tpu.dma_semaphore, #tpu.memory_space<semaphore_mem>>)
      %add3A_224 = arith.constant 1 : i32
      %add3A_225 = arith.addi %add3A_177, %add3A_224 : i32
      %ge3A_226 = arith.constant 3 : i32
      %ge3A_227 = arith.cmpi sge, %add3A_225, %ge3A_226 : i32
      %convert_element_type3A_228 = arith.extui %ge3A_227 : i1 to i32
      %cond3A_229 = arith.constant 0 : i32
      %cond3A_230 = arith.cmpi ne, %convert_element_type3A_228, %cond3A_229 : i32
      scf.if %cond3A_230 {
        %sub3A = arith.constant 3 : i32
        %sub3A_324 = arith.subi %add3A_225, %sub3A : i32
        %mul3A_325 = arith.constant 128 : i32
        %mul3A_326 = arith.muli %sub3A_324, %mul3A_325 : i32
        %add3A_327 = arith.addi %mul3A_2, %mul3A_326 : i32
        %dma_wait3A_328 = arith.constant 1 : i32
        %dma_wait3A_329 = arith.constant 0 : i32
        %dma_wait3A_330 = arith.constant 0 : i32
        %dma_wait3A_331 = tpu.memref_slice %arg8[%dma_wait3A_328, %dma_wait3A_329, %dma_wait3A_330] : memref<3x128x128xf32, #tpu.memory_space<vmem>> -> memref<1x128x128xf32, #tpu.memory_space<vmem>>
        %dma_wait3A_332 = tpu.memref_squeeze %dma_wait3A_331 : memref<1x128x128xf32, #tpu.memory_space<vmem>> -> memref<128x128xf32, #tpu.memory_space<vmem>>
        %dma_wait3A_333 = arith.constant 0 : i32
        %dma_wait3A_334 = tpu.memref_slice %arg5[%add3A_327, %dma_wait3A_333] : memref<819200x128xf32, #tpu.memory_space<hbm>> -> memref<128x128xf32, #tpu.memory_space<hbm>>
        %dma_wait3A_335 = arith.constant 0 : i32
        %dma_wait3A_336 = tpu.memref_slice %arg5[%add3A_327, %dma_wait3A_335] : memref<819200x128xf32, #tpu.memory_space<hbm>> -> memref<128x128xf32, #tpu.memory_space<hbm>>
        %dma_wait3A_337 = arith.constant 0 : i32
        %dma_wait3A_338 = arith.constant 0 : i32
        %dma_wait3A_339 = tpu.memref_slice %arg8[%dma_wait3A_328, %dma_wait3A_337, %dma_wait3A_338] : memref<3x128x128xf32, #tpu.memory_space<vmem>> -> memref<1x128x128xf32, #tpu.memory_space<vmem>>
        %dma_wait3A_340 = tpu.memref_squeeze %dma_wait3A_339 : memref<1x128x128xf32, #tpu.memory_space<vmem>> -> memref<128x128xf32, #tpu.memory_space<vmem>>
        tpu.wait_dma2 semaphore(%arg14 : memref<!tpu.dma_semaphore, #tpu.memory_space<semaphore_mem>>) src(%dma_wait3A_340 : memref<128x128xf32, #tpu.memory_space<vmem>>) dst(%dma_wait3A_336 : memref<128x128xf32, #tpu.memory_space<hbm>>)
      } else {
      }
      %mul3A_231 = arith.constant 128 : i32
      %mul3A_232 = arith.muli %add3A_225, %mul3A_231 : i32
      %dma_wait3A_233 = arith.constant 1 : i32
      %dma_wait3A_234 = arith.constant 0 : i32
      %dma_wait3A_235 = arith.constant 0 : i32
      %dma_wait3A_236 = tpu.memref_slice %arg7[%dma_wait3A_233, %dma_wait3A_234, %dma_wait3A_235] : memref<3x128x64xi32, #tpu.memory_space<vmem>> -> memref<1x128x64xi32, #tpu.memory_space<vmem>>
      %dma_wait3A_237 = tpu.memref_squeeze %dma_wait3A_236 : memref<1x128x64xi32, #tpu.memory_space<vmem>> -> memref<128x64xi32, #tpu.memory_space<vmem>>
      %dma_wait3A_238 = tpu.memref_slice %arg6[%mul3A_232] : memref<25600xi32, #tpu.memory_space<vmem>> -> memref<128xi32, #tpu.memory_space<vmem>>
      %dma_wait3A_239 = arith.constant 0 : i32
      %dma_wait3A_240 = arith.constant 0 : i32
      %dma_wait3A_241 = tpu.memref_slice %arg2[%dma_wait3A_239, %dma_wait3A_240] : memref<100000x64xi32, #tpu.memory_space<hbm>> -> memref<100000x64xi32, #tpu.memory_space<hbm>>
      tpu.wait_indirect_dma semaphore(%arg11 : memref<!tpu.dma_semaphore, #tpu.memory_space<semaphore_mem>>) src(%dma_wait3A_241 : memref<100000x64xi32, #tpu.memory_space<hbm>>) dst(%dma_wait3A_237 : memref<128x64xi32, #tpu.memory_space<vmem>>)
      %mul3A_242 = arith.constant 128 : i32
      %mul3A_243 = arith.muli %add3A_225, %mul3A_242 : i32
      %rem3A_244 = arith.constant 200 : i32
      %rem3A_245 = arith.remsi %mul3A_243, %rem3A_244 : i32
      %broadcast_in_dim3A_246 = arith.constant -65536 : i32
      %broadcast_in_dim3A_247 = vector.broadcast %broadcast_in_dim3A_246 : i32 to vector<16xi32>
      %parallel_loop3A_248 = arith.constant 0 : i32
      %parallel_loop3A_249 = arith.constant 128 : i32
      %parallel_loop3A_250 = arith.constant 1 : i32
      scf.for %parallel_loop3A_324 = %parallel_loop3A_248 to %parallel_loop3A_249 step %parallel_loop3A_250  : i32 {
        %parallel_loop3A_325 = arith.constant 1 : i32
        %parallel_loop3A_326 = arith.index_cast %parallel_loop3A_325 : i32 to index
        %parallel_loop3A_327 = arith.index_cast %parallel_loop3A_324 : i32 to index
        %parallel_loop3A_328 = arith.constant 0 : index
        %parallel_loop3A_329 = tpu.vector_load %arg7[%parallel_loop3A_326, %parallel_loop3A_327, %parallel_loop3A_328] {strides = array<i32>} : memref<3x128x64xi32, #tpu.memory_space<vmem>>, vector<16xi32>,
        %parallel_loop3A_330 = arith.addi %rem3A_245, %parallel_loop3A_324 : i32
        %parallel_loop3A_331 = arith.index_cast %parallel_loop3A_330 : i32 to index
        %parallel_loop3A_332 = arith.constant 0 : index
        %parallel_loop3A_333 = tpu.vector_load %arg9[%parallel_loop3A_331, %parallel_loop3A_332] {strides = array<i32>} : memref<400x64xi32, #tpu.memory_space<vmem>>, vector<16xi32>,
        %parallel_loop3A_334 = arith.constant 16 : i32
        %parallel_loop3A_335 = vector.broadcast %parallel_loop3A_334 : i32 to vector<16xi32>
        %parallel_loop3A_336 = arith.shli %parallel_loop3A_329, %parallel_loop3A_335 : vector<16xi32>
        %parallel_loop3A_337 = vector.bitcast %parallel_loop3A_336 : vector<16xi32> to vector<16xf32>
        %parallel_loop3A_338 = arith.andi %parallel_loop3A_329, %broadcast_in_dim3A_247 : vector<16xi32>
        %parallel_loop3A_339 = vector.bitcast %parallel_loop3A_338 : vector<16xi32> to vector<16xf32>
        %parallel_loop3A_340 = arith.constant 16 : i32
        %parallel_loop3A_341 = vector.broadcast %parallel_loop3A_340 : i32 to vector<16xi32>
        %parallel_loop3A_342 = arith.shli %parallel_loop3A_333, %parallel_loop3A_341 : vector<16xi32>
        %parallel_loop3A_343 = vector.bitcast %parallel_loop3A_342 : vector<16xi32> to vector<16xf32>
        %parallel_loop3A_344 = arith.andi %parallel_loop3A_333, %broadcast_in_dim3A_247 : vector<16xi32>
        %parallel_loop3A_345 = vector.bitcast %parallel_loop3A_344 : vector<16xi32> to vector<16xf32>
        %parallel_loop3A_346 = arith.addf %parallel_loop3A_337, %parallel_loop3A_343 : vector<16xf32>
        %parallel_loop3A_347 = arith.constant 1 : i32
        %parallel_loop3A_348 = arith.index_cast %parallel_loop3A_347 : i32 to index
        %parallel_loop3A_349 = arith.index_cast %parallel_loop3A_324 : i32 to index
        %parallel_loop3A_350 = arith.constant 0 : index
        %parallel_loop3A_351 = tpu.vector_load %arg8[%parallel_loop3A_348, %parallel_loop3A_349, %parallel_loop3A_350] {strides = array<i32>} : memref<3x128x128xf32, #tpu.memory_space<vmem>>, vector<16xf32>,
        tpu.vector_store %arg8[%parallel_loop3A_348, %parallel_loop3A_349, %parallel_loop3A_350], %parallel_loop3A_346 {strides = array<i32>} : memref<3x128x128xf32, #tpu.memory_space<vmem>>, vector<16xf32>,
        %parallel_loop3A_352 = arith.addf %parallel_loop3A_339, %parallel_loop3A_345 : vector<16xf32>
        %parallel_loop3A_353 = arith.constant 1 : i32
        %parallel_loop3A_354 = arith.index_cast %parallel_loop3A_353 : i32 to index
        %parallel_loop3A_355 = arith.index_cast %parallel_loop3A_324 : i32 to index
        %parallel_loop3A_356 = arith.constant 64 : index
        %parallel_loop3A_357 = tpu.vector_load %arg8[%parallel_loop3A_354, %parallel_loop3A_355, %parallel_loop3A_356] {strides = array<i32>} : memref<3x128x128xf32, #tpu.memory_space<vmem>>, vector<16xf32>,
        tpu.vector_store %arg8[%parallel_loop3A_354, %parallel_loop3A_355, %parallel_loop3A_356], %parallel_loop3A_352 {strides = array<i32>} : memref<3x128x128xf32, #tpu.memory_space<vmem>>, vector<16xf32>,
        %parallel_loop3A_358 = arith.constant 1 : i32
        %parallel_loop3A_359 = arith.index_cast %parallel_loop3A_358 : i32 to index
        %parallel_loop3A_360 = arith.index_cast %parallel_loop3A_324 : i32 to index
        %parallel_loop3A_361 = arith.constant 16 : index
        %parallel_loop3A_362 = tpu.vector_load %arg7[%parallel_loop3A_359, %parallel_loop3A_360, %parallel_loop3A_361] {strides = array<i32>} : memref<3x128x64xi32, #tpu.memory_space<vmem>>, vector<16xi32>,
        %parallel_loop3A_363 = arith.addi %rem3A_245, %parallel_loop3A_324 : i32
        %parallel_loop3A_364 = arith.index_cast %parallel_loop3A_363 : i32 to index
        %parallel_loop3A_365 = arith.constant 16 : index
        %parallel_loop3A_366 = tpu.vector_load %arg9[%parallel_loop3A_364, %parallel_loop3A_365] {strides = array<i32>} : memref<400x64xi32, #tpu.memory_space<vmem>>, vector<16xi32>,
        %parallel_loop3A_367 = arith.constant 16 : i32
        %parallel_loop3A_368 = vector.broadcast %parallel_loop3A_367 : i32 to vector<16xi32>
        %parallel_loop3A_369 = arith.shli %parallel_loop3A_362, %parallel_loop3A_368 : vector<16xi32>
        %parallel_loop3A_370 = vector.bitcast %parallel_loop3A_369 : vector<16xi32> to vector<16xf32>
        %parallel_loop3A_371 = arith.andi %parallel_loop3A_362, %broadcast_in_dim3A_247 : vector<16xi32>
        %parallel_loop3A_372 = vector.bitcast %parallel_loop3A_371 : vector<16xi32> to vector<16xf32>
        %parallel_loop3A_373 = arith.constant 16 : i32
        %parallel_loop3A_374 = vector.broadcast %parallel_loop3A_373 : i32 to vector<16xi32>
        %parallel_loop3A_375 = arith.shli %parallel_loop3A_366, %parallel_loop3A_374 : vector<16xi32>
        %parallel_loop3A_376 = vector.bitcast %parallel_loop3A_375 : vector<16xi32> to vector<16xf32>
        %parallel_loop3A_377 = arith.andi %parallel_loop3A_366, %broadcast_in_dim3A_247 : vector<16xi32>
        %parallel_loop3A_378 = vector.bitcast %parallel_loop3A_377 : vector<16xi32> to vector<16xf32>
        %parallel_loop3A_379 = arith.addf %parallel_loop3A_370, %parallel_loop3A_376 : vector<16xf32>
        %parallel_loop3A_380 = arith.constant 1 : i32
        %parallel_loop3A_381 = arith.index_cast %parallel_loop3A_380 : i32 to index
        %parallel_loop3A_382 = arith.index_cast %parallel_loop3A_324 : i32 to index
        %parallel_loop3A_383 = arith.constant 16 : index
        %parallel_loop3A_384 = tpu.vector_load %arg8[%parallel_loop3A_381, %parallel_loop3A_382, %parallel_loop3A_383] {strides = array<i32>} : memref<3x128x128xf32, #tpu.memory_space<vmem>>, vector<16xf32>,
        tpu.vector_store %arg8[%parallel_loop3A_381, %parallel_loop3A_382, %parallel_loop3A_383], %parallel_loop3A_379 {strides = array<i32>} : memref<3x128x128xf32, #tpu.memory_space<vmem>>, vector<16xf32>,
        %parallel_loop3A_385 = arith.addf %parallel_loop3A_372, %parallel_loop3A_378 : vector<16xf32>
        %parallel_loop3A_386 = arith.constant 1 : i32
        %parallel_loop3A_387 = arith.index_cast %parallel_loop3A_386 : i32 to index
        %parallel_loop3A_388 = arith.index_cast %parallel_loop3A_324 : i32 to index
        %parallel_loop3A_389 = arith.constant 80 : index
        %parallel_loop3A_390 = tpu.vector_load %arg8[%parallel_loop3A_387, %parallel_loop3A_388, %parallel_loop3A_389] {strides = array<i32>} : memref<3x128x128xf32, #tpu.memory_space<vmem>>, vector<16xf32>,
        tpu.vector_store %arg8[%parallel_loop3A_387, %parallel_loop3A_388, %parallel_loop3A_389], %parallel_loop3A_385 {strides = array<i32>} : memref<3x128x128xf32, #tpu.memory_space<vmem>>, vector<16xf32>,
        %parallel_loop3A_391 = arith.constant 1 : i32
        %parallel_loop3A_392 = arith.index_cast %parallel_loop3A_391 : i32 to index
        %parallel_loop3A_393 = arith.index_cast %parallel_loop3A_324 : i32 to index
        %parallel_loop3A_394 = arith.constant 32 : index
        %parallel_loop3A_395 = tpu.vector_load %arg7[%parallel_loop3A_392, %parallel_loop3A_393, %parallel_loop3A_394] {strides = array<i32>} : memref<3x128x64xi32, #tpu.memory_space<vmem>>, vector<16xi32>,
        %parallel_loop3A_396 = arith.addi %rem3A_245, %parallel_loop3A_324 : i32
        %parallel_loop3A_397 = arith.index_cast %parallel_loop3A_396 : i32 to index
        %parallel_loop3A_398 = arith.constant 32 : index
        %parallel_loop3A_399 = tpu.vector_load %arg9[%parallel_loop3A_397, %parallel_loop3A_398] {strides = array<i32>} : memref<400x64xi32, #tpu.memory_space<vmem>>, vector<16xi32>,
        %parallel_loop3A_400 = arith.constant 16 : i32
        %parallel_loop3A_401 = vector.broadcast %parallel_loop3A_400 : i32 to vector<16xi32>
        %parallel_loop3A_402 = arith.shli %parallel_loop3A_395, %parallel_loop3A_401 : vector<16xi32>
        %parallel_loop3A_403 = vector.bitcast %parallel_loop3A_402 : vector<16xi32> to vector<16xf32>
        %parallel_loop3A_404 = arith.andi %parallel_loop3A_395, %broadcast_in_dim3A_247 : vector<16xi32>
        %parallel_loop3A_405 = vector.bitcast %parallel_loop3A_404 : vector<16xi32> to vector<16xf32>
        %parallel_loop3A_406 = arith.constant 16 : i32
        %parallel_loop3A_407 = vector.broadcast %parallel_loop3A_406 : i32 to vector<16xi32>
        %parallel_loop3A_408 = arith.shli %parallel_loop3A_399, %parallel_loop3A_407 : vector<16xi32>
        %parallel_loop3A_409 = vector.bitcast %parallel_loop3A_408 : vector<16xi32> to vector<16xf32>
        %parallel_loop3A_410 = arith.andi %parallel_loop3A_399, %broadcast_in_dim3A_247 : vector<16xi32>
        %parallel_loop3A_411 = vector.bitcast %parallel_loop3A_410 : vector<16xi32> to vector<16xf32>
        %parallel_loop3A_412 = arith.addf %parallel_loop3A_403, %parallel_loop3A_409 : vector<16xf32>
        %parallel_loop3A_413 = arith.constant 1 : i32
        %parallel_loop3A_414 = arith.index_cast %parallel_loop3A_413 : i32 to index
        %parallel_loop3A_415 = arith.index_cast %parallel_loop3A_324 : i32 to index
        %parallel_loop3A_416 = arith.constant 32 : index
        %parallel_loop3A_417 = tpu.vector_load %arg8[%parallel_loop3A_414, %parallel_loop3A_415, %parallel_loop3A_416] {strides = array<i32>} : memref<3x128x128xf32, #tpu.memory_space<vmem>>, vector<16xf32>,
        tpu.vector_store %arg8[%parallel_loop3A_414, %parallel_loop3A_415, %parallel_loop3A_416], %parallel_loop3A_412 {strides = array<i32>} : memref<3x128x128xf32, #tpu.memory_space<vmem>>, vector<16xf32>,
        %parallel_loop3A_418 = arith.addf %parallel_loop3A_405, %parallel_loop3A_411 : vector<16xf32>
        %parallel_loop3A_419 = arith.constant 1 : i32
        %parallel_loop3A_420 = arith.index_cast %parallel_loop3A_419 : i32 to index
        %parallel_loop3A_421 = arith.index_cast %parallel_loop3A_324 : i32 to index
        %parallel_loop3A_422 = arith.constant 96 : index
        %parallel_loop3A_423 = tpu.vector_load %arg8[%parallel_loop3A_420, %parallel_loop3A_421, %parallel_loop3A_422] {strides = array<i32>} : memref<3x128x128xf32, #tpu.memory_space<vmem>>, vector<16xf32>,
        tpu.vector_store %arg8[%parallel_loop3A_420, %parallel_loop3A_421, %parallel_loop3A_422], %parallel_loop3A_418 {strides = array<i32>} : memref<3x128x128xf32, #tpu.memory_space<vmem>>, vector<16xf32>,
        %parallel_loop3A_424 = arith.constant 1 : i32
        %parallel_loop3A_425 = arith.index_cast %parallel_loop3A_424 : i32 to index
        %parallel_loop3A_426 = arith.index_cast %parallel_loop3A_324 : i32 to index
        %parallel_loop3A_427 = arith.constant 48 : index
        %parallel_loop3A_428 = tpu.vector_load %arg7[%parallel_loop3A_425, %parallel_loop3A_426, %parallel_loop3A_427] {strides = array<i32>} : memref<3x128x64xi32, #tpu.memory_space<vmem>>, vector<16xi32>,
        %parallel_loop3A_429 = arith.addi %rem3A_245, %parallel_loop3A_324 : i32
        %parallel_loop3A_430 = arith.index_cast %parallel_loop3A_429 : i32 to index
        %parallel_loop3A_431 = arith.constant 48 : index
        %parallel_loop3A_432 = tpu.vector_load %arg9[%parallel_loop3A_430, %parallel_loop3A_431] {strides = array<i32>} : memref<400x64xi32, #tpu.memory_space<vmem>>, vector<16xi32>,
        %parallel_loop3A_433 = arith.constant 16 : i32
        %parallel_loop3A_434 = vector.broadcast %parallel_loop3A_433 : i32 to vector<16xi32>
        %parallel_loop3A_435 = arith.shli %parallel_loop3A_428, %parallel_loop3A_434 : vector<16xi32>
        %parallel_loop3A_436 = vector.bitcast %parallel_loop3A_435 : vector<16xi32> to vector<16xf32>
        %parallel_loop3A_437 = arith.andi %parallel_loop3A_428, %broadcast_in_dim3A_247 : vector<16xi32>
        %parallel_loop3A_438 = vector.bitcast %parallel_loop3A_437 : vector<16xi32> to vector<16xf32>
        %parallel_loop3A_439 = arith.constant 16 : i32
        %parallel_loop3A_440 = vector.broadcast %parallel_loop3A_439 : i32 to vector<16xi32>
        %parallel_loop3A_441 = arith.shli %parallel_loop3A_432, %parallel_loop3A_440 : vector<16xi32>
        %parallel_loop3A_442 = vector.bitcast %parallel_loop3A_441 : vector<16xi32> to vector<16xf32>
        %parallel_loop3A_443 = arith.andi %parallel_loop3A_432, %broadcast_in_dim3A_247 : vector<16xi32>
        %parallel_loop3A_444 = vector.bitcast %parallel_loop3A_443 : vector<16xi32> to vector<16xf32>
        %parallel_loop3A_445 = arith.addf %parallel_loop3A_436, %parallel_loop3A_442 : vector<16xf32>
        %parallel_loop3A_446 = arith.constant 1 : i32
        %parallel_loop3A_447 = arith.index_cast %parallel_loop3A_446 : i32 to index
        %parallel_loop3A_448 = arith.index_cast %parallel_loop3A_324 : i32 to index
        %parallel_loop3A_449 = arith.constant 48 : index
        %parallel_loop3A_450 = tpu.vector_load %arg8[%parallel_loop3A_447, %parallel_loop3A_448, %parallel_loop3A_449] {strides = array<i32>} : memref<3x128x128xf32, #tpu.memory_space<vmem>>, vector<16xf32>,
        tpu.vector_store %arg8[%parallel_loop3A_447, %parallel_loop3A_448, %parallel_loop3A_449], %parallel_loop3A_445 {strides = array<i32>} : memref<3x128x128xf32, #tpu.memory_space<vmem>>, vector<16xf32>,
        %parallel_loop3A_451 = arith.addf %parallel_loop3A_438, %parallel_loop3A_444 : vector<16xf32>
        %parallel_loop3A_452 = arith.constant 1 : i32
        %parallel_loop3A_453 = arith.index_cast %parallel_loop3A_452 : i32 to index
        %parallel_loop3A_454 = arith.index_cast %parallel_loop3A_324 : i32 to index
        %parallel_loop3A_455 = arith.constant 112 : index
        %parallel_loop3A_456 = tpu.vector_load %arg8[%parallel_loop3A_453, %parallel_loop3A_454, %parallel_loop3A_455] {strides = array<i32>} : memref<3x128x128xf32, #tpu.memory_space<vmem>>, vector<16xf32>,
        tpu.vector_store %arg8[%parallel_loop3A_453, %parallel_loop3A_454, %parallel_loop3A_455], %parallel_loop3A_451 {strides = array<i32>} : memref<3x128x128xf32, #tpu.memory_space<vmem>>, vector<16xf32>,
      } {sc.loop_unroll_factor = 4 : i64, sc.parallel_access}
      %add3A_251 = arith.constant 3 : i32
      %add3A_252 = arith.addi %add3A_225, %add3A_251 : i32
      %lt3A_253 = arith.constant 200 : i32
      %lt3A_254 = arith.cmpi slt, %add3A_252, %lt3A_253 : i32
      %convert_element_type3A_255 = arith.extui %lt3A_254 : i1 to i32
      %cond3A_256 = arith.constant 0 : i32
      %cond3A_257 = arith.cmpi ne, %convert_element_type3A_255, %cond3A_256 : i32
      scf.if %cond3A_257 {
        %add3A_324 = arith.constant 3 : i32
        %add3A_325 = arith.addi %add3A_225, %add3A_324 : i32
        %mul3A_326 = arith.constant 128 : i32
        %mul3A_327 = arith.muli %add3A_325, %mul3A_326 : i32
        %dma_start3A_328 = arith.constant 1 : i32
        %dma_start3A_329 = arith.constant 0 : i32
        %dma_start3A_330 = arith.constant 0 : i32
        %dma_start3A_331 = tpu.memref_slice %arg7[%dma_start3A_328, %dma_start3A_329, %dma_start3A_330] : memref<3x128x64xi32, #tpu.memory_space<vmem>> -> memref<1x128x64xi32, #tpu.memory_space<vmem>>
        %dma_start3A_332 = tpu.memref_squeeze %dma_start3A_331 : memref<1x128x64xi32, #tpu.memory_space<vmem>> -> memref<128x64xi32, #tpu.memory_space<vmem>>
        %dma_start3A_333 = tpu.memref_slice %arg6[%mul3A_327] : memref<25600xi32, #tpu.memory_space<vmem>> -> memref<128xi32, #tpu.memory_space<vmem>>
        %dma_start3A_334 = arith.constant 0 : i32
        %dma_start3A_335 = arith.constant 0 : i32
        %dma_start3A_336 = tpu.memref_slice %arg2[%dma_start3A_334, %dma_start3A_335] : memref<100000x64xi32, #tpu.memory_space<hbm>> -> memref<100000x64xi32, #tpu.memory_space<hbm>>
        tpu.enqueue_indirect_dma source(%dma_start3A_336 : memref<100000x64xi32, #tpu.memory_space<hbm>>) target(%dma_start3A_332 : memref<128x64xi32, #tpu.memory_space<vmem>>) offsets(%dma_start3A_333 : memref<128xi32, #tpu.memory_space<vmem>>) semaphore(%arg11 : memref<!tpu.dma_semaphore, #tpu.memory_space<semaphore_mem>>)
      } else {
      }
      %mul3A_258 = arith.constant 128 : i32
      %mul3A_259 = arith.muli %add3A_225, %mul3A_258 : i32
      %add3A_260 = arith.addi %mul3A_2, %mul3A_259 : i32
      %dma_start3A_261 = arith.constant 1 : i32
      %dma_start3A_262 = arith.constant 0 : i32
      %dma_start3A_263 = arith.constant 0 : i32
      %dma_start3A_264 = tpu.memref_slice %arg8[%dma_start3A_261, %dma_start3A_262, %dma_start3A_263] : memref<3x128x128xf32, #tpu.memory_space<vmem>> -> memref<1x128x128xf32, #tpu.memory_space<vmem>>
      %dma_start3A_265 = tpu.memref_squeeze %dma_start3A_264 : memref<1x128x128xf32, #tpu.memory_space<vmem>> -> memref<128x128xf32, #tpu.memory_space<vmem>>
      %dma_start3A_266 = arith.constant 0 : i32
      %dma_start3A_267 = tpu.memref_slice %arg5[%add3A_260, %dma_start3A_266] : memref<819200x128xf32, #tpu.memory_space<hbm>> -> memref<128x128xf32, #tpu.memory_space<hbm>>
      %dma_start3A_268 = arith.constant 0 : i32
      %dma_start3A_269 = tpu.memref_slice %arg5[%add3A_260, %dma_start3A_268] : memref<819200x128xf32, #tpu.memory_space<hbm>> -> memref<128x128xf32, #tpu.memory_space<hbm>>
      %dma_start3A_270 = arith.constant 0 : i32
      %dma_start3A_271 = arith.constant 0 : i32
      %dma_start3A_272 = tpu.memref_slice %arg8[%dma_start3A_261, %dma_start3A_270, %dma_start3A_271] : memref<3x128x128xf32, #tpu.memory_space<vmem>> -> memref<1x128x128xf32, #tpu.memory_space<vmem>>
      %dma_start3A_273 = tpu.memref_squeeze %dma_start3A_272 : memref<1x128x128xf32, #tpu.memory_space<vmem>> -> memref<128x128xf32, #tpu.memory_space<vmem>>
      tpu.enqueue_dma source(%dma_start3A_273 : memref<128x128xf32, #tpu.memory_space<vmem>>) target(%dma_start3A_269 : memref<128x128xf32, #tpu.memory_space<hbm>>) target_semaphore(%arg14 : memref<!tpu.dma_semaphore, #tpu.memory_space<semaphore_mem>>)
      %add3A_274 = arith.constant 2 : i32
      %add3A_275 = arith.addi %add3A_177, %add3A_274 : i32
      %ge3A_276 = arith.constant 3 : i32
      %ge3A_277 = arith.cmpi sge, %add3A_275, %ge3A_276 : i32
      %convert_element_type3A_278 = arith.extui %ge3A_277 : i1 to i32
      %cond3A_279 = arith.constant 0 : i32
      %cond3A_280 = arith.cmpi ne, %convert_element_type3A_278, %cond3A_279 : i32
      scf.if %cond3A_280 {
        %sub3A = arith.constant 3 : i32
        %sub3A_324 = arith.subi %add3A_275, %sub3A : i32
        %mul3A_325 = arith.constant 128 : i32
        %mul3A_326 = arith.muli %sub3A_324, %mul3A_325 : i32
        %add3A_327 = arith.addi %mul3A_2, %mul3A_326 : i32
        %dma_wait3A_328 = arith.constant 2 : i32
        %dma_wait3A_329 = arith.constant 0 : i32
        %dma_wait3A_330 = arith.constant 0 : i32
        %dma_wait3A_331 = tpu.memref_slice %arg8[%dma_wait3A_328, %dma_wait3A_329, %dma_wait3A_330] : memref<3x128x128xf32, #tpu.memory_space<vmem>> -> memref<1x128x128xf32, #tpu.memory_space<vmem>>
        %dma_wait3A_332 = tpu.memref_squeeze %dma_wait3A_331 : memref<1x128x128xf32, #tpu.memory_space<vmem>> -> memref<128x128xf32, #tpu.memory_space<vmem>>
        %dma_wait3A_333 = arith.constant 0 : i32
        %dma_wait3A_334 = tpu.memref_slice %arg5[%add3A_327, %dma_wait3A_333] : memref<819200x128xf32, #tpu.memory_space<hbm>> -> memref<128x128xf32, #tpu.memory_space<hbm>>
        %dma_wait3A_335 = arith.constant 0 : i32
        %dma_wait3A_336 = tpu.memref_slice %arg5[%add3A_327, %dma_wait3A_335] : memref<819200x128xf32, #tpu.memory_space<hbm>> -> memref<128x128xf32, #tpu.memory_space<hbm>>
        %dma_wait3A_337 = arith.constant 0 : i32
        %dma_wait3A_338 = arith.constant 0 : i32
        %dma_wait3A_339 = tpu.memref_slice %arg8[%dma_wait3A_328, %dma_wait3A_337, %dma_wait3A_338] : memref<3x128x128xf32, #tpu.memory_space<vmem>> -> memref<1x128x128xf32, #tpu.memory_space<vmem>>
        %dma_wait3A_340 = tpu.memref_squeeze %dma_wait3A_339 : memref<1x128x128xf32, #tpu.memory_space<vmem>> -> memref<128x128xf32, #tpu.memory_space<vmem>>
        tpu.wait_dma2 semaphore(%arg15 : memref<!tpu.dma_semaphore, #tpu.memory_space<semaphore_mem>>) src(%dma_wait3A_340 : memref<128x128xf32, #tpu.memory_space<vmem>>) dst(%dma_wait3A_336 : memref<128x128xf32, #tpu.memory_space<hbm>>)
      } else {
      }
      %mul3A_281 = arith.constant 128 : i32
      %mul3A_282 = arith.muli %add3A_275, %mul3A_281 : i32
      %dma_wait3A_283 = arith.constant 2 : i32
      %dma_wait3A_284 = arith.constant 0 : i32
      %dma_wait3A_285 = arith.constant 0 : i32
      %dma_wait3A_286 = tpu.memref_slice %arg7[%dma_wait3A_283, %dma_wait3A_284, %dma_wait3A_285] : memref<3x128x64xi32, #tpu.memory_space<vmem>> -> memref<1x128x64xi32, #tpu.memory_space<vmem>>
      %dma_wait3A_287 = tpu.memref_squeeze %dma_wait3A_286 : memref<1x128x64xi32, #tpu.memory_space<vmem>> -> memref<128x64xi32, #tpu.memory_space<vmem>>
      %dma_wait3A_288 = tpu.memref_slice %arg6[%mul3A_282] : memref<25600xi32, #tpu.memory_space<vmem>> -> memref<128xi32, #tpu.memory_space<vmem>>
      %dma_wait3A_289 = arith.constant 0 : i32
      %dma_wait3A_290 = arith.constant 0 : i32
      %dma_wait3A_291 = tpu.memref_slice %arg2[%dma_wait3A_289, %dma_wait3A_290] : memref<100000x64xi32, #tpu.memory_space<hbm>> -> memref<100000x64xi32, #tpu.memory_space<hbm>>
      tpu.wait_indirect_dma semaphore(%arg12 : memref<!tpu.dma_semaphore, #tpu.memory_space<semaphore_mem>>) src(%dma_wait3A_291 : memref<100000x64xi32, #tpu.memory_space<hbm>>) dst(%dma_wait3A_287 : memref<128x64xi32, #tpu.memory_space<vmem>>)
      %mul3A_292 = arith.constant 128 : i32
      %mul3A_293 = arith.muli %add3A_275, %mul3A_292 : i32
      %rem3A_294 = arith.constant 200 : i32
      %rem3A_295 = arith.remsi %mul3A_293, %rem3A_294 : i32
      %broadcast_in_dim3A_296 = arith.constant -65536 : i32
      %broadcast_in_dim3A_297 = vector.broadcast %broadcast_in_dim3A_296 : i32 to vector<16xi32>
      %parallel_loop3A_298 = arith.constant 0 : i32
      %parallel_loop3A_299 = arith.constant 128 : i32
      %parallel_loop3A_300 = arith.constant 1 : i32
      scf.for %parallel_loop3A_324 = %parallel_loop3A_298 to %parallel_loop3A_299 step %parallel_loop3A_300  : i32 {
        %parallel_loop3A_325 = arith.constant 2 : i32
        %parallel_loop3A_326 = arith.index_cast %parallel_loop3A_325 : i32 to index
        %parallel_loop3A_327 = arith.index_cast %parallel_loop3A_324 : i32 to index
        %parallel_loop3A_328 = arith.constant 0 : index
        %parallel_loop3A_329 = tpu.vector_load %arg7[%parallel_loop3A_326, %parallel_loop3A_327, %parallel_loop3A_328] {strides = array<i32>} : memref<3x128x64xi32, #tpu.memory_space<vmem>>, vector<16xi32>,
        %parallel_loop3A_330 = arith.addi %rem3A_295, %parallel_loop3A_324 : i32
        %parallel_loop3A_331 = arith.index_cast %parallel_loop3A_330 : i32 to index
        %parallel_loop3A_332 = arith.constant 0 : index
        %parallel_loop3A_333 = tpu.vector_load %arg9[%parallel_loop3A_331, %parallel_loop3A_332] {strides = array<i32>} : memref<400x64xi32, #tpu.memory_space<vmem>>, vector<16xi32>,
        %parallel_loop3A_334 = arith.constant 16 : i32
        %parallel_loop3A_335 = vector.broadcast %parallel_loop3A_334 : i32 to vector<16xi32>
        %parallel_loop3A_336 = arith.shli %parallel_loop3A_329, %parallel_loop3A_335 : vector<16xi32>
        %parallel_loop3A_337 = vector.bitcast %parallel_loop3A_336 : vector<16xi32> to vector<16xf32>
        %parallel_loop3A_338 = arith.andi %parallel_loop3A_329, %broadcast_in_dim3A_297 : vector<16xi32>
        %parallel_loop3A_339 = vector.bitcast %parallel_loop3A_338 : vector<16xi32> to vector<16xf32>
        %parallel_loop3A_340 = arith.constant 16 : i32
        %parallel_loop3A_341 = vector.broadcast %parallel_loop3A_340 : i32 to vector<16xi32>
        %parallel_loop3A_342 = arith.shli %parallel_loop3A_333, %parallel_loop3A_341 : vector<16xi32>
        %parallel_loop3A_343 = vector.bitcast %parallel_loop3A_342 : vector<16xi32> to vector<16xf32>
        %parallel_loop3A_344 = arith.andi %parallel_loop3A_333, %broadcast_in_dim3A_297 : vector<16xi32>
        %parallel_loop3A_345 = vector.bitcast %parallel_loop3A_344 : vector<16xi32> to vector<16xf32>
        %parallel_loop3A_346 = arith.addf %parallel_loop3A_337, %parallel_loop3A_343 : vector<16xf32>
        %parallel_loop3A_347 = arith.constant 2 : i32
        %parallel_loop3A_348 = arith.index_cast %parallel_loop3A_347 : i32 to index
        %parallel_loop3A_349 = arith.index_cast %parallel_loop3A_324 : i32 to index
        %parallel_loop3A_350 = arith.constant 0 : index
        %parallel_loop3A_351 = tpu.vector_load %arg8[%parallel_loop3A_348, %parallel_loop3A_349, %parallel_loop3A_350] {strides = array<i32>} : memref<3x128x128xf32, #tpu.memory_space<vmem>>, vector<16xf32>,
        tpu.vector_store %arg8[%parallel_loop3A_348, %parallel_loop3A_349, %parallel_loop3A_350], %parallel_loop3A_346 {strides = array<i32>} : memref<3x128x128xf32, #tpu.memory_space<vmem>>, vector<16xf32>,
        %parallel_loop3A_352 = arith.addf %parallel_loop3A_339, %parallel_loop3A_345 : vector<16xf32>
        %parallel_loop3A_353 = arith.constant 2 : i32
        %parallel_loop3A_354 = arith.index_cast %parallel_loop3A_353 : i32 to index
        %parallel_loop3A_355 = arith.index_cast %parallel_loop3A_324 : i32 to index
        %parallel_loop3A_356 = arith.constant 64 : index
        %parallel_loop3A_357 = tpu.vector_load %arg8[%parallel_loop3A_354, %parallel_loop3A_355, %parallel_loop3A_356] {strides = array<i32>} : memref<3x128x128xf32, #tpu.memory_space<vmem>>, vector<16xf32>,
        tpu.vector_store %arg8[%parallel_loop3A_354, %parallel_loop3A_355, %parallel_loop3A_356], %parallel_loop3A_352 {strides = array<i32>} : memref<3x128x128xf32, #tpu.memory_space<vmem>>, vector<16xf32>,
        %parallel_loop3A_358 = arith.constant 2 : i32
        %parallel_loop3A_359 = arith.index_cast %parallel_loop3A_358 : i32 to index
        %parallel_loop3A_360 = arith.index_cast %parallel_loop3A_324 : i32 to index
        %parallel_loop3A_361 = arith.constant 16 : index
        %parallel_loop3A_362 = tpu.vector_load %arg7[%parallel_loop3A_359, %parallel_loop3A_360, %parallel_loop3A_361] {strides = array<i32>} : memref<3x128x64xi32, #tpu.memory_space<vmem>>, vector<16xi32>,
        %parallel_loop3A_363 = arith.addi %rem3A_295, %parallel_loop3A_324 : i32
        %parallel_loop3A_364 = arith.index_cast %parallel_loop3A_363 : i32 to index
        %parallel_loop3A_365 = arith.constant 16 : index
        %parallel_loop3A_366 = tpu.vector_load %arg9[%parallel_loop3A_364, %parallel_loop3A_365] {strides = array<i32>} : memref<400x64xi32, #tpu.memory_space<vmem>>, vector<16xi32>,
        %parallel_loop3A_367 = arith.constant 16 : i32
        %parallel_loop3A_368 = vector.broadcast %parallel_loop3A_367 : i32 to vector<16xi32>
        %parallel_loop3A_369 = arith.shli %parallel_loop3A_362, %parallel_loop3A_368 : vector<16xi32>
        %parallel_loop3A_370 = vector.bitcast %parallel_loop3A_369 : vector<16xi32> to vector<16xf32>
        %parallel_loop3A_371 = arith.andi %parallel_loop3A_362, %broadcast_in_dim3A_297 : vector<16xi32>
        %parallel_loop3A_372 = vector.bitcast %parallel_loop3A_371 : vector<16xi32> to vector<16xf32>
        %parallel_loop3A_373 = arith.constant 16 : i32
        %parallel_loop3A_374 = vector.broadcast %parallel_loop3A_373 : i32 to vector<16xi32>
        %parallel_loop3A_375 = arith.shli %parallel_loop3A_366, %parallel_loop3A_374 : vector<16xi32>
        %parallel_loop3A_376 = vector.bitcast %parallel_loop3A_375 : vector<16xi32> to vector<16xf32>
        %parallel_loop3A_377 = arith.andi %parallel_loop3A_366, %broadcast_in_dim3A_297 : vector<16xi32>
        %parallel_loop3A_378 = vector.bitcast %parallel_loop3A_377 : vector<16xi32> to vector<16xf32>
        %parallel_loop3A_379 = arith.addf %parallel_loop3A_370, %parallel_loop3A_376 : vector<16xf32>
        %parallel_loop3A_380 = arith.constant 2 : i32
        %parallel_loop3A_381 = arith.index_cast %parallel_loop3A_380 : i32 to index
        %parallel_loop3A_382 = arith.index_cast %parallel_loop3A_324 : i32 to index
        %parallel_loop3A_383 = arith.constant 16 : index
        %parallel_loop3A_384 = tpu.vector_load %arg8[%parallel_loop3A_381, %parallel_loop3A_382, %parallel_loop3A_383] {strides = array<i32>} : memref<3x128x128xf32, #tpu.memory_space<vmem>>, vector<16xf32>,
        tpu.vector_store %arg8[%parallel_loop3A_381, %parallel_loop3A_382, %parallel_loop3A_383], %parallel_loop3A_379 {strides = array<i32>} : memref<3x128x128xf32, #tpu.memory_space<vmem>>, vector<16xf32>,
        %parallel_loop3A_385 = arith.addf %parallel_loop3A_372, %parallel_loop3A_378 : vector<16xf32>
        %parallel_loop3A_386 = arith.constant 2 : i32
        %parallel_loop3A_387 = arith.index_cast %parallel_loop3A_386 : i32 to index
        %parallel_loop3A_388 = arith.index_cast %parallel_loop3A_324 : i32 to index
        %parallel_loop3A_389 = arith.constant 80 : index
        %parallel_loop3A_390 = tpu.vector_load %arg8[%parallel_loop3A_387, %parallel_loop3A_388, %parallel_loop3A_389] {strides = array<i32>} : memref<3x128x128xf32, #tpu.memory_space<vmem>>, vector<16xf32>,
        tpu.vector_store %arg8[%parallel_loop3A_387, %parallel_loop3A_388, %parallel_loop3A_389], %parallel_loop3A_385 {strides = array<i32>} : memref<3x128x128xf32, #tpu.memory_space<vmem>>, vector<16xf32>,
        %parallel_loop3A_391 = arith.constant 2 : i32
        %parallel_loop3A_392 = arith.index_cast %parallel_loop3A_391 : i32 to index
        %parallel_loop3A_393 = arith.index_cast %parallel_loop3A_324 : i32 to index
        %parallel_loop3A_394 = arith.constant 32 : index
        %parallel_loop3A_395 = tpu.vector_load %arg7[%parallel_loop3A_392, %parallel_loop3A_393, %parallel_loop3A_394] {strides = array<i32>} : memref<3x128x64xi32, #tpu.memory_space<vmem>>, vector<16xi32>,
        %parallel_loop3A_396 = arith.addi %rem3A_295, %parallel_loop3A_324 : i32
        %parallel_loop3A_397 = arith.index_cast %parallel_loop3A_396 : i32 to index
        %parallel_loop3A_398 = arith.constant 32 : index
        %parallel_loop3A_399 = tpu.vector_load %arg9[%parallel_loop3A_397, %parallel_loop3A_398] {strides = array<i32>} : memref<400x64xi32, #tpu.memory_space<vmem>>, vector<16xi32>,
        %parallel_loop3A_400 = arith.constant 16 : i32
        %parallel_loop3A_401 = vector.broadcast %parallel_loop3A_400 : i32 to vector<16xi32>
        %parallel_loop3A_402 = arith.shli %parallel_loop3A_395, %parallel_loop3A_401 : vector<16xi32>
        %parallel_loop3A_403 = vector.bitcast %parallel_loop3A_402 : vector<16xi32> to vector<16xf32>
        %parallel_loop3A_404 = arith.andi %parallel_loop3A_395, %broadcast_in_dim3A_297 : vector<16xi32>
        %parallel_loop3A_405 = vector.bitcast %parallel_loop3A_404 : vector<16xi32> to vector<16xf32>
        %parallel_loop3A_406 = arith.constant 16 : i32
        %parallel_loop3A_407 = vector.broadcast %parallel_loop3A_406 : i32 to vector<16xi32>
        %parallel_loop3A_408 = arith.shli %parallel_loop3A_399, %parallel_loop3A_407 : vector<16xi32>
        %parallel_loop3A_409 = vector.bitcast %parallel_loop3A_408 : vector<16xi32> to vector<16xf32>
        %parallel_loop3A_410 = arith.andi %parallel_loop3A_399, %broadcast_in_dim3A_297 : vector<16xi32>
        %parallel_loop3A_411 = vector.bitcast %parallel_loop3A_410 : vector<16xi32> to vector<16xf32>
        %parallel_loop3A_412 = arith.addf %parallel_loop3A_403, %parallel_loop3A_409 : vector<16xf32>
        %parallel_loop3A_413 = arith.constant 2 : i32
        %parallel_loop3A_414 = arith.index_cast %parallel_loop3A_413 : i32 to index
        %parallel_loop3A_415 = arith.index_cast %parallel_loop3A_324 : i32 to index
        %parallel_loop3A_416 = arith.constant 32 : index
        %parallel_loop3A_417 = tpu.vector_load %arg8[%parallel_loop3A_414, %parallel_loop3A_415, %parallel_loop3A_416] {strides = array<i32>} : memref<3x128x128xf32, #tpu.memory_space<vmem>>, vector<16xf32>,
        tpu.vector_store %arg8[%parallel_loop3A_414, %parallel_loop3A_415, %parallel_loop3A_416], %parallel_loop3A_412 {strides = array<i32>} : memref<3x128x128xf32, #tpu.memory_space<vmem>>, vector<16xf32>,
        %parallel_loop3A_418 = arith.addf %parallel_loop3A_405, %parallel_loop3A_411 : vector<16xf32>
        %parallel_loop3A_419 = arith.constant 2 : i32
        %parallel_loop3A_420 = arith.index_cast %parallel_loop3A_419 : i32 to index
        %parallel_loop3A_421 = arith.index_cast %parallel_loop3A_324 : i32 to index
        %parallel_loop3A_422 = arith.constant 96 : index
        %parallel_loop3A_423 = tpu.vector_load %arg8[%parallel_loop3A_420, %parallel_loop3A_421, %parallel_loop3A_422] {strides = array<i32>} : memref<3x128x128xf32, #tpu.memory_space<vmem>>, vector<16xf32>,
        tpu.vector_store %arg8[%parallel_loop3A_420, %parallel_loop3A_421, %parallel_loop3A_422], %parallel_loop3A_418 {strides = array<i32>} : memref<3x128x128xf32, #tpu.memory_space<vmem>>, vector<16xf32>,
        %parallel_loop3A_424 = arith.constant 2 : i32
        %parallel_loop3A_425 = arith.index_cast %parallel_loop3A_424 : i32 to index
        %parallel_loop3A_426 = arith.index_cast %parallel_loop3A_324 : i32 to index
        %parallel_loop3A_427 = arith.constant 48 : index
        %parallel_loop3A_428 = tpu.vector_load %arg7[%parallel_loop3A_425, %parallel_loop3A_426, %parallel_loop3A_427] {strides = array<i32>} : memref<3x128x64xi32, #tpu.memory_space<vmem>>, vector<16xi32>,
        %parallel_loop3A_429 = arith.addi %rem3A_295, %parallel_loop3A_324 : i32
        %parallel_loop3A_430 = arith.index_cast %parallel_loop3A_429 : i32 to index
        %parallel_loop3A_431 = arith.constant 48 : index
        %parallel_loop3A_432 = tpu.vector_load %arg9[%parallel_loop3A_430, %parallel_loop3A_431] {strides = array<i32>} : memref<400x64xi32, #tpu.memory_space<vmem>>, vector<16xi32>,
        %parallel_loop3A_433 = arith.constant 16 : i32
        %parallel_loop3A_434 = vector.broadcast %parallel_loop3A_433 : i32 to vector<16xi32>
        %parallel_loop3A_435 = arith.shli %parallel_loop3A_428, %parallel_loop3A_434 : vector<16xi32>
        %parallel_loop3A_436 = vector.bitcast %parallel_loop3A_435 : vector<16xi32> to vector<16xf32>
        %parallel_loop3A_437 = arith.andi %parallel_loop3A_428, %broadcast_in_dim3A_297 : vector<16xi32>
        %parallel_loop3A_438 = vector.bitcast %parallel_loop3A_437 : vector<16xi32> to vector<16xf32>
        %parallel_loop3A_439 = arith.constant 16 : i32
        %parallel_loop3A_440 = vector.broadcast %parallel_loop3A_439 : i32 to vector<16xi32>
        %parallel_loop3A_441 = arith.shli %parallel_loop3A_432, %parallel_loop3A_440 : vector<16xi32>
        %parallel_loop3A_442 = vector.bitcast %parallel_loop3A_441 : vector<16xi32> to vector<16xf32>
        %parallel_loop3A_443 = arith.andi %parallel_loop3A_432, %broadcast_in_dim3A_297 : vector<16xi32>
        %parallel_loop3A_444 = vector.bitcast %parallel_loop3A_443 : vector<16xi32> to vector<16xf32>
        %parallel_loop3A_445 = arith.addf %parallel_loop3A_436, %parallel_loop3A_442 : vector<16xf32>
        %parallel_loop3A_446 = arith.constant 2 : i32
        %parallel_loop3A_447 = arith.index_cast %parallel_loop3A_446 : i32 to index
        %parallel_loop3A_448 = arith.index_cast %parallel_loop3A_324 : i32 to index
        %parallel_loop3A_449 = arith.constant 48 : index
        %parallel_loop3A_450 = tpu.vector_load %arg8[%parallel_loop3A_447, %parallel_loop3A_448, %parallel_loop3A_449] {strides = array<i32>} : memref<3x128x128xf32, #tpu.memory_space<vmem>>, vector<16xf32>,
        tpu.vector_store %arg8[%parallel_loop3A_447, %parallel_loop3A_448, %parallel_loop3A_449], %parallel_loop3A_445 {strides = array<i32>} : memref<3x128x128xf32, #tpu.memory_space<vmem>>, vector<16xf32>,
        %parallel_loop3A_451 = arith.addf %parallel_loop3A_438, %parallel_loop3A_444 : vector<16xf32>
        %parallel_loop3A_452 = arith.constant 2 : i32
        %parallel_loop3A_453 = arith.index_cast %parallel_loop3A_452 : i32 to index
        %parallel_loop3A_454 = arith.index_cast %parallel_loop3A_324 : i32 to index
        %parallel_loop3A_455 = arith.constant 112 : index
        %parallel_loop3A_456 = tpu.vector_load %arg8[%parallel_loop3A_453, %parallel_loop3A_454, %parallel_loop3A_455] {strides = array<i32>} : memref<3x128x128xf32, #tpu.memory_space<vmem>>, vector<16xf32>,
        tpu.vector_store %arg8[%parallel_loop3A_453, %parallel_loop3A_454, %parallel_loop3A_455], %parallel_loop3A_451 {strides = array<i32>} : memref<3x128x128xf32, #tpu.memory_space<vmem>>, vector<16xf32>,
      } {sc.loop_unroll_factor = 4 : i64, sc.parallel_access}
      %add3A_301 = arith.constant 3 : i32
      %add3A_302 = arith.addi %add3A_275, %add3A_301 : i32
      %lt3A_303 = arith.constant 200 : i32
      %lt3A_304 = arith.cmpi slt, %add3A_302, %lt3A_303 : i32
      %convert_element_type3A_305 = arith.extui %lt3A_304 : i1 to i32
      %cond3A_306 = arith.constant 0 : i32
      %cond3A_307 = arith.cmpi ne, %convert_element_type3A_305, %cond3A_306 : i32
      scf.if %cond3A_307 {
        %add3A_324 = arith.constant 3 : i32
        %add3A_325 = arith.addi %add3A_275, %add3A_324 : i32
        %mul3A_326 = arith.constant 128 : i32
        %mul3A_327 = arith.muli %add3A_325, %mul3A_326 : i32
        %dma_start3A_328 = arith.constant 2 : i32
        %dma_start3A_329 = arith.constant 0 : i32
        %dma_start3A_330 = arith.constant 0 : i32
        %dma_start3A_331 = tpu.memref_slice %arg7[%dma_start3A_328, %dma_start3A_329, %dma_start3A_330] : memref<3x128x64xi32, #tpu.memory_space<vmem>> -> memref<1x128x64xi32, #tpu.memory_space<vmem>>
        %dma_start3A_332 = tpu.memref_squeeze %dma_start3A_331 : memref<1x128x64xi32, #tpu.memory_space<vmem>> -> memref<128x64xi32, #tpu.memory_space<vmem>>
        %dma_start3A_333 = tpu.memref_slice %arg6[%mul3A_327] : memref<25600xi32, #tpu.memory_space<vmem>> -> memref<128xi32, #tpu.memory_space<vmem>>
        %dma_start3A_334 = arith.constant 0 : i32
        %dma_start3A_335 = arith.constant 0 : i32
        %dma_start3A_336 = tpu.memref_slice %arg2[%dma_start3A_334, %dma_start3A_335] : memref<100000x64xi32, #tpu.memory_space<hbm>> -> memref<100000x64xi32, #tpu.memory_space<hbm>>
        tpu.enqueue_indirect_dma source(%dma_start3A_336 : memref<100000x64xi32, #tpu.memory_space<hbm>>) target(%dma_start3A_332 : memref<128x64xi32, #tpu.memory_space<vmem>>) offsets(%dma_start3A_333 : memref<128xi32, #tpu.memory_space<vmem>>) semaphore(%arg12 : memref<!tpu.dma_semaphore, #tpu.memory_space<semaphore_mem>>)
      } else {
      }
      %mul3A_308 = arith.constant 128 : i32
      %mul3A_309 = arith.muli %add3A_275, %mul3A_308 : i32
      %add3A_310 = arith.addi %mul3A_2, %mul3A_309 : i32
      %dma_start3A_311 = arith.constant 2 : i32
      %dma_start3A_312 = arith.constant 0 : i32
      %dma_start3A_313 = arith.constant 0 : i32
      %dma_start3A_314 = tpu.memref_slice %arg8[%dma_start3A_311, %dma_start3A_312, %dma_start3A_313] : memref<3x128x128xf32, #tpu.memory_space<vmem>> -> memref<1x128x128xf32, #tpu.memory_space<vmem>>
      %dma_start3A_315 = tpu.memref_squeeze %dma_start3A_314 : memref<1x128x128xf32, #tpu.memory_space<vmem>> -> memref<128x128xf32, #tpu.memory_space<vmem>>
      %dma_start3A_316 = arith.constant 0 : i32
      %dma_start3A_317 = tpu.memref_slice %arg5[%add3A_310, %dma_start3A_316] : memref<819200x128xf32, #tpu.memory_space<hbm>> -> memref<128x128xf32, #tpu.memory_space<hbm>>
      %dma_start3A_318 = arith.constant 0 : i32
      %dma_start3A_319 = tpu.memref_slice %arg5[%add3A_310, %dma_start3A_318] : memref<819200x128xf32, #tpu.memory_space<hbm>> -> memref<128x128xf32, #tpu.memory_space<hbm>>
      %dma_start3A_320 = arith.constant 0 : i32
      %dma_start3A_321 = arith.constant 0 : i32
      %dma_start3A_322 = tpu.memref_slice %arg8[%dma_start3A_311, %dma_start3A_320, %dma_start3A_321] : memref<3x128x128xf32, #tpu.memory_space<vmem>> -> memref<1x128x128xf32, #tpu.memory_space<vmem>>
      %dma_start3A_323 = tpu.memref_squeeze %dma_start3A_322 : memref<1x128x128xf32, #tpu.memory_space<vmem>> -> memref<128x128xf32, #tpu.memory_space<vmem>>
      tpu.enqueue_dma source(%dma_start3A_323 : memref<128x128xf32, #tpu.memory_space<vmem>>) target(%dma_start3A_319 : memref<128x128xf32, #tpu.memory_space<hbm>>) target_semaphore(%arg15 : memref<!tpu.dma_semaphore, #tpu.memory_space<semaphore_mem>>)
    }
    %scan3A_35 = arith.constant 66 : i32
    %add3A_36 = arith.constant 24960 : i32
    %add3A_37 = arith.addi %mul3A_2, %add3A_36 : i32
    %dma_wait3A = arith.constant 0 : i32
    %dma_wait3A_38 = arith.constant 0 : i32
    %dma_wait3A_39 = arith.constant 0 : i32
    %dma_wait3A_40 = tpu.memref_slice %arg8[%dma_wait3A, %dma_wait3A_38, %dma_wait3A_39] : memref<3x128x128xf32, #tpu.memory_space<vmem>> -> memref<1x128x128xf32, #tpu.memory_space<vmem>>
    %dma_wait3A_41 = tpu.memref_squeeze %dma_wait3A_40 : memref<1x128x128xf32, #tpu.memory_space<vmem>> -> memref<128x128xf32, #tpu.memory_space<vmem>>
    %dma_wait3A_42 = arith.constant 0 : i32
    %dma_wait3A_43 = tpu.memref_slice %arg5[%add3A_37, %dma_wait3A_42] : memref<819200x128xf32, #tpu.memory_space<hbm>> -> memref<128x128xf32, #tpu.memory_space<hbm>>
    %dma_wait3A_44 = arith.constant 0 : i32
    %dma_wait3A_45 = tpu.memref_slice %arg5[%add3A_37, %dma_wait3A_44] : memref<819200x128xf32, #tpu.memory_space<hbm>> -> memref<128x128xf32, #tpu.memory_space<hbm>>
    %dma_wait3A_46 = arith.constant 0 : i32
    %dma_wait3A_47 = arith.constant 0 : i32
    %dma_wait3A_48 = tpu.memref_slice %arg8[%dma_wait3A, %dma_wait3A_46, %dma_wait3A_47] : memref<3x128x128xf32, #tpu.memory_space<vmem>> -> memref<1x128x128xf32, #tpu.memory_space<vmem>>
    %dma_wait3A_49 = tpu.memref_squeeze %dma_wait3A_48 : memref<1x128x128xf32, #tpu.memory_space<vmem>> -> memref<128x128xf32, #tpu.memory_space<vmem>>
    tpu.wait_dma2 semaphore(%arg13 : memref<!tpu.dma_semaphore, #tpu.memory_space<semaphore_mem>>) src(%dma_wait3A_49 : memref<128x128xf32, #tpu.memory_space<vmem>>) dst(%dma_wait3A_45 : memref<128x128xf32, #tpu.memory_space<hbm>>)
    %dma_wait3A_50 = arith.constant 0 : i32
    %dma_wait3A_51 = arith.constant 0 : i32
    %dma_wait3A_52 = arith.constant 0 : i32
    %dma_wait3A_53 = tpu.memref_slice %arg7[%dma_wait3A_50, %dma_wait3A_51, %dma_wait3A_52] : memref<3x128x64xi32, #tpu.memory_space<vmem>> -> memref<1x128x64xi32, #tpu.memory_space<vmem>>
    %dma_wait3A_54 = tpu.memref_squeeze %dma_wait3A_53 : memref<1x128x64xi32, #tpu.memory_space<vmem>> -> memref<128x64xi32, #tpu.memory_space<vmem>>
    %dma_wait3A_55 = arith.constant 25344 : i32
    %dma_wait3A_56 = tpu.memref_slice %arg6[%dma_wait3A_55] : memref<25600xi32, #tpu.memory_space<vmem>> -> memref<128xi32, #tpu.memory_space<vmem>>
    %dma_wait3A_57 = arith.constant 0 : i32
    %dma_wait3A_58 = arith.constant 0 : i32
    %dma_wait3A_59 = tpu.memref_slice %arg2[%dma_wait3A_57, %dma_wait3A_58] : memref<100000x64xi32, #tpu.memory_space<hbm>> -> memref<100000x64xi32, #tpu.memory_space<hbm>>
    tpu.wait_indirect_dma semaphore(%arg10 : memref<!tpu.dma_semaphore, #tpu.memory_space<semaphore_mem>>) src(%dma_wait3A_59 : memref<100000x64xi32, #tpu.memory_space<hbm>>) dst(%dma_wait3A_54 : memref<128x64xi32, #tpu.memory_space<vmem>>)
    %rem3A = arith.constant 25344 : i32
    %rem3A_60 = arith.constant 200 : i32
    %rem3A_61 = arith.remsi %rem3A, %rem3A_60 : i32
    %broadcast_in_dim3A = arith.constant -65536 : i32
    %broadcast_in_dim3A_62 = vector.broadcast %broadcast_in_dim3A : i32 to vector<16xi32>
    %parallel_loop3A = arith.constant 0 : i32
    %parallel_loop3A_63 = arith.constant 128 : i32
    %parallel_loop3A_64 = arith.constant 1 : i32
    scf.for %parallel_loop3A_173 = %parallel_loop3A to %parallel_loop3A_63 step %parallel_loop3A_64  : i32 {
      %parallel_loop3A_174 = arith.constant 0 : i32
      %parallel_loop3A_175 = arith.index_cast %parallel_loop3A_174 : i32 to index
      %parallel_loop3A_176 = arith.index_cast %parallel_loop3A_173 : i32 to index
      %parallel_loop3A_177 = arith.constant 0 : index
      %parallel_loop3A_178 = tpu.vector_load %arg7[%parallel_loop3A_175, %parallel_loop3A_176, %parallel_loop3A_177] {strides = array<i32>} : memref<3x128x64xi32, #tpu.memory_space<vmem>>, vector<16xi32>,
      %parallel_loop3A_179 = arith.addi %rem3A_61, %parallel_loop3A_173 : i32
      %parallel_loop3A_180 = arith.index_cast %parallel_loop3A_179 : i32 to index
      %parallel_loop3A_181 = arith.constant 0 : index
      %parallel_loop3A_182 = tpu.vector_load %arg9[%parallel_loop3A_180, %parallel_loop3A_181] {strides = array<i32>} : memref<400x64xi32, #tpu.memory_space<vmem>>, vector<16xi32>,
      %parallel_loop3A_183 = arith.constant 16 : i32
      %parallel_loop3A_184 = vector.broadcast %parallel_loop3A_183 : i32 to vector<16xi32>
      %parallel_loop3A_185 = arith.shli %parallel_loop3A_178, %parallel_loop3A_184 : vector<16xi32>
      %parallel_loop3A_186 = vector.bitcast %parallel_loop3A_185 : vector<16xi32> to vector<16xf32>
      %parallel_loop3A_187 = arith.andi %parallel_loop3A_178, %broadcast_in_dim3A_62 : vector<16xi32>
      %parallel_loop3A_188 = vector.bitcast %parallel_loop3A_187 : vector<16xi32> to vector<16xf32>
      %parallel_loop3A_189 = arith.constant 16 : i32
      %parallel_loop3A_190 = vector.broadcast %parallel_loop3A_189 : i32 to vector<16xi32>
      %parallel_loop3A_191 = arith.shli %parallel_loop3A_182, %parallel_loop3A_190 : vector<16xi32>
      %parallel_loop3A_192 = vector.bitcast %parallel_loop3A_191 : vector<16xi32> to vector<16xf32>
      %parallel_loop3A_193 = arith.andi %parallel_loop3A_182, %broadcast_in_dim3A_62 : vector<16xi32>
      %parallel_loop3A_194 = vector.bitcast %parallel_loop3A_193 : vector<16xi32> to vector<16xf32>
      %parallel_loop3A_195 = arith.addf %parallel_loop3A_186, %parallel_loop3A_192 : vector<16xf32>
      %parallel_loop3A_196 = arith.constant 0 : i32
      %parallel_loop3A_197 = arith.index_cast %parallel_loop3A_196 : i32 to index
      %parallel_loop3A_198 = arith.index_cast %parallel_loop3A_173 : i32 to index
      %parallel_loop3A_199 = arith.constant 0 : index
      %parallel_loop3A_200 = tpu.vector_load %arg8[%parallel_loop3A_197, %parallel_loop3A_198, %parallel_loop3A_199] {strides = array<i32>} : memref<3x128x128xf32, #tpu.memory_space<vmem>>, vector<16xf32>,
      tpu.vector_store %arg8[%parallel_loop3A_197, %parallel_loop3A_198, %parallel_loop3A_199], %parallel_loop3A_195 {strides = array<i32>} : memref<3x128x128xf32, #tpu.memory_space<vmem>>, vector<16xf32>,
      %parallel_loop3A_201 = arith.addf %parallel_loop3A_188, %parallel_loop3A_194 : vector<16xf32>
      %parallel_loop3A_202 = arith.constant 0 : i32
      %parallel_loop3A_203 = arith.index_cast %parallel_loop3A_202 : i32 to index
      %parallel_loop3A_204 = arith.index_cast %parallel_loop3A_173 : i32 to index
      %parallel_loop3A_205 = arith.constant 64 : index
      %parallel_loop3A_206 = tpu.vector_load %arg8[%parallel_loop3A_203, %parallel_loop3A_204, %parallel_loop3A_205] {strides = array<i32>} : memref<3x128x128xf32, #tpu.memory_space<vmem>>, vector<16xf32>,
      tpu.vector_store %arg8[%parallel_loop3A_203, %parallel_loop3A_204, %parallel_loop3A_205], %parallel_loop3A_201 {strides = array<i32>} : memref<3x128x128xf32, #tpu.memory_space<vmem>>, vector<16xf32>,
      %parallel_loop3A_207 = arith.constant 0 : i32
      %parallel_loop3A_208 = arith.index_cast %parallel_loop3A_207 : i32 to index
      %parallel_loop3A_209 = arith.index_cast %parallel_loop3A_173 : i32 to index
      %parallel_loop3A_210 = arith.constant 16 : index
      %parallel_loop3A_211 = tpu.vector_load %arg7[%parallel_loop3A_208, %parallel_loop3A_209, %parallel_loop3A_210] {strides = array<i32>} : memref<3x128x64xi32, #tpu.memory_space<vmem>>, vector<16xi32>,
      %parallel_loop3A_212 = arith.addi %rem3A_61, %parallel_loop3A_173 : i32
      %parallel_loop3A_213 = arith.index_cast %parallel_loop3A_212 : i32 to index
      %parallel_loop3A_214 = arith.constant 16 : index
      %parallel_loop3A_215 = tpu.vector_load %arg9[%parallel_loop3A_213, %parallel_loop3A_214] {strides = array<i32>} : memref<400x64xi32, #tpu.memory_space<vmem>>, vector<16xi32>,
      %parallel_loop3A_216 = arith.constant 16 : i32
      %parallel_loop3A_217 = vector.broadcast %parallel_loop3A_216 : i32 to vector<16xi32>
      %parallel_loop3A_218 = arith.shli %parallel_loop3A_211, %parallel_loop3A_217 : vector<16xi32>
      %parallel_loop3A_219 = vector.bitcast %parallel_loop3A_218 : vector<16xi32> to vector<16xf32>
      %parallel_loop3A_220 = arith.andi %parallel_loop3A_211, %broadcast_in_dim3A_62 : vector<16xi32>
      %parallel_loop3A_221 = vector.bitcast %parallel_loop3A_220 : vector<16xi32> to vector<16xf32>
      %parallel_loop3A_222 = arith.constant 16 : i32
      %parallel_loop3A_223 = vector.broadcast %parallel_loop3A_222 : i32 to vector<16xi32>
      %parallel_loop3A_224 = arith.shli %parallel_loop3A_215, %parallel_loop3A_223 : vector<16xi32>
      %parallel_loop3A_225 = vector.bitcast %parallel_loop3A_224 : vector<16xi32> to vector<16xf32>
      %parallel_loop3A_226 = arith.andi %parallel_loop3A_215, %broadcast_in_dim3A_62 : vector<16xi32>
      %parallel_loop3A_227 = vector.bitcast %parallel_loop3A_226 : vector<16xi32> to vector<16xf32>
      %parallel_loop3A_228 = arith.addf %parallel_loop3A_219, %parallel_loop3A_225 : vector<16xf32>
      %parallel_loop3A_229 = arith.constant 0 : i32
      %parallel_loop3A_230 = arith.index_cast %parallel_loop3A_229 : i32 to index
      %parallel_loop3A_231 = arith.index_cast %parallel_loop3A_173 : i32 to index
      %parallel_loop3A_232 = arith.constant 16 : index
      %parallel_loop3A_233 = tpu.vector_load %arg8[%parallel_loop3A_230, %parallel_loop3A_231, %parallel_loop3A_232] {strides = array<i32>} : memref<3x128x128xf32, #tpu.memory_space<vmem>>, vector<16xf32>,
      tpu.vector_store %arg8[%parallel_loop3A_230, %parallel_loop3A_231, %parallel_loop3A_232], %parallel_loop3A_228 {strides = array<i32>} : memref<3x128x128xf32, #tpu.memory_space<vmem>>, vector<16xf32>,
      %parallel_loop3A_234 = arith.addf %parallel_loop3A_221, %parallel_loop3A_227 : vector<16xf32>
      %parallel_loop3A_235 = arith.constant 0 : i32
      %parallel_loop3A_236 = arith.index_cast %parallel_loop3A_235 : i32 to index
      %parallel_loop3A_237 = arith.index_cast %parallel_loop3A_173 : i32 to index
      %parallel_loop3A_238 = arith.constant 80 : index
      %parallel_loop3A_239 = tpu.vector_load %arg8[%parallel_loop3A_236, %parallel_loop3A_237, %parallel_loop3A_238] {strides = array<i32>} : memref<3x128x128xf32, #tpu.memory_space<vmem>>, vector<16xf32>,
      tpu.vector_store %arg8[%parallel_loop3A_236, %parallel_loop3A_237, %parallel_loop3A_238], %parallel_loop3A_234 {strides = array<i32>} : memref<3x128x128xf32, #tpu.memory_space<vmem>>, vector<16xf32>,
      %parallel_loop3A_240 = arith.constant 0 : i32
      %parallel_loop3A_241 = arith.index_cast %parallel_loop3A_240 : i32 to index
      %parallel_loop3A_242 = arith.index_cast %parallel_loop3A_173 : i32 to index
      %parallel_loop3A_243 = arith.constant 32 : index
      %parallel_loop3A_244 = tpu.vector_load %arg7[%parallel_loop3A_241, %parallel_loop3A_242, %parallel_loop3A_243] {strides = array<i32>} : memref<3x128x64xi32, #tpu.memory_space<vmem>>, vector<16xi32>,
      %parallel_loop3A_245 = arith.addi %rem3A_61, %parallel_loop3A_173 : i32
      %parallel_loop3A_246 = arith.index_cast %parallel_loop3A_245 : i32 to index
      %parallel_loop3A_247 = arith.constant 32 : index
      %parallel_loop3A_248 = tpu.vector_load %arg9[%parallel_loop3A_246, %parallel_loop3A_247] {strides = array<i32>} : memref<400x64xi32, #tpu.memory_space<vmem>>, vector<16xi32>,
      %parallel_loop3A_249 = arith.constant 16 : i32
      %parallel_loop3A_250 = vector.broadcast %parallel_loop3A_249 : i32 to vector<16xi32>
      %parallel_loop3A_251 = arith.shli %parallel_loop3A_244, %parallel_loop3A_250 : vector<16xi32>
      %parallel_loop3A_252 = vector.bitcast %parallel_loop3A_251 : vector<16xi32> to vector<16xf32>
      %parallel_loop3A_253 = arith.andi %parallel_loop3A_244, %broadcast_in_dim3A_62 : vector<16xi32>
      %parallel_loop3A_254 = vector.bitcast %parallel_loop3A_253 : vector<16xi32> to vector<16xf32>
      %parallel_loop3A_255 = arith.constant 16 : i32
      %parallel_loop3A_256 = vector.broadcast %parallel_loop3A_255 : i32 to vector<16xi32>
      %parallel_loop3A_257 = arith.shli %parallel_loop3A_248, %parallel_loop3A_256 : vector<16xi32>
      %parallel_loop3A_258 = vector.bitcast %parallel_loop3A_257 : vector<16xi32> to vector<16xf32>
      %parallel_loop3A_259 = arith.andi %parallel_loop3A_248, %broadcast_in_dim3A_62 : vector<16xi32>
      %parallel_loop3A_260 = vector.bitcast %parallel_loop3A_259 : vector<16xi32> to vector<16xf32>
      %parallel_loop3A_261 = arith.addf %parallel_loop3A_252, %parallel_loop3A_258 : vector<16xf32>
      %parallel_loop3A_262 = arith.constant 0 : i32
      %parallel_loop3A_263 = arith.index_cast %parallel_loop3A_262 : i32 to index
      %parallel_loop3A_264 = arith.index_cast %parallel_loop3A_173 : i32 to index
      %parallel_loop3A_265 = arith.constant 32 : index
      %parallel_loop3A_266 = tpu.vector_load %arg8[%parallel_loop3A_263, %parallel_loop3A_264, %parallel_loop3A_265] {strides = array<i32>} : memref<3x128x128xf32, #tpu.memory_space<vmem>>, vector<16xf32>,
      tpu.vector_store %arg8[%parallel_loop3A_263, %parallel_loop3A_264, %parallel_loop3A_265], %parallel_loop3A_261 {strides = array<i32>} : memref<3x128x128xf32, #tpu.memory_space<vmem>>, vector<16xf32>,
      %parallel_loop3A_267 = arith.addf %parallel_loop3A_254, %parallel_loop3A_260 : vector<16xf32>
      %parallel_loop3A_268 = arith.constant 0 : i32
      %parallel_loop3A_269 = arith.index_cast %parallel_loop3A_268 : i32 to index
      %parallel_loop3A_270 = arith.index_cast %parallel_loop3A_173 : i32 to index
      %parallel_loop3A_271 = arith.constant 96 : index
      %parallel_loop3A_272 = tpu.vector_load %arg8[%parallel_loop3A_269, %parallel_loop3A_270, %parallel_loop3A_271] {strides = array<i32>} : memref<3x128x128xf32, #tpu.memory_space<vmem>>, vector<16xf32>,
      tpu.vector_store %arg8[%parallel_loop3A_269, %parallel_loop3A_270, %parallel_loop3A_271], %parallel_loop3A_267 {strides = array<i32>} : memref<3x128x128xf32, #tpu.memory_space<vmem>>, vector<16xf32>,
      %parallel_loop3A_273 = arith.constant 0 : i32
      %parallel_loop3A_274 = arith.index_cast %parallel_loop3A_273 : i32 to index
      %parallel_loop3A_275 = arith.index_cast %parallel_loop3A_173 : i32 to index
      %parallel_loop3A_276 = arith.constant 48 : index
      %parallel_loop3A_277 = tpu.vector_load %arg7[%parallel_loop3A_274, %parallel_loop3A_275, %parallel_loop3A_276] {strides = array<i32>} : memref<3x128x64xi32, #tpu.memory_space<vmem>>, vector<16xi32>,
      %parallel_loop3A_278 = arith.addi %rem3A_61, %parallel_loop3A_173 : i32
      %parallel_loop3A_279 = arith.index_cast %parallel_loop3A_278 : i32 to index
      %parallel_loop3A_280 = arith.constant 48 : index
      %parallel_loop3A_281 = tpu.vector_load %arg9[%parallel_loop3A_279, %parallel_loop3A_280] {strides = array<i32>} : memref<400x64xi32, #tpu.memory_space<vmem>>, vector<16xi32>,
      %parallel_loop3A_282 = arith.constant 16 : i32
      %parallel_loop3A_283 = vector.broadcast %parallel_loop3A_282 : i32 to vector<16xi32>
      %parallel_loop3A_284 = arith.shli %parallel_loop3A_277, %parallel_loop3A_283 : vector<16xi32>
      %parallel_loop3A_285 = vector.bitcast %parallel_loop3A_284 : vector<16xi32> to vector<16xf32>
      %parallel_loop3A_286 = arith.andi %parallel_loop3A_277, %broadcast_in_dim3A_62 : vector<16xi32>
      %parallel_loop3A_287 = vector.bitcast %parallel_loop3A_286 : vector<16xi32> to vector<16xf32>
      %parallel_loop3A_288 = arith.constant 16 : i32
      %parallel_loop3A_289 = vector.broadcast %parallel_loop3A_288 : i32 to vector<16xi32>
      %parallel_loop3A_290 = arith.shli %parallel_loop3A_281, %parallel_loop3A_289 : vector<16xi32>
      %parallel_loop3A_291 = vector.bitcast %parallel_loop3A_290 : vector<16xi32> to vector<16xf32>
      %parallel_loop3A_292 = arith.andi %parallel_loop3A_281, %broadcast_in_dim3A_62 : vector<16xi32>
      %parallel_loop3A_293 = vector.bitcast %parallel_loop3A_292 : vector<16xi32> to vector<16xf32>
      %parallel_loop3A_294 = arith.addf %parallel_loop3A_285, %parallel_loop3A_291 : vector<16xf32>
      %parallel_loop3A_295 = arith.constant 0 : i32
      %parallel_loop3A_296 = arith.index_cast %parallel_loop3A_295 : i32 to index
      %parallel_loop3A_297 = arith.index_cast %parallel_loop3A_173 : i32 to index
      %parallel_loop3A_298 = arith.constant 48 : index
      %parallel_loop3A_299 = tpu.vector_load %arg8[%parallel_loop3A_296, %parallel_loop3A_297, %parallel_loop3A_298] {strides = array<i32>} : memref<3x128x128xf32, #tpu.memory_space<vmem>>, vector<16xf32>,
      tpu.vector_store %arg8[%parallel_loop3A_296, %parallel_loop3A_297, %parallel_loop3A_298], %parallel_loop3A_294 {strides = array<i32>} : memref<3x128x128xf32, #tpu.memory_space<vmem>>, vector<16xf32>,
      %parallel_loop3A_300 = arith.addf %parallel_loop3A_287, %parallel_loop3A_293 : vector<16xf32>
      %parallel_loop3A_301 = arith.constant 0 : i32
      %parallel_loop3A_302 = arith.index_cast %parallel_loop3A_301 : i32 to index
      %parallel_loop3A_303 = arith.index_cast %parallel_loop3A_173 : i32 to index
      %parallel_loop3A_304 = arith.constant 112 : index
      %parallel_loop3A_305 = tpu.vector_load %arg8[%parallel_loop3A_302, %parallel_loop3A_303, %parallel_loop3A_304] {strides = array<i32>} : memref<3x128x128xf32, #tpu.memory_space<vmem>>, vector<16xf32>,
      tpu.vector_store %arg8[%parallel_loop3A_302, %parallel_loop3A_303, %parallel_loop3A_304], %parallel_loop3A_300 {strides = array<i32>} : memref<3x128x128xf32, #tpu.memory_space<vmem>>, vector<16xf32>,
    } {sc.loop_unroll_factor = 4 : i64, sc.parallel_access}
    %add3A_65 = arith.constant 25344 : i32
    %add3A_66 = arith.addi %mul3A_2, %add3A_65 : i32
    %dma_start3A_67 = arith.constant 0 : i32
    %dma_start3A_68 = arith.constant 0 : i32
    %dma_start3A_69 = arith.constant 0 : i32
    %dma_start3A_70 = tpu.memref_slice %arg8[%dma_start3A_67, %dma_start3A_68, %dma_start3A_69] : memref<3x128x128xf32, #tpu.memory_space<vmem>> -> memref<1x128x128xf32, #tpu.memory_space<vmem>>
    %dma_start3A_71 = tpu.memref_squeeze %dma_start3A_70 : memref<1x128x128xf32, #tpu.memory_space<vmem>> -> memref<128x128xf32, #tpu.memory_space<vmem>>
    %dma_start3A_72 = arith.constant 0 : i32
    %dma_start3A_73 = tpu.memref_slice %arg5[%add3A_66, %dma_start3A_72] : memref<819200x128xf32, #tpu.memory_space<hbm>> -> memref<128x128xf32, #tpu.memory_space<hbm>>
    %dma_start3A_74 = arith.constant 0 : i32
    %dma_start3A_75 = tpu.memref_slice %arg5[%add3A_66, %dma_start3A_74] : memref<819200x128xf32, #tpu.memory_space<hbm>> -> memref<128x128xf32, #tpu.memory_space<hbm>>
    %dma_start3A_76 = arith.constant 0 : i32
    %dma_start3A_77 = arith.constant 0 : i32
    %dma_start3A_78 = tpu.memref_slice %arg8[%dma_start3A_67, %dma_start3A_76, %dma_start3A_77] : memref<3x128x128xf32, #tpu.memory_space<vmem>> -> memref<1x128x128xf32, #tpu.memory_space<vmem>>
    %dma_start3A_79 = tpu.memref_squeeze %dma_start3A_78 : memref<1x128x128xf32, #tpu.memory_space<vmem>> -> memref<128x128xf32, #tpu.memory_space<vmem>>
    tpu.enqueue_dma source(%dma_start3A_79 : memref<128x128xf32, #tpu.memory_space<vmem>>) target(%dma_start3A_75 : memref<128x128xf32, #tpu.memory_space<hbm>>) target_semaphore(%arg13 : memref<!tpu.dma_semaphore, #tpu.memory_space<semaphore_mem>>)
    %add3A_80 = arith.constant 25088 : i32
    %add3A_81 = arith.addi %mul3A_2, %add3A_80 : i32
    %dma_wait3A_82 = arith.constant 1 : i32
    %dma_wait3A_83 = arith.constant 0 : i32
    %dma_wait3A_84 = arith.constant 0 : i32
    %dma_wait3A_85 = tpu.memref_slice %arg8[%dma_wait3A_82, %dma_wait3A_83, %dma_wait3A_84] : memref<3x128x128xf32, #tpu.memory_space<vmem>> -> memref<1x128x128xf32, #tpu.memory_space<vmem>>
    %dma_wait3A_86 = tpu.memref_squeeze %dma_wait3A_85 : memref<1x128x128xf32, #tpu.memory_space<vmem>> -> memref<128x128xf32, #tpu.memory_space<vmem>>
    %dma_wait3A_87 = arith.constant 0 : i32
    %dma_wait3A_88 = tpu.memref_slice %arg5[%add3A_81, %dma_wait3A_87] : memref<819200x128xf32, #tpu.memory_space<hbm>> -> memref<128x128xf32, #tpu.memory_space<hbm>>
    %dma_wait3A_89 = arith.constant 0 : i32
    %dma_wait3A_90 = tpu.memref_slice %arg5[%add3A_81, %dma_wait3A_89] : memref<819200x128xf32, #tpu.memory_space<hbm>> -> memref<128x128xf32, #tpu.memory_space<hbm>>
    %dma_wait3A_91 = arith.constant 0 : i32
    %dma_wait3A_92 = arith.constant 0 : i32
    %dma_wait3A_93 = tpu.memref_slice %arg8[%dma_wait3A_82, %dma_wait3A_91, %dma_wait3A_92] : memref<3x128x128xf32, #tpu.memory_space<vmem>> -> memref<1x128x128xf32, #tpu.memory_space<vmem>>
    %dma_wait3A_94 = tpu.memref_squeeze %dma_wait3A_93 : memref<1x128x128xf32, #tpu.memory_space<vmem>> -> memref<128x128xf32, #tpu.memory_space<vmem>>
    tpu.wait_dma2 semaphore(%arg14 : memref<!tpu.dma_semaphore, #tpu.memory_space<semaphore_mem>>) src(%dma_wait3A_94 : memref<128x128xf32, #tpu.memory_space<vmem>>) dst(%dma_wait3A_90 : memref<128x128xf32, #tpu.memory_space<hbm>>)
    %dma_wait3A_95 = arith.constant 1 : i32
    %dma_wait3A_96 = arith.constant 0 : i32
    %dma_wait3A_97 = arith.constant 0 : i32
    %dma_wait3A_98 = tpu.memref_slice %arg7[%dma_wait3A_95, %dma_wait3A_96, %dma_wait3A_97] : memref<3x128x64xi32, #tpu.memory_space<vmem>> -> memref<1x128x64xi32, #tpu.memory_space<vmem>>
    %dma_wait3A_99 = tpu.memref_squeeze %dma_wait3A_98 : memref<1x128x64xi32, #tpu.memory_space<vmem>> -> memref<128x64xi32, #tpu.memory_space<vmem>>
    %dma_wait3A_100 = arith.constant 25472 : i32
    %dma_wait3A_101 = tpu.memref_slice %arg6[%dma_wait3A_100] : memref<25600xi32, #tpu.memory_space<vmem>> -> memref<128xi32, #tpu.memory_space<vmem>>
    %dma_wait3A_102 = arith.constant 0 : i32
    %dma_wait3A_103 = arith.constant 0 : i32
    %dma_wait3A_104 = tpu.memref_slice %arg2[%dma_wait3A_102, %dma_wait3A_103] : memref<100000x64xi32, #tpu.memory_space<hbm>> -> memref<100000x64xi32, #tpu.memory_space<hbm>>
    tpu.wait_indirect_dma semaphore(%arg11 : memref<!tpu.dma_semaphore, #tpu.memory_space<semaphore_mem>>) src(%dma_wait3A_104 : memref<100000x64xi32, #tpu.memory_space<hbm>>) dst(%dma_wait3A_99 : memref<128x64xi32, #tpu.memory_space<vmem>>)
    %rem3A_105 = arith.constant 25472 : i32
    %rem3A_106 = arith.constant 200 : i32
    %rem3A_107 = arith.remsi %rem3A_105, %rem3A_106 : i32
    %broadcast_in_dim3A_108 = arith.constant -65536 : i32
    %broadcast_in_dim3A_109 = vector.broadcast %broadcast_in_dim3A_108 : i32 to vector<16xi32>
    %parallel_loop3A_110 = arith.constant 0 : i32
    %parallel_loop3A_111 = arith.constant 128 : i32
    %parallel_loop3A_112 = arith.constant 1 : i32
    scf.for %parallel_loop3A_173 = %parallel_loop3A_110 to %parallel_loop3A_111 step %parallel_loop3A_112  : i32 {
      %parallel_loop3A_174 = arith.constant 1 : i32
      %parallel_loop3A_175 = arith.index_cast %parallel_loop3A_174 : i32 to index
      %parallel_loop3A_176 = arith.index_cast %parallel_loop3A_173 : i32 to index
      %parallel_loop3A_177 = arith.constant 0 : index
      %parallel_loop3A_178 = tpu.vector_load %arg7[%parallel_loop3A_175, %parallel_loop3A_176, %parallel_loop3A_177] {strides = array<i32>} : memref<3x128x64xi32, #tpu.memory_space<vmem>>, vector<16xi32>,
      %parallel_loop3A_179 = arith.addi %rem3A_107, %parallel_loop3A_173 : i32
      %parallel_loop3A_180 = arith.index_cast %parallel_loop3A_179 : i32 to index
      %parallel_loop3A_181 = arith.constant 0 : index
      %parallel_loop3A_182 = tpu.vector_load %arg9[%parallel_loop3A_180, %parallel_loop3A_181] {strides = array<i32>} : memref<400x64xi32, #tpu.memory_space<vmem>>, vector<16xi32>,
      %parallel_loop3A_183 = arith.constant 16 : i32
      %parallel_loop3A_184 = vector.broadcast %parallel_loop3A_183 : i32 to vector<16xi32>
      %parallel_loop3A_185 = arith.shli %parallel_loop3A_178, %parallel_loop3A_184 : vector<16xi32>
      %parallel_loop3A_186 = vector.bitcast %parallel_loop3A_185 : vector<16xi32> to vector<16xf32>
      %parallel_loop3A_187 = arith.andi %parallel_loop3A_178, %broadcast_in_dim3A_109 : vector<16xi32>
      %parallel_loop3A_188 = vector.bitcast %parallel_loop3A_187 : vector<16xi32> to vector<16xf32>
      %parallel_loop3A_189 = arith.constant 16 : i32
      %parallel_loop3A_190 = vector.broadcast %parallel_loop3A_189 : i32 to vector<16xi32>
      %parallel_loop3A_191 = arith.shli %parallel_loop3A_182, %parallel_loop3A_190 : vector<16xi32>
      %parallel_loop3A_192 = vector.bitcast %parallel_loop3A_191 : vector<16xi32> to vector<16xf32>
      %parallel_loop3A_193 = arith.andi %parallel_loop3A_182, %broadcast_in_dim3A_109 : vector<16xi32>
      %parallel_loop3A_194 = vector.bitcast %parallel_loop3A_193 : vector<16xi32> to vector<16xf32>
      %parallel_loop3A_195 = arith.addf %parallel_loop3A_186, %parallel_loop3A_192 : vector<16xf32>
      %parallel_loop3A_196 = arith.constant 1 : i32
      %parallel_loop3A_197 = arith.index_cast %parallel_loop3A_196 : i32 to index
      %parallel_loop3A_198 = arith.index_cast %parallel_loop3A_173 : i32 to index
      %parallel_loop3A_199 = arith.constant 0 : index
      %parallel_loop3A_200 = tpu.vector_load %arg8[%parallel_loop3A_197, %parallel_loop3A_198, %parallel_loop3A_199] {strides = array<i32>} : memref<3x128x128xf32, #tpu.memory_space<vmem>>, vector<16xf32>,
      tpu.vector_store %arg8[%parallel_loop3A_197, %parallel_loop3A_198, %parallel_loop3A_199], %parallel_loop3A_195 {strides = array<i32>} : memref<3x128x128xf32, #tpu.memory_space<vmem>>, vector<16xf32>,
      %parallel_loop3A_201 = arith.addf %parallel_loop3A_188, %parallel_loop3A_194 : vector<16xf32>
      %parallel_loop3A_202 = arith.constant 1 : i32
      %parallel_loop3A_203 = arith.index_cast %parallel_loop3A_202 : i32 to index
      %parallel_loop3A_204 = arith.index_cast %parallel_loop3A_173 : i32 to index
      %parallel_loop3A_205 = arith.constant 64 : index
      %parallel_loop3A_206 = tpu.vector_load %arg8[%parallel_loop3A_203, %parallel_loop3A_204, %parallel_loop3A_205] {strides = array<i32>} : memref<3x128x128xf32, #tpu.memory_space<vmem>>, vector<16xf32>,
      tpu.vector_store %arg8[%parallel_loop3A_203, %parallel_loop3A_204, %parallel_loop3A_205], %parallel_loop3A_201 {strides = array<i32>} : memref<3x128x128xf32, #tpu.memory_space<vmem>>, vector<16xf32>,
      %parallel_loop3A_207 = arith.constant 1 : i32
      %parallel_loop3A_208 = arith.index_cast %parallel_loop3A_207 : i32 to index
      %parallel_loop3A_209 = arith.index_cast %parallel_loop3A_173 : i32 to index
      %parallel_loop3A_210 = arith.constant 16 : index
      %parallel_loop3A_211 = tpu.vector_load %arg7[%parallel_loop3A_208, %parallel_loop3A_209, %parallel_loop3A_210] {strides = array<i32>} : memref<3x128x64xi32, #tpu.memory_space<vmem>>, vector<16xi32>,
      %parallel_loop3A_212 = arith.addi %rem3A_107, %parallel_loop3A_173 : i32
      %parallel_loop3A_213 = arith.index_cast %parallel_loop3A_212 : i32 to index
      %parallel_loop3A_214 = arith.constant 16 : index
      %parallel_loop3A_215 = tpu.vector_load %arg9[%parallel_loop3A_213, %parallel_loop3A_214] {strides = array<i32>} : memref<400x64xi32, #tpu.memory_space<vmem>>, vector<16xi32>,
      %parallel_loop3A_216 = arith.constant 16 : i32
      %parallel_loop3A_217 = vector.broadcast %parallel_loop3A_216 : i32 to vector<16xi32>
      %parallel_loop3A_218 = arith.shli %parallel_loop3A_211, %parallel_loop3A_217 : vector<16xi32>
      %parallel_loop3A_219 = vector.bitcast %parallel_loop3A_218 : vector<16xi32> to vector<16xf32>
      %parallel_loop3A_220 = arith.andi %parallel_loop3A_211, %broadcast_in_dim3A_109 : vector<16xi32>
      %parallel_loop3A_221 = vector.bitcast %parallel_loop3A_220 : vector<16xi32> to vector<16xf32>
      %parallel_loop3A_222 = arith.constant 16 : i32
      %parallel_loop3A_223 = vector.broadcast %parallel_loop3A_222 : i32 to vector<16xi32>
      %parallel_loop3A_224 = arith.shli %parallel_loop3A_215, %parallel_loop3A_223 : vector<16xi32>
      %parallel_loop3A_225 = vector.bitcast %parallel_loop3A_224 : vector<16xi32> to vector<16xf32>
      %parallel_loop3A_226 = arith.andi %parallel_loop3A_215, %broadcast_in_dim3A_109 : vector<16xi32>
      %parallel_loop3A_227 = vector.bitcast %parallel_loop3A_226 : vector<16xi32> to vector<16xf32>
      %parallel_loop3A_228 = arith.addf %parallel_loop3A_219, %parallel_loop3A_225 : vector<16xf32>
      %parallel_loop3A_229 = arith.constant 1 : i32
      %parallel_loop3A_230 = arith.index_cast %parallel_loop3A_229 : i32 to index
      %parallel_loop3A_231 = arith.index_cast %parallel_loop3A_173 : i32 to index
      %parallel_loop3A_232 = arith.constant 16 : index
      %parallel_loop3A_233 = tpu.vector_load %arg8[%parallel_loop3A_230, %parallel_loop3A_231, %parallel_loop3A_232] {strides = array<i32>} : memref<3x128x128xf32, #tpu.memory_space<vmem>>, vector<16xf32>,
      tpu.vector_store %arg8[%parallel_loop3A_230, %parallel_loop3A_231, %parallel_loop3A_232], %parallel_loop3A_228 {strides = array<i32>} : memref<3x128x128xf32, #tpu.memory_space<vmem>>, vector<16xf32>,
      %parallel_loop3A_234 = arith.addf %parallel_loop3A_221, %parallel_loop3A_227 : vector<16xf32>
      %parallel_loop3A_235 = arith.constant 1 : i32
      %parallel_loop3A_236 = arith.index_cast %parallel_loop3A_235 : i32 to index
      %parallel_loop3A_237 = arith.index_cast %parallel_loop3A_173 : i32 to index
      %parallel_loop3A_238 = arith.constant 80 : index
      %parallel_loop3A_239 = tpu.vector_load %arg8[%parallel_loop3A_236, %parallel_loop3A_237, %parallel_loop3A_238] {strides = array<i32>} : memref<3x128x128xf32, #tpu.memory_space<vmem>>, vector<16xf32>,
      tpu.vector_store %arg8[%parallel_loop3A_236, %parallel_loop3A_237, %parallel_loop3A_238], %parallel_loop3A_234 {strides = array<i32>} : memref<3x128x128xf32, #tpu.memory_space<vmem>>, vector<16xf32>,
      %parallel_loop3A_240 = arith.constant 1 : i32
      %parallel_loop3A_241 = arith.index_cast %parallel_loop3A_240 : i32 to index
      %parallel_loop3A_242 = arith.index_cast %parallel_loop3A_173 : i32 to index
      %parallel_loop3A_243 = arith.constant 32 : index
      %parallel_loop3A_244 = tpu.vector_load %arg7[%parallel_loop3A_241, %parallel_loop3A_242, %parallel_loop3A_243] {strides = array<i32>} : memref<3x128x64xi32, #tpu.memory_space<vmem>>, vector<16xi32>,
      %parallel_loop3A_245 = arith.addi %rem3A_107, %parallel_loop3A_173 : i32
      %parallel_loop3A_246 = arith.index_cast %parallel_loop3A_245 : i32 to index
      %parallel_loop3A_247 = arith.constant 32 : index
      %parallel_loop3A_248 = tpu.vector_load %arg9[%parallel_loop3A_246, %parallel_loop3A_247] {strides = array<i32>} : memref<400x64xi32, #tpu.memory_space<vmem>>, vector<16xi32>,
      %parallel_loop3A_249 = arith.constant 16 : i32
      %parallel_loop3A_250 = vector.broadcast %parallel_loop3A_249 : i32 to vector<16xi32>
      %parallel_loop3A_251 = arith.shli %parallel_loop3A_244, %parallel_loop3A_250 : vector<16xi32>
      %parallel_loop3A_252 = vector.bitcast %parallel_loop3A_251 : vector<16xi32> to vector<16xf32>
      %parallel_loop3A_253 = arith.andi %parallel_loop3A_244, %broadcast_in_dim3A_109 : vector<16xi32>
      %parallel_loop3A_254 = vector.bitcast %parallel_loop3A_253 : vector<16xi32> to vector<16xf32>
      %parallel_loop3A_255 = arith.constant 16 : i32
      %parallel_loop3A_256 = vector.broadcast %parallel_loop3A_255 : i32 to vector<16xi32>
      %parallel_loop3A_257 = arith.shli %parallel_loop3A_248, %parallel_loop3A_256 : vector<16xi32>
      %parallel_loop3A_258 = vector.bitcast %parallel_loop3A_257 : vector<16xi32> to vector<16xf32>
      %parallel_loop3A_259 = arith.andi %parallel_loop3A_248, %broadcast_in_dim3A_109 : vector<16xi32>
      %parallel_loop3A_260 = vector.bitcast %parallel_loop3A_259 : vector<16xi32> to vector<16xf32>
      %parallel_loop3A_261 = arith.addf %parallel_loop3A_252, %parallel_loop3A_258 : vector<16xf32>
      %parallel_loop3A_262 = arith.constant 1 : i32
      %parallel_loop3A_263 = arith.index_cast %parallel_loop3A_262 : i32 to index
      %parallel_loop3A_264 = arith.index_cast %parallel_loop3A_173 : i32 to index
      %parallel_loop3A_265 = arith.constant 32 : index
      %parallel_loop3A_266 = tpu.vector_load %arg8[%parallel_loop3A_263, %parallel_loop3A_264, %parallel_loop3A_265] {strides = array<i32>} : memref<3x128x128xf32, #tpu.memory_space<vmem>>, vector<16xf32>,
      tpu.vector_store %arg8[%parallel_loop3A_263, %parallel_loop3A_264, %parallel_loop3A_265], %parallel_loop3A_261 {strides = array<i32>} : memref<3x128x128xf32, #tpu.memory_space<vmem>>, vector<16xf32>,
      %parallel_loop3A_267 = arith.addf %parallel_loop3A_254, %parallel_loop3A_260 : vector<16xf32>
      %parallel_loop3A_268 = arith.constant 1 : i32
      %parallel_loop3A_269 = arith.index_cast %parallel_loop3A_268 : i32 to index
      %parallel_loop3A_270 = arith.index_cast %parallel_loop3A_173 : i32 to index
      %parallel_loop3A_271 = arith.constant 96 : index
      %parallel_loop3A_272 = tpu.vector_load %arg8[%parallel_loop3A_269, %parallel_loop3A_270, %parallel_loop3A_271] {strides = array<i32>} : memref<3x128x128xf32, #tpu.memory_space<vmem>>, vector<16xf32>,
      tpu.vector_store %arg8[%parallel_loop3A_269, %parallel_loop3A_270, %parallel_loop3A_271], %parallel_loop3A_267 {strides = array<i32>} : memref<3x128x128xf32, #tpu.memory_space<vmem>>, vector<16xf32>,
      %parallel_loop3A_273 = arith.constant 1 : i32
      %parallel_loop3A_274 = arith.index_cast %parallel_loop3A_273 : i32 to index
      %parallel_loop3A_275 = arith.index_cast %parallel_loop3A_173 : i32 to index
      %parallel_loop3A_276 = arith.constant 48 : index
      %parallel_loop3A_277 = tpu.vector_load %arg7[%parallel_loop3A_274, %parallel_loop3A_275, %parallel_loop3A_276] {strides = array<i32>} : memref<3x128x64xi32, #tpu.memory_space<vmem>>, vector<16xi32>,
      %parallel_loop3A_278 = arith.addi %rem3A_107, %parallel_loop3A_173 : i32
      %parallel_loop3A_279 = arith.index_cast %parallel_loop3A_278 : i32 to index
      %parallel_loop3A_280 = arith.constant 48 : index
      %parallel_loop3A_281 = tpu.vector_load %arg9[%parallel_loop3A_279, %parallel_loop3A_280] {strides = array<i32>} : memref<400x64xi32, #tpu.memory_space<vmem>>, vector<16xi32>,
      %parallel_loop3A_282 = arith.constant 16 : i32
      %parallel_loop3A_283 = vector.broadcast %parallel_loop3A_282 : i32 to vector<16xi32>
      %parallel_loop3A_284 = arith.shli %parallel_loop3A_277, %parallel_loop3A_283 : vector<16xi32>
      %parallel_loop3A_285 = vector.bitcast %parallel_loop3A_284 : vector<16xi32> to vector<16xf32>
      %parallel_loop3A_286 = arith.andi %parallel_loop3A_277, %broadcast_in_dim3A_109 : vector<16xi32>
      %parallel_loop3A_287 = vector.bitcast %parallel_loop3A_286 : vector<16xi32> to vector<16xf32>
      %parallel_loop3A_288 = arith.constant 16 : i32
      %parallel_loop3A_289 = vector.broadcast %parallel_loop3A_288 : i32 to vector<16xi32>
      %parallel_loop3A_290 = arith.shli %parallel_loop3A_281, %parallel_loop3A_289 : vector<16xi32>
      %parallel_loop3A_291 = vector.bitcast %parallel_loop3A_290 : vector<16xi32> to vector<16xf32>
      %parallel_loop3A_292 = arith.andi %parallel_loop3A_281, %broadcast_in_dim3A_109 : vector<16xi32>
      %parallel_loop3A_293 = vector.bitcast %parallel_loop3A_292 : vector<16xi32> to vector<16xf32>
      %parallel_loop3A_294 = arith.addf %parallel_loop3A_285, %parallel_loop3A_291 : vector<16xf32>
      %parallel_loop3A_295 = arith.constant 1 : i32
      %parallel_loop3A_296 = arith.index_cast %parallel_loop3A_295 : i32 to index
      %parallel_loop3A_297 = arith.index_cast %parallel_loop3A_173 : i32 to index
      %parallel_loop3A_298 = arith.constant 48 : index
      %parallel_loop3A_299 = tpu.vector_load %arg8[%parallel_loop3A_296, %parallel_loop3A_297, %parallel_loop3A_298] {strides = array<i32>} : memref<3x128x128xf32, #tpu.memory_space<vmem>>, vector<16xf32>,
      tpu.vector_store %arg8[%parallel_loop3A_296, %parallel_loop3A_297, %parallel_loop3A_298], %parallel_loop3A_294 {strides = array<i32>} : memref<3x128x128xf32, #tpu.memory_space<vmem>>, vector<16xf32>,
      %parallel_loop3A_300 = arith.addf %parallel_loop3A_287, %parallel_loop3A_293 : vector<16xf32>
      %parallel_loop3A_301 = arith.constant 1 : i32
      %parallel_loop3A_302 = arith.index_cast %parallel_loop3A_301 : i32 to index
      %parallel_loop3A_303 = arith.index_cast %parallel_loop3A_173 : i32 to index
      %parallel_loop3A_304 = arith.constant 112 : index
      %parallel_loop3A_305 = tpu.vector_load %arg8[%parallel_loop3A_302, %parallel_loop3A_303, %parallel_loop3A_304] {strides = array<i32>} : memref<3x128x128xf32, #tpu.memory_space<vmem>>, vector<16xf32>,
      tpu.vector_store %arg8[%parallel_loop3A_302, %parallel_loop3A_303, %parallel_loop3A_304], %parallel_loop3A_300 {strides = array<i32>} : memref<3x128x128xf32, #tpu.memory_space<vmem>>, vector<16xf32>,
    } {sc.loop_unroll_factor = 4 : i64, sc.parallel_access}
    %add3A_113 = arith.constant 25472 : i32
    %add3A_114 = arith.addi %mul3A_2, %add3A_113 : i32
    %dma_start3A_115 = arith.constant 1 : i32
    %dma_start3A_116 = arith.constant 0 : i32
    %dma_start3A_117 = arith.constant 0 : i32
    %dma_start3A_118 = tpu.memref_slice %arg8[%dma_start3A_115, %dma_start3A_116, %dma_start3A_117] : memref<3x128x128xf32, #tpu.memory_space<vmem>> -> memref<1x128x128xf32, #tpu.memory_space<vmem>>
    %dma_start3A_119 = tpu.memref_squeeze %dma_start3A_118 : memref<1x128x128xf32, #tpu.memory_space<vmem>> -> memref<128x128xf32, #tpu.memory_space<vmem>>
    %dma_start3A_120 = arith.constant 0 : i32
    %dma_start3A_121 = tpu.memref_slice %arg5[%add3A_114, %dma_start3A_120] : memref<819200x128xf32, #tpu.memory_space<hbm>> -> memref<128x128xf32, #tpu.memory_space<hbm>>
    %dma_start3A_122 = arith.constant 0 : i32
    %dma_start3A_123 = tpu.memref_slice %arg5[%add3A_114, %dma_start3A_122] : memref<819200x128xf32, #tpu.memory_space<hbm>> -> memref<128x128xf32, #tpu.memory_space<hbm>>
    %dma_start3A_124 = arith.constant 0 : i32
    %dma_start3A_125 = arith.constant 0 : i32
    %dma_start3A_126 = tpu.memref_slice %arg8[%dma_start3A_115, %dma_start3A_124, %dma_start3A_125] : memref<3x128x128xf32, #tpu.memory_space<vmem>> -> memref<1x128x128xf32, #tpu.memory_space<vmem>>
    %dma_start3A_127 = tpu.memref_squeeze %dma_start3A_126 : memref<1x128x128xf32, #tpu.memory_space<vmem>> -> memref<128x128xf32, #tpu.memory_space<vmem>>
    tpu.enqueue_dma source(%dma_start3A_127 : memref<128x128xf32, #tpu.memory_space<vmem>>) target(%dma_start3A_123 : memref<128x128xf32, #tpu.memory_space<hbm>>) target_semaphore(%arg14 : memref<!tpu.dma_semaphore, #tpu.memory_space<semaphore_mem>>)
    %add3A_128 = arith.constant 25216 : i32
    %add3A_129 = arith.addi %mul3A_2, %add3A_128 : i32
    %dma_wait3A_130 = arith.constant 2 : i32
    %dma_wait3A_131 = arith.constant 0 : i32
    %dma_wait3A_132 = arith.constant 0 : i32
    %dma_wait3A_133 = tpu.memref_slice %arg8[%dma_wait3A_130, %dma_wait3A_131, %dma_wait3A_132] : memref<3x128x128xf32, #tpu.memory_space<vmem>> -> memref<1x128x128xf32, #tpu.memory_space<vmem>>
    %dma_wait3A_134 = tpu.memref_squeeze %dma_wait3A_133 : memref<1x128x128xf32, #tpu.memory_space<vmem>> -> memref<128x128xf32, #tpu.memory_space<vmem>>
    %dma_wait3A_135 = arith.constant 0 : i32
    %dma_wait3A_136 = tpu.memref_slice %arg5[%add3A_129, %dma_wait3A_135] : memref<819200x128xf32, #tpu.memory_space<hbm>> -> memref<128x128xf32, #tpu.memory_space<hbm>>
    %dma_wait3A_137 = arith.constant 0 : i32
    %dma_wait3A_138 = tpu.memref_slice %arg5[%add3A_129, %dma_wait3A_137] : memref<819200x128xf32, #tpu.memory_space<hbm>> -> memref<128x128xf32, #tpu.memory_space<hbm>>
    %dma_wait3A_139 = arith.constant 0 : i32
    %dma_wait3A_140 = arith.constant 0 : i32
    %dma_wait3A_141 = tpu.memref_slice %arg8[%dma_wait3A_130, %dma_wait3A_139, %dma_wait3A_140] : memref<3x128x128xf32, #tpu.memory_space<vmem>> -> memref<1x128x128xf32, #tpu.memory_space<vmem>>
    %dma_wait3A_142 = tpu.memref_squeeze %dma_wait3A_141 : memref<1x128x128xf32, #tpu.memory_space<vmem>> -> memref<128x128xf32, #tpu.memory_space<vmem>>
    tpu.wait_dma2 semaphore(%arg15 : memref<!tpu.dma_semaphore, #tpu.memory_space<semaphore_mem>>) src(%dma_wait3A_142 : memref<128x128xf32, #tpu.memory_space<vmem>>) dst(%dma_wait3A_138 : memref<128x128xf32, #tpu.memory_space<hbm>>)
    %add3A_143 = arith.constant 25344 : i32
    %add3A_144 = arith.addi %mul3A_2, %add3A_143 : i32
    %dma_wait3A_145 = arith.constant 0 : i32
    %dma_wait3A_146 = arith.constant 0 : i32
    %dma_wait3A_147 = arith.constant 0 : i32
    %dma_wait3A_148 = tpu.memref_slice %arg8[%dma_wait3A_145, %dma_wait3A_146, %dma_wait3A_147] : memref<3x128x128xf32, #tpu.memory_space<vmem>> -> memref<1x128x128xf32, #tpu.memory_space<vmem>>
    %dma_wait3A_149 = tpu.memref_squeeze %dma_wait3A_148 : memref<1x128x128xf32, #tpu.memory_space<vmem>> -> memref<128x128xf32, #tpu.memory_space<vmem>>
    %dma_wait3A_150 = arith.constant 0 : i32
    %dma_wait3A_151 = tpu.memref_slice %arg5[%add3A_144, %dma_wait3A_150] : memref<819200x128xf32, #tpu.memory_space<hbm>> -> memref<128x128xf32, #tpu.memory_space<hbm>>
    %dma_wait3A_152 = arith.constant 0 : i32
    %dma_wait3A_153 = tpu.memref_slice %arg5[%add3A_144, %dma_wait3A_152] : memref<819200x128xf32, #tpu.memory_space<hbm>> -> memref<128x128xf32, #tpu.memory_space<hbm>>
    %dma_wait3A_154 = arith.constant 0 : i32
    %dma_wait3A_155 = arith.constant 0 : i32
    %dma_wait3A_156 = tpu.memref_slice %arg8[%dma_wait3A_145, %dma_wait3A_154, %dma_wait3A_155] : memref<3x128x128xf32, #tpu.memory_space<vmem>> -> memref<1x128x128xf32, #tpu.memory_space<vmem>>
    %dma_wait3A_157 = tpu.memref_squeeze %dma_wait3A_156 : memref<1x128x128xf32, #tpu.memory_space<vmem>> -> memref<128x128xf32, #tpu.memory_space<vmem>>
    tpu.wait_dma2 semaphore(%arg13 : memref<!tpu.dma_semaphore, #tpu.memory_space<semaphore_mem>>) src(%dma_wait3A_157 : memref<128x128xf32, #tpu.memory_space<vmem>>) dst(%dma_wait3A_153 : memref<128x128xf32, #tpu.memory_space<hbm>>)
    %add3A_158 = arith.constant 25472 : i32
    %add3A_159 = arith.addi %mul3A_2, %add3A_158 : i32
    %dma_wait3A_160 = arith.constant 1 : i32
    %dma_wait3A_161 = arith.constant 0 : i32
    %dma_wait3A_162 = arith.constant 0 : i32
    %dma_wait3A_163 = tpu.memref_slice %arg8[%dma_wait3A_160, %dma_wait3A_161, %dma_wait3A_162] : memref<3x128x128xf32, #tpu.memory_space<vmem>> -> memref<1x128x128xf32, #tpu.memory_space<vmem>>
    %dma_wait3A_164 = tpu.memref_squeeze %dma_wait3A_163 : memref<1x128x128xf32, #tpu.memory_space<vmem>> -> memref<128x128xf32, #tpu.memory_space<vmem>>
    %dma_wait3A_165 = arith.constant 0 : i32
    %dma_wait3A_166 = tpu.memref_slice %arg5[%add3A_159, %dma_wait3A_165] : memref<819200x128xf32, #tpu.memory_space<hbm>> -> memref<128x128xf32, #tpu.memory_space<hbm>>
    %dma_wait3A_167 = arith.constant 0 : i32
    %dma_wait3A_168 = tpu.memref_slice %arg5[%add3A_159, %dma_wait3A_167] : memref<819200x128xf32, #tpu.memory_space<hbm>> -> memref<128x128xf32, #tpu.memory_space<hbm>>
    %dma_wait3A_169 = arith.constant 0 : i32
    %dma_wait3A_170 = arith.constant 0 : i32
    %dma_wait3A_171 = tpu.memref_slice %arg8[%dma_wait3A_160, %dma_wait3A_169, %dma_wait3A_170] : memref<3x128x128xf32, #tpu.memory_space<vmem>> -> memref<1x128x128xf32, #tpu.memory_space<vmem>>
    %dma_wait3A_172 = tpu.memref_squeeze %dma_wait3A_171 : memref<1x128x128xf32, #tpu.memory_space<vmem>> -> memref<128x128xf32, #tpu.memory_space<vmem>>
    tpu.wait_dma2 semaphore(%arg14 : memref<!tpu.dma_semaphore, #tpu.memory_space<semaphore_mem>>) src(%dma_wait3A_172 : memref<128x128xf32, #tpu.memory_space<vmem>>) dst(%dma_wait3A_168 : memref<128x128xf32, #tpu.memory_space<hbm>>)
    return
  }
}

#map = affine_map<(d0, d1) -> (0, 0)>
module attributes {stable_mosaic.version = 14 : i64} {
  func.func @_pack_body(%arg0: i32, %arg1: i32, %arg2: memref<100000x128xf32, #tpu.memory_space<hbm>>, %arg3: memref<100000x64xi32, #tpu.memory_space<hbm>>, %arg4: memref<2x136x128xf32, #tpu.memory_space<vmem>>, %arg5: memref<2x136x64xi32, #tpu.memory_space<vmem>>, %arg6: memref<!tpu.dma_semaphore, #tpu.memory_space<semaphore_mem>>, %arg7: memref<!tpu.dma_semaphore, #tpu.memory_space<semaphore_mem>>, %arg8: memref<!tpu.dma_semaphore, #tpu.memory_space<semaphore_mem>>, %arg9: memref<!tpu.dma_semaphore, #tpu.memory_space<semaphore_mem>>) attributes {dimension_semantics = [#tpu.dimension_semantics<core_parallel>, #tpu.dimension_semantics<subcore_parallel>], iteration_bounds = array<i64: 2, 16>, scalar_prefetch = 0 : i64, scratch_operands = 6 : i64, tpu.core_type = #tpu.core_type<sc_vector_subcore>, window_params = [{transform_indices = #map}, {transform_indices = #map}]} {
    %mul3A = arith.constant 16 : i32
    %mul3A_0 = arith.muli %arg0, %mul3A : i32
    %add3A = arith.addi %mul3A_0, %arg1 : i32
    %lt3A = arith.constant 31 : i32
    %lt3A_1 = arith.cmpi slt, %add3A, %lt3A : i32
    %mul3A_2 = arith.constant 3128 : i32
    %mul3A_3 = arith.muli %add3A, %mul3A_2 : i32
    %jit3A = arith.constant 96872 : i32
    %select_n3A = arith.select %lt3A_1, %mul3A_3, %jit3A : i32
    %add3A_4 = arith.constant 0 : i32
    %add3A_5 = arith.addi %select_n3A, %add3A_4 : i32
    %dma_start3A = arith.constant 0 : i32
    %dma_start3A_6 = arith.constant 0 : i32
    %dma_start3A_7 = arith.constant 0 : i32
    %dma_start3A_8 = tpu.memref_slice %arg4[%dma_start3A, %dma_start3A_6, %dma_start3A_7] : memref<2x136x128xf32, #tpu.memory_space<vmem>> -> memref<1x136x128xf32, #tpu.memory_space<vmem>>
    %dma_start3A_9 = tpu.memref_squeeze %dma_start3A_8 : memref<1x136x128xf32, #tpu.memory_space<vmem>> -> memref<136x128xf32, #tpu.memory_space<vmem>>
    %dma_start3A_10 = arith.constant 0 : i32
    %dma_start3A_11 = tpu.memref_slice %arg2[%add3A_5, %dma_start3A_10] : memref<100000x128xf32, #tpu.memory_space<hbm>> -> memref<136x128xf32, #tpu.memory_space<hbm>>
    %dma_start3A_12 = arith.constant 0 : i32
    %dma_start3A_13 = arith.constant 0 : i32
    %dma_start3A_14 = tpu.memref_slice %arg4[%dma_start3A, %dma_start3A_12, %dma_start3A_13] : memref<2x136x128xf32, #tpu.memory_space<vmem>> -> memref<1x136x128xf32, #tpu.memory_space<vmem>>
    %dma_start3A_15 = tpu.memref_squeeze %dma_start3A_14 : memref<1x136x128xf32, #tpu.memory_space<vmem>> -> memref<136x128xf32, #tpu.memory_space<vmem>>
    %dma_start3A_16 = arith.constant 0 : i32
    %dma_start3A_17 = tpu.memref_slice %arg2[%add3A_5, %dma_start3A_16] : memref<100000x128xf32, #tpu.memory_space<hbm>> -> memref<136x128xf32, #tpu.memory_space<hbm>>
    tpu.enqueue_dma source(%dma_start3A_17 : memref<136x128xf32, #tpu.memory_space<hbm>>) target(%dma_start3A_15 : memref<136x128xf32, #tpu.memory_space<vmem>>) target_semaphore(%arg6 : memref<!tpu.dma_semaphore, #tpu.memory_space<semaphore_mem>>)
    %scan3A = arith.constant 0 : i32
    %scan3A_18 = arith.constant 11 : i32
    %scan3A_19 = arith.addi %scan3A, %scan3A_18 : i32
    %scan3A_20 = arith.constant 1 : i32
    scf.for %scan3A_86 = %scan3A to %scan3A_19 step %scan3A_20  : i32 {
      %mul3A_87 = arith.constant 2 : i32
      %mul3A_88 = arith.muli %scan3A_86, %mul3A_87 : i32
      %add3A_89 = arith.constant 0 : i32
      %add3A_90 = arith.addi %add3A_89, %mul3A_88 : i32
      %add3A_91 = arith.constant 0 : i32
      %add3A_92 = arith.addi %add3A_90, %add3A_91 : i32
      %ge3A = arith.constant 1 : i32
      %ge3A_93 = arith.cmpi sge, %add3A_92, %ge3A : i32
      %convert_element_type3A = arith.extui %ge3A_93 : i1 to i32
      %cond3A = arith.constant 0 : i32
      %cond3A_94 = arith.cmpi ne, %convert_element_type3A, %cond3A : i32
      scf.if %cond3A_94 {
        %sub3A = arith.constant 1 : i32
        %sub3A_194 = arith.subi %add3A_92, %sub3A : i32
        %mul3A_195 = arith.constant 136 : i32
        %mul3A_196 = arith.muli %sub3A_194, %mul3A_195 : i32
        %add3A_197 = arith.addi %select_n3A, %mul3A_196 : i32
        %dma_wait3A_198 = arith.constant 1 : i32
        %dma_wait3A_199 = arith.constant 0 : i32
        %dma_wait3A_200 = arith.constant 0 : i32
        %dma_wait3A_201 = tpu.memref_slice %arg5[%dma_wait3A_198, %dma_wait3A_199, %dma_wait3A_200] : memref<2x136x64xi32, #tpu.memory_space<vmem>> -> memref<1x136x64xi32, #tpu.memory_space<vmem>>
        %dma_wait3A_202 = tpu.memref_squeeze %dma_wait3A_201 : memref<1x136x64xi32, #tpu.memory_space<vmem>> -> memref<136x64xi32, #tpu.memory_space<vmem>>
        %dma_wait3A_203 = arith.constant 0 : i32
        %dma_wait3A_204 = tpu.memref_slice %arg3[%add3A_197, %dma_wait3A_203] : memref<100000x64xi32, #tpu.memory_space<hbm>> -> memref<136x64xi32, #tpu.memory_space<hbm>>
        %dma_wait3A_205 = arith.constant 0 : i32
        %dma_wait3A_206 = tpu.memref_slice %arg3[%add3A_197, %dma_wait3A_205] : memref<100000x64xi32, #tpu.memory_space<hbm>> -> memref<136x64xi32, #tpu.memory_space<hbm>>
        %dma_wait3A_207 = arith.constant 0 : i32
        %dma_wait3A_208 = arith.constant 0 : i32
        %dma_wait3A_209 = tpu.memref_slice %arg5[%dma_wait3A_198, %dma_wait3A_207, %dma_wait3A_208] : memref<2x136x64xi32, #tpu.memory_space<vmem>> -> memref<1x136x64xi32, #tpu.memory_space<vmem>>
        %dma_wait3A_210 = tpu.memref_squeeze %dma_wait3A_209 : memref<1x136x64xi32, #tpu.memory_space<vmem>> -> memref<136x64xi32, #tpu.memory_space<vmem>>
        tpu.wait_dma2 semaphore(%arg9 : memref<!tpu.dma_semaphore, #tpu.memory_space<semaphore_mem>>) src(%dma_wait3A_210 : memref<136x64xi32, #tpu.memory_space<vmem>>) dst(%dma_wait3A_206 : memref<136x64xi32, #tpu.memory_space<hbm>>)
      } else {
      }
      %add3A_95 = arith.constant 1 : i32
      %add3A_96 = arith.addi %add3A_92, %add3A_95 : i32
      %lt3A_97 = arith.constant 23 : i32
      %lt3A_98 = arith.cmpi slt, %add3A_96, %lt3A_97 : i32
      %convert_element_type3A_99 = arith.extui %lt3A_98 : i1 to i32
      %cond3A_100 = arith.constant 0 : i32
      %cond3A_101 = arith.cmpi ne, %convert_element_type3A_99, %cond3A_100 : i32
      scf.if %cond3A_101 {
        %add3A_194 = arith.constant 1 : i32
        %add3A_195 = arith.addi %add3A_92, %add3A_194 : i32
        %mul3A_196 = arith.constant 136 : i32
        %mul3A_197 = arith.muli %add3A_195, %mul3A_196 : i32
        %add3A_198 = arith.addi %select_n3A, %mul3A_197 : i32
        %dma_start3A_199 = arith.constant 1 : i32
        %dma_start3A_200 = arith.constant 0 : i32
        %dma_start3A_201 = arith.constant 0 : i32
        %dma_start3A_202 = tpu.memref_slice %arg4[%dma_start3A_199, %dma_start3A_200, %dma_start3A_201] : memref<2x136x128xf32, #tpu.memory_space<vmem>> -> memref<1x136x128xf32, #tpu.memory_space<vmem>>
        %dma_start3A_203 = tpu.memref_squeeze %dma_start3A_202 : memref<1x136x128xf32, #tpu.memory_space<vmem>> -> memref<136x128xf32, #tpu.memory_space<vmem>>
        %dma_start3A_204 = arith.constant 0 : i32
        %dma_start3A_205 = tpu.memref_slice %arg2[%add3A_198, %dma_start3A_204] : memref<100000x128xf32, #tpu.memory_space<hbm>> -> memref<136x128xf32, #tpu.memory_space<hbm>>
        %dma_start3A_206 = arith.constant 0 : i32
        %dma_start3A_207 = arith.constant 0 : i32
        %dma_start3A_208 = tpu.memref_slice %arg4[%dma_start3A_199, %dma_start3A_206, %dma_start3A_207] : memref<2x136x128xf32, #tpu.memory_space<vmem>> -> memref<1x136x128xf32, #tpu.memory_space<vmem>>
        %dma_start3A_209 = tpu.memref_squeeze %dma_start3A_208 : memref<1x136x128xf32, #tpu.memory_space<vmem>> -> memref<136x128xf32, #tpu.memory_space<vmem>>
        %dma_start3A_210 = arith.constant 0 : i32
        %dma_start3A_211 = tpu.memref_slice %arg2[%add3A_198, %dma_start3A_210] : memref<100000x128xf32, #tpu.memory_space<hbm>> -> memref<136x128xf32, #tpu.memory_space<hbm>>
        tpu.enqueue_dma source(%dma_start3A_211 : memref<136x128xf32, #tpu.memory_space<hbm>>) target(%dma_start3A_209 : memref<136x128xf32, #tpu.memory_space<vmem>>) target_semaphore(%arg7 : memref<!tpu.dma_semaphore, #tpu.memory_space<semaphore_mem>>)
      } else {
      }
      %mul3A_102 = arith.constant 136 : i32
      %mul3A_103 = arith.muli %add3A_92, %mul3A_102 : i32
      %add3A_104 = arith.addi %select_n3A, %mul3A_103 : i32
      %dma_wait3A_105 = arith.constant 0 : i32
      %dma_wait3A_106 = arith.constant 0 : i32
      %dma_wait3A_107 = arith.constant 0 : i32
      %dma_wait3A_108 = tpu.memref_slice %arg4[%dma_wait3A_105, %dma_wait3A_106, %dma_wait3A_107] : memref<2x136x128xf32, #tpu.memory_space<vmem>> -> memref<1x136x128xf32, #tpu.memory_space<vmem>>
      %dma_wait3A_109 = tpu.memref_squeeze %dma_wait3A_108 : memref<1x136x128xf32, #tpu.memory_space<vmem>> -> memref<136x128xf32, #tpu.memory_space<vmem>>
      %dma_wait3A_110 = arith.constant 0 : i32
      %dma_wait3A_111 = tpu.memref_slice %arg2[%add3A_104, %dma_wait3A_110] : memref<100000x128xf32, #tpu.memory_space<hbm>> -> memref<136x128xf32, #tpu.memory_space<hbm>>
      %dma_wait3A_112 = arith.constant 0 : i32
      %dma_wait3A_113 = arith.constant 0 : i32
      %dma_wait3A_114 = tpu.memref_slice %arg4[%dma_wait3A_105, %dma_wait3A_112, %dma_wait3A_113] : memref<2x136x128xf32, #tpu.memory_space<vmem>> -> memref<1x136x128xf32, #tpu.memory_space<vmem>>
      %dma_wait3A_115 = tpu.memref_squeeze %dma_wait3A_114 : memref<1x136x128xf32, #tpu.memory_space<vmem>> -> memref<136x128xf32, #tpu.memory_space<vmem>>
      %dma_wait3A_116 = arith.constant 0 : i32
      %dma_wait3A_117 = tpu.memref_slice %arg2[%add3A_104, %dma_wait3A_116] : memref<100000x128xf32, #tpu.memory_space<hbm>> -> memref<136x128xf32, #tpu.memory_space<hbm>>
      tpu.wait_dma2 semaphore(%arg6 : memref<!tpu.dma_semaphore, #tpu.memory_space<semaphore_mem>>) src(%dma_wait3A_117 : memref<136x128xf32, #tpu.memory_space<hbm>>) dst(%dma_wait3A_115 : memref<136x128xf32, #tpu.memory_space<vmem>>)
      %broadcast_in_dim3A_118 = arith.constant 32768 : i32
      %broadcast_in_dim3A_119 = vector.broadcast %broadcast_in_dim3A_118 : i32 to vector<16xi32>
      %broadcast_in_dim3A_120 = arith.constant -65536 : i32
      %broadcast_in_dim3A_121 = vector.broadcast %broadcast_in_dim3A_120 : i32 to vector<16xi32>
      %parallel_loop3A_122 = arith.constant 0 : i32
      %parallel_loop3A_123 = arith.constant 136 : i32
      %parallel_loop3A_124 = arith.constant 1 : i32
      scf.for %parallel_loop3A_194 = %parallel_loop3A_122 to %parallel_loop3A_123 step %parallel_loop3A_124  : i32 {
        %parallel_loop3A_195 = arith.constant 0 : i32
        %parallel_loop3A_196 = arith.index_cast %parallel_loop3A_195 : i32 to index
        %parallel_loop3A_197 = arith.index_cast %parallel_loop3A_194 : i32 to index
        %parallel_loop3A_198 = arith.constant 0 : index
        %parallel_loop3A_199 = tpu.vector_load %arg4[%parallel_loop3A_196, %parallel_loop3A_197, %parallel_loop3A_198] {strides = array<i32>} : memref<2x136x128xf32, #tpu.memory_space<vmem>>, vector<16xf32>,
        %parallel_loop3A_200 = arith.constant 0 : i32
        %parallel_loop3A_201 = arith.index_cast %parallel_loop3A_200 : i32 to index
        %parallel_loop3A_202 = arith.index_cast %parallel_loop3A_194 : i32 to index
        %parallel_loop3A_203 = arith.constant 64 : index
        %parallel_loop3A_204 = tpu.vector_load %arg4[%parallel_loop3A_201, %parallel_loop3A_202, %parallel_loop3A_203] {strides = array<i32>} : memref<2x136x128xf32, #tpu.memory_space<vmem>>, vector<16xf32>,
        %parallel_loop3A_205 = vector.bitcast %parallel_loop3A_199 : vector<16xf32> to vector<16xi32>
        %parallel_loop3A_206 = arith.addi %parallel_loop3A_205, %broadcast_in_dim3A_119 : vector<16xi32>
        %parallel_loop3A_207 = arith.constant 16 : i32
        %parallel_loop3A_208 = vector.broadcast %parallel_loop3A_207 : i32 to vector<16xi32>
        %parallel_loop3A_209 = arith.shrui %parallel_loop3A_206, %parallel_loop3A_208 : vector<16xi32>
        %parallel_loop3A_210 = vector.bitcast %parallel_loop3A_204 : vector<16xf32> to vector<16xi32>
        %parallel_loop3A_211 = arith.addi %parallel_loop3A_210, %broadcast_in_dim3A_119 : vector<16xi32>
        %parallel_loop3A_212 = arith.andi %parallel_loop3A_211, %broadcast_in_dim3A_121 : vector<16xi32>
        %parallel_loop3A_213 = arith.ori %parallel_loop3A_209, %parallel_loop3A_212 : vector<16xi32>
        %parallel_loop3A_214 = arith.constant 0 : i32
        %parallel_loop3A_215 = arith.index_cast %parallel_loop3A_214 : i32 to index
        %parallel_loop3A_216 = arith.index_cast %parallel_loop3A_194 : i32 to index
        %parallel_loop3A_217 = arith.constant 0 : index
        %parallel_loop3A_218 = tpu.vector_load %arg5[%parallel_loop3A_215, %parallel_loop3A_216, %parallel_loop3A_217] {strides = array<i32>} : memref<2x136x64xi32, #tpu.memory_space<vmem>>, vector<16xi32>,
        tpu.vector_store %arg5[%parallel_loop3A_215, %parallel_loop3A_216, %parallel_loop3A_217], %parallel_loop3A_213 {strides = array<i32>} : memref<2x136x64xi32, #tpu.memory_space<vmem>>, vector<16xi32>,
        %parallel_loop3A_219 = arith.constant 0 : i32
        %parallel_loop3A_220 = arith.index_cast %parallel_loop3A_219 : i32 to index
        %parallel_loop3A_221 = arith.index_cast %parallel_loop3A_194 : i32 to index
        %parallel_loop3A_222 = arith.constant 16 : index
        %parallel_loop3A_223 = tpu.vector_load %arg4[%parallel_loop3A_220, %parallel_loop3A_221, %parallel_loop3A_222] {strides = array<i32>} : memref<2x136x128xf32, #tpu.memory_space<vmem>>, vector<16xf32>,
        %parallel_loop3A_224 = arith.constant 0 : i32
        %parallel_loop3A_225 = arith.index_cast %parallel_loop3A_224 : i32 to index
        %parallel_loop3A_226 = arith.index_cast %parallel_loop3A_194 : i32 to index
        %parallel_loop3A_227 = arith.constant 80 : index
        %parallel_loop3A_228 = tpu.vector_load %arg4[%parallel_loop3A_225, %parallel_loop3A_226, %parallel_loop3A_227] {strides = array<i32>} : memref<2x136x128xf32, #tpu.memory_space<vmem>>, vector<16xf32>,
        %parallel_loop3A_229 = vector.bitcast %parallel_loop3A_223 : vector<16xf32> to vector<16xi32>
        %parallel_loop3A_230 = arith.addi %parallel_loop3A_229, %broadcast_in_dim3A_119 : vector<16xi32>
        %parallel_loop3A_231 = arith.constant 16 : i32
        %parallel_loop3A_232 = vector.broadcast %parallel_loop3A_231 : i32 to vector<16xi32>
        %parallel_loop3A_233 = arith.shrui %parallel_loop3A_230, %parallel_loop3A_232 : vector<16xi32>
        %parallel_loop3A_234 = vector.bitcast %parallel_loop3A_228 : vector<16xf32> to vector<16xi32>
        %parallel_loop3A_235 = arith.addi %parallel_loop3A_234, %broadcast_in_dim3A_119 : vector<16xi32>
        %parallel_loop3A_236 = arith.andi %parallel_loop3A_235, %broadcast_in_dim3A_121 : vector<16xi32>
        %parallel_loop3A_237 = arith.ori %parallel_loop3A_233, %parallel_loop3A_236 : vector<16xi32>
        %parallel_loop3A_238 = arith.constant 0 : i32
        %parallel_loop3A_239 = arith.index_cast %parallel_loop3A_238 : i32 to index
        %parallel_loop3A_240 = arith.index_cast %parallel_loop3A_194 : i32 to index
        %parallel_loop3A_241 = arith.constant 16 : index
        %parallel_loop3A_242 = tpu.vector_load %arg5[%parallel_loop3A_239, %parallel_loop3A_240, %parallel_loop3A_241] {strides = array<i32>} : memref<2x136x64xi32, #tpu.memory_space<vmem>>, vector<16xi32>,
        tpu.vector_store %arg5[%parallel_loop3A_239, %parallel_loop3A_240, %parallel_loop3A_241], %parallel_loop3A_237 {strides = array<i32>} : memref<2x136x64xi32, #tpu.memory_space<vmem>>, vector<16xi32>,
        %parallel_loop3A_243 = arith.constant 0 : i32
        %parallel_loop3A_244 = arith.index_cast %parallel_loop3A_243 : i32 to index
        %parallel_loop3A_245 = arith.index_cast %parallel_loop3A_194 : i32 to index
        %parallel_loop3A_246 = arith.constant 32 : index
        %parallel_loop3A_247 = tpu.vector_load %arg4[%parallel_loop3A_244, %parallel_loop3A_245, %parallel_loop3A_246] {strides = array<i32>} : memref<2x136x128xf32, #tpu.memory_space<vmem>>, vector<16xf32>,
        %parallel_loop3A_248 = arith.constant 0 : i32
        %parallel_loop3A_249 = arith.index_cast %parallel_loop3A_248 : i32 to index
        %parallel_loop3A_250 = arith.index_cast %parallel_loop3A_194 : i32 to index
        %parallel_loop3A_251 = arith.constant 96 : index
        %parallel_loop3A_252 = tpu.vector_load %arg4[%parallel_loop3A_249, %parallel_loop3A_250, %parallel_loop3A_251] {strides = array<i32>} : memref<2x136x128xf32, #tpu.memory_space<vmem>>, vector<16xf32>,
        %parallel_loop3A_253 = vector.bitcast %parallel_loop3A_247 : vector<16xf32> to vector<16xi32>
        %parallel_loop3A_254 = arith.addi %parallel_loop3A_253, %broadcast_in_dim3A_119 : vector<16xi32>
        %parallel_loop3A_255 = arith.constant 16 : i32
        %parallel_loop3A_256 = vector.broadcast %parallel_loop3A_255 : i32 to vector<16xi32>
        %parallel_loop3A_257 = arith.shrui %parallel_loop3A_254, %parallel_loop3A_256 : vector<16xi32>
        %parallel_loop3A_258 = vector.bitcast %parallel_loop3A_252 : vector<16xf32> to vector<16xi32>
        %parallel_loop3A_259 = arith.addi %parallel_loop3A_258, %broadcast_in_dim3A_119 : vector<16xi32>
        %parallel_loop3A_260 = arith.andi %parallel_loop3A_259, %broadcast_in_dim3A_121 : vector<16xi32>
        %parallel_loop3A_261 = arith.ori %parallel_loop3A_257, %parallel_loop3A_260 : vector<16xi32>
        %parallel_loop3A_262 = arith.constant 0 : i32
        %parallel_loop3A_263 = arith.index_cast %parallel_loop3A_262 : i32 to index
        %parallel_loop3A_264 = arith.index_cast %parallel_loop3A_194 : i32 to index
        %parallel_loop3A_265 = arith.constant 32 : index
        %parallel_loop3A_266 = tpu.vector_load %arg5[%parallel_loop3A_263, %parallel_loop3A_264, %parallel_loop3A_265] {strides = array<i32>} : memref<2x136x64xi32, #tpu.memory_space<vmem>>, vector<16xi32>,
        tpu.vector_store %arg5[%parallel_loop3A_263, %parallel_loop3A_264, %parallel_loop3A_265], %parallel_loop3A_261 {strides = array<i32>} : memref<2x136x64xi32, #tpu.memory_space<vmem>>, vector<16xi32>,
        %parallel_loop3A_267 = arith.constant 0 : i32
        %parallel_loop3A_268 = arith.index_cast %parallel_loop3A_267 : i32 to index
        %parallel_loop3A_269 = arith.index_cast %parallel_loop3A_194 : i32 to index
        %parallel_loop3A_270 = arith.constant 48 : index
        %parallel_loop3A_271 = tpu.vector_load %arg4[%parallel_loop3A_268, %parallel_loop3A_269, %parallel_loop3A_270] {strides = array<i32>} : memref<2x136x128xf32, #tpu.memory_space<vmem>>, vector<16xf32>,
        %parallel_loop3A_272 = arith.constant 0 : i32
        %parallel_loop3A_273 = arith.index_cast %parallel_loop3A_272 : i32 to index
        %parallel_loop3A_274 = arith.index_cast %parallel_loop3A_194 : i32 to index
        %parallel_loop3A_275 = arith.constant 112 : index
        %parallel_loop3A_276 = tpu.vector_load %arg4[%parallel_loop3A_273, %parallel_loop3A_274, %parallel_loop3A_275] {strides = array<i32>} : memref<2x136x128xf32, #tpu.memory_space<vmem>>, vector<16xf32>,
        %parallel_loop3A_277 = vector.bitcast %parallel_loop3A_271 : vector<16xf32> to vector<16xi32>
        %parallel_loop3A_278 = arith.addi %parallel_loop3A_277, %broadcast_in_dim3A_119 : vector<16xi32>
        %parallel_loop3A_279 = arith.constant 16 : i32
        %parallel_loop3A_280 = vector.broadcast %parallel_loop3A_279 : i32 to vector<16xi32>
        %parallel_loop3A_281 = arith.shrui %parallel_loop3A_278, %parallel_loop3A_280 : vector<16xi32>
        %parallel_loop3A_282 = vector.bitcast %parallel_loop3A_276 : vector<16xf32> to vector<16xi32>
        %parallel_loop3A_283 = arith.addi %parallel_loop3A_282, %broadcast_in_dim3A_119 : vector<16xi32>
        %parallel_loop3A_284 = arith.andi %parallel_loop3A_283, %broadcast_in_dim3A_121 : vector<16xi32>
        %parallel_loop3A_285 = arith.ori %parallel_loop3A_281, %parallel_loop3A_284 : vector<16xi32>
        %parallel_loop3A_286 = arith.constant 0 : i32
        %parallel_loop3A_287 = arith.index_cast %parallel_loop3A_286 : i32 to index
        %parallel_loop3A_288 = arith.index_cast %parallel_loop3A_194 : i32 to index
        %parallel_loop3A_289 = arith.constant 48 : index
        %parallel_loop3A_290 = tpu.vector_load %arg5[%parallel_loop3A_287, %parallel_loop3A_288, %parallel_loop3A_289] {strides = array<i32>} : memref<2x136x64xi32, #tpu.memory_space<vmem>>, vector<16xi32>,
        tpu.vector_store %arg5[%parallel_loop3A_287, %parallel_loop3A_288, %parallel_loop3A_289], %parallel_loop3A_285 {strides = array<i32>} : memref<2x136x64xi32, #tpu.memory_space<vmem>>, vector<16xi32>,
      } {sc.loop_unroll_factor = 4 : i64, sc.parallel_access}
      %mul3A_125 = arith.constant 136 : i32
      %mul3A_126 = arith.muli %add3A_92, %mul3A_125 : i32
      %add3A_127 = arith.addi %select_n3A, %mul3A_126 : i32
      %dma_start3A_128 = arith.constant 0 : i32
      %dma_start3A_129 = arith.constant 0 : i32
      %dma_start3A_130 = arith.constant 0 : i32
      %dma_start3A_131 = tpu.memref_slice %arg5[%dma_start3A_128, %dma_start3A_129, %dma_start3A_130] : memref<2x136x64xi32, #tpu.memory_space<vmem>> -> memref<1x136x64xi32, #tpu.memory_space<vmem>>
      %dma_start3A_132 = tpu.memref_squeeze %dma_start3A_131 : memref<1x136x64xi32, #tpu.memory_space<vmem>> -> memref<136x64xi32, #tpu.memory_space<vmem>>
      %dma_start3A_133 = arith.constant 0 : i32
      %dma_start3A_134 = tpu.memref_slice %arg3[%add3A_127, %dma_start3A_133] : memref<100000x64xi32, #tpu.memory_space<hbm>> -> memref<136x64xi32, #tpu.memory_space<hbm>>
      %dma_start3A_135 = arith.constant 0 : i32
      %dma_start3A_136 = tpu.memref_slice %arg3[%add3A_127, %dma_start3A_135] : memref<100000x64xi32, #tpu.memory_space<hbm>> -> memref<136x64xi32, #tpu.memory_space<hbm>>
      %dma_start3A_137 = arith.constant 0 : i32
      %dma_start3A_138 = arith.constant 0 : i32
      %dma_start3A_139 = tpu.memref_slice %arg5[%dma_start3A_128, %dma_start3A_137, %dma_start3A_138] : memref<2x136x64xi32, #tpu.memory_space<vmem>> -> memref<1x136x64xi32, #tpu.memory_space<vmem>>
      %dma_start3A_140 = tpu.memref_squeeze %dma_start3A_139 : memref<1x136x64xi32, #tpu.memory_space<vmem>> -> memref<136x64xi32, #tpu.memory_space<vmem>>
      tpu.enqueue_dma source(%dma_start3A_140 : memref<136x64xi32, #tpu.memory_space<vmem>>) target(%dma_start3A_136 : memref<136x64xi32, #tpu.memory_space<hbm>>) target_semaphore(%arg8 : memref<!tpu.dma_semaphore, #tpu.memory_space<semaphore_mem>>)
      %add3A_141 = arith.constant 1 : i32
      %add3A_142 = arith.addi %add3A_90, %add3A_141 : i32
      %ge3A_143 = arith.constant 1 : i32
      %ge3A_144 = arith.cmpi sge, %add3A_142, %ge3A_143 : i32
      %convert_element_type3A_145 = arith.extui %ge3A_144 : i1 to i32
      %cond3A_146 = arith.constant 0 : i32
      %cond3A_147 = arith.cmpi ne, %convert_element_type3A_145, %cond3A_146 : i32
      scf.if %cond3A_147 {
        %sub3A = arith.constant 1 : i32
        %sub3A_194 = arith.subi %add3A_142, %sub3A : i32
        %mul3A_195 = arith.constant 136 : i32
        %mul3A_196 = arith.muli %sub3A_194, %mul3A_195 : i32
        %add3A_197 = arith.addi %select_n3A, %mul3A_196 : i32
        %dma_wait3A_198 = arith.constant 0 : i32
        %dma_wait3A_199 = arith.constant 0 : i32
        %dma_wait3A_200 = arith.constant 0 : i32
        %dma_wait3A_201 = tpu.memref_slice %arg5[%dma_wait3A_198, %dma_wait3A_199, %dma_wait3A_200] : memref<2x136x64xi32, #tpu.memory_space<vmem>> -> memref<1x136x64xi32, #tpu.memory_space<vmem>>
        %dma_wait3A_202 = tpu.memref_squeeze %dma_wait3A_201 : memref<1x136x64xi32, #tpu.memory_space<vmem>> -> memref<136x64xi32, #tpu.memory_space<vmem>>
        %dma_wait3A_203 = arith.constant 0 : i32
        %dma_wait3A_204 = tpu.memref_slice %arg3[%add3A_197, %dma_wait3A_203] : memref<100000x64xi32, #tpu.memory_space<hbm>> -> memref<136x64xi32, #tpu.memory_space<hbm>>
        %dma_wait3A_205 = arith.constant 0 : i32
        %dma_wait3A_206 = tpu.memref_slice %arg3[%add3A_197, %dma_wait3A_205] : memref<100000x64xi32, #tpu.memory_space<hbm>> -> memref<136x64xi32, #tpu.memory_space<hbm>>
        %dma_wait3A_207 = arith.constant 0 : i32
        %dma_wait3A_208 = arith.constant 0 : i32
        %dma_wait3A_209 = tpu.memref_slice %arg5[%dma_wait3A_198, %dma_wait3A_207, %dma_wait3A_208] : memref<2x136x64xi32, #tpu.memory_space<vmem>> -> memref<1x136x64xi32, #tpu.memory_space<vmem>>
        %dma_wait3A_210 = tpu.memref_squeeze %dma_wait3A_209 : memref<1x136x64xi32, #tpu.memory_space<vmem>> -> memref<136x64xi32, #tpu.memory_space<vmem>>
        tpu.wait_dma2 semaphore(%arg8 : memref<!tpu.dma_semaphore, #tpu.memory_space<semaphore_mem>>) src(%dma_wait3A_210 : memref<136x64xi32, #tpu.memory_space<vmem>>) dst(%dma_wait3A_206 : memref<136x64xi32, #tpu.memory_space<hbm>>)
      } else {
      }
      %add3A_148 = arith.constant 1 : i32
      %add3A_149 = arith.addi %add3A_142, %add3A_148 : i32
      %lt3A_150 = arith.constant 23 : i32
      %lt3A_151 = arith.cmpi slt, %add3A_149, %lt3A_150 : i32
      %convert_element_type3A_152 = arith.extui %lt3A_151 : i1 to i32
      %cond3A_153 = arith.constant 0 : i32
      %cond3A_154 = arith.cmpi ne, %convert_element_type3A_152, %cond3A_153 : i32
      scf.if %cond3A_154 {
        %add3A_194 = arith.constant 1 : i32
        %add3A_195 = arith.addi %add3A_142, %add3A_194 : i32
        %mul3A_196 = arith.constant 136 : i32
        %mul3A_197 = arith.muli %add3A_195, %mul3A_196 : i32
        %add3A_198 = arith.addi %select_n3A, %mul3A_197 : i32
        %dma_start3A_199 = arith.constant 0 : i32
        %dma_start3A_200 = arith.constant 0 : i32
        %dma_start3A_201 = arith.constant 0 : i32
        %dma_start3A_202 = tpu.memref_slice %arg4[%dma_start3A_199, %dma_start3A_200, %dma_start3A_201] : memref<2x136x128xf32, #tpu.memory_space<vmem>> -> memref<1x136x128xf32, #tpu.memory_space<vmem>>
        %dma_start3A_203 = tpu.memref_squeeze %dma_start3A_202 : memref<1x136x128xf32, #tpu.memory_space<vmem>> -> memref<136x128xf32, #tpu.memory_space<vmem>>
        %dma_start3A_204 = arith.constant 0 : i32
        %dma_start3A_205 = tpu.memref_slice %arg2[%add3A_198, %dma_start3A_204] : memref<100000x128xf32, #tpu.memory_space<hbm>> -> memref<136x128xf32, #tpu.memory_space<hbm>>
        %dma_start3A_206 = arith.constant 0 : i32
        %dma_start3A_207 = arith.constant 0 : i32
        %dma_start3A_208 = tpu.memref_slice %arg4[%dma_start3A_199, %dma_start3A_206, %dma_start3A_207] : memref<2x136x128xf32, #tpu.memory_space<vmem>> -> memref<1x136x128xf32, #tpu.memory_space<vmem>>
        %dma_start3A_209 = tpu.memref_squeeze %dma_start3A_208 : memref<1x136x128xf32, #tpu.memory_space<vmem>> -> memref<136x128xf32, #tpu.memory_space<vmem>>
        %dma_start3A_210 = arith.constant 0 : i32
        %dma_start3A_211 = tpu.memref_slice %arg2[%add3A_198, %dma_start3A_210] : memref<100000x128xf32, #tpu.memory_space<hbm>> -> memref<136x128xf32, #tpu.memory_space<hbm>>
        tpu.enqueue_dma source(%dma_start3A_211 : memref<136x128xf32, #tpu.memory_space<hbm>>) target(%dma_start3A_209 : memref<136x128xf32, #tpu.memory_space<vmem>>) target_semaphore(%arg6 : memref<!tpu.dma_semaphore, #tpu.memory_space<semaphore_mem>>)
      } else {
      }
      %mul3A_155 = arith.constant 136 : i32
      %mul3A_156 = arith.muli %add3A_142, %mul3A_155 : i32
      %add3A_157 = arith.addi %select_n3A, %mul3A_156 : i32
      %dma_wait3A_158 = arith.constant 1 : i32
      %dma_wait3A_159 = arith.constant 0 : i32
      %dma_wait3A_160 = arith.constant 0 : i32
      %dma_wait3A_161 = tpu.memref_slice %arg4[%dma_wait3A_158, %dma_wait3A_159, %dma_wait3A_160] : memref<2x136x128xf32, #tpu.memory_space<vmem>> -> memref<1x136x128xf32, #tpu.memory_space<vmem>>
      %dma_wait3A_162 = tpu.memref_squeeze %dma_wait3A_161 : memref<1x136x128xf32, #tpu.memory_space<vmem>> -> memref<136x128xf32, #tpu.memory_space<vmem>>
      %dma_wait3A_163 = arith.constant 0 : i32
      %dma_wait3A_164 = tpu.memref_slice %arg2[%add3A_157, %dma_wait3A_163] : memref<100000x128xf32, #tpu.memory_space<hbm>> -> memref<136x128xf32, #tpu.memory_space<hbm>>
      %dma_wait3A_165 = arith.constant 0 : i32
      %dma_wait3A_166 = arith.constant 0 : i32
      %dma_wait3A_167 = tpu.memref_slice %arg4[%dma_wait3A_158, %dma_wait3A_165, %dma_wait3A_166] : memref<2x136x128xf32, #tpu.memory_space<vmem>> -> memref<1x136x128xf32, #tpu.memory_space<vmem>>
      %dma_wait3A_168 = tpu.memref_squeeze %dma_wait3A_167 : memref<1x136x128xf32, #tpu.memory_space<vmem>> -> memref<136x128xf32, #tpu.memory_space<vmem>>
      %dma_wait3A_169 = arith.constant 0 : i32
      %dma_wait3A_170 = tpu.memref_slice %arg2[%add3A_157, %dma_wait3A_169] : memref<100000x128xf32, #tpu.memory_space<hbm>> -> memref<136x128xf32, #tpu.memory_space<hbm>>
      tpu.wait_dma2 semaphore(%arg7 : memref<!tpu.dma_semaphore, #tpu.memory_space<semaphore_mem>>) src(%dma_wait3A_170 : memref<136x128xf32, #tpu.memory_space<hbm>>) dst(%dma_wait3A_168 : memref<136x128xf32, #tpu.memory_space<vmem>>)
      %broadcast_in_dim3A_171 = arith.constant 32768 : i32
      %broadcast_in_dim3A_172 = vector.broadcast %broadcast_in_dim3A_171 : i32 to vector<16xi32>
      %broadcast_in_dim3A_173 = arith.constant -65536 : i32
      %broadcast_in_dim3A_174 = vector.broadcast %broadcast_in_dim3A_173 : i32 to vector<16xi32>
      %parallel_loop3A_175 = arith.constant 0 : i32
      %parallel_loop3A_176 = arith.constant 136 : i32
      %parallel_loop3A_177 = arith.constant 1 : i32
      scf.for %parallel_loop3A_194 = %parallel_loop3A_175 to %parallel_loop3A_176 step %parallel_loop3A_177  : i32 {
        %parallel_loop3A_195 = arith.constant 1 : i32
        %parallel_loop3A_196 = arith.index_cast %parallel_loop3A_195 : i32 to index
        %parallel_loop3A_197 = arith.index_cast %parallel_loop3A_194 : i32 to index
        %parallel_loop3A_198 = arith.constant 0 : index
        %parallel_loop3A_199 = tpu.vector_load %arg4[%parallel_loop3A_196, %parallel_loop3A_197, %parallel_loop3A_198] {strides = array<i32>} : memref<2x136x128xf32, #tpu.memory_space<vmem>>, vector<16xf32>,
        %parallel_loop3A_200 = arith.constant 1 : i32
        %parallel_loop3A_201 = arith.index_cast %parallel_loop3A_200 : i32 to index
        %parallel_loop3A_202 = arith.index_cast %parallel_loop3A_194 : i32 to index
        %parallel_loop3A_203 = arith.constant 64 : index
        %parallel_loop3A_204 = tpu.vector_load %arg4[%parallel_loop3A_201, %parallel_loop3A_202, %parallel_loop3A_203] {strides = array<i32>} : memref<2x136x128xf32, #tpu.memory_space<vmem>>, vector<16xf32>,
        %parallel_loop3A_205 = vector.bitcast %parallel_loop3A_199 : vector<16xf32> to vector<16xi32>
        %parallel_loop3A_206 = arith.addi %parallel_loop3A_205, %broadcast_in_dim3A_172 : vector<16xi32>
        %parallel_loop3A_207 = arith.constant 16 : i32
        %parallel_loop3A_208 = vector.broadcast %parallel_loop3A_207 : i32 to vector<16xi32>
        %parallel_loop3A_209 = arith.shrui %parallel_loop3A_206, %parallel_loop3A_208 : vector<16xi32>
        %parallel_loop3A_210 = vector.bitcast %parallel_loop3A_204 : vector<16xf32> to vector<16xi32>
        %parallel_loop3A_211 = arith.addi %parallel_loop3A_210, %broadcast_in_dim3A_172 : vector<16xi32>
        %parallel_loop3A_212 = arith.andi %parallel_loop3A_211, %broadcast_in_dim3A_174 : vector<16xi32>
        %parallel_loop3A_213 = arith.ori %parallel_loop3A_209, %parallel_loop3A_212 : vector<16xi32>
        %parallel_loop3A_214 = arith.constant 1 : i32
        %parallel_loop3A_215 = arith.index_cast %parallel_loop3A_214 : i32 to index
        %parallel_loop3A_216 = arith.index_cast %parallel_loop3A_194 : i32 to index
        %parallel_loop3A_217 = arith.constant 0 : index
        %parallel_loop3A_218 = tpu.vector_load %arg5[%parallel_loop3A_215, %parallel_loop3A_216, %parallel_loop3A_217] {strides = array<i32>} : memref<2x136x64xi32, #tpu.memory_space<vmem>>, vector<16xi32>,
        tpu.vector_store %arg5[%parallel_loop3A_215, %parallel_loop3A_216, %parallel_loop3A_217], %parallel_loop3A_213 {strides = array<i32>} : memref<2x136x64xi32, #tpu.memory_space<vmem>>, vector<16xi32>,
        %parallel_loop3A_219 = arith.constant 1 : i32
        %parallel_loop3A_220 = arith.index_cast %parallel_loop3A_219 : i32 to index
        %parallel_loop3A_221 = arith.index_cast %parallel_loop3A_194 : i32 to index
        %parallel_loop3A_222 = arith.constant 16 : index
        %parallel_loop3A_223 = tpu.vector_load %arg4[%parallel_loop3A_220, %parallel_loop3A_221, %parallel_loop3A_222] {strides = array<i32>} : memref<2x136x128xf32, #tpu.memory_space<vmem>>, vector<16xf32>,
        %parallel_loop3A_224 = arith.constant 1 : i32
        %parallel_loop3A_225 = arith.index_cast %parallel_loop3A_224 : i32 to index
        %parallel_loop3A_226 = arith.index_cast %parallel_loop3A_194 : i32 to index
        %parallel_loop3A_227 = arith.constant 80 : index
        %parallel_loop3A_228 = tpu.vector_load %arg4[%parallel_loop3A_225, %parallel_loop3A_226, %parallel_loop3A_227] {strides = array<i32>} : memref<2x136x128xf32, #tpu.memory_space<vmem>>, vector<16xf32>,
        %parallel_loop3A_229 = vector.bitcast %parallel_loop3A_223 : vector<16xf32> to vector<16xi32>
        %parallel_loop3A_230 = arith.addi %parallel_loop3A_229, %broadcast_in_dim3A_172 : vector<16xi32>
        %parallel_loop3A_231 = arith.constant 16 : i32
        %parallel_loop3A_232 = vector.broadcast %parallel_loop3A_231 : i32 to vector<16xi32>
        %parallel_loop3A_233 = arith.shrui %parallel_loop3A_230, %parallel_loop3A_232 : vector<16xi32>
        %parallel_loop3A_234 = vector.bitcast %parallel_loop3A_228 : vector<16xf32> to vector<16xi32>
        %parallel_loop3A_235 = arith.addi %parallel_loop3A_234, %broadcast_in_dim3A_172 : vector<16xi32>
        %parallel_loop3A_236 = arith.andi %parallel_loop3A_235, %broadcast_in_dim3A_174 : vector<16xi32>
        %parallel_loop3A_237 = arith.ori %parallel_loop3A_233, %parallel_loop3A_236 : vector<16xi32>
        %parallel_loop3A_238 = arith.constant 1 : i32
        %parallel_loop3A_239 = arith.index_cast %parallel_loop3A_238 : i32 to index
        %parallel_loop3A_240 = arith.index_cast %parallel_loop3A_194 : i32 to index
        %parallel_loop3A_241 = arith.constant 16 : index
        %parallel_loop3A_242 = tpu.vector_load %arg5[%parallel_loop3A_239, %parallel_loop3A_240, %parallel_loop3A_241] {strides = array<i32>} : memref<2x136x64xi32, #tpu.memory_space<vmem>>, vector<16xi32>,
        tpu.vector_store %arg5[%parallel_loop3A_239, %parallel_loop3A_240, %parallel_loop3A_241], %parallel_loop3A_237 {strides = array<i32>} : memref<2x136x64xi32, #tpu.memory_space<vmem>>, vector<16xi32>,
        %parallel_loop3A_243 = arith.constant 1 : i32
        %parallel_loop3A_244 = arith.index_cast %parallel_loop3A_243 : i32 to index
        %parallel_loop3A_245 = arith.index_cast %parallel_loop3A_194 : i32 to index
        %parallel_loop3A_246 = arith.constant 32 : index
        %parallel_loop3A_247 = tpu.vector_load %arg4[%parallel_loop3A_244, %parallel_loop3A_245, %parallel_loop3A_246] {strides = array<i32>} : memref<2x136x128xf32, #tpu.memory_space<vmem>>, vector<16xf32>,
        %parallel_loop3A_248 = arith.constant 1 : i32
        %parallel_loop3A_249 = arith.index_cast %parallel_loop3A_248 : i32 to index
        %parallel_loop3A_250 = arith.index_cast %parallel_loop3A_194 : i32 to index
        %parallel_loop3A_251 = arith.constant 96 : index
        %parallel_loop3A_252 = tpu.vector_load %arg4[%parallel_loop3A_249, %parallel_loop3A_250, %parallel_loop3A_251] {strides = array<i32>} : memref<2x136x128xf32, #tpu.memory_space<vmem>>, vector<16xf32>,
        %parallel_loop3A_253 = vector.bitcast %parallel_loop3A_247 : vector<16xf32> to vector<16xi32>
        %parallel_loop3A_254 = arith.addi %parallel_loop3A_253, %broadcast_in_dim3A_172 : vector<16xi32>
        %parallel_loop3A_255 = arith.constant 16 : i32
        %parallel_loop3A_256 = vector.broadcast %parallel_loop3A_255 : i32 to vector<16xi32>
        %parallel_loop3A_257 = arith.shrui %parallel_loop3A_254, %parallel_loop3A_256 : vector<16xi32>
        %parallel_loop3A_258 = vector.bitcast %parallel_loop3A_252 : vector<16xf32> to vector<16xi32>
        %parallel_loop3A_259 = arith.addi %parallel_loop3A_258, %broadcast_in_dim3A_172 : vector<16xi32>
        %parallel_loop3A_260 = arith.andi %parallel_loop3A_259, %broadcast_in_dim3A_174 : vector<16xi32>
        %parallel_loop3A_261 = arith.ori %parallel_loop3A_257, %parallel_loop3A_260 : vector<16xi32>
        %parallel_loop3A_262 = arith.constant 1 : i32
        %parallel_loop3A_263 = arith.index_cast %parallel_loop3A_262 : i32 to index
        %parallel_loop3A_264 = arith.index_cast %parallel_loop3A_194 : i32 to index
        %parallel_loop3A_265 = arith.constant 32 : index
        %parallel_loop3A_266 = tpu.vector_load %arg5[%parallel_loop3A_263, %parallel_loop3A_264, %parallel_loop3A_265] {strides = array<i32>} : memref<2x136x64xi32, #tpu.memory_space<vmem>>, vector<16xi32>,
        tpu.vector_store %arg5[%parallel_loop3A_263, %parallel_loop3A_264, %parallel_loop3A_265], %parallel_loop3A_261 {strides = array<i32>} : memref<2x136x64xi32, #tpu.memory_space<vmem>>, vector<16xi32>,
        %parallel_loop3A_267 = arith.constant 1 : i32
        %parallel_loop3A_268 = arith.index_cast %parallel_loop3A_267 : i32 to index
        %parallel_loop3A_269 = arith.index_cast %parallel_loop3A_194 : i32 to index
        %parallel_loop3A_270 = arith.constant 48 : index
        %parallel_loop3A_271 = tpu.vector_load %arg4[%parallel_loop3A_268, %parallel_loop3A_269, %parallel_loop3A_270] {strides = array<i32>} : memref<2x136x128xf32, #tpu.memory_space<vmem>>, vector<16xf32>,
        %parallel_loop3A_272 = arith.constant 1 : i32
        %parallel_loop3A_273 = arith.index_cast %parallel_loop3A_272 : i32 to index
        %parallel_loop3A_274 = arith.index_cast %parallel_loop3A_194 : i32 to index
        %parallel_loop3A_275 = arith.constant 112 : index
        %parallel_loop3A_276 = tpu.vector_load %arg4[%parallel_loop3A_273, %parallel_loop3A_274, %parallel_loop3A_275] {strides = array<i32>} : memref<2x136x128xf32, #tpu.memory_space<vmem>>, vector<16xf32>,
        %parallel_loop3A_277 = vector.bitcast %parallel_loop3A_271 : vector<16xf32> to vector<16xi32>
        %parallel_loop3A_278 = arith.addi %parallel_loop3A_277, %broadcast_in_dim3A_172 : vector<16xi32>
        %parallel_loop3A_279 = arith.constant 16 : i32
        %parallel_loop3A_280 = vector.broadcast %parallel_loop3A_279 : i32 to vector<16xi32>
        %parallel_loop3A_281 = arith.shrui %parallel_loop3A_278, %parallel_loop3A_280 : vector<16xi32>
        %parallel_loop3A_282 = vector.bitcast %parallel_loop3A_276 : vector<16xf32> to vector<16xi32>
        %parallel_loop3A_283 = arith.addi %parallel_loop3A_282, %broadcast_in_dim3A_172 : vector<16xi32>
        %parallel_loop3A_284 = arith.andi %parallel_loop3A_283, %broadcast_in_dim3A_174 : vector<16xi32>
        %parallel_loop3A_285 = arith.ori %parallel_loop3A_281, %parallel_loop3A_284 : vector<16xi32>
        %parallel_loop3A_286 = arith.constant 1 : i32
        %parallel_loop3A_287 = arith.index_cast %parallel_loop3A_286 : i32 to index
        %parallel_loop3A_288 = arith.index_cast %parallel_loop3A_194 : i32 to index
        %parallel_loop3A_289 = arith.constant 48 : index
        %parallel_loop3A_290 = tpu.vector_load %arg5[%parallel_loop3A_287, %parallel_loop3A_288, %parallel_loop3A_289] {strides = array<i32>} : memref<2x136x64xi32, #tpu.memory_space<vmem>>, vector<16xi32>,
        tpu.vector_store %arg5[%parallel_loop3A_287, %parallel_loop3A_288, %parallel_loop3A_289], %parallel_loop3A_285 {strides = array<i32>} : memref<2x136x64xi32, #tpu.memory_space<vmem>>, vector<16xi32>,
      } {sc.loop_unroll_factor = 4 : i64, sc.parallel_access}
      %mul3A_178 = arith.constant 136 : i32
      %mul3A_179 = arith.muli %add3A_142, %mul3A_178 : i32
      %add3A_180 = arith.addi %select_n3A, %mul3A_179 : i32
      %dma_start3A_181 = arith.constant 1 : i32
      %dma_start3A_182 = arith.constant 0 : i32
      %dma_start3A_183 = arith.constant 0 : i32
      %dma_start3A_184 = tpu.memref_slice %arg5[%dma_start3A_181, %dma_start3A_182, %dma_start3A_183] : memref<2x136x64xi32, #tpu.memory_space<vmem>> -> memref<1x136x64xi32, #tpu.memory_space<vmem>>
      %dma_start3A_185 = tpu.memref_squeeze %dma_start3A_184 : memref<1x136x64xi32, #tpu.memory_space<vmem>> -> memref<136x64xi32, #tpu.memory_space<vmem>>
      %dma_start3A_186 = arith.constant 0 : i32
      %dma_start3A_187 = tpu.memref_slice %arg3[%add3A_180, %dma_start3A_186] : memref<100000x64xi32, #tpu.memory_space<hbm>> -> memref<136x64xi32, #tpu.memory_space<hbm>>
      %dma_start3A_188 = arith.constant 0 : i32
      %dma_start3A_189 = tpu.memref_slice %arg3[%add3A_180, %dma_start3A_188] : memref<100000x64xi32, #tpu.memory_space<hbm>> -> memref<136x64xi32, #tpu.memory_space<hbm>>
      %dma_start3A_190 = arith.constant 0 : i32
      %dma_start3A_191 = arith.constant 0 : i32
      %dma_start3A_192 = tpu.memref_slice %arg5[%dma_start3A_181, %dma_start3A_190, %dma_start3A_191] : memref<2x136x64xi32, #tpu.memory_space<vmem>> -> memref<1x136x64xi32, #tpu.memory_space<vmem>>
      %dma_start3A_193 = tpu.memref_squeeze %dma_start3A_192 : memref<1x136x64xi32, #tpu.memory_space<vmem>> -> memref<136x64xi32, #tpu.memory_space<vmem>>
      tpu.enqueue_dma source(%dma_start3A_193 : memref<136x64xi32, #tpu.memory_space<vmem>>) target(%dma_start3A_189 : memref<136x64xi32, #tpu.memory_space<hbm>>) target_semaphore(%arg9 : memref<!tpu.dma_semaphore, #tpu.memory_space<semaphore_mem>>)
    }
    %scan3A_21 = arith.constant 11 : i32
    %add3A_22 = arith.constant 2856 : i32
    %add3A_23 = arith.addi %select_n3A, %add3A_22 : i32
    %dma_wait3A = arith.constant 1 : i32
    %dma_wait3A_24 = arith.constant 0 : i32
    %dma_wait3A_25 = arith.constant 0 : i32
    %dma_wait3A_26 = tpu.memref_slice %arg5[%dma_wait3A, %dma_wait3A_24, %dma_wait3A_25] : memref<2x136x64xi32, #tpu.memory_space<vmem>> -> memref<1x136x64xi32, #tpu.memory_space<vmem>>
    %dma_wait3A_27 = tpu.memref_squeeze %dma_wait3A_26 : memref<1x136x64xi32, #tpu.memory_space<vmem>> -> memref<136x64xi32, #tpu.memory_space<vmem>>
    %dma_wait3A_28 = arith.constant 0 : i32
    %dma_wait3A_29 = tpu.memref_slice %arg3[%add3A_23, %dma_wait3A_28] : memref<100000x64xi32, #tpu.memory_space<hbm>> -> memref<136x64xi32, #tpu.memory_space<hbm>>
    %dma_wait3A_30 = arith.constant 0 : i32
    %dma_wait3A_31 = tpu.memref_slice %arg3[%add3A_23, %dma_wait3A_30] : memref<100000x64xi32, #tpu.memory_space<hbm>> -> memref<136x64xi32, #tpu.memory_space<hbm>>
    %dma_wait3A_32 = arith.constant 0 : i32
    %dma_wait3A_33 = arith.constant 0 : i32
    %dma_wait3A_34 = tpu.memref_slice %arg5[%dma_wait3A, %dma_wait3A_32, %dma_wait3A_33] : memref<2x136x64xi32, #tpu.memory_space<vmem>> -> memref<1x136x64xi32, #tpu.memory_space<vmem>>
    %dma_wait3A_35 = tpu.memref_squeeze %dma_wait3A_34 : memref<1x136x64xi32, #tpu.memory_space<vmem>> -> memref<136x64xi32, #tpu.memory_space<vmem>>
    tpu.wait_dma2 semaphore(%arg9 : memref<!tpu.dma_semaphore, #tpu.memory_space<semaphore_mem>>) src(%dma_wait3A_35 : memref<136x64xi32, #tpu.memory_space<vmem>>) dst(%dma_wait3A_31 : memref<136x64xi32, #tpu.memory_space<hbm>>)
    %add3A_36 = arith.constant 2992 : i32
    %add3A_37 = arith.addi %select_n3A, %add3A_36 : i32
    %dma_wait3A_38 = arith.constant 0 : i32
    %dma_wait3A_39 = arith.constant 0 : i32
    %dma_wait3A_40 = arith.constant 0 : i32
    %dma_wait3A_41 = tpu.memref_slice %arg4[%dma_wait3A_38, %dma_wait3A_39, %dma_wait3A_40] : memref<2x136x128xf32, #tpu.memory_space<vmem>> -> memref<1x136x128xf32, #tpu.memory_space<vmem>>
    %dma_wait3A_42 = tpu.memref_squeeze %dma_wait3A_41 : memref<1x136x128xf32, #tpu.memory_space<vmem>> -> memref<136x128xf32, #tpu.memory_space<vmem>>
    %dma_wait3A_43 = arith.constant 0 : i32
    %dma_wait3A_44 = tpu.memref_slice %arg2[%add3A_37, %dma_wait3A_43] : memref<100000x128xf32, #tpu.memory_space<hbm>> -> memref<136x128xf32, #tpu.memory_space<hbm>>
    %dma_wait3A_45 = arith.constant 0 : i32
    %dma_wait3A_46 = arith.constant 0 : i32
    %dma_wait3A_47 = tpu.memref_slice %arg4[%dma_wait3A_38, %dma_wait3A_45, %dma_wait3A_46] : memref<2x136x128xf32, #tpu.memory_space<vmem>> -> memref<1x136x128xf32, #tpu.memory_space<vmem>>
    %dma_wait3A_48 = tpu.memref_squeeze %dma_wait3A_47 : memref<1x136x128xf32, #tpu.memory_space<vmem>> -> memref<136x128xf32, #tpu.memory_space<vmem>>
    %dma_wait3A_49 = arith.constant 0 : i32
    %dma_wait3A_50 = tpu.memref_slice %arg2[%add3A_37, %dma_wait3A_49] : memref<100000x128xf32, #tpu.memory_space<hbm>> -> memref<136x128xf32, #tpu.memory_space<hbm>>
    tpu.wait_dma2 semaphore(%arg6 : memref<!tpu.dma_semaphore, #tpu.memory_space<semaphore_mem>>) src(%dma_wait3A_50 : memref<136x128xf32, #tpu.memory_space<hbm>>) dst(%dma_wait3A_48 : memref<136x128xf32, #tpu.memory_space<vmem>>)
    %broadcast_in_dim3A = arith.constant 32768 : i32
    %broadcast_in_dim3A_51 = vector.broadcast %broadcast_in_dim3A : i32 to vector<16xi32>
    %broadcast_in_dim3A_52 = arith.constant -65536 : i32
    %broadcast_in_dim3A_53 = vector.broadcast %broadcast_in_dim3A_52 : i32 to vector<16xi32>
    %parallel_loop3A = arith.constant 0 : i32
    %parallel_loop3A_54 = arith.constant 136 : i32
    %parallel_loop3A_55 = arith.constant 1 : i32
    scf.for %parallel_loop3A_86 = %parallel_loop3A to %parallel_loop3A_54 step %parallel_loop3A_55  : i32 {
      %parallel_loop3A_87 = arith.constant 0 : i32
      %parallel_loop3A_88 = arith.index_cast %parallel_loop3A_87 : i32 to index
      %parallel_loop3A_89 = arith.index_cast %parallel_loop3A_86 : i32 to index
      %parallel_loop3A_90 = arith.constant 0 : index
      %parallel_loop3A_91 = tpu.vector_load %arg4[%parallel_loop3A_88, %parallel_loop3A_89, %parallel_loop3A_90] {strides = array<i32>} : memref<2x136x128xf32, #tpu.memory_space<vmem>>, vector<16xf32>,
      %parallel_loop3A_92 = arith.constant 0 : i32
      %parallel_loop3A_93 = arith.index_cast %parallel_loop3A_92 : i32 to index
      %parallel_loop3A_94 = arith.index_cast %parallel_loop3A_86 : i32 to index
      %parallel_loop3A_95 = arith.constant 64 : index
      %parallel_loop3A_96 = tpu.vector_load %arg4[%parallel_loop3A_93, %parallel_loop3A_94, %parallel_loop3A_95] {strides = array<i32>} : memref<2x136x128xf32, #tpu.memory_space<vmem>>, vector<16xf32>,
      %parallel_loop3A_97 = vector.bitcast %parallel_loop3A_91 : vector<16xf32> to vector<16xi32>
      %parallel_loop3A_98 = arith.addi %parallel_loop3A_97, %broadcast_in_dim3A_51 : vector<16xi32>
      %parallel_loop3A_99 = arith.constant 16 : i32
      %parallel_loop3A_100 = vector.broadcast %parallel_loop3A_99 : i32 to vector<16xi32>
      %parallel_loop3A_101 = arith.shrui %parallel_loop3A_98, %parallel_loop3A_100 : vector<16xi32>
      %parallel_loop3A_102 = vector.bitcast %parallel_loop3A_96 : vector<16xf32> to vector<16xi32>
      %parallel_loop3A_103 = arith.addi %parallel_loop3A_102, %broadcast_in_dim3A_51 : vector<16xi32>
      %parallel_loop3A_104 = arith.andi %parallel_loop3A_103, %broadcast_in_dim3A_53 : vector<16xi32>
      %parallel_loop3A_105 = arith.ori %parallel_loop3A_101, %parallel_loop3A_104 : vector<16xi32>
      %parallel_loop3A_106 = arith.constant 0 : i32
      %parallel_loop3A_107 = arith.index_cast %parallel_loop3A_106 : i32 to index
      %parallel_loop3A_108 = arith.index_cast %parallel_loop3A_86 : i32 to index
      %parallel_loop3A_109 = arith.constant 0 : index
      %parallel_loop3A_110 = tpu.vector_load %arg5[%parallel_loop3A_107, %parallel_loop3A_108, %parallel_loop3A_109] {strides = array<i32>} : memref<2x136x64xi32, #tpu.memory_space<vmem>>, vector<16xi32>,
      tpu.vector_store %arg5[%parallel_loop3A_107, %parallel_loop3A_108, %parallel_loop3A_109], %parallel_loop3A_105 {strides = array<i32>} : memref<2x136x64xi32, #tpu.memory_space<vmem>>, vector<16xi32>,
      %parallel_loop3A_111 = arith.constant 0 : i32
      %parallel_loop3A_112 = arith.index_cast %parallel_loop3A_111 : i32 to index
      %parallel_loop3A_113 = arith.index_cast %parallel_loop3A_86 : i32 to index
      %parallel_loop3A_114 = arith.constant 16 : index
      %parallel_loop3A_115 = tpu.vector_load %arg4[%parallel_loop3A_112, %parallel_loop3A_113, %parallel_loop3A_114] {strides = array<i32>} : memref<2x136x128xf32, #tpu.memory_space<vmem>>, vector<16xf32>,
      %parallel_loop3A_116 = arith.constant 0 : i32
      %parallel_loop3A_117 = arith.index_cast %parallel_loop3A_116 : i32 to index
      %parallel_loop3A_118 = arith.index_cast %parallel_loop3A_86 : i32 to index
      %parallel_loop3A_119 = arith.constant 80 : index
      %parallel_loop3A_120 = tpu.vector_load %arg4[%parallel_loop3A_117, %parallel_loop3A_118, %parallel_loop3A_119] {strides = array<i32>} : memref<2x136x128xf32, #tpu.memory_space<vmem>>, vector<16xf32>,
      %parallel_loop3A_121 = vector.bitcast %parallel_loop3A_115 : vector<16xf32> to vector<16xi32>
      %parallel_loop3A_122 = arith.addi %parallel_loop3A_121, %broadcast_in_dim3A_51 : vector<16xi32>
      %parallel_loop3A_123 = arith.constant 16 : i32
      %parallel_loop3A_124 = vector.broadcast %parallel_loop3A_123 : i32 to vector<16xi32>
      %parallel_loop3A_125 = arith.shrui %parallel_loop3A_122, %parallel_loop3A_124 : vector<16xi32>
      %parallel_loop3A_126 = vector.bitcast %parallel_loop3A_120 : vector<16xf32> to vector<16xi32>
      %parallel_loop3A_127 = arith.addi %parallel_loop3A_126, %broadcast_in_dim3A_51 : vector<16xi32>
      %parallel_loop3A_128 = arith.andi %parallel_loop3A_127, %broadcast_in_dim3A_53 : vector<16xi32>
      %parallel_loop3A_129 = arith.ori %parallel_loop3A_125, %parallel_loop3A_128 : vector<16xi32>
      %parallel_loop3A_130 = arith.constant 0 : i32
      %parallel_loop3A_131 = arith.index_cast %parallel_loop3A_130 : i32 to index
      %parallel_loop3A_132 = arith.index_cast %parallel_loop3A_86 : i32 to index
      %parallel_loop3A_133 = arith.constant 16 : index
      %parallel_loop3A_134 = tpu.vector_load %arg5[%parallel_loop3A_131, %parallel_loop3A_132, %parallel_loop3A_133] {strides = array<i32>} : memref<2x136x64xi32, #tpu.memory_space<vmem>>, vector<16xi32>,
      tpu.vector_store %arg5[%parallel_loop3A_131, %parallel_loop3A_132, %parallel_loop3A_133], %parallel_loop3A_129 {strides = array<i32>} : memref<2x136x64xi32, #tpu.memory_space<vmem>>, vector<16xi32>,
      %parallel_loop3A_135 = arith.constant 0 : i32
      %parallel_loop3A_136 = arith.index_cast %parallel_loop3A_135 : i32 to index
      %parallel_loop3A_137 = arith.index_cast %parallel_loop3A_86 : i32 to index
      %parallel_loop3A_138 = arith.constant 32 : index
      %parallel_loop3A_139 = tpu.vector_load %arg4[%parallel_loop3A_136, %parallel_loop3A_137, %parallel_loop3A_138] {strides = array<i32>} : memref<2x136x128xf32, #tpu.memory_space<vmem>>, vector<16xf32>,
      %parallel_loop3A_140 = arith.constant 0 : i32
      %parallel_loop3A_141 = arith.index_cast %parallel_loop3A_140 : i32 to index
      %parallel_loop3A_142 = arith.index_cast %parallel_loop3A_86 : i32 to index
      %parallel_loop3A_143 = arith.constant 96 : index
      %parallel_loop3A_144 = tpu.vector_load %arg4[%parallel_loop3A_141, %parallel_loop3A_142, %parallel_loop3A_143] {strides = array<i32>} : memref<2x136x128xf32, #tpu.memory_space<vmem>>, vector<16xf32>,
      %parallel_loop3A_145 = vector.bitcast %parallel_loop3A_139 : vector<16xf32> to vector<16xi32>
      %parallel_loop3A_146 = arith.addi %parallel_loop3A_145, %broadcast_in_dim3A_51 : vector<16xi32>
      %parallel_loop3A_147 = arith.constant 16 : i32
      %parallel_loop3A_148 = vector.broadcast %parallel_loop3A_147 : i32 to vector<16xi32>
      %parallel_loop3A_149 = arith.shrui %parallel_loop3A_146, %parallel_loop3A_148 : vector<16xi32>
      %parallel_loop3A_150 = vector.bitcast %parallel_loop3A_144 : vector<16xf32> to vector<16xi32>
      %parallel_loop3A_151 = arith.addi %parallel_loop3A_150, %broadcast_in_dim3A_51 : vector<16xi32>
      %parallel_loop3A_152 = arith.andi %parallel_loop3A_151, %broadcast_in_dim3A_53 : vector<16xi32>
      %parallel_loop3A_153 = arith.ori %parallel_loop3A_149, %parallel_loop3A_152 : vector<16xi32>
      %parallel_loop3A_154 = arith.constant 0 : i32
      %parallel_loop3A_155 = arith.index_cast %parallel_loop3A_154 : i32 to index
      %parallel_loop3A_156 = arith.index_cast %parallel_loop3A_86 : i32 to index
      %parallel_loop3A_157 = arith.constant 32 : index
      %parallel_loop3A_158 = tpu.vector_load %arg5[%parallel_loop3A_155, %parallel_loop3A_156, %parallel_loop3A_157] {strides = array<i32>} : memref<2x136x64xi32, #tpu.memory_space<vmem>>, vector<16xi32>,
      tpu.vector_store %arg5[%parallel_loop3A_155, %parallel_loop3A_156, %parallel_loop3A_157], %parallel_loop3A_153 {strides = array<i32>} : memref<2x136x64xi32, #tpu.memory_space<vmem>>, vector<16xi32>,
      %parallel_loop3A_159 = arith.constant 0 : i32
      %parallel_loop3A_160 = arith.index_cast %parallel_loop3A_159 : i32 to index
      %parallel_loop3A_161 = arith.index_cast %parallel_loop3A_86 : i32 to index
      %parallel_loop3A_162 = arith.constant 48 : index
      %parallel_loop3A_163 = tpu.vector_load %arg4[%parallel_loop3A_160, %parallel_loop3A_161, %parallel_loop3A_162] {strides = array<i32>} : memref<2x136x128xf32, #tpu.memory_space<vmem>>, vector<16xf32>,
      %parallel_loop3A_164 = arith.constant 0 : i32
      %parallel_loop3A_165 = arith.index_cast %parallel_loop3A_164 : i32 to index
      %parallel_loop3A_166 = arith.index_cast %parallel_loop3A_86 : i32 to index
      %parallel_loop3A_167 = arith.constant 112 : index
      %parallel_loop3A_168 = tpu.vector_load %arg4[%parallel_loop3A_165, %parallel_loop3A_166, %parallel_loop3A_167] {strides = array<i32>} : memref<2x136x128xf32, #tpu.memory_space<vmem>>, vector<16xf32>,
      %parallel_loop3A_169 = vector.bitcast %parallel_loop3A_163 : vector<16xf32> to vector<16xi32>
      %parallel_loop3A_170 = arith.addi %parallel_loop3A_169, %broadcast_in_dim3A_51 : vector<16xi32>
      %parallel_loop3A_171 = arith.constant 16 : i32
      %parallel_loop3A_172 = vector.broadcast %parallel_loop3A_171 : i32 to vector<16xi32>
      %parallel_loop3A_173 = arith.shrui %parallel_loop3A_170, %parallel_loop3A_172 : vector<16xi32>
      %parallel_loop3A_174 = vector.bitcast %parallel_loop3A_168 : vector<16xf32> to vector<16xi32>
      %parallel_loop3A_175 = arith.addi %parallel_loop3A_174, %broadcast_in_dim3A_51 : vector<16xi32>
      %parallel_loop3A_176 = arith.andi %parallel_loop3A_175, %broadcast_in_dim3A_53 : vector<16xi32>
      %parallel_loop3A_177 = arith.ori %parallel_loop3A_173, %parallel_loop3A_176 : vector<16xi32>
      %parallel_loop3A_178 = arith.constant 0 : i32
      %parallel_loop3A_179 = arith.index_cast %parallel_loop3A_178 : i32 to index
      %parallel_loop3A_180 = arith.index_cast %parallel_loop3A_86 : i32 to index
      %parallel_loop3A_181 = arith.constant 48 : index
      %parallel_loop3A_182 = tpu.vector_load %arg5[%parallel_loop3A_179, %parallel_loop3A_180, %parallel_loop3A_181] {strides = array<i32>} : memref<2x136x64xi32, #tpu.memory_space<vmem>>, vector<16xi32>,
      tpu.vector_store %arg5[%parallel_loop3A_179, %parallel_loop3A_180, %parallel_loop3A_181], %parallel_loop3A_177 {strides = array<i32>} : memref<2x136x64xi32, #tpu.memory_space<vmem>>, vector<16xi32>,
    } {sc.loop_unroll_factor = 4 : i64, sc.parallel_access}
    %add3A_56 = arith.constant 2992 : i32
    %add3A_57 = arith.addi %select_n3A, %add3A_56 : i32
    %dma_start3A_58 = arith.constant 0 : i32
    %dma_start3A_59 = arith.constant 0 : i32
    %dma_start3A_60 = arith.constant 0 : i32
    %dma_start3A_61 = tpu.memref_slice %arg5[%dma_start3A_58, %dma_start3A_59, %dma_start3A_60] : memref<2x136x64xi32, #tpu.memory_space<vmem>> -> memref<1x136x64xi32, #tpu.memory_space<vmem>>
    %dma_start3A_62 = tpu.memref_squeeze %dma_start3A_61 : memref<1x136x64xi32, #tpu.memory_space<vmem>> -> memref<136x64xi32, #tpu.memory_space<vmem>>
    %dma_start3A_63 = arith.constant 0 : i32
    %dma_start3A_64 = tpu.memref_slice %arg3[%add3A_57, %dma_start3A_63] : memref<100000x64xi32, #tpu.memory_space<hbm>> -> memref<136x64xi32, #tpu.memory_space<hbm>>
    %dma_start3A_65 = arith.constant 0 : i32
    %dma_start3A_66 = tpu.memref_slice %arg3[%add3A_57, %dma_start3A_65] : memref<100000x64xi32, #tpu.memory_space<hbm>> -> memref<136x64xi32, #tpu.memory_space<hbm>>
    %dma_start3A_67 = arith.constant 0 : i32
    %dma_start3A_68 = arith.constant 0 : i32
    %dma_start3A_69 = tpu.memref_slice %arg5[%dma_start3A_58, %dma_start3A_67, %dma_start3A_68] : memref<2x136x64xi32, #tpu.memory_space<vmem>> -> memref<1x136x64xi32, #tpu.memory_space<vmem>>
    %dma_start3A_70 = tpu.memref_squeeze %dma_start3A_69 : memref<1x136x64xi32, #tpu.memory_space<vmem>> -> memref<136x64xi32, #tpu.memory_space<vmem>>
    tpu.enqueue_dma source(%dma_start3A_70 : memref<136x64xi32, #tpu.memory_space<vmem>>) target(%dma_start3A_66 : memref<136x64xi32, #tpu.memory_space<hbm>>) target_semaphore(%arg8 : memref<!tpu.dma_semaphore, #tpu.memory_space<semaphore_mem>>)
    %add3A_71 = arith.constant 2992 : i32
    %add3A_72 = arith.addi %select_n3A, %add3A_71 : i32
    %dma_wait3A_73 = arith.constant 0 : i32
    %dma_wait3A_74 = arith.constant 0 : i32
    %dma_wait3A_75 = arith.constant 0 : i32
    %dma_wait3A_76 = tpu.memref_slice %arg5[%dma_wait3A_73, %dma_wait3A_74, %dma_wait3A_75] : memref<2x136x64xi32, #tpu.memory_space<vmem>> -> memref<1x136x64xi32, #tpu.memory_space<vmem>>
    %dma_wait3A_77 = tpu.memref_squeeze %dma_wait3A_76 : memref<1x136x64xi32, #tpu.memory_space<vmem>> -> memref<136x64xi32, #tpu.memory_space<vmem>>
    %dma_wait3A_78 = arith.constant 0 : i32
    %dma_wait3A_79 = tpu.memref_slice %arg3[%add3A_72, %dma_wait3A_78] : memref<100000x64xi32, #tpu.memory_space<hbm>> -> memref<136x64xi32, #tpu.memory_space<hbm>>
    %dma_wait3A_80 = arith.constant 0 : i32
    %dma_wait3A_81 = tpu.memref_slice %arg3[%add3A_72, %dma_wait3A_80] : memref<100000x64xi32, #tpu.memory_space<hbm>> -> memref<136x64xi32, #tpu.memory_space<hbm>>
    %dma_wait3A_82 = arith.constant 0 : i32
    %dma_wait3A_83 = arith.constant 0 : i32
    %dma_wait3A_84 = tpu.memref_slice %arg5[%dma_wait3A_73, %dma_wait3A_82, %dma_wait3A_83] : memref<2x136x64xi32, #tpu.memory_space<vmem>> -> memref<1x136x64xi32, #tpu.memory_space<vmem>>
    %dma_wait3A_85 = tpu.memref_squeeze %dma_wait3A_84 : memref<1x136x64xi32, #tpu.memory_space<vmem>> -> memref<136x64xi32, #tpu.memory_space<vmem>>
    tpu.wait_dma2 semaphore(%arg8 : memref<!tpu.dma_semaphore, #tpu.memory_space<semaphore_mem>>) src(%dma_wait3A_85 : memref<136x64xi32, #tpu.memory_space<vmem>>) dst(%dma_wait3A_81 : memref<136x64xi32, #tpu.memory_space<hbm>>)
    return
  }
}

</mosaic_0001>

<sc_bundles>
// kernel: kernel.4.cloned.1.call-start
scs
__scs_entry_jumppad:
0x0: {  	(pc) =	sbr.rel $0x88, $3  }
0x1: {  	(tag) =	ssettag $0x0;
	lr =	simm.s32 $0x1  }
0x2: {  	[smem:$0x3F9E] =	sst lr;
	_ =	strace $0xD0000000  }
0x3: {  	_ = 	snop  }
0x4: {  	_ = 	snop  }
0x5: {  	_ = 	snop  }
0x6: {  	_ = 	snop  }
0x7: {  	_ = 	snop  }
__scs_overlays_trampoline_lowered:
0x8: {  	[smem:$0x3FAD] =	sst s0  }
0x9: {  	[smem:$0x3FAE] =	sst s1  }
0xa: {  	[smem:$0x3FAF] =	sst s2  }
0xb: {  	[smem:$0x3FB0] =	sst s3  }
0xc: {  	[smem:$0x3FB1] =	sst s4  }
0xd: {  	[smem:$0x3FB2] =	sst s5  }
0xe: {  	[smem:$0x3FB3] =	sst s6  }
0xf: {  	[smem:$0x3FB4] =	sst s7  }
0x10: {  	[smem:$0x3FB5] =	sst s8  }
0x11: {  	[smem:$0x3FB6] =	sst s9;
	s0 =	simm.s32 @!p0 $0x0  }
0x12: {  	s1 =	sld [smem:$0x3F9C];
	s0 =	simm.s32 @p0 $0x1  }
0x13: {  	[smem:$0x3FB7] =	sst s0;
	s0 =	simm.s32 @!p1 $0x0  }
0x14: {  	s2 =	sld [smem:$0x3F9B];
	s0 =	simm.s32 @p1 $0x1  }
0x15: {  	[smem:$0x3FB8] =	sst s0;
	s0 =	simm.s32 @!p2 $0x0  }
0x16: {  	s3 =	sld [smem:$0x3FDB];
	s0 =	simm.s32 @p2 $0x1  }
0x17: {  	s4 =	simm.s32 $0x1BF5;
	[smem:$0x3FBA] =	sst s0  }
0x18: {  	s0 =	sld [smem:$0x3F9D];
	_ =	swait.ge [sflag:s4], $0x0  }
0x19: {  	s7 =	sld [smem:$0x3F9E]  }
0x1a: {  	s8 =	sadd.s32 $0xFFFFE003, lr  }
0x1b: {  	s9 =	sadd.s32 $0xFFFFFEF7, lr;
	s5 =	simm.s32 $0xFFFFFFFF;
	p2 =	slt.u32 s8, $0xFFFFF086  }
0x1c: {  	p1 =	slt.u32 s9, $0xF7A;
	s5 =	simm.s32 @!p2 $0x0  }
0x1d: {  	s5 =	simm.s32 @p1 $0x1;
	p0 =	seq.s32 s7, s2  }
0x1e: {  	s7 =	smul.u32 @!p0 $0xF7A, s2;
	p2 =	seq.s32 @!p0 s5, $0x0  }
0x1f: {  	s9 =	smul.u32 $0xF7A, s1;
	s8 =	simm.s32 @!p0 $0x1BF5;
	p2 =	por !p2, p0  }
0x20: {  	[sflag:s8] =	ssyncset.s32 @!p0 $0xFFFFF086;
	s6 =	sadd.s32 @!p0 s3, s7;
	s7 =	simm.s32 @!p0 $0x108  }
0x21: {  	s3 =	sadd.s32 s3, s9;
	s6 =	sadd.s32 @!p0 $0x88, s6;
	s7 =	simm.s32 @p2 $0x1082  }
0x22: {  	[simem:s7], [sflag:s8] =	dma.local @!p0 [hbm:s6], $0xF7A  }
0x23: {  	s9 =	sor.u32 $0xD0000000, s2;
	s6 =	simm.s32 $0x108;
	_ =	swait.ge @!p0 [sflag:s8], $0x0  }
0x24: {  	s3 =	sadd.s32 $0x88, s3;
	s6 =	simm.s32 @!p1 $0x1082;
	[sflag:s4] =	ssyncset.s32 $0xFFFFF086  }
0x25: {  	[simem:s6], [sflag:s4] =	dma.local [hbm:s3], $0xF7A  }
0x26: {  	[smem:$0x3F9E] =	sst s1;
	(tag) =	ssettag s2;
	_ =	strace s9  }
0x27: {  	s1 =	sld [smem:$0x3FAE]  }
0x28: {  	s2 =	sld [smem:$0x3FAF]  }
0x29: {  	s4 =	sld [smem:$0x3FB1]  }
0x2a: {  	p0 =	seq.s32 s5, $0x0;
	s5 =	sld [smem:$0x3FB2]  }
0x2b: {  	s6 =	sld [smem:$0x3FB3]  }
0x2c: {  	s7 =	sld [smem:$0x3FB4]  }
0x2d: {  	s3 =	simm.s32 $0x108;
	s8 =	sld [smem:$0x3FB5]  }
0x2e: {  	s3 =	simm.s32 @!p0 $0x1082;
	s9 =	sld [smem:$0x3FB6]  }
0x2f: {  	lr =	sadd.s32 s0, s3;
	s0 =	sld [smem:$0x3FAD]  }
0x30: {  	s3 =	sld [smem:$0x3FB0]  }
0x31: {  	[smem:$0x3FB9] =	sst s10  }
0x32: {  	s10 =	sld [smem:$0x3FB7];
	_ =	sdelay $0x3  }
0x33: {  	p0 =	seq.s32 s10, $0x1;
	s10 =	sld [smem:$0x3FB9];
	_ =	sdelay $0x3  }
0x34: {  	[smem:$0x3FB9] =	sst s10  }
0x35: {  	s10 =	sld [smem:$0x3FB8];
	_ =	sdelay $0x3  }
0x36: {  	p1 =	seq.s32 s10, $0x1;
	s10 =	sld [smem:$0x3FB9];
	_ =	sdelay $0x3  }
0x37: {  	[smem:$0x3FB9] =	sst s10  }
0x38: {  	s10 =	sld [smem:$0x3FBA]  }
0x39: {  	_ = 	snop;
	(pc) =	sbr.ind lr, $3  }
0x3a: {  	_ = 	snop  }
0x3b: {  	_ = 	snop  }
0x3c: {  	p2 =	seq.s32 s10, $0x1;
	s10 =	sld [smem:$0x3FB9]  }
0x3d: {  	_ =	shalt  }
0x3e: {  	_ =	shalt  }
0x3f: {  	_ =	shalt  }
0x40: {  	_ =	shalt  }
0x41: {  	_ =	shalt  }
0x42: {  	_ =	shalt  }
0x43: {  	_ =	shalt  }
0x44: {  	_ =	shalt  }
0x45: {  	_ =	shalt  }
0x46: {  	_ =	shalt  }
0x47: {  	_ =	shalt  }
0x48: {  	_ =	shalt  }
0x49: {  	_ =	shalt  }
0x4a: {  	_ =	shalt  }
0x4b: {  	_ =	shalt  }
0x4c: {  	_ =	shalt  }
0x4d: {  	_ =	shalt  }
0x4e: {  	_ =	shalt  }
0x4f: {  	_ =	shalt  }
0x50: {  	_ =	shalt  }
0x51: {  	_ =	shalt  }
0x52: {  	_ =	shalt  }
0x53: {  	_ =	shalt  }
0x54: {  	_ =	shalt  }
0x55: {  	_ =	shalt  }
0x56: {  	_ =	shalt  }
0x57: {  	_ =	shalt  }
0x58: {  	_ =	shalt  }
0x59: {  	_ =	shalt  }
0x5a: {  	_ =	shalt  }
0x5b: {  	_ =	shalt  }
0x5c: {  	_ =	shalt  }
0x5d: {  	_ =	shalt  }
0x5e: {  	_ =	shalt  }
0x5f: {  	_ =	shalt  }
0x60: {  	_ =	shalt  }
0x61: {  	_ =	shalt  }
0x62: {  	_ =	shalt  }
0x63: {  	_ =	shalt  }
0x64: {  	_ =	shalt  }
0x65: {  	_ =	shalt  }
0x66: {  	_ =	shalt  }
0x67: {  	_ =	shalt  }
0x68: {  	_ =	shalt  }
0x69: {  	_ =	shalt  }
0x6a: {  	_ =	shalt  }
0x6b: {  	_ =	shalt  }
0x6c: {  	_ =	shalt  }
0x6d: {  	_ =	shalt  }
0x6e: {  	_ =	shalt  }
0x6f: {  	_ =	shalt  }
0x70: {  	_ =	shalt  }
0x71: {  	_ =	shalt  }
0x72: {  	_ =	shalt  }
0x73: {  	_ =	shalt  }
0x74: {  	_ =	shalt  }
0x75: {  	_ =	shalt  }
0x76: {  	_ =	shalt  }
0x77: {  	_ =	shalt  }
0x78: {  	_ =	shalt  }
0x79: {  	_ =	shalt  }
0x7a: {  	_ =	shalt  }
0x7b: {  	_ =	shalt  }
0x7c: {  	_ =	shalt  }
0x7d: {  	_ =	shalt  }
0x7e: {  	_ =	shalt  }
0x7f: {  	_ =	shalt  }
0x80: {  	_ =	shalt  }
0x81: {  	_ =	shalt  }
0x82: {  	_ =	shalt  }
0x83: {  	_ =	shalt  }
0x84: {  	_ =	shalt  }
0x85: {  	_ =	shalt  }
0x86: {  	_ =	shalt  }
0x87: {  	_ =	shalt  }
.Lfunc_end0:
.L_simem_size_0:
called_computation_lowered:
.L_overlay_start_0:
0x88: {  	s2 =	sld [smem:$0x3FD9]  }
0x89: {  	s3 =	sld [smem:$0x3FFE];
	_ =	sdelay $0x1  }
0x8a: {  	s1 =	srdreg.scid  }
0x8b: {  	s0 =	sand.u32 $0x1, s1  }
0x8c: {  	s17 =	sshll.u32 s0, $0xA;
	s2 =	sadd.s32 s3, s2  }
0x8d: {  	s2 =	sadd.s32 s2, s17  }
0x8e: {  	[smem:$0x3FC5] =	sst s2  }
0x8f: {  	_ = 	snop  }
0x90: {  	s2 =	sld [smem:$0x3FC8];
	(tm) =	ssettm $0x1  }
0x91: {  	s18 =	sld [smem:$0x3FFB];
	_ =	sdelay $0x3  }
0x92: {  	_ =	strace s18  }
0x93: {  	s3 =	sld [smem:$0x3FFC];
	_ =	sdelay $0x3  }
0x94: {  	_ =	strace s3  }
0x95: {  	s3 =	sld [smem:$0x3FFD];
	_ =	sdelay $0x3  }
0x96: {  	_ =	strace s3  }
0x97: {  	_ =	strace $0x8FFFFFFF  }
0x98: {  	s19 =	sld [smem:$0x3FDB];
	_ =	sdelay $0x1  }
0x99: {  	s4 =	simm.s32 $_scs_section_size  }
0x9a: {  	s5 =	simm.s32 $_size__tile_overlayer_lowered;
	s6 =	simm.s32 $_tile_overlayer_lowered  }
0x9b: {  	s22 =	simm.s32 $0x1BFF;
	s21 =	sshll.u32 s6, $0x1;
	s3 =	sadd.s32 s4, s19  }
0x9c: {  	s7 =	simm.s32 $0x0;
	s20 =	sshll.u32 s5, $0x1;
	s5 =	sadd.s32 s21, s3  }
0x9d: {  	[timem:s7], [sflag:s22] =	dma.local [hbm:s5], s20  }
0x9e: {  	_ =	swait.ge [sflag:s22], s20  }
0x9f: {  	s4 =	ssub.s32 $0x0, s20;
	[sflag:s22] =	ssyncset.done $0x0  }
0xa0: {  	[sflag:s22] =	ssyncadd.s32 s4;
	_ =	sdelay $0x1  }
0xa1: {  	s23 =	simm.s32 $0x1B8B  }
0xa2: {  	_ =	swait.ge [sflag:s23], $0x1  }
0xa3: {  	[sflag:s23] =	ssyncset.done $0x0  }
0xa4: {  	s25 =	simm.s32 $0x1B8E;
	s24 =	sld [smem:$0x3FFE];
	[sflag:s23] =	ssyncadd.s32 $0xFFFFFFFF  }
0xa5: {  	s26 =	simm.s32 $execute0_lowered;
	[smem:$0x3FD2] =	sst s25  }
0xa6: {  	s5 =	sshll.u32 s26, $0x1;
	_ =	strace $0x80000046;
	[dreg:$0x1] =	wrdreg $0xFFFFFFFF  }
0xa7: {  	s28 =	simm.s32 $_size_execute0_lowered;
	s3 =	sadd.s32 s3, s5;
	[dreg:$0x0] =	wrdreg $0x0  }
0xa8: {  	s5 =	sshll.u32 s28, $0x1;
	[dreg:$0x2] =	wrdreg s3  }
0xa9: {  	[dreg:$0x3] =	wrdreg s5  }
0xaa: {  	[dreg:$0x4] =	wrdreg $0xC0  }
0xab: {  	_ =	task [dreg:s7], $0x5FFFF  }
0xac: {  	[dreg:$0x1] =	wrdreg $0xFFFFFFFF  }
0xad: {  	[dreg:$0x0] =	wrdreg $0x60  }
0xae: {  	[dreg:$0x2] =	wrdreg s2  }
0xaf: {  	[dreg:$0x3] =	wrdreg s24  }
0xb0: {  	[dreg:$0x4] =	wrdreg $0x9  }
0xb1: {  	_ =	task.clear_ibuf [dreg:s7], $0x5FFFF;
	_ =	strace $0x90000046  }
0xb2: {  	s29 =	simm.s32 $0x9;
	_ =	strace $0x80000048  }
0xb3: {  	_ =	swait.ge [sflag:s29], $0x1  }
0xb4: {  	[sflag:s29] =	ssyncadd.s32 $0xFFFFFFFF  }
0xb5: {  	_ =	strace $0x90000048  }
0xb6: {  	_ =	sfence  }
0xb7: {  	s30 =	sld [smem:$0x0];
	_ =	sdelay $0x2  }
0xb8: {  	s31 =	sshll.u32 s1, $0xD;
	s1 =	sshrl.u32 s1, $0x2  }
0xb9: {  	s3 =	sand.u32 $0x4000, s31;
	s1 =	sadd.s32 s1, s30  }
0xba: {  	s0 =	sor.u32 s3, s0;
	s1 =	sshll.u32 s1, $0x11  }
0xbb: {  	s0 =	sor.u32 s1, s0  }
0xbc: {  	s0 =	sadd.s32 $0x8F2B, s0  }
0xbd: {  	[sflag:s0] =	ssyncadd.remote.s32 $0x1  }
0xbe: {  	_ =	sfence.sel $0xFFFF  }
0xbf: {  	[dreg:$0x0] =	wrdreg $0xFFFFFFFF;
	(pc) =	sbr.abs _section_cstart, $3  }
0xc0: {  	[dreg:$0x1] =	wrdreg $0xFFFFFFFF  }
0xc1: {  	_ =	task.clear_ibuf [dreg:s7], $0x2FFFF;
	_ =	strace $0x9FFFFFFF  }
0xc2: {  	(tm) =	ssettm $0x7FFFFFFF  }
0xc3: {  	_ =	shalt  }
tec
execute0_lowered:
.L_overlay_start_1:
0x0: {  	(tag) =	ssettag $0x1  }
0x1: {  	s2 =	rddreg [dreg:$0x0]  }
0x2: {  	s0 =	srdreg.scid;
	s6 =	rddreg [dreg:$0x1]  }
0x3: {  	s3 =	simm.s32 $0x0;
	s10 =	simm.s32 $0x4400;
	s11 =	simm.s32 $0x1  }
0x4: {  	s12 =	simm.s32 $0x8800;
	s13 =	simm.s32 $0x3;
	s5 =	sand.u32 $0x1, s0  }
0x5: {  	s14 =	simm.s32 $0x2;
	s0 =	stileid.u32;
	s1 =	sshll.u32 s5, $0x4  }
0x6: {  	s15 =	simm.s32 $0xAA00;
	s16 =	simm.s32 $0x4;
	s7 =	sor.u32 s0, s1  }
0x7: {  	s17 =	simm.s32 $0x0;
	[smem:$0x7FF] =	sst s3;
	s4 =	smul.u32 $0xC38, s7  }
0x8: {  	s29 =	ssub.s32 $0x2, s5;
	s5 =	sadd.s32 $0xC00, s6;
	p0 =	seq.s32 s7, $0x1F  }
0x9: {  	s1 =	rddreg [dreg:$0x2];
	s30 =	sshrl.u32 s29, $0x1;
	s4 =	simm.s32 @p0 $0x17A68  }
0xa: {  	_ =	strace $0x80000047;
	s9 =	ssub.s32 s29, s30;
	s8 =	sshll.u32 s4, $0x3  }
0xb: {  	s9 =	smax.u32 s9, $0x1;
	s31 =	sshll.u32 s4, $0x4;
	s8 =	sadd.s32 s8, s5  }
0xc: {  	s7 =	sadd.s32 $0x110, s4;
	s6 =	sadd.s32 s2, s31;
	s8 =	sadd.s32 $0x5D80, s8  }
.LBB2_1:
0xd: {  	[tilespmem:s3], [sflag:$0x1] =	stream.linear.gather [hbm4b:s6+s3], $0x4400, $0x38;
	[tilespmem:$0xCC00] =	vst v63  }
0xe: {  	s18 =	simm.s32 $0x0  }
.LBB2_2:
0xf: {  	p0 =	seq.s32 s18, $0x0  }
0x10: {  	s19 =	smul.u32 @!p0 $0x110, s18;
	_ =	sdelay $0x1  }
0x11: {  	s19 =	sadd.s32 @!p0 $0x88, s19  }
0x12: {  	s19 =	simm.s32 @p0 $0x88  }
0x13: {  	s20 =	simm.s32 @!p0 $0x4;
	s19 =	sadd.s32 s4, s19  }
0x14: {  	_ =	swait.ge @!p0 [sflag:s20], $0x2200;
	s21 =	sshll.u32 s19, $0x4  }
0x15: {  	[sflag:s20] =	ssyncset.done @!p0 $0x0;
	s21 =	sand.u32 $0x1FFFFF80, s21  }
0x16: {  	[sflag:s20] =	ssyncadd.s32 @!p0 $0xFFFFDE00;
	s31 =	sadd.s32 s2, s21  }
0x17: {  	[tilespmem:s10], [sflag:$0x2] =	stream.linear.gather [hbm4b:s31+s3], $0x4400, $0x38;
	[tilespmem:$0xCC00] =	vst v63  }
0x18: {  	_ =	swait.ge [sflag:s11], $0x4400  }
0x19: {  	[sflag:s11] =	ssyncset.done $0x0  }
0x1a: {  	s23 =	simm.s32 $0x100;
	[sflag:s11] =	ssyncadd.s32 $0xFFFFBC00  }
0x1b: {  	v0 =	vld [tilespmem:s23+$0x80]  }
0x1c: {  	v1 =	vld [tilespmem:s23+$0xC0];
	_ =	sdelay $0x1  }
0x1d: {  	v2 =	vld [tilespmem:s23+$0xFFFFFF80]  }
0x1e: {  	v3 =	vld [tilespmem:s23+$0xFFFFFFC0]  }
0x1f: {  	v4 =	vld [tilespmem:s23+$0xFFFFFF40]  }
0x20: {  	v5 =	vld [tilespmem:s23+$0xFFFFFF00];
	v0 =	vadd.s32 $0x8000, v0;
	v1 =	vadd.s32 $0x8000, v1  }
0x21: {  	v6 =	vld [tilespmem:s23+$0x0];
	v0 =	vshrl.u32 v0, $0x10;
	v1 =	vand.u32 $0xFFFF0000, v1  }
0x22: {  	s22 =	simm.s32 $0x300;
	s20 =	simm.s32 $0x8880;
	v0 =	vor.u32 v0, v1;
	v1 =	vld [tilespmem:s23+$0x40]  }
0x23: {  	v8 =	vld [tilespmem:s22+$0x80];
	[tilespmem:s20+$0x40] =	vst v0;
	v0 =	vadd.s32 $0x8000, v2;
	v2 =	vadd.s32 $0x8000, v3  }
0x24: {  	v3 =	vld [tilespmem:s23+$0x90];
	v0 =	vshrl.u32 v0, $0x10;
	v2 =	vand.u32 $0xFFFF0000, v2  }
0x25: {  	v4 =	vadd.s32 $0x8000, v4;
	v7 =	vld [tilespmem:s23+$0xD0];
	v0 =	vor.u32 v0, v2;
	v2 =	vadd.s32 $0x8000, v5  }
0x26: {  	v9 =	vld [tilespmem:s22+$0xC0];
	v4 =	vand.u32 $0xFFFF0000, v4;
	[tilespmem:s20+$0xFFFFFFC0] =	vst v0;
	v0 =	vshrl.u32 v2, $0x10  }
0x27: {  	v2 =	vadd.s32 $0x8000, v6;
	v1 =	vadd.s32 $0x8000, v1;
	v5 =	vld [tilespmem:s23+$0xFFFFFF90];
	v0 =	vor.u32 v0, v4  }
0x28: {  	v2 =	vshrl.u32 v2, $0x10;
	v4 =	vld [tilespmem:s23+$0xFFFFFFD0];
	v1 =	vand.u32 $0xFFFF0000, v1;
	[tilespmem:s20+$0xFFFFFF80] =	vst v0  }
0x29: {  	v0 =	vor.u32 v2, v1;
	v1 =	vld [tilespmem:s23+$0xFFFFFF10]  }
0x2a: {  	v2 =	vadd.s32 $0x8000, v3;
	v3 =	vadd.s32 $0x8000, v7;
	[tilespmem:s20+$0x0] =	vst v0;
	v0 =	vld [tilespmem:s23+$0xFFFFFF50]  }
0x2b: {  	v2 =	vshrl.u32 v2, $0x10;
	v3 =	vand.u32 $0xFFFF0000, v3;
	v6 =	vld [tilespmem:s23+$0x10]  }
0x2c: {  	v2 =	vor.u32 v2, v3;
	v3 =	vld [tilespmem:s23+$0x50]  }
0x2d: {  	v10 =	vld [tilespmem:s22+$0xFFFFFF40];
	[tilespmem:s20+$0x50] =	vst v2;
	v2 =	vadd.s32 $0x8000, v5;
	v4 =	vadd.s32 $0x8000, v4  }
0x2e: {  	v11 =	vld [tilespmem:s22+$0xFFFFFF80];
	v2 =	vshrl.u32 v2, $0x10;
	v4 =	vand.u32 $0xFFFF0000, v4  }
0x2f: {  	v5 =	vld [tilespmem:s23+$0xA0];
	v1 =	vadd.s32 $0x8000, v1;
	v2 =	vor.u32 v2, v4;
	v0 =	vadd.s32 $0x8000, v0  }
0x30: {  	v7 =	vld [tilespmem:s23+$0xE0];
	v1 =	vshrl.u32 v1, $0x10;
	[tilespmem:s20+$0xFFFFFFD0] =	vst v2;
	v0 =	vand.u32 $0xFFFF0000, v0  }
0x31: {  	v2 =	vadd.s32 $0x8000, v6;
	v4 =	vld [tilespmem:s23+$0xFFFFFFA0];
	v3 =	vadd.s32 $0x8000, v3;
	v0 =	vor.u32 v1, v0  }
0x32: {  	v1 =	vshrl.u32 v2, $0x10;
	v2 =	vld [tilespmem:s23+$0xFFFFFFE0];
	v3 =	vand.u32 $0xFFFF0000, v3;
	[tilespmem:s20+$0xFFFFFF90] =	vst v0  }
0x33: {  	v0 =	vor.u32 v1, v3;
	v1 =	vld [tilespmem:s23+$0xFFFFFF20]  }
0x34: {  	v8 =	vadd.s32 $0x8000, v8;
	v9 =	vadd.s32 $0x8000, v9;
	[tilespmem:s20+$0x10] =	vst v0;
	v0 =	vld [tilespmem:s23+$0xFFFFFF60]  }
0x35: {  	v8 =	vshrl.u32 v8, $0x10;
	v3 =	vadd.s32 $0x8000, v5;
	v5 =	vadd.s32 $0x8000, v7;
	v6 =	vld [tilespmem:s23+$0x20]  }
0x36: {  	v12 =	vld [tilespmem:s22+$0xFFFFFFC0];
	v9 =	vand.u32 $0xFFFF0000, v9;
	v3 =	vshrl.u32 v3, $0x10;
	v5 =	vand.u32 $0xFFFF0000, v5  }
0x37: {  	v13 =	vld [tilespmem:s22+$0x0];
	v3 =	vor.u32 v3, v5;
	v4 =	vadd.s32 $0x8000, v4;
	v2 =	vadd.s32 $0x8000, v2  }
0x38: {  	v5 =	vld [tilespmem:s23+$0x60];
	[tilespmem:s20+$0x60] =	vst v3;
	v4 =	vshrl.u32 v4, $0x10;
	v2 =	vand.u32 $0xFFFF0000, v2;
	v1 =	vadd.s32 $0x8000, v1  }
0x39: {  	v3 =	vld [tilespmem:s23+$0xB0];
	v0 =	vadd.s32 $0x8000, v0;
	v2 =	vor.u32 v4, v2;
	v1 =	vshrl.u32 v1, $0x10  }
0x3a: {  	s21 =	simm.s32 $0x8980;
	v7 =	vld [tilespmem:s23+$0xF0];
	v0 =	vand.u32 $0xFFFF0000, v0;
	v4 =	vadd.s32 $0x8000, v6;
	v6 =	vor.u32 v8, v9  }
0x3b: {  	v0 =	vor.u32 v1, v0;
	v1 =	vld [tilespmem:s22+$0x40];
	[tilespmem:s21+$0x40] =	vst v6  }
0x3c: {  	v9 =	vadd.s32 $0x8000, v11;
	v11 =	vadd.s32 $0x8000, v12;
	[tilespmem:s20+$0xFFFFFFA0] =	vst v0;
	v0 =	vld [tilespmem:s22+$0xFFFFFF00]  }
0x3d: {  	v9 =	vshrl.u32 v9, $0x10;
	v11 =	vand.u32 $0xFFFF0000, v11;
	v59 =	vld [tilespmem:s22+$0x90]  }
0x3e: {  	v9 =	vor.u32 v9, v11;
	v11 =	vld [tilespmem:s22+$0xD0]  }
0x3f: {  	v10 =	vadd.s32 $0x8000, v10;
	v8 =	vld [tilespmem:s23+$0xFFFFFF30]  }
0x40: {  	v10 =	vand.u32 $0xFFFF0000, v10;
	[tilespmem:s20+$0xFFFFFFE0] =	vst v2;
	v2 =	vadd.s32 $0x8000, v13;
	v6 =	vld [tilespmem:s23+$0xFFFFFF70];
	v1 =	vadd.s32 $0x8000, v1  }
0x41: {  	v2 =	vshrl.u32 v2, $0x10;
	[tilespmem:s21+$0xFFFFFFC0] =	vst v9;
	v9 =	vld [tilespmem:s23+$0xFFFFFFB0];
	v0 =	vadd.s32 $0x8000, v0;
	v1 =	vand.u32 $0xFFFF0000, v1  }
0x42: {  	v5 =	vadd.s32 $0x8000, v5;
	v60 =	vld [tilespmem:s22+$0xFFFFFF90];
	v0 =	vshrl.u32 v0, $0x10;
	v1 =	vor.u32 v2, v1  }
0x43: {  	v2 =	vshrl.u32 v4, $0x10;
	v4 =	vand.u32 $0xFFFF0000, v5;
	v5 =	vld [tilespmem:s22+$0xFFFFFFD0];
	v0 =	vor.u32 v0, v10;
	[tilespmem:s21+$0x0] =	vst v1  }
0x44: {  	v8 =	vadd.s32 $0x8000, v8;
	v1 =	vor.u32 v2, v4;
	v2 =	vadd.s32 $0x8000, v3;
	[tilespmem:s21+$0xFFFFFF80] =	vst v0;
	v0 =	vld [tilespmem:s22+$0x10]  }
0x45: {  	v3 =	vadd.s32 $0x8000, v7;
	v7 =	vadd.s32 $0x8000, v59;
	v10 =	vadd.s32 $0x8000, v11;
	v4 =	vld [tilespmem:s22+$0xFFFFFF10]  }
0x46: {  	v6 =	vadd.s32 $0x8000, v6;
	v7 =	vshrl.u32 v7, $0x10;
	v10 =	vand.u32 $0xFFFF0000, v10;
	v11 =	vld [tilespmem:s22+$0xFFFFFF50]  }
0x47: {  	v8 =	vshrl.u32 v8, $0x10;
	v6 =	vand.u32 $0xFFFF0000, v6;
	v61 =	vld [tilespmem:s22+$0x50];
	v7 =	vor.u32 v7, v10  }
0x48: {  	v2 =	vshrl.u32 v2, $0x10;
	v10 =	vadd.s32 $0x8000, v60;
	[tilespmem:s21+$0x50] =	vst v7;
	v7 =	vld [tilespmem:s23+$0xFFFFFFF0];
	v5 =	vadd.s32 $0x8000, v5  }
0x49: {  	v3 =	vand.u32 $0xFFFF0000, v3;
	v10 =	vshrl.u32 v10, $0x10;
	v62 =	vld [tilespmem:s22+$0xA0];
	v5 =	vand.u32 $0xFFFF0000, v5  }
0x4a: {  	[tilespmem:s20+$0x20] =	vst v1;
	v6 =	vor.u32 v8, v6;
	v1 =	vor.u32 v2, v3;
	v3 =	vld [tilespmem:s22+$0xE0];
	v2 =	vor.u32 v10, v5  }
0x4b: {  	v5 =	vadd.s32 $0x8000, v9;
	v9 =	vld [tilespmem:s23+$0x30];
	v4 =	vadd.s32 $0x8000, v4;
	v8 =	vadd.s32 $0x8000, v11;
	[tilespmem:s21+$0xFFFFFFD0] =	vst v2  }
0x4c: {  	v0 =	vadd.s32 $0x8000, v0;
	v2 =	vshrl.u32 v4, $0x10;
	v4 =	vand.u32 $0xFFFF0000, v8;
	v8 =	vld [tilespmem:s22+$0xFFFFFFA0]  }
0x4d: {  	v10 =	vadd.s32 $0x8000, v61;
	v5 =	vshrl.u32 v5, $0x10;
	v2 =	vor.u32 v2, v4;
	v4 =	vld [tilespmem:s22+$0xFFFFFFE0]  }
0x4e: {  	v0 =	vshrl.u32 v0, $0x10;
	v10 =	vand.u32 $0xFFFF0000, v10;
	v11 =	vld [tilespmem:s23+$0x70];
	v7 =	vadd.s32 $0x8000, v7;
	[tilespmem:s21+$0xFFFFFF90] =	vst v2  }
0x4f: {  	v0 =	vor.u32 v0, v10;
	v63 =	vadd.s32 $0x8000, v62;
	v3 =	vadd.s32 $0x8000, v3;
	v10 =	vld [tilespmem:s22+$0xFFFFFF20]  }
0x50: {  	v7 =	vand.u32 $0xFFFF0000, v7;
	[tilespmem:s21+$0x10] =	vst v0;
	v0 =	vshrl.u32 v63, $0x10;
	v3 =	vand.u32 $0xFFFF0000, v3;
	v2 =	vld [tilespmem:s22+$0xFFFFFF60]  }
0x51: {  	[tilespmem:s20+$0x70] =	vst v1;
	v7 =	vor.u32 v5, v7;
	v1 =	vadd.s32 $0x8000, v9;
	v0 =	vor.u32 v0, v3;
	v3 =	vld [tilespmem:s22+$0x20]  }
0x52: {  	v5 =	vld [tilespmem:s22+$0x60];
	v1 =	vshrl.u32 v1, $0x10;
	[tilespmem:s21+$0x60] =	vst v0;
	v8 =	vadd.s32 $0x8000, v8;
	v4 =	vadd.s32 $0x8000, v4  }
0x53: {  	[tilespmem:s20+$0xFFFFFFB0] =	vst v6;
	v9 =	vadd.s32 $0x8000, v11;
	v0 =	vld [tilespmem:s22+$0xB0];
	v6 =	vshrl.u32 v8, $0x10;
	v4 =	vand.u32 $0xFFFF0000, v4  }
0x54: {  	s24 =	simm.s32 $0x500;
	s23 =	simm.s32 $0x4;
	[tilespmem:s20+$0xFFFFFFF0] =	vst v7;
	v8 =	vadd.s32 $0x8000, v10;
	v7 =	vor.u32 v6, v4;
	v4 =	vld [tilespmem:s22+$0xF0];
	v6 =	vand.u32 $0xFFFF0000, v9  }
.LBB2_3:
0x55: {  	v9 =	vld [tilespmem:s24+$0x80];
	v8 =	vshrl.u32 v8, $0x10;
	v2 =	vadd.s32 $0x8000, v2;
	[tilespmem:s21+$0xFFFFFFE0] =	vst v7;
	v1 =	vor.u32 v1, v6  }
0x56: {  	v6 =	vld [tilespmem:s24+$0xC0];
	v2 =	vand.u32 $0xFFFF0000, v2;
	v3 =	vadd.s32 $0x8000, v3;
	[tilespmem:s20+$0x30] =	vst v1;
	s20 =	smov.u32 s21  }
0x57: {  	v1 =	vld [tilespmem:s24+$0xFFFFFF40];
	v2 =	vor.u32 v8, v2;
	v3 =	vshrl.u32 v3, $0x10;
	v5 =	vadd.s32 $0x8000, v5  }
0x58: {  	v7 =	vld [tilespmem:s24+$0xFFFFFF80];
	[tilespmem:s21+$0xFFFFFFA0] =	vst v2;
	v2 =	vand.u32 $0xFFFF0000, v5  }
0x59: {  	s23 =	sadd.s32 $0x4, s23;
	v0 =	vadd.s32 $0x8000, v0;
	v5 =	vld [tilespmem:s24+$0xFFFFFFC0];
	v2 =	vor.u32 v3, v2;
	v3 =	vadd.s32 $0x8000, v4  }
0x5a: {  	p0 =	slt.u32 s23, $0x84;
	v0 =	vshrl.u32 v0, $0x10;
	v4 =	vld [tilespmem:s24+$0x0];
	[tilespmem:s21+$0x20] =	vst v2;
	v2 =	vand.u32 $0xFFFF0000, v3  }
0x5b: {  	v8 =	vadd.s32 $0x8000, v9;
	v3 =	vld [tilespmem:s24+$0x40];
	v6 =	vadd.s32 $0x8000, v6;
	v0 =	vor.u32 v0, v2  }
0x5c: {  	v8 =	vshrl.u32 v8, $0x10;
	v2 =	vld [tilespmem:s24+$0xFFFFFF00];
	v1 =	vadd.s32 $0x8000, v1;
	v6 =	vand.u32 $0xFFFF0000, v6;
	[tilespmem:s21+$0x70] =	vst v0  }
0x5d: {  	s21 =	sadd.s32 $0x100, s21;
	v0 =	vand.u32 $0xFFFF0000, v1;
	v1 =	vadd.s32 $0x8000, v7;
	v6 =	vor.u32 v8, v6;
	v7 =	vld [tilespmem:s22+$0xFFFFFF30]  }
0x5e: {  	v1 =	vshrl.u32 v1, $0x10;
	v5 =	vadd.s32 $0x8000, v5;
	[tilespmem:s21+$0x40] =	vst v6;
	v6 =	vld [tilespmem:s22+$0xFFFFFF70]  }
0x5f: {  	v5 =	vand.u32 $0xFFFF0000, v5;
	v4 =	vadd.s32 $0x8000, v4;
	v8 =	vld [tilespmem:s24+$0x90]  }
0x60: {  	v1 =	vor.u32 v1, v5;
	v4 =	vshrl.u32 v4, $0x10;
	v3 =	vadd.s32 $0x8000, v3;
	v5 =	vld [tilespmem:s24+$0xD0]  }
0x61: {  	v2 =	vadd.s32 $0x8000, v2;
	[tilespmem:s21+$0xFFFFFFC0] =	vst v1;
	v1 =	vand.u32 $0xFFFF0000, v3;
	v3 =	vld [tilespmem:s22+$0xFFFFFFB0]  }
0x62: {  	v2 =	vshrl.u32 v2, $0x10;
	v9 =	vld [tilespmem:s24+$0xFFFFFF90];
	v1 =	vor.u32 v4, v1;
	v4 =	vadd.s32 $0x8000, v7  }
0x63: {  	v0 =	vor.u32 v2, v0;
	v2 =	vld [tilespmem:s24+$0xFFFFFFD0];
	[tilespmem:s21+$0x0] =	vst v1;
	v1 =	vshrl.u32 v4, $0x10;
	v4 =	vadd.s32 $0x8000, v6  }
0x64: {  	[tilespmem:s21+$0xFFFFFF80] =	vst v0;
	v0 =	vld [tilespmem:s24+$0x10];
	v4 =	vand.u32 $0xFFFF0000, v4  }
0x65: {  	v7 =	vadd.s32 $0x8000, v8;
	v6 =	vld [tilespmem:s24+$0xFFFFFF10];
	v5 =	vadd.s32 $0x8000, v5;
	v1 =	vor.u32 v1, v4  }
0x66: {  	v7 =	vshrl.u32 v7, $0x10;
	v4 =	vld [tilespmem:s24+$0xFFFFFF50];
	v5 =	vand.u32 $0xFFFF0000, v5;
	[tilespmem:s20+$0xFFFFFFB0] =	vst v1;
	v1 =	vadd.s32 $0x8000, v3  }
0x67: {  	v3 =	vadd.s32 $0x8000, v9;
	v8 =	vld [tilespmem:s24+$0x50];
	v5 =	vor.u32 v7, v5;
	v1 =	vshrl.u32 v1, $0x10  }
0x68: {  	v3 =	vshrl.u32 v3, $0x10;
	v2 =	vadd.s32 $0x8000, v2;
	[tilespmem:s21+$0x50] =	vst v5;
	v5 =	vld [tilespmem:s22+$0xFFFFFFF0]  }
0x69: {  	v2 =	vand.u32 $0xFFFF0000, v2;
	v0 =	vadd.s32 $0x8000, v0;
	v7 =	vld [tilespmem:s24+$0xA0]  }
0x6a: {  	v6 =	vadd.s32 $0x8000, v6;
	v2 =	vor.u32 v3, v2;
	v0 =	vshrl.u32 v0, $0x10;
	v3 =	vld [tilespmem:s24+$0xE0]  }
0x6b: {  	v6 =	vshrl.u32 v6, $0x10;
	v4 =	vadd.s32 $0x8000, v4;
	[tilespmem:s21+$0xFFFFFFD0] =	vst v2;
	v9 =	vld [tilespmem:s22+$0x30]  }
0x6c: {  	v2 =	vand.u32 $0xFFFF0000, v4;
	v4 =	vld [tilespmem:s24+$0xFFFFFFA0];
	v8 =	vadd.s32 $0x8000, v8  }
0x6d: {  	v2 =	vor.u32 v6, v2;
	v6 =	vld [tilespmem:s24+$0xFFFFFFE0];
	v8 =	vand.u32 $0xFFFF0000, v8;
	v5 =	vadd.s32 $0x8000, v5  }
0x6e: {  	[tilespmem:s21+$0xFFFFFF90] =	vst v2;
	v0 =	vor.u32 v0, v8;
	v2 =	vand.u32 $0xFFFF0000, v5;
	v8 =	vld [tilespmem:s22+$0x70];
	s22 =	smov.u32 s24  }
0x6f: {  	v10 =	vld [tilespmem:s24+$0xFFFFFF20];
	[tilespmem:s21+$0x10] =	vst v0;
	v0 =	vadd.s32 $0x8000, v7;
	v3 =	vadd.s32 $0x8000, v3;
	v1 =	vor.u32 v1, v2  }
.Ltmp0:
0x70: {  	v2 =	vld [tilespmem:s24+$0xFFFFFF60];
	v0 =	vshrl.u32 v0, $0x10;
	v5 =	vand.u32 $0xFFFF0000, v3;
	[tilespmem:s20+$0xFFFFFFF0] =	vst v1;
	v1 =	vadd.s32 $0x8000, v9;
	(pc) =	sbr.rel @p0 .LBB2_3-.Ltmp0, $4  }
0x71: {  	v4 =	vadd.s32 $0x8000, v4;
	v3 =	vld [tilespmem:s24+$0x20];
	v0 =	vor.u32 v0, v5;
	v1 =	vshrl.u32 v1, $0x10  }
0x72: {  	v4 =	vshrl.u32 v4, $0x10;
	v6 =	vadd.s32 $0x8000, v6;
	v5 =	vld [tilespmem:s24+$0x60];
	[tilespmem:s21+$0x60] =	vst v0  }
0x73: {  	v6 =	vand.u32 $0xFFFF0000, v6;
	v0 =	vld [tilespmem:s24+$0xB0];
	v9 =	vadd.s32 $0x8000, v8  }
0x74: {  	s24 =	sadd.s32 $0x200, s24;
	v8 =	vadd.s32 $0x8000, v10;
	v7 =	vor.u32 v4, v6;
	v4 =	vld [tilespmem:s22+$0xF0];
	v6 =	vand.u32 $0xFFFF0000, v9  }
0x75: {  	v2 =	vadd.s32 $0x8000, v2  }
0x76: {  	v8 =	vshrl.u32 v8, $0x10;
	v2 =	vand.u32 $0xFFFF0000, v2  }
0x77: {  	v2 =	vor.u32 v8, v2  }
0x78: {  	[tilespmem:s21+$0xFFFFFFA0] =	vst v2  }
0x79: {  	v2 =	vadd.s32 $0x8000, v3;
	v3 =	vadd.s32 $0x8000, v5;
	v5 =	vld [tilespmem:s22+$0xFFFFFF30]  }
0x7a: {  	[tilespmem:s21+$0xFFFFFFE0] =	vst v7;
	v2 =	vshrl.u32 v2, $0x10;
	v3 =	vand.u32 $0xFFFF0000, v3;
	v7 =	vld [tilespmem:s22+$0xFFFFFF70]  }
0x7b: {  	v2 =	vor.u32 v2, v3;
	v3 =	vld [tilespmem:s22+$0xFFFFFFB0]  }
0x7c: {  	[tilespmem:s21+$0x20] =	vst v2;
	v2 =	vld [tilespmem:s22+$0xFFFFFFF0]  }
0x7d: {  	v8 =	vld [tilespmem:s22+$0x30]  }
0x7e: {  	v0 =	vadd.s32 $0x8000, v0;
	v4 =	vadd.s32 $0x8000, v4;
	v9 =	vld [tilespmem:s22+$0x70]  }
0x7f: {  	v1 =	vor.u32 v1, v6;
	v0 =	vshrl.u32 v0, $0x10;
	v4 =	vand.u32 $0xFFFF0000, v4  }
0x80: {  	v0 =	vor.u32 v0, v4;
	v4 =	vadd.s32 $0x8000, v5;
	v5 =	vadd.s32 $0x8000, v7  }
0x81: {  	s29 =	smul.u32 $0x110, s18;
	v4 =	vshrl.u32 v4, $0x10;
	v5 =	vand.u32 $0xFFFF0000, v5;
	v3 =	vadd.s32 $0x8000, v3  }
0x82: {  	[tilespmem:s20+$0x30] =	vst v1;
	v1 =	vor.u32 v4, v5;
	v3 =	vshrl.u32 v3, $0x10;
	v2 =	vadd.s32 $0x8000, v2  }
0x83: {  	s30 =	sadd.s32 s4, s29;
	[tilespmem:s21+$0x70] =	vst v0;
	v0 =	vand.u32 $0xFFFF0000, v2;
	v2 =	vadd.s32 $0x8000, v8;
	v4 =	vadd.s32 $0x8000, v9  }
0x84: {  	s20 =	sshll.u32 s30, $0x3;
	[tilespmem:s21+$0xFFFFFFB0] =	vst v1;
	v0 =	vor.u32 v3, v0;
	v1 =	vshrl.u32 v2, $0x10;
	v2 =	vand.u32 $0xFFFF0000, v4  }
0x85: {  	s20 =	sand.u32 $0x1FFFFFC0, s20;
	[tilespmem:s21+$0xFFFFFFF0] =	vst v0;
	v0 =	vor.u32 v1, v2  }
0x86: {  	s20 =	sadd.s32 s5, s20;
	[tilespmem:s21+$0x30] =	vst v0  }
0x87: {  	[hbm4b:s20+s3] =	stream.linear.scatter [tilespmem:s12], [sflag:$0x3], $0x2200, $0x38;
	[tilespmem:$0xCC00] =	vst v63  }
0x88: {  	s31 =	sadd.s32 s29, s7;
	_ =	swait.ge [sflag:s13], $0x2200  }
0x89: {  	s20 =	sshll.u32 s31, $0x4;
	[sflag:s13] =	ssyncset.done $0x0  }
0x8a: {  	s20 =	sadd.s32 s2, s20;
	[sflag:s13] =	ssyncadd.s32 $0xFFFFDE00  }
0x8b: {  	[tilespmem:s3], [sflag:$0x1] =	stream.linear.gather [hbm4b:s20+s3], $0x4400, $0x38;
	[tilespmem:$0xCC00] =	vst v63  }
0x8c: {  	_ =	swait.ge [sflag:s14], $0x4400  }
0x8d: {  	[sflag:s14] =	ssyncset.done $0x0  }
0x8e: {  	s23 =	simm.s32 $0x45F0;
	[sflag:s14] =	ssyncadd.s32 $0xFFFFBC00  }
0x8f: {  	v0 =	vld [tilespmem:s23+$0xFFFFFF90]  }
0x90: {  	v1 =	vld [tilespmem:s23+$0xFFFFFFD0];
	_ =	sdelay $0x1  }
0x91: {  	v2 =	vld [tilespmem:s23+$0xFFFFFE90]  }
0x92: {  	v3 =	vld [tilespmem:s23+$0xFFFFFED0]  }
0x93: {  	v4 =	vld [tilespmem:s23+$0xFFFFFE50]  }
0x94: {  	v5 =	vld [tilespmem:s23+$0xFFFFFE10];
	v0 =	vadd.s32 $0x8000, v0;
	v1 =	vadd.s32 $0x8000, v1  }
0x95: {  	v6 =	vld [tilespmem:s23+$0xFFFFFF10];
	v0 =	vshrl.u32 v0, $0x10;
	v1 =	vand.u32 $0xFFFF0000, v1  }
0x96: {  	s21 =	simm.s32 $0x47F0;
	s20 =	simm.s32 $0xAAF0;
	v0 =	vor.u32 v0, v1;
	v1 =	vld [tilespmem:s23+$0xFFFFFF50]  }
0x97: {  	v8 =	vld [tilespmem:s21+$0xFFFFFF90];
	[tilespmem:s20+$0xFFFFFFD0] =	vst v0;
	v0 =	vadd.s32 $0x8000, v2;
	v2 =	vadd.s32 $0x8000, v3  }
0x98: {  	v3 =	vld [tilespmem:s23+$0xFFFFFFA0];
	v0 =	vshrl.u32 v0, $0x10;
	v2 =	vand.u32 $0xFFFF0000, v2  }
0x99: {  	v4 =	vadd.s32 $0x8000, v4;
	v7 =	vld [tilespmem:s23+$0xFFFFFFE0];
	v0 =	vor.u32 v0, v2;
	v2 =	vadd.s32 $0x8000, v5  }
0x9a: {  	v9 =	vld [tilespmem:s21+$0xFFFFFFD0];
	v4 =	vand.u32 $0xFFFF0000, v4;
	[tilespmem:s20+$0xFFFFFF50] =	vst v0;
	v0 =	vshrl.u32 v2, $0x10  }
0x9b: {  	v2 =	vadd.s32 $0x8000, v6;
	v1 =	vadd.s32 $0x8000, v1;
	v5 =	vld [tilespmem:s23+$0xFFFFFEA0];
	v0 =	vor.u32 v0, v4  }
0x9c: {  	v2 =	vshrl.u32 v2, $0x10;
	v4 =	vld [tilespmem:s23+$0xFFFFFEE0];
	v1 =	vand.u32 $0xFFFF0000, v1;
	[tilespmem:s20+$0xFFFFFF10] =	vst v0  }
0x9d: {  	v0 =	vor.u32 v2, v1;
	v1 =	vld [tilespmem:s23+$0xFFFFFE20]  }
0x9e: {  	v2 =	vadd.s32 $0x8000, v3;
	v3 =	vadd.s32 $0x8000, v7;
	[tilespmem:s20+$0xFFFFFF90] =	vst v0;
	v0 =	vld [tilespmem:s23+$0xFFFFFE60]  }
0x9f: {  	v2 =	vshrl.u32 v2, $0x10;
	v3 =	vand.u32 $0xFFFF0000, v3;
	v6 =	vld [tilespmem:s23+$0xFFFFFF20]  }
0xa0: {  	v2 =	vor.u32 v2, v3;
	v3 =	vld [tilespmem:s23+$0xFFFFFF60]  }
0xa1: {  	v10 =	vld [tilespmem:s21+$0xFFFFFE50];
	[tilespmem:s20+$0xFFFFFFE0] =	vst v2;
	v2 =	vadd.s32 $0x8000, v5;
	v4 =	vadd.s32 $0x8000, v4  }
0xa2: {  	v11 =	vld [tilespmem:s21+$0xFFFFFE90];
	v2 =	vshrl.u32 v2, $0x10;
	v4 =	vand.u32 $0xFFFF0000, v4  }
0xa3: {  	v5 =	vld [tilespmem:s23+$0xFFFFFFB0];
	v1 =	vadd.s32 $0x8000, v1;
	v2 =	vor.u32 v2, v4;
	v0 =	vadd.s32 $0x8000, v0  }
0xa4: {  	v7 =	vld [tilespmem:s23+$0xFFFFFFF0];
	v1 =	vshrl.u32 v1, $0x10;
	[tilespmem:s20+$0xFFFFFF60] =	vst v2;
	v0 =	vand.u32 $0xFFFF0000, v0  }
0xa5: {  	v2 =	vadd.s32 $0x8000, v6;
	v4 =	vld [tilespmem:s23+$0xFFFFFEB0];
	v3 =	vadd.s32 $0x8000, v3;
	v0 =	vor.u32 v1, v0  }
0xa6: {  	v1 =	vshrl.u32 v2, $0x10;
	v2 =	vld [tilespmem:s23+$0xFFFFFEF0];
	v3 =	vand.u32 $0xFFFF0000, v3;
	[tilespmem:s20+$0xFFFFFF20] =	vst v0  }
0xa7: {  	v0 =	vor.u32 v1, v3;
	v1 =	vld [tilespmem:s23+$0xFFFFFE30]  }
0xa8: {  	v8 =	vadd.s32 $0x8000, v8;
	v9 =	vadd.s32 $0x8000, v9;
	[tilespmem:s20+$0xFFFFFFA0] =	vst v0;
	v0 =	vld [tilespmem:s23+$0xFFFFFE70]  }
0xa9: {  	v8 =	vshrl.u32 v8, $0x10;
	v3 =	vadd.s32 $0x8000, v5;
	v5 =	vadd.s32 $0x8000, v7;
	v6 =	vld [tilespmem:s23+$0xFFFFFF30]  }
0xaa: {  	v12 =	vld [tilespmem:s21+$0xFFFFFED0];
	v9 =	vand.u32 $0xFFFF0000, v9;
	v3 =	vshrl.u32 v3, $0x10;
	v5 =	vand.u32 $0xFFFF0000, v5  }
0xab: {  	v13 =	vld [tilespmem:s21+$0xFFFFFF10];
	v3 =	vor.u32 v3, v5;
	v4 =	vadd.s32 $0x8000, v4;
	v2 =	vadd.s32 $0x8000, v2  }
0xac: {  	v5 =	vld [tilespmem:s23+$0xFFFFFF70];
	[tilespmem:s20+$0xFFFFFFF0] =	vst v3;
	v4 =	vshrl.u32 v4, $0x10;
	v2 =	vand.u32 $0xFFFF0000, v2;
	v1 =	vadd.s32 $0x8000, v1  }
0xad: {  	v3 =	vld [tilespmem:s23+$0xFFFFFFC0];
	v0 =	vadd.s32 $0x8000, v0;
	v2 =	vor.u32 v4, v2;
	v1 =	vshrl.u32 v1, $0x10  }
0xae: {  	s22 =	simm.s32 $0xABF0;
	v7 =	vld [tilespmem:s23+$0x0];
	v0 =	vand.u32 $0xFFFF0000, v0;
	v4 =	vadd.s32 $0x8000, v6;
	v6 =	vor.u32 v8, v9  }
0xaf: {  	v0 =	vor.u32 v1, v0;
	v1 =	vld [tilespmem:s21+$0xFFFFFF50];
	[tilespmem:s22+$0xFFFFFFD0] =	vst v6  }
0xb0: {  	v9 =	vadd.s32 $0x8000, v11;
	v11 =	vadd.s32 $0x8000, v12;
	[tilespmem:s20+$0xFFFFFF30] =	vst v0;
	v0 =	vld [tilespmem:s21+$0xFFFFFE10]  }
0xb1: {  	v9 =	vshrl.u32 v9, $0x10;
	v11 =	vand.u32 $0xFFFF0000, v11;
	v59 =	vld [tilespmem:s21+$0xFFFFFFA0]  }
0xb2: {  	v9 =	vor.u32 v9, v11;
	v11 =	vld [tilespmem:s21+$0xFFFFFFE0]  }
0xb3: {  	v10 =	vadd.s32 $0x8000, v10;
	v8 =	vld [tilespmem:s23+$0xFFFFFE40]  }
0xb4: {  	v10 =	vand.u32 $0xFFFF0000, v10;
	[tilespmem:s20+$0xFFFFFF70] =	vst v2;
	v2 =	vadd.s32 $0x8000, v13;
	v6 =	vld [tilespmem:s23+$0xFFFFFE80];
	v1 =	vadd.s32 $0x8000, v1  }
0xb5: {  	v2 =	vshrl.u32 v2, $0x10;
	[tilespmem:s22+$0xFFFFFF50] =	vst v9;
	v9 =	vld [tilespmem:s23+$0xFFFFFEC0];
	v0 =	vadd.s32 $0x8000, v0;
	v1 =	vand.u32 $0xFFFF0000, v1  }
0xb6: {  	v5 =	vadd.s32 $0x8000, v5;
	v60 =	vld [tilespmem:s21+$0xFFFFFEA0];
	v0 =	vshrl.u32 v0, $0x10;
	v1 =	vor.u32 v2, v1  }
0xb7: {  	v2 =	vshrl.u32 v4, $0x10;
	v4 =	vand.u32 $0xFFFF0000, v5;
	v5 =	vld [tilespmem:s21+$0xFFFFFEE0];
	v0 =	vor.u32 v0, v10;
	[tilespmem:s22+$0xFFFFFF90] =	vst v1  }
0xb8: {  	v8 =	vadd.s32 $0x8000, v8;
	v1 =	vor.u32 v2, v4;
	v2 =	vadd.s32 $0x8000, v3;
	[tilespmem:s22+$0xFFFFFF10] =	vst v0;
	v0 =	vld [tilespmem:s21+$0xFFFFFF20]  }
0xb9: {  	v3 =	vadd.s32 $0x8000, v7;
	v7 =	vadd.s32 $0x8000, v59;
	v10 =	vadd.s32 $0x8000, v11;
	v4 =	vld [tilespmem:s21+$0xFFFFFE20]  }
0xba: {  	v6 =	vadd.s32 $0x8000, v6;
	v7 =	vshrl.u32 v7, $0x10;
	v10 =	vand.u32 $0xFFFF0000, v10;
	v11 =	vld [tilespmem:s21+$0xFFFFFE60]  }
0xbb: {  	v8 =	vshrl.u32 v8, $0x10;
	v6 =	vand.u32 $0xFFFF0000, v6;
	v61 =	vld [tilespmem:s21+$0xFFFFFF60];
	v7 =	vor.u32 v7, v10  }
0xbc: {  	v2 =	vshrl.u32 v2, $0x10;
	v10 =	vadd.s32 $0x8000, v60;
	[tilespmem:s22+$0xFFFFFFE0] =	vst v7;
	v7 =	vld [tilespmem:s23+$0xFFFFFF00];
	v5 =	vadd.s32 $0x8000, v5  }
0xbd: {  	v3 =	vand.u32 $0xFFFF0000, v3;
	v10 =	vshrl.u32 v10, $0x10;
	v62 =	vld [tilespmem:s21+$0xFFFFFFB0];
	v5 =	vand.u32 $0xFFFF0000, v5  }
0xbe: {  	[tilespmem:s20+$0xFFFFFFB0] =	vst v1;
	v6 =	vor.u32 v8, v6;
	v1 =	vor.u32 v2, v3;
	v3 =	vld [tilespmem:s21+$0xFFFFFFF0];
	v2 =	vor.u32 v10, v5  }
0xbf: {  	v5 =	vadd.s32 $0x8000, v9;
	v9 =	vld [tilespmem:s23+$0xFFFFFF40];
	v4 =	vadd.s32 $0x8000, v4;
	v8 =	vadd.s32 $0x8000, v11;
	[tilespmem:s22+$0xFFFFFF60] =	vst v2  }
0xc0: {  	v0 =	vadd.s32 $0x8000, v0;
	v2 =	vshrl.u32 v4, $0x10;
	v4 =	vand.u32 $0xFFFF0000, v8;
	v8 =	vld [tilespmem:s21+$0xFFFFFEB0]  }
0xc1: {  	v10 =	vadd.s32 $0x8000, v61;
	v5 =	vshrl.u32 v5, $0x10;
	v2 =	vor.u32 v2, v4;
	v4 =	vld [tilespmem:s21+$0xFFFFFEF0]  }
0xc2: {  	v0 =	vshrl.u32 v0, $0x10;
	v10 =	vand.u32 $0xFFFF0000, v10;
	v11 =	vld [tilespmem:s23+$0xFFFFFF80];
	v7 =	vadd.s32 $0x8000, v7;
	[tilespmem:s22+$0xFFFFFF20] =	vst v2  }
0xc3: {  	v0 =	vor.u32 v0, v10;
	v63 =	vadd.s32 $0x8000, v62;
	v3 =	vadd.s32 $0x8000, v3;
	v10 =	vld [tilespmem:s21+$0xFFFFFE30]  }
0xc4: {  	v7 =	vand.u32 $0xFFFF0000, v7;
	[tilespmem:s22+$0xFFFFFFA0] =	vst v0;
	v0 =	vshrl.u32 v63, $0x10;
	v3 =	vand.u32 $0xFFFF0000, v3;
	v2 =	vld [tilespmem:s21+$0xFFFFFE70]  }
0xc5: {  	[tilespmem:s20+$0x0] =	vst v1;
	v7 =	vor.u32 v5, v7;
	v1 =	vadd.s32 $0x8000, v9;
	v0 =	vor.u32 v0, v3;
	v3 =	vld [tilespmem:s21+$0xFFFFFF30]  }
0xc6: {  	v5 =	vld [tilespmem:s21+$0xFFFFFF70];
	v1 =	vshrl.u32 v1, $0x10;
	[tilespmem:s22+$0xFFFFFFF0] =	vst v0;
	v8 =	vadd.s32 $0x8000, v8;
	v4 =	vadd.s32 $0x8000, v4  }
0xc7: {  	[tilespmem:s20+$0xFFFFFF40] =	vst v6;
	v9 =	vadd.s32 $0x8000, v11;
	v0 =	vld [tilespmem:s21+$0xFFFFFFC0];
	v6 =	vshrl.u32 v8, $0x10;
	v4 =	vand.u32 $0xFFFF0000, v4  }
0xc8: {  	s24 =	simm.s32 $0x49F0;
	s23 =	simm.s32 $0x4;
	[tilespmem:s20+$0xFFFFFF80] =	vst v7;
	v8 =	vadd.s32 $0x8000, v10;
	v7 =	vor.u32 v6, v4;
	v4 =	vld [tilespmem:s21+$0x0];
	v6 =	vand.u32 $0xFFFF0000, v9  }
.LBB2_5:
0xc9: {  	v9 =	vld [tilespmem:s24+$0xFFFFFF90];
	v8 =	vshrl.u32 v8, $0x10;
	v2 =	vadd.s32 $0x8000, v2;
	[tilespmem:s22+$0xFFFFFF70] =	vst v7;
	v1 =	vor.u32 v1, v6  }
0xca: {  	v6 =	vld [tilespmem:s24+$0xFFFFFFD0];
	v2 =	vand.u32 $0xFFFF0000, v2;
	v3 =	vadd.s32 $0x8000, v3;
	[tilespmem:s20+$0xFFFFFFC0] =	vst v1;
	s20 =	smov.u32 s22  }
0xcb: {  	v1 =	vld [tilespmem:s24+$0xFFFFFE50];
	v2 =	vor.u32 v8, v2;
	v3 =	vshrl.u32 v3, $0x10;
	v5 =	vadd.s32 $0x8000, v5  }
0xcc: {  	v7 =	vld [tilespmem:s24+$0xFFFFFE90];
	[tilespmem:s22+$0xFFFFFF30] =	vst v2;
	v2 =	vand.u32 $0xFFFF0000, v5  }
0xcd: {  	s23 =	sadd.s32 $0x4, s23;
	v0 =	vadd.s32 $0x8000, v0;
	v5 =	vld [tilespmem:s24+$0xFFFFFED0];
	v2 =	vor.u32 v3, v2;
	v3 =	vadd.s32 $0x8000, v4  }
0xce: {  	p0 =	slt.u32 s23, $0x84;
	v0 =	vshrl.u32 v0, $0x10;
	v4 =	vld [tilespmem:s24+$0xFFFFFF10];
	[tilespmem:s22+$0xFFFFFFB0] =	vst v2;
	v2 =	vand.u32 $0xFFFF0000, v3  }
0xcf: {  	v8 =	vadd.s32 $0x8000, v9;
	v3 =	vld [tilespmem:s24+$0xFFFFFF50];
	v6 =	vadd.s32 $0x8000, v6;
	v0 =	vor.u32 v0, v2  }
0xd0: {  	v8 =	vshrl.u32 v8, $0x10;
	v2 =	vld [tilespmem:s24+$0xFFFFFE10];
	v1 =	vadd.s32 $0x8000, v1;
	v6 =	vand.u32 $0xFFFF0000, v6;
	[tilespmem:s22+$0x0] =	vst v0  }
0xd1: {  	s22 =	sadd.s32 $0x100, s22;
	v0 =	vand.u32 $0xFFFF0000, v1;
	v1 =	vadd.s32 $0x8000, v7;
	v6 =	vor.u32 v8, v6;
	v7 =	vld [tilespmem:s21+$0xFFFFFE40]  }
0xd2: {  	v1 =	vshrl.u32 v1, $0x10;
	v5 =	vadd.s32 $0x8000, v5;
	[tilespmem:s22+$0xFFFFFFD0] =	vst v6;
	v6 =	vld [tilespmem:s21+$0xFFFFFE80]  }
0xd3: {  	v5 =	vand.u32 $0xFFFF0000, v5;
	v4 =	vadd.s32 $0x8000, v4;
	v8 =	vld [tilespmem:s24+$0xFFFFFFA0]  }
0xd4: {  	v1 =	vor.u32 v1, v5;
	v4 =	vshrl.u32 v4, $0x10;
	v3 =	vadd.s32 $0x8000, v3;
	v5 =	vld [tilespmem:s24+$0xFFFFFFE0]  }
0xd5: {  	v2 =	vadd.s32 $0x8000, v2;
	[tilespmem:s22+$0xFFFFFF50] =	vst v1;
	v1 =	vand.u32 $0xFFFF0000, v3;
	v3 =	vld [tilespmem:s21+$0xFFFFFEC0]  }
0xd6: {  	v2 =	vshrl.u32 v2, $0x10;
	v9 =	vld [tilespmem:s24+$0xFFFFFEA0];
	v1 =	vor.u32 v4, v1;
	v4 =	vadd.s32 $0x8000, v7  }
0xd7: {  	v0 =	vor.u32 v2, v0;
	v2 =	vld [tilespmem:s24+$0xFFFFFEE0];
	[tilespmem:s22+$0xFFFFFF90] =	vst v1;
	v1 =	vshrl.u32 v4, $0x10;
	v4 =	vadd.s32 $0x8000, v6  }
0xd8: {  	[tilespmem:s22+$0xFFFFFF10] =	vst v0;
	v0 =	vld [tilespmem:s24+$0xFFFFFF20];
	v4 =	vand.u32 $0xFFFF0000, v4  }
0xd9: {  	v7 =	vadd.s32 $0x8000, v8;
	v6 =	vld [tilespmem:s24+$0xFFFFFE20];
	v5 =	vadd.s32 $0x8000, v5;
	v1 =	vor.u32 v1, v4  }
0xda: {  	v7 =	vshrl.u32 v7, $0x10;
	v4 =	vld [tilespmem:s24+$0xFFFFFE60];
	v5 =	vand.u32 $0xFFFF0000, v5;
	[tilespmem:s20+$0xFFFFFF40] =	vst v1;
	v1 =	vadd.s32 $0x8000, v3  }
0xdb: {  	v3 =	vadd.s32 $0x8000, v9;
	v8 =	vld [tilespmem:s24+$0xFFFFFF60];
	v5 =	vor.u32 v7, v5;
	v1 =	vshrl.u32 v1, $0x10  }
0xdc: {  	v3 =	vshrl.u32 v3, $0x10;
	v2 =	vadd.s32 $0x8000, v2;
	[tilespmem:s22+$0xFFFFFFE0] =	vst v5;
	v5 =	vld [tilespmem:s21+$0xFFFFFF00]  }
0xdd: {  	v2 =	vand.u32 $0xFFFF0000, v2;
	v0 =	vadd.s32 $0x8000, v0;
	v7 =	vld [tilespmem:s24+$0xFFFFFFB0]  }
0xde: {  	v6 =	vadd.s32 $0x8000, v6;
	v2 =	vor.u32 v3, v2;
	v0 =	vshrl.u32 v0, $0x10;
	v3 =	vld [tilespmem:s24+$0xFFFFFFF0]  }
0xdf: {  	v6 =	vshrl.u32 v6, $0x10;
	v4 =	vadd.s32 $0x8000, v4;
	[tilespmem:s22+$0xFFFFFF60] =	vst v2;
	v9 =	vld [tilespmem:s21+$0xFFFFFF40]  }
0xe0: {  	v2 =	vand.u32 $0xFFFF0000, v4;
	v4 =	vld [tilespmem:s24+$0xFFFFFEB0];
	v8 =	vadd.s32 $0x8000, v8  }
0xe1: {  	v2 =	vor.u32 v6, v2;
	v6 =	vld [tilespmem:s24+$0xFFFFFEF0];
	v8 =	vand.u32 $0xFFFF0000, v8;
	v5 =	vadd.s32 $0x8000, v5  }
0xe2: {  	[tilespmem:s22+$0xFFFFFF20] =	vst v2;
	v0 =	vor.u32 v0, v8;
	v2 =	vand.u32 $0xFFFF0000, v5;
	v8 =	vld [tilespmem:s21+$0xFFFFFF80];
	s21 =	smov.u32 s24  }
0xe3: {  	v10 =	vld [tilespmem:s24+$0xFFFFFE30];
	[tilespmem:s22+$0xFFFFFFA0] =	vst v0;
	v0 =	vadd.s32 $0x8000, v7;
	v3 =	vadd.s32 $0x8000, v3;
	v1 =	vor.u32 v1, v2  }
.Ltmp1:
0xe4: {  	v2 =	vld [tilespmem:s24+$0xFFFFFE70];
	v0 =	vshrl.u32 v0, $0x10;
	v5 =	vand.u32 $0xFFFF0000, v3;
	[tilespmem:s20+$0xFFFFFF80] =	vst v1;
	v1 =	vadd.s32 $0x8000, v9;
	(pc) =	sbr.rel @p0 .LBB2_5-.Ltmp1, $4  }
0xe5: {  	v4 =	vadd.s32 $0x8000, v4;
	v3 =	vld [tilespmem:s24+$0xFFFFFF30];
	v0 =	vor.u32 v0, v5;
	v1 =	vshrl.u32 v1, $0x10  }
0xe6: {  	v4 =	vshrl.u32 v4, $0x10;
	v6 =	vadd.s32 $0x8000, v6;
	v5 =	vld [tilespmem:s24+$0xFFFFFF70];
	[tilespmem:s22+$0xFFFFFFF0] =	vst v0  }
0xe7: {  	v6 =	vand.u32 $0xFFFF0000, v6;
	v0 =	vld [tilespmem:s24+$0xFFFFFFC0];
	v9 =	vadd.s32 $0x8000, v8  }
0xe8: {  	s24 =	sadd.s32 $0x200, s24;
	v8 =	vadd.s32 $0x8000, v10;
	v7 =	vor.u32 v4, v6;
	v4 =	vld [tilespmem:s21+$0x0];
	v6 =	vand.u32 $0xFFFF0000, v9  }
0xe9: {  	v2 =	vadd.s32 $0x8000, v2  }
0xea: {  	v8 =	vshrl.u32 v8, $0x10;
	[tilespmem:s22+$0xFFFFFF70] =	vst v7;
	v2 =	vand.u32 $0xFFFF0000, v2  }
0xeb: {  	v48 =	vadd.s32 $0x8000, v3;
	v52 =	vld [tilespmem:s21+$0xFFFFFEC0];
	v2 =	vor.u32 v8, v2;
	v49 =	vadd.s32 $0x8000, v5  }
0xec: {  	v53 =	vld [tilespmem:s21+$0xFFFFFF00];
	[tilespmem:s22+$0xFFFFFF30] =	vst v2;
	v2 =	vshrl.u32 v48, $0x10;
	v3 =	vand.u32 $0xFFFF0000, v49  }
0xed: {  	v50 =	vld [tilespmem:s21+$0xFFFFFE40];
	v2 =	vor.u32 v2, v3  }
0xee: {  	v51 =	vld [tilespmem:s21+$0xFFFFFE80];
	[tilespmem:s22+$0xFFFFFFB0] =	vst v2  }
0xef: {  	v54 =	vld [tilespmem:s21+$0xFFFFFF40]  }
0xf0: {  	v0 =	vadd.s32 $0x8000, v0;
	v4 =	vadd.s32 $0x8000, v4;
	v9 =	vld [tilespmem:s21+$0xFFFFFF80]  }
0xf1: {  	v1 =	vor.u32 v1, v6;
	v0 =	vshrl.u32 v0, $0x10;
	v4 =	vand.u32 $0xFFFF0000, v4  }
0xf2: {  	v0 =	vor.u32 v0, v4;
	v3 =	vadd.s32 $0x8000, v52;
	v2 =	vadd.s32 $0x8000, v53  }
0xf3: {  	s18 =	sadd.s32 $0x1, s18;
	v3 =	vshrl.u32 v3, $0x10;
	v58 =	vand.u32 $0xFFFF0000, v2;
	v55 =	vadd.s32 $0x8000, v50  }
0xf4: {  	p0 =	sne.s32 s18, $0xB;
	[tilespmem:s22+$0x0] =	vst v0;
	v0 =	vor.u32 v3, v58;
	v56 =	vadd.s32 $0x8000, v51;
	v4 =	vshrl.u32 v55, $0x10  }
.Ltmp2:
0xf5: {  	[tilespmem:s20+$0xFFFFFFC0] =	vst v1;
	v5 =	vand.u32 $0xFFFF0000, v56;
	v59 =	vadd.s32 $0x8000, v54;
	v60 =	vadd.s32 $0x8000, v9;
	(pc) =	sbr.rel @p0 .LBB2_2-.Ltmp2, $4  }
0xf6: {  	s19 =	sshll.u32 s19, $0x3;
	[tilespmem:s22+$0xFFFFFF80] =	vst v0;
	v57 =	vor.u32 v4, v5;
	v61 =	vshrl.u32 v59, $0x10;
	v62 =	vand.u32 $0xFFFF0000, v60  }
0xf7: {  	s19 =	sand.u32 $0x1FFFFFC0, s19;
	[tilespmem:s22+$0xFFFFFF40] =	vst v57;
	v63 =	vor.u32 v61, v62  }
0xf8: {  	s19 =	sadd.s32 s5, s19;
	[tilespmem:s22+$0xFFFFFFC0] =	vst v63  }
0xf9: {  	[hbm4b:s19+s3] =	stream.linear.scatter [tilespmem:s15], [sflag:$0x4], $0x2200, $0x38;
	[tilespmem:$0xCC00] =	vst v63  }
0xfa: {  	_ =	swait.ge [sflag:s16], $0x2200  }
0xfb: {  	[sflag:s16] =	ssyncset.done $0x0  }
0xfc: {  	[sflag:s16] =	ssyncadd.s32 $0xFFFFDE00  }
0xfd: {  	_ =	swait.ge [sflag:s11], $0x4400  }
0xfe: {  	[sflag:s11] =	ssyncset.done $0x0  }
0xff: {  	s21 =	simm.s32 $0x100;
	[sflag:s11] =	ssyncadd.s32 $0xFFFFBC00  }
0x100: {  	v0 =	vld [tilespmem:s21+$0x80]  }
0x101: {  	v1 =	vld [tilespmem:s21+$0xC0];
	_ =	sdelay $0x1  }
0x102: {  	v2 =	vld [tilespmem:s21+$0xFFFFFF80]  }
0x103: {  	v3 =	vld [tilespmem:s21+$0xFFFFFFC0]  }
0x104: {  	v4 =	vld [tilespmem:s21+$0xFFFFFF40]  }
0x105: {  	v5 =	vld [tilespmem:s21+$0xFFFFFF00];
	v0 =	vadd.s32 $0x8000, v0;
	v1 =	vadd.s32 $0x8000, v1  }
0x106: {  	v6 =	vld [tilespmem:s21+$0x0];
	v0 =	vshrl.u32 v0, $0x10;
	v1 =	vand.u32 $0xFFFF0000, v1  }
0x107: {  	s18 =	simm.s32 $0x8880;
	s19 =	simm.s32 $0x300;
	v0 =	vor.u32 v0, v1;
	v1 =	vld [tilespmem:s21+$0x40]  }
0x108: {  	v8 =	vld [tilespmem:s19+$0x80];
	[tilespmem:s18+$0x40] =	vst v0;
	v0 =	vadd.s32 $0x8000, v2;
	v2 =	vadd.s32 $0x8000, v3  }
0x109: {  	v3 =	vld [tilespmem:s21+$0x90];
	v0 =	vshrl.u32 v0, $0x10;
	v2 =	vand.u32 $0xFFFF0000, v2  }
0x10a: {  	v4 =	vadd.s32 $0x8000, v4;
	v7 =	vld [tilespmem:s21+$0xD0];
	v0 =	vor.u32 v0, v2;
	v2 =	vadd.s32 $0x8000, v5  }
0x10b: {  	v9 =	vld [tilespmem:s19+$0xC0];
	v4 =	vand.u32 $0xFFFF0000, v4;
	[tilespmem:s18+$0xFFFFFFC0] =	vst v0;
	v0 =	vshrl.u32 v2, $0x10  }
0x10c: {  	v2 =	vadd.s32 $0x8000, v6;
	v1 =	vadd.s32 $0x8000, v1;
	v5 =	vld [tilespmem:s21+$0xFFFFFF90];
	v0 =	vor.u32 v0, v4  }
0x10d: {  	v2 =	vshrl.u32 v2, $0x10;
	v4 =	vld [tilespmem:s21+$0xFFFFFFD0];
	v1 =	vand.u32 $0xFFFF0000, v1;
	[tilespmem:s18+$0xFFFFFF80] =	vst v0  }
0x10e: {  	v0 =	vor.u32 v2, v1;
	v1 =	vld [tilespmem:s21+$0xFFFFFF10]  }
0x10f: {  	v2 =	vadd.s32 $0x8000, v3;
	v3 =	vadd.s32 $0x8000, v7;
	[tilespmem:s18+$0x0] =	vst v0;
	v0 =	vld [tilespmem:s21+$0xFFFFFF50]  }
0x110: {  	v2 =	vshrl.u32 v2, $0x10;
	v3 =	vand.u32 $0xFFFF0000, v3;
	v6 =	vld [tilespmem:s21+$0x10]  }
0x111: {  	v2 =	vor.u32 v2, v3;
	v3 =	vld [tilespmem:s21+$0x50]  }
0x112: {  	v10 =	vld [tilespmem:s19+$0xFFFFFF40];
	[tilespmem:s18+$0x50] =	vst v2;
	v2 =	vadd.s32 $0x8000, v5;
	v4 =	vadd.s32 $0x8000, v4  }
0x113: {  	v11 =	vld [tilespmem:s19+$0xFFFFFF80];
	v2 =	vshrl.u32 v2, $0x10;
	v4 =	vand.u32 $0xFFFF0000, v4  }
0x114: {  	v5 =	vld [tilespmem:s21+$0xA0];
	v1 =	vadd.s32 $0x8000, v1;
	v2 =	vor.u32 v2, v4;
	v0 =	vadd.s32 $0x8000, v0  }
0x115: {  	v7 =	vld [tilespmem:s21+$0xE0];
	v1 =	vshrl.u32 v1, $0x10;
	[tilespmem:s18+$0xFFFFFFD0] =	vst v2;
	v0 =	vand.u32 $0xFFFF0000, v0  }
0x116: {  	v2 =	vadd.s32 $0x8000, v6;
	v4 =	vld [tilespmem:s21+$0xFFFFFFA0];
	v3 =	vadd.s32 $0x8000, v3;
	v0 =	vor.u32 v1, v0  }
0x117: {  	v1 =	vshrl.u32 v2, $0x10;
	v2 =	vld [tilespmem:s21+$0xFFFFFFE0];
	v3 =	vand.u32 $0xFFFF0000, v3;
	[tilespmem:s18+$0xFFFFFF90] =	vst v0  }
0x118: {  	v0 =	vor.u32 v1, v3;
	v1 =	vld [tilespmem:s21+$0xFFFFFF20]  }
0x119: {  	v8 =	vadd.s32 $0x8000, v8;
	v9 =	vadd.s32 $0x8000, v9;
	[tilespmem:s18+$0x10] =	vst v0;
	v0 =	vld [tilespmem:s21+$0xFFFFFF60]  }
0x11a: {  	v8 =	vshrl.u32 v8, $0x10;
	v3 =	vadd.s32 $0x8000, v5;
	v5 =	vadd.s32 $0x8000, v7;
	v6 =	vld [tilespmem:s21+$0x20]  }
0x11b: {  	v12 =	vld [tilespmem:s19+$0xFFFFFFC0];
	v9 =	vand.u32 $0xFFFF0000, v9;
	v3 =	vshrl.u32 v3, $0x10;
	v5 =	vand.u32 $0xFFFF0000, v5  }
0x11c: {  	v13 =	vld [tilespmem:s19+$0x0];
	v3 =	vor.u32 v3, v5;
	v4 =	vadd.s32 $0x8000, v4;
	v2 =	vadd.s32 $0x8000, v2  }
0x11d: {  	v5 =	vld [tilespmem:s21+$0x60];
	[tilespmem:s18+$0x60] =	vst v3;
	v4 =	vshrl.u32 v4, $0x10;
	v2 =	vand.u32 $0xFFFF0000, v2;
	v1 =	vadd.s32 $0x8000, v1  }
0x11e: {  	v3 =	vld [tilespmem:s21+$0xB0];
	v0 =	vadd.s32 $0x8000, v0;
	v2 =	vor.u32 v4, v2;
	v1 =	vshrl.u32 v1, $0x10  }
0x11f: {  	s20 =	simm.s32 $0x8980;
	v7 =	vld [tilespmem:s21+$0xF0];
	v0 =	vand.u32 $0xFFFF0000, v0;
	v4 =	vadd.s32 $0x8000, v6;
	v6 =	vor.u32 v8, v9  }
0x120: {  	v0 =	vor.u32 v1, v0;
	v1 =	vld [tilespmem:s19+$0x40];
	[tilespmem:s20+$0x40] =	vst v6  }
0x121: {  	v9 =	vadd.s32 $0x8000, v11;
	v11 =	vadd.s32 $0x8000, v12;
	[tilespmem:s18+$0xFFFFFFA0] =	vst v0;
	v0 =	vld [tilespmem:s19+$0xFFFFFF00]  }
0x122: {  	v9 =	vshrl.u32 v9, $0x10;
	v11 =	vand.u32 $0xFFFF0000, v11;
	v59 =	vld [tilespmem:s19+$0x90]  }
0x123: {  	v9 =	vor.u32 v9, v11;
	v11 =	vld [tilespmem:s19+$0xD0]  }
0x124: {  	v10 =	vadd.s32 $0x8000, v10;
	v8 =	vld [tilespmem:s21+$0xFFFFFF30]  }
0x125: {  	v10 =	vand.u32 $0xFFFF0000, v10;
	[tilespmem:s18+$0xFFFFFFE0] =	vst v2;
	v2 =	vadd.s32 $0x8000, v13;
	v6 =	vld [tilespmem:s21+$0xFFFFFF70];
	v1 =	vadd.s32 $0x8000, v1  }
0x126: {  	v2 =	vshrl.u32 v2, $0x10;
	[tilespmem:s20+$0xFFFFFFC0] =	vst v9;
	v9 =	vld [tilespmem:s21+$0xFFFFFFB0];
	v0 =	vadd.s32 $0x8000, v0;
	v1 =	vand.u32 $0xFFFF0000, v1  }
0x127: {  	v5 =	vadd.s32 $0x8000, v5;
	v60 =	vld [tilespmem:s19+$0xFFFFFF90];
	v0 =	vshrl.u32 v0, $0x10;
	v1 =	vor.u32 v2, v1  }
0x128: {  	v2 =	vshrl.u32 v4, $0x10;
	v4 =	vand.u32 $0xFFFF0000, v5;
	v5 =	vld [tilespmem:s19+$0xFFFFFFD0];
	v0 =	vor.u32 v0, v10;
	[tilespmem:s20+$0x0] =	vst v1  }
0x129: {  	v8 =	vadd.s32 $0x8000, v8;
	v1 =	vor.u32 v2, v4;
	v2 =	vadd.s32 $0x8000, v3;
	[tilespmem:s20+$0xFFFFFF80] =	vst v0;
	v0 =	vld [tilespmem:s19+$0x10]  }
0x12a: {  	v3 =	vadd.s32 $0x8000, v7;
	v7 =	vadd.s32 $0x8000, v59;
	v10 =	vadd.s32 $0x8000, v11;
	v4 =	vld [tilespmem:s19+$0xFFFFFF10]  }
0x12b: {  	v6 =	vadd.s32 $0x8000, v6;
	v7 =	vshrl.u32 v7, $0x10;
	v10 =	vand.u32 $0xFFFF0000, v10;
	v11 =	vld [tilespmem:s19+$0xFFFFFF50]  }
0x12c: {  	v8 =	vshrl.u32 v8, $0x10;
	v6 =	vand.u32 $0xFFFF0000, v6;
	v61 =	vld [tilespmem:s19+$0x50];
	v7 =	vor.u32 v7, v10  }
0x12d: {  	v2 =	vshrl.u32 v2, $0x10;
	v10 =	vadd.s32 $0x8000, v60;
	[tilespmem:s20+$0x50] =	vst v7;
	v7 =	vld [tilespmem:s21+$0xFFFFFFF0];
	v5 =	vadd.s32 $0x8000, v5  }
0x12e: {  	v3 =	vand.u32 $0xFFFF0000, v3;
	v10 =	vshrl.u32 v10, $0x10;
	v62 =	vld [tilespmem:s19+$0xA0];
	v5 =	vand.u32 $0xFFFF0000, v5  }
0x12f: {  	[tilespmem:s18+$0x20] =	vst v1;
	v6 =	vor.u32 v8, v6;
	v1 =	vor.u32 v2, v3;
	v3 =	vld [tilespmem:s19+$0xE0];
	v2 =	vor.u32 v10, v5  }
0x130: {  	v5 =	vadd.s32 $0x8000, v9;
	v9 =	vld [tilespmem:s21+$0x30];
	v4 =	vadd.s32 $0x8000, v4;
	v8 =	vadd.s32 $0x8000, v11;
	[tilespmem:s20+$0xFFFFFFD0] =	vst v2  }
0x131: {  	v0 =	vadd.s32 $0x8000, v0;
	v2 =	vshrl.u32 v4, $0x10;
	v4 =	vand.u32 $0xFFFF0000, v8;
	v8 =	vld [tilespmem:s19+$0xFFFFFFA0]  }
0x132: {  	v10 =	vadd.s32 $0x8000, v61;
	v5 =	vshrl.u32 v5, $0x10;
	v2 =	vor.u32 v2, v4;
	v4 =	vld [tilespmem:s19+$0xFFFFFFE0]  }
0x133: {  	v0 =	vshrl.u32 v0, $0x10;
	v10 =	vand.u32 $0xFFFF0000, v10;
	v11 =	vld [tilespmem:s21+$0x70];
	v7 =	vadd.s32 $0x8000, v7;
	[tilespmem:s20+$0xFFFFFF90] =	vst v2  }
0x134: {  	v0 =	vor.u32 v0, v10;
	v63 =	vadd.s32 $0x8000, v62;
	v3 =	vadd.s32 $0x8000, v3;
	v10 =	vld [tilespmem:s19+$0xFFFFFF20]  }
0x135: {  	v7 =	vand.u32 $0xFFFF0000, v7;
	[tilespmem:s20+$0x10] =	vst v0;
	v0 =	vshrl.u32 v63, $0x10;
	v3 =	vand.u32 $0xFFFF0000, v3;
	v2 =	vld [tilespmem:s19+$0xFFFFFF60]  }
0x136: {  	[tilespmem:s18+$0x70] =	vst v1;
	v7 =	vor.u32 v5, v7;
	v1 =	vadd.s32 $0x8000, v9;
	v0 =	vor.u32 v0, v3;
	v3 =	vld [tilespmem:s19+$0x20]  }
0x137: {  	v5 =	vld [tilespmem:s19+$0x60];
	v1 =	vshrl.u32 v1, $0x10;
	[tilespmem:s20+$0x60] =	vst v0;
	v8 =	vadd.s32 $0x8000, v8;
	v4 =	vadd.s32 $0x8000, v4  }
0x138: {  	[tilespmem:s18+$0xFFFFFFB0] =	vst v6;
	v9 =	vadd.s32 $0x8000, v11;
	v0 =	vld [tilespmem:s19+$0xB0];
	v6 =	vshrl.u32 v8, $0x10;
	v4 =	vand.u32 $0xFFFF0000, v4  }
0x139: {  	s22 =	simm.s32 $0x500;
	s21 =	simm.s32 $0x4;
	[tilespmem:s18+$0xFFFFFFF0] =	vst v7;
	v8 =	vadd.s32 $0x8000, v10;
	v7 =	vor.u32 v6, v4;
	v4 =	vld [tilespmem:s19+$0xF0];
	v6 =	vand.u32 $0xFFFF0000, v9  }
.LBB2_8:
0x13a: {  	v9 =	vld [tilespmem:s22+$0x80];
	v8 =	vshrl.u32 v8, $0x10;
	v2 =	vadd.s32 $0x8000, v2;
	[tilespmem:s20+$0xFFFFFFE0] =	vst v7;
	v1 =	vor.u32 v1, v6  }
0x13b: {  	v6 =	vld [tilespmem:s22+$0xC0];
	v2 =	vand.u32 $0xFFFF0000, v2;
	v3 =	vadd.s32 $0x8000, v3;
	[tilespmem:s18+$0x30] =	vst v1;
	s18 =	smov.u32 s20  }
0x13c: {  	v1 =	vld [tilespmem:s22+$0xFFFFFF40];
	v2 =	vor.u32 v8, v2;
	v3 =	vshrl.u32 v3, $0x10;
	v5 =	vadd.s32 $0x8000, v5  }
0x13d: {  	v7 =	vld [tilespmem:s22+$0xFFFFFF80];
	[tilespmem:s20+$0xFFFFFFA0] =	vst v2;
	v2 =	vand.u32 $0xFFFF0000, v5  }
0x13e: {  	s21 =	sadd.s32 $0x4, s21;
	v0 =	vadd.s32 $0x8000, v0;
	v5 =	vld [tilespmem:s22+$0xFFFFFFC0];
	v2 =	vor.u32 v3, v2;
	v3 =	vadd.s32 $0x8000, v4  }
0x13f: {  	p0 =	slt.u32 s21, $0x84;
	v0 =	vshrl.u32 v0, $0x10;
	v4 =	vld [tilespmem:s22+$0x0];
	[tilespmem:s20+$0x20] =	vst v2;
	v2 =	vand.u32 $0xFFFF0000, v3  }
0x140: {  	v8 =	vadd.s32 $0x8000, v9;
	v3 =	vld [tilespmem:s22+$0x40];
	v6 =	vadd.s32 $0x8000, v6;
	v0 =	vor.u32 v0, v2  }
0x141: {  	v8 =	vshrl.u32 v8, $0x10;
	v2 =	vld [tilespmem:s22+$0xFFFFFF00];
	v1 =	vadd.s32 $0x8000, v1;
	v6 =	vand.u32 $0xFFFF0000, v6;
	[tilespmem:s20+$0x70] =	vst v0  }
0x142: {  	s20 =	sadd.s32 $0x100, s20;
	v0 =	vand.u32 $0xFFFF0000, v1;
	v1 =	vadd.s32 $0x8000, v7;
	v6 =	vor.u32 v8, v6;
	v7 =	vld [tilespmem:s19+$0xFFFFFF30]  }
0x143: {  	v1 =	vshrl.u32 v1, $0x10;
	v5 =	vadd.s32 $0x8000, v5;
	[tilespmem:s20+$0x40] =	vst v6;
	v6 =	vld [tilespmem:s19+$0xFFFFFF70]  }
0x144: {  	v5 =	vand.u32 $0xFFFF0000, v5;
	v4 =	vadd.s32 $0x8000, v4;
	v8 =	vld [tilespmem:s22+$0x90]  }
0x145: {  	v1 =	vor.u32 v1, v5;
	v4 =	vshrl.u32 v4, $0x10;
	v3 =	vadd.s32 $0x8000, v3;
	v5 =	vld [tilespmem:s22+$0xD0]  }
0x146: {  	v2 =	vadd.s32 $0x8000, v2;
	[tilespmem:s20+$0xFFFFFFC0] =	vst v1;
	v1 =	vand.u32 $0xFFFF0000, v3;
	v3 =	vld [tilespmem:s19+$0xFFFFFFB0]  }
0x147: {  	v2 =	vshrl.u32 v2, $0x10;
	v9 =	vld [tilespmem:s22+$0xFFFFFF90];
	v1 =	vor.u32 v4, v1;
	v4 =	vadd.s32 $0x8000, v7  }
0x148: {  	v0 =	vor.u32 v2, v0;
	v2 =	vld [tilespmem:s22+$0xFFFFFFD0];
	[tilespmem:s20+$0x0] =	vst v1;
	v1 =	vshrl.u32 v4, $0x10;
	v4 =	vadd.s32 $0x8000, v6  }
0x149: {  	[tilespmem:s20+$0xFFFFFF80] =	vst v0;
	v0 =	vld [tilespmem:s22+$0x10];
	v4 =	vand.u32 $0xFFFF0000, v4  }
0x14a: {  	v7 =	vadd.s32 $0x8000, v8;
	v6 =	vld [tilespmem:s22+$0xFFFFFF10];
	v5 =	vadd.s32 $0x8000, v5;
	v1 =	vor.u32 v1, v4  }
0x14b: {  	v7 =	vshrl.u32 v7, $0x10;
	v4 =	vld [tilespmem:s22+$0xFFFFFF50];
	v5 =	vand.u32 $0xFFFF0000, v5;
	[tilespmem:s18+$0xFFFFFFB0] =	vst v1;
	v1 =	vadd.s32 $0x8000, v3  }
0x14c: {  	v3 =	vadd.s32 $0x8000, v9;
	v8 =	vld [tilespmem:s22+$0x50];
	v5 =	vor.u32 v7, v5;
	v1 =	vshrl.u32 v1, $0x10  }
0x14d: {  	v3 =	vshrl.u32 v3, $0x10;
	v2 =	vadd.s32 $0x8000, v2;
	[tilespmem:s20+$0x50] =	vst v5;
	v5 =	vld [tilespmem:s19+$0xFFFFFFF0]  }
0x14e: {  	v2 =	vand.u32 $0xFFFF0000, v2;
	v0 =	vadd.s32 $0x8000, v0;
	v7 =	vld [tilespmem:s22+$0xA0]  }
0x14f: {  	v6 =	vadd.s32 $0x8000, v6;
	v2 =	vor.u32 v3, v2;
	v0 =	vshrl.u32 v0, $0x10;
	v3 =	vld [tilespmem:s22+$0xE0]  }
0x150: {  	v6 =	vshrl.u32 v6, $0x10;
	v4 =	vadd.s32 $0x8000, v4;
	[tilespmem:s20+$0xFFFFFFD0] =	vst v2;
	v9 =	vld [tilespmem:s19+$0x30]  }
0x151: {  	v2 =	vand.u32 $0xFFFF0000, v4;
	v4 =	vld [tilespmem:s22+$0xFFFFFFA0];
	v8 =	vadd.s32 $0x8000, v8  }
0x152: {  	v2 =	vor.u32 v6, v2;
	v6 =	vld [tilespmem:s22+$0xFFFFFFE0];
	v8 =	vand.u32 $0xFFFF0000, v8;
	v5 =	vadd.s32 $0x8000, v5  }
0x153: {  	[tilespmem:s20+$0xFFFFFF90] =	vst v2;
	v0 =	vor.u32 v0, v8;
	v2 =	vand.u32 $0xFFFF0000, v5;
	v8 =	vld [tilespmem:s19+$0x70];
	s19 =	smov.u32 s22  }
0x154: {  	v10 =	vld [tilespmem:s22+$0xFFFFFF20];
	[tilespmem:s20+$0x10] =	vst v0;
	v0 =	vadd.s32 $0x8000, v7;
	v3 =	vadd.s32 $0x8000, v3;
	v1 =	vor.u32 v1, v2  }
.Ltmp3:
0x155: {  	v2 =	vld [tilespmem:s22+$0xFFFFFF60];
	v0 =	vshrl.u32 v0, $0x10;
	v5 =	vand.u32 $0xFFFF0000, v3;
	[tilespmem:s18+$0xFFFFFFF0] =	vst v1;
	v1 =	vadd.s32 $0x8000, v9;
	(pc) =	sbr.rel @p0 .LBB2_8-.Ltmp3, $4  }
0x156: {  	v4 =	vadd.s32 $0x8000, v4;
	v3 =	vld [tilespmem:s22+$0x20];
	v0 =	vor.u32 v0, v5;
	v1 =	vshrl.u32 v1, $0x10  }
0x157: {  	v4 =	vshrl.u32 v4, $0x10;
	v6 =	vadd.s32 $0x8000, v6;
	v5 =	vld [tilespmem:s22+$0x60];
	[tilespmem:s20+$0x60] =	vst v0  }
0x158: {  	v6 =	vand.u32 $0xFFFF0000, v6;
	v0 =	vld [tilespmem:s22+$0xB0];
	v9 =	vadd.s32 $0x8000, v8  }
0x159: {  	s22 =	sadd.s32 $0x200, s22;
	v8 =	vadd.s32 $0x8000, v10;
	v7 =	vor.u32 v4, v6;
	v4 =	vld [tilespmem:s19+$0xF0];
	v6 =	vand.u32 $0xFFFF0000, v9  }
0x15a: {  	v2 =	vadd.s32 $0x8000, v2  }
0x15b: {  	v8 =	vshrl.u32 v8, $0x10;
	[tilespmem:s20+$0xFFFFFFE0] =	vst v7;
	v2 =	vand.u32 $0xFFFF0000, v2  }
0x15c: {  	v48 =	vadd.s32 $0x8000, v3;
	v52 =	vld [tilespmem:s19+$0xFFFFFFB0];
	v2 =	vor.u32 v8, v2;
	v49 =	vadd.s32 $0x8000, v5  }
0x15d: {  	v53 =	vld [tilespmem:s19+$0xFFFFFFF0];
	[tilespmem:s20+$0xFFFFFFA0] =	vst v2;
	v2 =	vshrl.u32 v48, $0x10;
	v3 =	vand.u32 $0xFFFF0000, v49  }
0x15e: {  	v50 =	vld [tilespmem:s19+$0xFFFFFF30];
	v2 =	vor.u32 v2, v3  }
0x15f: {  	v51 =	vld [tilespmem:s19+$0xFFFFFF70];
	[tilespmem:s20+$0x20] =	vst v2  }
0x160: {  	v54 =	vld [tilespmem:s19+$0x30]  }
0x161: {  	v0 =	vadd.s32 $0x8000, v0;
	v4 =	vadd.s32 $0x8000, v4;
	v9 =	vld [tilespmem:s19+$0x70]  }
0x162: {  	v1 =	vor.u32 v1, v6;
	v0 =	vshrl.u32 v0, $0x10;
	v4 =	vand.u32 $0xFFFF0000, v4  }
0x163: {  	v0 =	vor.u32 v0, v4;
	v3 =	vadd.s32 $0x8000, v52;
	v2 =	vadd.s32 $0x8000, v53  }
0x164: {  	v3 =	vshrl.u32 v3, $0x10;
	v58 =	vand.u32 $0xFFFF0000, v2;
	v55 =	vadd.s32 $0x8000, v50  }
0x165: {  	[tilespmem:s20+$0x70] =	vst v0;
	v0 =	vor.u32 v3, v58;
	v56 =	vadd.s32 $0x8000, v51;
	v4 =	vshrl.u32 v55, $0x10  }
0x166: {  	[tilespmem:s18+$0x30] =	vst v1;
	v5 =	vand.u32 $0xFFFF0000, v56;
	v59 =	vadd.s32 $0x8000, v54;
	v60 =	vadd.s32 $0x8000, v9  }
0x167: {  	s17 =	sadd.s32 $0x1, s17;
	[tilespmem:s20+$0xFFFFFFF0] =	vst v0;
	v57 =	vor.u32 v4, v5;
	v61 =	vshrl.u32 v59, $0x10;
	v62 =	vand.u32 $0xFFFF0000, v60  }
0x168: {  	p0 =	sne.s32 s17, s9;
	[tilespmem:s20+$0xFFFFFFB0] =	vst v57;
	v63 =	vor.u32 v61, v62  }
.Ltmp4:
0x169: {  	[tilespmem:s20+$0x30] =	vst v63;
	(pc) =	sbr.rel @p0 .LBB2_1-.Ltmp4, $4  }
0x16a: {  	[hbm4b:s8+s3] =	stream.linear.scatter [tilespmem:s12], [sflag:$0x3], $0x2200, $0x38;
	[tilespmem:$0xCC00] =	vst v63  }
0x16b: {  	_ =	swait.ge [sflag:s13], $0x2200  }
0x16c: {  	[sflag:s13] =	ssyncset.done $0x0  }
0x16d: {  	[sflag:s13] =	ssyncadd.s32 $0xFFFFDE00  }
0x16e: {  	_ =	sfence.sel $0x180000  }
0x16f: {  	[bflag:$0x0] =	sbarrier.arrive $0xFFFF  }
0x170: {  	p0 =	sne.s32 s0, $0x0;
	_ =	strace $0x90000047  }
0x171: {  	s0 =	sadd.s32 @!p0 $0x100000, s1;
	[bflag:$0x2] =	sbarrier.arrive $0xFFFF  }
0x172: {  	[sflag:s0] =	ssyncadd.tile.s32 @!p0 $0x1;
	_ =	shalt  }
.Lfunc_end2:
_tile_overlayer_lowered:
.L_overlay_start_2:
0x173: {  	(tag) =	ssettag $0x2  }
0x174: {  	s0 =	rddreg [dreg:$0x0];
	s2 =	stileid.u32  }
0x175: {  	s1 =	rddreg [dreg:$0x1];
	p0 =	sne.s32 s2, $0x0  }
0x176: {  	s3 =	rddreg [dreg:$0x2];
	[bflag:$0x3] =	sbarrier.arrive $0xFFFF;
	s2 =	simm.s32 @!p0 $0x1C05  }
0x177: {  	[timem:s3], [sflag:s2] =	dma.local @!p0 [hbm:s0], s1  }
0x178: {  	s0 =	simm.s32 @!p0 $0x5  }
0x179: {  	_ =	swait.ge @!p0 [sflag:s0], s1  }
0x17a: {  	s1 =	ssub.s32 @!p0 $0x0, s1;
	[sflag:s0] =	ssyncset.done @!p0 $0x0  }
0x17b: {  	[sflag:s0] =	ssyncadd.s32 @!p0 s1  }
0x17c: {  	[bflag:$0x3] =	sbarrier.arrive $0xFFFF  }
0x17d: {  	_ =	shalt  }

// kernel: kernel.7.cloned.1.call-start
scs
__scs_entry_jumppad:
0x0: {  	(pc) =	sbr.rel $0x88, $3  }
0x1: {  	(tag) =	ssettag $0x0;
	lr =	simm.s32 $0x1  }
0x2: {  	[smem:$0x3F9E] =	sst lr;
	_ =	strace $0xD0000000  }
0x3: {  	_ = 	snop  }
0x4: {  	_ = 	snop  }
0x5: {  	_ = 	snop  }
0x6: {  	_ = 	snop  }
0x7: {  	_ = 	snop  }
__scs_overlays_trampoline_lowered:
0x8: {  	[smem:$0x3FAD] =	sst s0  }
0x9: {  	[smem:$0x3FAE] =	sst s1  }
0xa: {  	[smem:$0x3FAF] =	sst s2  }
0xb: {  	[smem:$0x3FB0] =	sst s3  }
0xc: {  	[smem:$0x3FB1] =	sst s4  }
0xd: {  	[smem:$0x3FB2] =	sst s5  }
0xe: {  	[smem:$0x3FB3] =	sst s6  }
0xf: {  	[smem:$0x3FB4] =	sst s7  }
0x10: {  	[smem:$0x3FB5] =	sst s8  }
0x11: {  	[smem:$0x3FB6] =	sst s9;
	s0 =	simm.s32 @!p0 $0x0  }
0x12: {  	s1 =	sld [smem:$0x3F9C];
	s0 =	simm.s32 @p0 $0x1  }
0x13: {  	[smem:$0x3FB7] =	sst s0;
	s0 =	simm.s32 @!p1 $0x0  }
0x14: {  	s2 =	sld [smem:$0x3F9B];
	s0 =	simm.s32 @p1 $0x1  }
0x15: {  	[smem:$0x3FB8] =	sst s0;
	s0 =	simm.s32 @!p2 $0x0  }
0x16: {  	s3 =	sld [smem:$0x3FDB];
	s0 =	simm.s32 @p2 $0x1  }
0x17: {  	s4 =	simm.s32 $0x1BF5;
	[smem:$0x3FBA] =	sst s0  }
0x18: {  	s0 =	sld [smem:$0x3F9D];
	_ =	swait.ge [sflag:s4], $0x0  }
0x19: {  	s7 =	sld [smem:$0x3F9E]  }
0x1a: {  	s8 =	sadd.s32 $0xFFFFE003, lr  }
0x1b: {  	s9 =	sadd.s32 $0xFFFFFEF7, lr;
	s5 =	simm.s32 $0xFFFFFFFF;
	p2 =	slt.u32 s8, $0xFFFFF086  }
0x1c: {  	p1 =	slt.u32 s9, $0xF7A;
	s5 =	simm.s32 @!p2 $0x0  }
0x1d: {  	s5 =	simm.s32 @p1 $0x1;
	p0 =	seq.s32 s7, s2  }
0x1e: {  	s7 =	smul.u32 @!p0 $0xF7A, s2;
	p2 =	seq.s32 @!p0 s5, $0x0  }
0x1f: {  	s9 =	smul.u32 $0xF7A, s1;
	s8 =	simm.s32 @!p0 $0x1BF5;
	p2 =	por !p2, p0  }
0x20: {  	[sflag:s8] =	ssyncset.s32 @!p0 $0xFFFFF086;
	s6 =	sadd.s32 @!p0 s3, s7;
	s7 =	simm.s32 @!p0 $0x108  }
0x21: {  	s3 =	sadd.s32 s3, s9;
	s6 =	sadd.s32 @!p0 $0x88, s6;
	s7 =	simm.s32 @p2 $0x1082  }
0x22: {  	[simem:s7], [sflag:s8] =	dma.local @!p0 [hbm:s6], $0xF7A  }
0x23: {  	s9 =	sor.u32 $0xD0000000, s2;
	s6 =	simm.s32 $0x108;
	_ =	swait.ge @!p0 [sflag:s8], $0x0  }
0x24: {  	s3 =	sadd.s32 $0x88, s3;
	s6 =	simm.s32 @!p1 $0x1082;
	[sflag:s4] =	ssyncset.s32 $0xFFFFF086  }
0x25: {  	[simem:s6], [sflag:s4] =	dma.local [hbm:s3], $0xF7A  }
0x26: {  	[smem:$0x3F9E] =	sst s1;
	(tag) =	ssettag s2;
	_ =	strace s9  }
0x27: {  	s1 =	sld [smem:$0x3FAE]  }
0x28: {  	s2 =	sld [smem:$0x3FAF]  }
0x29: {  	s4 =	sld [smem:$0x3FB1]  }
0x2a: {  	p0 =	seq.s32 s5, $0x0;
	s5 =	sld [smem:$0x3FB2]  }
0x2b: {  	s6 =	sld [smem:$0x3FB3]  }
0x2c: {  	s7 =	sld [smem:$0x3FB4]  }
0x2d: {  	s3 =	simm.s32 $0x108;
	s8 =	sld [smem:$0x3FB5]  }
0x2e: {  	s3 =	simm.s32 @!p0 $0x1082;
	s9 =	sld [smem:$0x3FB6]  }
0x2f: {  	lr =	sadd.s32 s0, s3;
	s0 =	sld [smem:$0x3FAD]  }
0x30: {  	s3 =	sld [smem:$0x3FB0]  }
0x31: {  	[smem:$0x3FB9] =	sst s10  }
0x32: {  	s10 =	sld [smem:$0x3FB7];
	_ =	sdelay $0x3  }
0x33: {  	p0 =	seq.s32 s10, $0x1;
	s10 =	sld [smem:$0x3FB9];
	_ =	sdelay $0x3  }
0x34: {  	[smem:$0x3FB9] =	sst s10  }
0x35: {  	s10 =	sld [smem:$0x3FB8];
	_ =	sdelay $0x3  }
0x36: {  	p1 =	seq.s32 s10, $0x1;
	s10 =	sld [smem:$0x3FB9];
	_ =	sdelay $0x3  }
0x37: {  	[smem:$0x3FB9] =	sst s10  }
0x38: {  	s10 =	sld [smem:$0x3FBA]  }
0x39: {  	_ = 	snop;
	(pc) =	sbr.ind lr, $3  }
0x3a: {  	_ = 	snop  }
0x3b: {  	_ = 	snop  }
0x3c: {  	p2 =	seq.s32 s10, $0x1;
	s10 =	sld [smem:$0x3FB9]  }
0x3d: {  	_ =	shalt  }
0x3e: {  	_ =	shalt  }
0x3f: {  	_ =	shalt  }
0x40: {  	_ =	shalt  }
0x41: {  	_ =	shalt  }
0x42: {  	_ =	shalt  }
0x43: {  	_ =	shalt  }
0x44: {  	_ =	shalt  }
0x45: {  	_ =	shalt  }
0x46: {  	_ =	shalt  }
0x47: {  	_ =	shalt  }
0x48: {  	_ =	shalt  }
0x49: {  	_ =	shalt  }
0x4a: {  	_ =	shalt  }
0x4b: {  	_ =	shalt  }
0x4c: {  	_ =	shalt  }
0x4d: {  	_ =	shalt  }
0x4e: {  	_ =	shalt  }
0x4f: {  	_ =	shalt  }
0x50: {  	_ =	shalt  }
0x51: {  	_ =	shalt  }
0x52: {  	_ =	shalt  }
0x53: {  	_ =	shalt  }
0x54: {  	_ =	shalt  }
0x55: {  	_ =	shalt  }
0x56: {  	_ =	shalt  }
0x57: {  	_ =	shalt  }
0x58: {  	_ =	shalt  }
0x59: {  	_ =	shalt  }
0x5a: {  	_ =	shalt  }
0x5b: {  	_ =	shalt  }
0x5c: {  	_ =	shalt  }
0x5d: {  	_ =	shalt  }
0x5e: {  	_ =	shalt  }
0x5f: {  	_ =	shalt  }
0x60: {  	_ =	shalt  }
0x61: {  	_ =	shalt  }
0x62: {  	_ =	shalt  }
0x63: {  	_ =	shalt  }
0x64: {  	_ =	shalt  }
0x65: {  	_ =	shalt  }
0x66: {  	_ =	shalt  }
0x67: {  	_ =	shalt  }
0x68: {  	_ =	shalt  }
0x69: {  	_ =	shalt  }
0x6a: {  	_ =	shalt  }
0x6b: {  	_ =	shalt  }
0x6c: {  	_ =	shalt  }
0x6d: {  	_ =	shalt  }
0x6e: {  	_ =	shalt  }
0x6f: {  	_ =	shalt  }
0x70: {  	_ =	shalt  }
0x71: {  	_ =	shalt  }
0x72: {  	_ =	shalt  }
0x73: {  	_ =	shalt  }
0x74: {  	_ =	shalt  }
0x75: {  	_ =	shalt  }
0x76: {  	_ =	shalt  }
0x77: {  	_ =	shalt  }
0x78: {  	_ =	shalt  }
0x79: {  	_ =	shalt  }
0x7a: {  	_ =	shalt  }
0x7b: {  	_ =	shalt  }
0x7c: {  	_ =	shalt  }
0x7d: {  	_ =	shalt  }
0x7e: {  	_ =	shalt  }
0x7f: {  	_ =	shalt  }
0x80: {  	_ =	shalt  }
0x81: {  	_ =	shalt  }
0x82: {  	_ =	shalt  }
0x83: {  	_ =	shalt  }
0x84: {  	_ =	shalt  }
0x85: {  	_ =	shalt  }
0x86: {  	_ =	shalt  }
0x87: {  	_ =	shalt  }
.Lfunc_end0:
.L_simem_size_0:
called_computation.1_lowered:
.L_overlay_start_0:
0x88: {  	s2 =	sld [smem:$0x3FD9]  }
0x89: {  	s3 =	sld [smem:$0x3FFE];
	_ =	sdelay $0x1  }
0x8a: {  	s1 =	srdreg.scid  }
0x8b: {  	s0 =	sand.u32 $0x1, s1  }
0x8c: {  	s17 =	sshll.u32 s0, $0xA;
	s2 =	sadd.s32 s3, s2  }
0x8d: {  	s2 =	sadd.s32 s2, s17  }
0x8e: {  	[smem:$0x3FC5] =	sst s2  }
0x8f: {  	_ = 	snop  }
0x90: {  	s2 =	sld [smem:$0x3FD0];
	(tm) =	ssettm $0x1  }
0x91: {  	s18 =	sld [smem:$0x3FFB];
	_ =	sdelay $0x3  }
0x92: {  	_ =	strace s18  }
0x93: {  	s3 =	sld [smem:$0x3FFC];
	_ =	sdelay $0x3  }
0x94: {  	_ =	strace s3  }
0x95: {  	s3 =	sld [smem:$0x3FFD];
	_ =	sdelay $0x3  }
0x96: {  	_ =	strace s3  }
0x97: {  	_ =	strace $0x8FFFFFFF  }
0x98: {  	s19 =	sld [smem:$0x3FDB];
	_ =	sdelay $0x1  }
0x99: {  	s4 =	simm.s32 $_scs_section_size  }
0x9a: {  	s5 =	simm.s32 $_size__tile_overlayer_lowered;
	s6 =	simm.s32 $_tile_overlayer_lowered  }
0x9b: {  	s22 =	simm.s32 $0x1BFF;
	s21 =	sshll.u32 s6, $0x1;
	s3 =	sadd.s32 s4, s19  }
0x9c: {  	s7 =	simm.s32 $0x0;
	s20 =	sshll.u32 s5, $0x1;
	s5 =	sadd.s32 s21, s3  }
0x9d: {  	[timem:s7], [sflag:s22] =	dma.local [hbm:s5], s20  }
0x9e: {  	_ =	swait.ge [sflag:s22], s20  }
0x9f: {  	s4 =	ssub.s32 $0x0, s20;
	[sflag:s22] =	ssyncset.done $0x0  }
0xa0: {  	[sflag:s22] =	ssyncadd.s32 s4;
	_ =	sdelay $0x1  }
0xa1: {  	s23 =	simm.s32 $0x1B8B  }
0xa2: {  	_ =	swait.ge [sflag:s23], $0x1  }
0xa3: {  	[sflag:s23] =	ssyncset.done $0x0  }
0xa4: {  	s25 =	simm.s32 $0x1B8E;
	s24 =	sld [smem:$0x3FFE];
	[sflag:s23] =	ssyncadd.s32 $0xFFFFFFFF  }
0xa5: {  	s26 =	simm.s32 $execute0_lowered;
	[smem:$0x3FD2] =	sst s25  }
0xa6: {  	s5 =	sshll.u32 s26, $0x1;
	_ =	strace $0x80000049;
	[dreg:$0x1] =	wrdreg $0xFFFFFFFF  }
0xa7: {  	s28 =	simm.s32 $_size_execute0_lowered;
	s3 =	sadd.s32 s3, s5;
	[dreg:$0x0] =	wrdreg $0x0  }
0xa8: {  	s5 =	sshll.u32 s28, $0x1;
	[dreg:$0x2] =	wrdreg s3  }
0xa9: {  	[dreg:$0x3] =	wrdreg s5  }
0xaa: {  	[dreg:$0x4] =	wrdreg $0xC0  }
0xab: {  	_ =	task [dreg:s7], $0x5FFFF  }
0xac: {  	[dreg:$0x1] =	wrdreg $0xFFFFFFFF  }
0xad: {  	[dreg:$0x0] =	wrdreg $0x60  }
0xae: {  	[dreg:$0x2] =	wrdreg s24  }
0xaf: {  	[dreg:$0x3] =	wrdreg s2  }
0xb0: {  	[dreg:$0x4] =	wrdreg $0x9  }
0xb1: {  	_ =	task.clear_ibuf [dreg:s7], $0x5FFFF;
	_ =	strace $0x90000049  }
0xb2: {  	s29 =	simm.s32 $0x9;
	_ =	strace $0x8000004B  }
0xb3: {  	_ =	swait.ge [sflag:s29], $0x1  }
0xb4: {  	[sflag:s29] =	ssyncadd.s32 $0xFFFFFFFF  }
0xb5: {  	_ =	strace $0x9000004B  }
0xb6: {  	_ =	sfence  }
0xb7: {  	s30 =	sld [smem:$0x0];
	_ =	sdelay $0x2  }
0xb8: {  	s31 =	sshll.u32 s1, $0xD;
	s1 =	sshrl.u32 s1, $0x2  }
0xb9: {  	s3 =	sand.u32 $0x4000, s31;
	s1 =	sadd.s32 s1, s30  }
0xba: {  	s0 =	sor.u32 s3, s0;
	s1 =	sshll.u32 s1, $0x11  }
0xbb: {  	s0 =	sor.u32 s1, s0  }
0xbc: {  	s0 =	sadd.s32 $0x8F2B, s0  }
0xbd: {  	[sflag:s0] =	ssyncadd.remote.s32 $0x1  }
0xbe: {  	_ =	sfence.sel $0xFFFF  }
0xbf: {  	[dreg:$0x0] =	wrdreg $0xFFFFFFFF;
	(pc) =	sbr.abs _section_cstart, $3  }
0xc0: {  	[dreg:$0x1] =	wrdreg $0xFFFFFFFF  }
0xc1: {  	_ =	task.clear_ibuf [dreg:s7], $0x2FFFF;
	_ =	strace $0x9FFFFFFF  }
0xc2: {  	(tm) =	ssettm $0x7FFFFFFF  }
0xc3: {  	_ =	shalt  }
tec
execute0_lowered:
.L_overlay_start_1:
0x0: {  	(tag) =	ssettag $0x1  }
0x1: {  	s0 =	srdreg.scid  }
0x2: {  	s0 =	sand.u32 $0x1, s0  }
0x3: {  	s1 =	rddreg [dreg:$0x0];
	s4 =	stileid.u32;
	s3 =	sshll.u32 s0, $0x4  }
0x4: {  	s2 =	rddreg [dreg:$0x1];
	s5 =	sor.u32 s4, s3  }
0x5: {  	s0 =	ssub.s32 $0x2, s0;
	s3 =	simm.s32 $0x0;
	s4 =	smul.u32 $0x6400, s5  }
0x6: {  	s28 =	sshrl.u32 s0, $0x1;
	[smem:$0x7FF] =	sst s3;
	s6 =	smul.u32 $0x320000, s5  }
0x7: {  	s5 =	sadd.s32 $0xC00, s1;
	s0 =	ssub.s32 s0, s28;
	_ =	strace $0x8000004A  }
0x8: {  	s0 =	smax.u32 s0, $0x1;
	s7 =	sshrl.u32 s4, $0x3;
	s6 =	sshrl.u32 s6, $0x3  }
0x9: {  	[dreg:$0x7] =	wrdreg s0;
	s7 =	sadd.s32 s7, s1;
	s1 =	sadd.s32 $0xC4200, s1  }
0xa: {  	s6 =	sadd.s32 s2, s6;
	[dreg:$0x3] =	wrdreg s1;
	s29 =	sadd.s32 $0xC5000, s7  }
0xb: {  	s16 =	simm.s32 $0x1;
	s30 =	sadd.s32 $0x63000, s6;
	[dreg:$0x4] =	wrdreg s29  }
0xc: {  	s19 =	simm.s32 $0x2;
	s31 =	sadd.s32 $0x63800, s6;
	[dreg:$0x5] =	wrdreg s30  }
0xd: {  	s21 =	smov.u32 s2;
	s1 =	simm.s32 $0x0;
	[dreg:$0x6] =	wrdreg s31  }
.LBB2_1:
0xe: {  	[dreg:$0x8] =	wrdreg s1  }
0xf: {  	s0 =	rddreg [dreg:$0x4];
	s20 =	simm.s32 $0x7  }
0x10: {  	[tilespmem:s3], [sflag:$0x7] =	stream.linear.gather [hbm4b:s0+s3], $0x6400, $0x38;
	[tilespmem:$0x1E800] =	vst v63  }
0x11: {  	_ =	swait.ge [sflag:s20], $0x6400  }
0x12: {  	[sflag:s20] =	ssyncset.done $0x0  }
0x13: {  	s6 =	simm.s32 $0x18400;
	s22 =	rddreg [dreg:$0x3];
	[sflag:s20] =	ssyncadd.s32 $0xFFFF9C00  }
0x14: {  	[tilespmem:s6], [sflag:$0x7] =	stream.linear.gather [hbm4b:s22+s3], $0x6400, $0x38;
	[tilespmem:$0x1E800] =	vst v63  }
0x15: {  	s23 =	simm.s32 $0x6400;
	s24 =	simm.s32 $0x80;
	_ =	swait.ge [sflag:s20], $0x6400  }
0x16: {  	s25 =	simm.s32 $0x8400;
	s28 =	simm.s32 $0x100;
	[sflag:s20] =	ssyncset.done $0x0  }
0x17: {  	s26 =	simm.s32 $0xA400;
	s2 =	simm.s32 $0x80;
	[sflag:s20] =	ssyncadd.s32 $0xFFFF9C00  }
0x18: {  	[tilespmem:s23], [sflag:$0x1] =	stream.indirect.gather [hbm4b:s5+s24], $0x40, s3, s24, $0xb8;
	[tilespmem:$0x1E800] =	vst v63  }
0x19: {  	s29 =	simm.s32 $0x184F0;
	s30 =	simm.s32 $0x1A400;
	s31 =	simm.s32 $0x1C400  }
0x1a: {  	[tilespmem:s25], [sflag:$0x2] =	stream.indirect.gather [hbm4b:s5+s24], $0x40, s24, s24, $0xb8;
	[tilespmem:$0x1E800] =	vst v63  }
0x1b: {  	s1 =	simm.s32 $0x80;
	s12 =	simm.s32 $0x0;
	s0 =	simm.s32 $0x0  }
0x1c: {  	[tilespmem:s26], [sflag:$0x3] =	stream.indirect.gather [hbm4b:s5+s24], $0x40, s28, s24, $0xb8;
	[tilespmem:$0x1E800] =	vst v63  }
.LBB2_2:
0x1d: {  	p0 =	seq.s32 s12, $0x0  }
0x1e: {  	s6 =	smulhi.u32 $0x51EB851F, s0;
	s7 =	simm.s32 @!p0 $0x4  }
0x1f: {  	_ =	swait.ge @!p0 [sflag:s7], $0x4000  }
0x20: {  	s6 =	sshrl.u32 s6, $0x6;
	[sflag:s7] =	ssyncset.done @!p0 $0x0  }
0x21: {  	s6 =	smul.u32 $0xFFFF3800, s6;
	[sflag:s7] =	ssyncadd.s32 @!p0 $0xFFFFC000  }
0x22: {  	_ =	swait.ge [sflag:s16], $0x2000  }
0x23: {  	s6 =	sshra.s32 s6, $0x2;
	[sflag:s16] =	ssyncset.done $0x0  }
0x24: {  	s11 =	sadd.s32 s6, s29;
	[sflag:s16] =	ssyncadd.s32 $0xFFFFE000  }
0x25: {  	s23 =	simm.s32 $0x6480;
	v0 =	vld [tilespmem:s11+$0xFFFFFFD0]  }
0x26: {  	v1 =	vld [tilespmem:s23+$0x40];
	_ =	sdelay $0x4  }
0x27: {  	v4 =	vld [tilespmem:s11+$0xFFFFFF90];
	v2 =	vshll.u32 v0, $0x10;
	v3 =	vshll.u32 v1, $0x10  }
0x28: {  	v1 =	vand.u32 $0xFFFF0000, v1;
	v0 =	vand.u32 $0xFFFF0000, v0;
	v2 =	vadd.f32 v2, v3;
	v3 =	vld [tilespmem:s23+$0x0]  }
0x29: {  	s25 =	simm.s32 $0xC500;
	v0 =	vadd.f32 v0, v1  }
0x2a: {  	v1 =	vld [tilespmem:s11+$0xFFFFFF50];
	[tilespmem:s25+$0x80] =	vst v2  }
0x2b: {  	[tilespmem:s25+$0xC0] =	vst v0;
	v0 =	vld [tilespmem:s23+$0xFFFFFFC0]  }
0x2c: {  	v2 =	vld [tilespmem:s11+$0xFFFFFFE0]  }
0x2d: {  	v5 =	vand.u32 $0xFFFF0000, v4;
	v7 =	vld [tilespmem:s23+$0x50];
	v6 =	vand.u32 $0xFFFF0000, v3  }
0x2e: {  	v4 =	vshll.u32 v4, $0x10;
	v3 =	vshll.u32 v3, $0x10;
	v5 =	vadd.f32 v5, v6  }
0x2f: {  	s9 =	sadd.s32 $0x100, s11;
	v8 =	vld [tilespmem:s11+$0xFFFFFF10];
	v3 =	vadd.f32 v4, v3  }
0x30: {  	v10 =	vld [tilespmem:s9+$0xFFFFFF10];
	v9 =	vshll.u32 v1, $0x10;
	v4 =	vshll.u32 v0, $0x10;
	[tilespmem:s25+$0x40] =	vst v5  }
0x31: {  	v1 =	vand.u32 $0xFFFF0000, v1;
	v6 =	vld [tilespmem:s23+$0xFFFFFF80];
	v0 =	vand.u32 $0xFFFF0000, v0;
	v4 =	vadd.f32 v9, v4;
	[tilespmem:s25+$0x0] =	vst v3  }
0x32: {  	v0 =	vadd.f32 v1, v0;
	v3 =	vshll.u32 v2, $0x10;
	v5 =	vshll.u32 v7, $0x10;
	v1 =	vld [tilespmem:s23+$0x10]  }
0x33: {  	s10 =	simm.s32 $0x6580;
	v2 =	vand.u32 $0xFFFF0000, v2;
	v7 =	vand.u32 $0xFFFF0000, v7;
	v3 =	vadd.f32 v3, v5;
	[tilespmem:s25+$0xFFFFFF80] =	vst v4;
	v4 =	vld [tilespmem:s11+$0xFFFFFFA0]  }
0x34: {  	v12 =	vld [tilespmem:s10+$0x0];
	v2 =	vadd.f32 v2, v7;
	[tilespmem:s25+$0xFFFFFFC0] =	vst v0  }
0x35: {  	v7 =	vld [tilespmem:s9+$0xFFFFFFD0];
	[tilespmem:s25+$0x90] =	vst v3  }
0x36: {  	v9 =	vshll.u32 v8, $0x10;
	v0 =	vand.u32 $0xFFFF0000, v8;
	v8 =	vld [tilespmem:s10+$0x40];
	v5 =	vshll.u32 v6, $0x10;
	[tilespmem:s25+$0xD0] =	vst v2  }
0x37: {  	v6 =	vand.u32 $0xFFFF0000, v6;
	v5 =	vadd.f32 v9, v5;
	v2 =	vld [tilespmem:s23+$0x60]  }
0x38: {  	v3 =	vld [tilespmem:s11+$0xFFFFFF60];
	v0 =	vadd.f32 v0, v6;
	v6 =	vshll.u32 v1, $0x10;
	v9 =	vshll.u32 v4, $0x10  }
0x39: {  	v1 =	vand.u32 $0xFFFF0000, v1;
	v4 =	vand.u32 $0xFFFF0000, v4;
	v6 =	vadd.f32 v9, v6;
	v9 =	vld [tilespmem:s11+$0xFFFFFFF0]  }
0x3a: {  	[tilespmem:s25+$0xFFFFFF40] =	vst v0;
	v0 =	vld [tilespmem:s23+$0xFFFFFFD0];
	v1 =	vadd.f32 v4, v1  }
0x3b: {  	v16 =	vld [tilespmem:s9+$0xFFFFFF50];
	[tilespmem:s25+$0xFFFFFF00] =	vst v5;
	v11 =	vshll.u32 v7, $0x10  }
0x3c: {  	v7 =	vand.u32 $0xFFFF0000, v7;
	v5 =	vld [tilespmem:s23+$0xFFFFFF90];
	v14 =	vshll.u32 v2, $0x10;
	[tilespmem:s25+$0x50] =	vst v1;
	v1 =	vshll.u32 v8, $0x10  }
0x3d: {  	[tilespmem:s25+$0x10] =	vst v6;
	v6 =	vld [tilespmem:s9+$0xFFFFFF90];
	v8 =	vand.u32 $0xFFFF0000, v8;
	v1 =	vadd.f32 v11, v1;
	v11 =	vshll.u32 v3, $0x10  }
0x3e: {  	s6 =	simm.s32 $0xC700;
	v4 =	vld [tilespmem:s11+$0xFFFFFF20];
	v7 =	vadd.f32 v7, v8;
	v3 =	vand.u32 $0xFFFF0000, v3;
	v15 =	vshll.u32 v9, $0x10  }
0x3f: {  	v13 =	vld [tilespmem:s11+$0xFFFFFFB0];
	[tilespmem:s6+$0x80] =	vst v1;
	v1 =	vshll.u32 v0, $0x10;
	v0 =	vand.u32 $0xFFFF0000, v0;
	v14 =	vadd.f32 v15, v14  }
0x40: {  	v8 =	vld [tilespmem:s23+$0x20];
	[tilespmem:s6+$0xC0] =	vst v7;
	v0 =	vadd.f32 v3, v0  }
0x41: {  	v2 =	vand.u32 $0xFFFF0000, v2;
	v7 =	vld [tilespmem:s10+$0xFFFFFFC0];
	v3 =	vand.u32 $0xFFFF0000, v9;
	v1 =	vadd.f32 v11, v1;
	[tilespmem:s25+$0xA0] =	vst v14  }
0x42: {  	v15 =	vld [tilespmem:s10+$0xFFFFFF80];
	v9 =	vand.u32 $0xFFFF0000, v6;
	v2 =	vadd.f32 v3, v2;
	v3 =	vand.u32 $0xFFFF0000, v12;
	[tilespmem:s25+$0xFFFFFFD0] =	vst v0  }
0x43: {  	v11 =	vld [tilespmem:s9+$0xFFFFFFE0];
	v14 =	vshll.u32 v5, $0x10;
	v0 =	vadd.f32 v9, v3;
	[tilespmem:s25+$0xFFFFFF90] =	vst v1  }
0x44: {  	v17 =	vand.u32 $0xFFFF0000, v13;
	v3 =	vshll.u32 v6, $0x10;
	v6 =	vshll.u32 v12, $0x10;
	[tilespmem:s25+$0xE0] =	vst v2;
	v2 =	vld [tilespmem:s10+$0x50]  }
0x45: {  	v9 =	vshll.u32 v13, $0x10;
	v12 =	vshll.u32 v8, $0x10;
	v8 =	vand.u32 $0xFFFF0000, v8;
	v20 =	vld [tilespmem:s11+$0xFFFFFF70]  }
0x46: {  	v1 =	vand.u32 $0xFFFF0000, v5;
	v3 =	vadd.f32 v3, v6;
	v13 =	vld [tilespmem:s23+$0x70];
	[tilespmem:s6+$0x40] =	vst v0;
	v0 =	vadd.f32 v9, v12  }
0x47: {  	v9 =	vld [tilespmem:s11+$0x0];
	v5 =	vshll.u32 v7, $0x10;
	v12 =	vshll.u32 v16, $0x10;
	v16 =	vand.u32 $0xFFFF0000, v16  }
0x48: {  	v7 =	vand.u32 $0xFFFF0000, v7;
	v6 =	vshll.u32 v15, $0x10;
	[tilespmem:s6+$0x0] =	vst v3;
	v3 =	vld [tilespmem:s23+$0xFFFFFFE0];
	v5 =	vadd.f32 v12, v5  }
0x49: {  	v7 =	vadd.f32 v16, v7;
	v16 =	vshll.u32 v11, $0x10;
	v19 =	vld [tilespmem:s9+$0xFFFFFFA0];
	v18 =	vshll.u32 v2, $0x10  }
0x4a: {  	s18 =	sadd.s32 $0x100, s9;
	v11 =	vand.u32 $0xFFFF0000, v11;
	v12 =	vld [tilespmem:s10+$0x10];
	[tilespmem:s6+$0xFFFFFF80] =	vst v5;
	v2 =	vand.u32 $0xFFFF0000, v2;
	v5 =	vadd.f32 v16, v18  }
0x4b: {  	s13 =	simm.s32 $0x6680;
	[tilespmem:s6+$0xFFFFFFC0] =	vst v7;
	v7 =	vand.u32 $0xFFFF0000, v10;
	v18 =	vshll.u32 v10, $0x10;
	v2 =	vadd.f32 v11, v2;
	v11 =	vld [tilespmem:s18+$0xFFFFFFD0]  }
0x4c: {  	v16 =	vand.u32 $0xFFFF0000, v4;
	v10 =	vand.u32 $0xFFFF0000, v15;
	v15 =	vld [tilespmem:s13+$0x40];
	v6 =	vadd.f32 v18, v6;
	[tilespmem:s6+$0x90] =	vst v5  }
0x4d: {  	v18 =	vshll.u32 v4, $0x10;
	v4 =	vadd.f32 v7, v10;
	v7 =	vld [tilespmem:s9+$0xFFFFFF60];
	v1 =	vadd.f32 v16, v1;
	[tilespmem:s6+$0xD0] =	vst v2  }
0x4e: {  	v16 =	vand.u32 $0xFFFF0000, v20;
	v2 =	vand.u32 $0xFFFF0000, v3;
	v10 =	vshll.u32 v19, $0x10;
	[tilespmem:s6+$0xFFFFFF00] =	vst v6;
	v21 =	vld [tilespmem:s10+$0x60]  }
0x4f: {  	v6 =	vshll.u32 v12, $0x10;
	[tilespmem:s6+$0xFFFFFF40] =	vst v4;
	v4 =	vand.u32 $0xFFFF0000, v12;
	v12 =	vand.u32 $0xFFFF0000, v19;
	v19 =	vld [tilespmem:s10+$0xFFFFFFD0]  }
0x50: {  	v22 =	vshll.u32 v20, $0x10;
	v14 =	vadd.f32 v18, v14;
	v2 =	vadd.f32 v16, v2;
	v16 =	vld [tilespmem:s9+$0xFFFFFFF0]  }
0x51: {  	[tilespmem:s25+$0x20] =	vst v0;
	v5 =	vand.u32 $0xFFFF0000, v13;
	v3 =	vshll.u32 v3, $0x10;
	v10 =	vadd.f32 v10, v6;
	v23 =	vld [tilespmem:s10+$0xFFFFFF90]  }
0x52: {  	v4 =	vadd.f32 v12, v4;
	v12 =	vshll.u32 v9, $0x10;
	v6 =	vld [tilespmem:s18+$0xFFFFFF10];
	v9 =	vand.u32 $0xFFFF0000, v9;
	[tilespmem:s25+$0xFFFFFF10] =	vst v14  }
0x53: {  	v13 =	vshll.u32 v13, $0x10;
	v14 =	vld [tilespmem:s13+$0xFFFFFFC0];
	v5 =	vadd.f32 v9, v5;
	v9 =	vshll.u32 v15, $0x10;
	[tilespmem:s6+$0x10] =	vst v10  }
0x54: {  	v15 =	vand.u32 $0xFFFF0000, v15;
	v0 =	vand.u32 $0xFFFF0000, v11;
	v10 =	vadd.f32 v22, v3;
	v3 =	vld [tilespmem:s9+$0xFFFFFF20];
	[tilespmem:s6+$0x50] =	vst v4  }
0x55: {  	[tilespmem:s25+$0xFFFFFF50] =	vst v1;
	v4 =	vadd.f32 v12, v13;
	v12 =	vshll.u32 v11, $0x10;
	v15 =	vadd.f32 v0, v15;
	v13 =	vld [tilespmem:s9+$0xFFFFFFB0]  }
0x56: {  	s14 =	simm.s32 $0xC900;
	v8 =	vadd.f32 v17, v8;
	[tilespmem:s25+$0xFFFFFFE0] =	vst v2;
	v11 =	vshll.u32 v7, $0x10;
	v9 =	vadd.f32 v12, v9;
	v24 =	vld [tilespmem:s10+$0x20]  }
0x57: {  	s8 =	smulhi.u32 $0x51EB851F, s1;
	v22 =	vld [tilespmem:s18+$0xFFFFFF90];
	v20 =	vand.u32 $0xFFFF0000, v7;
	v1 =	vshll.u32 v19, $0x10;
	v2 =	vand.u32 $0xFFFF0000, v19;
	[tilespmem:s14+$0xC0] =	vst v15  }
0x58: {  	s26 =	smulhi.u32 $0x51EB851F, s28;
	v15 =	vshll.u32 v21, $0x10;
	v17 =	vand.u32 $0xFFFF0000, v21;
	v18 =	vshll.u32 v16, $0x10;
	[tilespmem:s14+$0x80] =	vst v9;
	v9 =	vld [tilespmem:s13+$0xFFFFFF80]  }
0x59: {  	s8 =	sshrl.u32 s8, $0x6;
	v16 =	vand.u32 $0xFFFF0000, v16;
	v0 =	vshll.u32 v23, $0x10;
	v12 =	vadd.f32 v11, v1;
	v11 =	vld [tilespmem:s13+$0x0]  }
0x5a: {  	s8 =	smul.u32 $0xFFFF3800, s8;
	s7 =	sshrl.u32 s26, $0x6;
	[tilespmem:s25+$0x60] =	vst v8;
	v7 =	vld [tilespmem:s18+$0xFFFFFF50];
	v25 =	vadd.f32 v20, v2;
	v63 =	vadd.f32 v18, v15;
	v8 =	vand.u32 $0xFFFF0000, v23  }
0x5b: {  	s7 =	smul.u32 $0xFFFF3800, s7;
	v15 =	vld [tilespmem:s23+$0xFFFFFFA0];
	v1 =	vand.u32 $0xFFFF0000, v13;
	v13 =	vshll.u32 v13, $0x10;
	v20 =	vshll.u32 v24, $0x10  }
0x5c: {  	s15 =	smul.u32 $0x180, s12;
	s20 =	simm.s32 $0x8;
	s22 =	simm.s32 $0x6680;
	[tilespmem:s25+$0xFFFFFFA0] =	vst v10;
	v19 =	vand.u32 $0xFFFF0000, v22;
	v18 =	vadd.f32 v13, v20;
	v20 =	vadd.f32 v16, v17;
	v16 =	vld [tilespmem:s11+$0xFFFFFF30]  }
0x5d: {  	s24 =	simm.s32 $0xC900;
	s8 =	sshra.s32 s8, $0x2;
	s7 =	sshra.s32 s7, $0x2;
	v21 =	vshll.u32 v22, $0x10;
	[tilespmem:s6+$0xA0] =	vst v63;
	v10 =	vand.u32 $0xFFFF0000, v3;
	v2 =	vand.u32 $0xFFFF0000, v24;
	v13 =	vld [tilespmem:s18+$0xFFFFFFE0]  }
0x5e: {  	s8 =	sadd.s32 s8, s30;
	s7 =	sadd.s32 s7, s31;
	s26 =	smov.u32 s18;
	[tilespmem:s6+$0xFFFFFFD0] =	vst v25;
	v17 =	vshll.u32 v9, $0x10;
	v22 =	vshll.u32 v11, $0x10;
	v23 =	vand.u32 $0xFFFF0000, v11;
	v11 =	vld [tilespmem:s11+$0xFFFFFF80]  }
.LBB2_3:
0x5f: {  	s20 =	sadd.s32 $0x4, s20;
	v24 =	vand.u32 $0xFFFF0000, v7;
	v21 =	vadd.f32 v21, v22;
	v19 =	vadd.f32 v19, v23;
	[tilespmem:s6+$0xE0] =	vst v20;
	v20 =	vld [tilespmem:s23+$0xFFFFFFF0]  }
0x60: {  	v22 =	vshll.u32 v14, $0x10;
	v14 =	vand.u32 $0xFFFF0000, v14;
	p1 =	slt.u32 s20, $0x7C;
	[tilespmem:s6+$0x20] =	vst v18;
	v18 =	vld [tilespmem:s10+$0x70];
	v23 =	vand.u32 $0xFFFF0000, v15  }
0x61: {  	v25 =	vshll.u32 v6, $0x10;
	v7 =	vshll.u32 v7, $0x10;
	v15 =	vshll.u32 v15, $0x10;
	[tilespmem:s14+$0x40] =	vst v19;
	v19 =	vld [tilespmem:s9+$0x0]  }
0x62: {  	v6 =	vand.u32 $0xFFFF0000, v6;
	v7 =	vadd.f32 v7, v22;
	v22 =	vld [tilespmem:s13+$0x50];
	[tilespmem:s6+$0xFFFFFF90] =	vst v12;
	v12 =	vand.u32 $0xFFFF0000, v16  }
0x63: {  	v9 =	vand.u32 $0xFFFF0000, v9;
	v17 =	vadd.f32 v25, v17;
	v16 =	vshll.u32 v16, $0x10;
	[tilespmem:s14+$0x0] =	vst v21;
	v21 =	vld [tilespmem:s10+$0xFFFFFFE0]  }
0x64: {  	v14 =	vadd.f32 v24, v14;
	v24 =	vshll.u32 v3, $0x10;
	v15 =	vadd.f32 v16, v15;
	v3 =	vld [tilespmem:s9+$0xFFFFFF70];
	[tilespmem:s25+$0xB0] =	vst v4  }
0x65: {  	v12 =	vadd.f32 v12, v23;
	v4 =	vadd.f32 v6, v9;
	v6 =	vld [tilespmem:s13+$0x10];
	v9 =	vand.u32 $0xFFFF0000, v18;
	[tilespmem:s25+$0xF0] =	vst v5  }
0x66: {  	s18 =	sadd.s32 $0x100, s18;
	v5 =	vshll.u32 v13, $0x10;
	v13 =	vand.u32 $0xFFFF0000, v13;
	[tilespmem:s25+$0xFFFFFF20] =	vst v15;
	v15 =	vshll.u32 v11, $0x10;
	v16 =	vld [tilespmem:s23+$0x30]  }
0x67: {  	s13 =	sadd.s32 $0x100, s13;
	v11 =	vand.u32 $0xFFFF0000, v11;
	[tilespmem:s14+$0xFFFFFF00] =	vst v17;
	v17 =	vshll.u32 v22, $0x10;
	v22 =	vand.u32 $0xFFFF0000, v22;
	v23 =	vld [tilespmem:s11+$0xFFFFFFC0]  }
0x68: {  	v25 =	vand.u32 $0xFFFF0000, v20;
	[tilespmem:s14+$0xFFFFFF80] =	vst v7;
	v7 =	vld [tilespmem:s26+$0xFFFFFFA0];
	v13 =	vadd.f32 v13, v22;
	v22 =	vand.u32 $0xFFFF0000, v21  }
0x69: {  	v11 =	vadd.f32 v11, v25;
	v26 =	vld [tilespmem:s18+$0xFFFFFFD0];
	[tilespmem:s14+$0xFFFFFF40] =	vst v4;
	v4 =	vadd.f32 v5, v17;
	v5 =	vshll.u32 v3, $0x10  }
0x6a: {  	v25 =	vshll.u32 v19, $0x10;
	v21 =	vshll.u32 v21, $0x10;
	v17 =	vld [tilespmem:s13+$0x40];
	[tilespmem:s25+$0xFFFFFF60] =	vst v12;
	v12 =	vshll.u32 v20, $0x10  }
0x6b: {  	v8 =	vadd.f32 v10, v8;
	v3 =	vand.u32 $0xFFFF0000, v3;
	v10 =	vadd.f32 v5, v21;
	[tilespmem:s14+$0xFFFFFFC0] =	vst v14;
	v14 =	vld [tilespmem:s11+$0xFFFFFF40];
	s11 =	smov.u32 s9;
	s9 =	smov.u32 s26;
	s26 =	smov.u32 s18  }
0x6c: {  	v5 =	vshll.u32 v6, $0x10;
	v3 =	vadd.f32 v3, v22;
	v21 =	vshll.u32 v16, $0x10;
	[tilespmem:s14+$0x90] =	vst v4;
	v20 =	vld [tilespmem:s23+$0xFFFFFFB0];
	s23 =	smov.u32 s10;
	s10 =	smov.u32 s22;
	s22 =	smov.u32 s13  }
0x6d: {  	v6 =	vand.u32 $0xFFFF0000, v6;
	v12 =	vadd.f32 v15, v12;
	v4 =	vshll.u32 v18, $0x10;
	v22 =	vld [tilespmem:s9+$0xFFFFFF60];
	[tilespmem:s14+$0xD0] =	vst v13  }
0x6e: {  	v13 =	vshll.u32 v7, $0x10;
	v7 =	vand.u32 $0xFFFF0000, v7;
	v15 =	vld [tilespmem:s10+$0x60];
	[tilespmem:s6+$0xFFFFFF50] =	vst v8;
	v8 =	vand.u32 $0xFFFF0000, v23  }
0x6f: {  	v4 =	vadd.f32 v25, v4;
	v5 =	vadd.f32 v13, v5;
	v13 =	vand.u32 $0xFFFF0000, v19;
	v18 =	vld [tilespmem:s10+$0xFFFFFFD0];
	[tilespmem:s25+$0xFFFFFFB0] =	vst v12  }
0x70: {  	v7 =	vadd.f32 v7, v6;
	v12 =	vshll.u32 v26, $0x10;
	v25 =	vld [tilespmem:s10+$0xFFFFFF90];
	[tilespmem:s6+$0xFFFFFFE0] =	vst v3;
	v19 =	vshll.u32 v14, $0x10  }
0x71: {  	v6 =	vld [tilespmem:s18+$0xFFFFFF10];
	[tilespmem:s14+$0x10] =	vst v5;
	v5 =	vadd.f32 v13, v9;
	v9 =	vshll.u32 v20, $0x10;
	v13 =	vand.u32 $0xFFFF0000, v20  }
0x72: {  	v3 =	vld [tilespmem:s9+$0xFFFFFF20];
	[tilespmem:s14+$0x50] =	vst v7;
	v7 =	vand.u32 $0xFFFF0000, v14;
	v9 =	vadd.f32 v19, v9;
	v14 =	vshll.u32 v23, $0x10  }
0x73: {  	v19 =	vld [tilespmem:s9+$0xFFFFFFB0];
	v13 =	vadd.f32 v7, v13;
	[tilespmem:s25+$0xFFFFFFF0] =	vst v11;
	v7 =	vand.u32 $0xFFFF0000, v16;
	v11 =	vadd.f32 v14, v21  }
0x74: {  	v14 =	vshll.u32 v17, $0x10;
	v16 =	vand.u32 $0xFFFF0000, v17;
	v17 =	vld [tilespmem:s9+$0xFFFFFFF0];
	[tilespmem:s25+$0xFFFFFF30] =	vst v9;
	v7 =	vadd.f32 v8, v7  }
0x75: {  	v9 =	vand.u32 $0xFFFF0000, v26;
	v12 =	vadd.f32 v12, v14;
	v14 =	vshll.u32 v22, $0x10;
	v8 =	vld [tilespmem:s18+$0xFFFFFF90];
	[tilespmem:s25+$0x30] =	vst v11  }
0x76: {  	s14 =	sadd.s32 $0x200, s14;
	v11 =	vadd.f32 v9, v16;
	v9 =	vshll.u32 v25, $0x10;
	v16 =	vand.u32 $0xFFFF0000, v22;
	v20 =	vld [tilespmem:s10+$0x20];
	[tilespmem:s25+$0x70] =	vst v7  }
0x77: {  	v21 =	vadd.f32 v24, v0;
	v0 =	vmovc v9;
	v7 =	vld [tilespmem:s18+$0xFFFFFF50];
	[tilespmem:s14+$0x80] =	vst v12;
	v12 =	vshll.u32 v18, $0x10;
	v18 =	vand.u32 $0xFFFF0000, v18  }
0x78: {  	v9 =	vld [tilespmem:s13+$0xFFFFFF80];
	[tilespmem:s14+$0xC0] =	vst v11;
	v12 =	vadd.f32 v14, v12;
	v11 =	vadd.f32 v1, v2;
	v1 =	vand.u32 $0xFFFF0000, v19  }
0x79: {  	v24 =	vand.u32 $0xFFFF0000, v15;
	v22 =	vshll.u32 v19, $0x10;
	v19 =	vshll.u32 v15, $0x10;
	v23 =	vld [tilespmem:s13+$0x0];
	[tilespmem:s6+$0xFFFFFF10] =	vst v21  }
.Ltmp0:
0x7a: {  	v26 =	vadd.f32 v16, v18;
	v15 =	vshll.u32 v17, $0x10;
	v16 =	vand.u32 $0xFFFF0000, v17;
	v14 =	vld [tilespmem:s13+$0xFFFFFFC0];
	[tilespmem:s25+$0xFFFFFF70] =	vst v13;
	s25 =	smov.u32 s6;
	s6 =	smov.u32 s24;
	(pc) =	sbr.rel @p1 .LBB2_3-.Ltmp0, $4  }
0x7b: {  	v27 =	vadd.f32 v15, v19;
	s24 =	smov.u32 s14;
	v13 =	vshll.u32 v20, $0x10;
	v2 =	vand.u32 $0xFFFF0000, v20;
	v15 =	vld [tilespmem:s23+$0xFFFFFFA0];
	[tilespmem:s25+$0x60] =	vst v11  }
0x7c: {  	v19 =	vand.u32 $0xFFFF0000, v8;
	v20 =	vadd.f32 v16, v24;
	v18 =	vadd.f32 v22, v13;
	v16 =	vld [tilespmem:s11+$0xFFFFFF30];
	[tilespmem:s25+$0xFFFFFFA0] =	vst v10  }
0x7d: {  	v21 =	vshll.u32 v8, $0x10;
	v8 =	vand.u32 $0xFFFF0000, v25;
	v17 =	vshll.u32 v9, $0x10;
	v13 =	vld [tilespmem:s18+$0xFFFFFFE0];
	[tilespmem:s6+$0xA0] =	vst v27  }
0x7e: {  	v10 =	vand.u32 $0xFFFF0000, v3;
	v22 =	vshll.u32 v23, $0x10;
	v23 =	vand.u32 $0xFFFF0000, v23;
	[tilespmem:s6+$0xFFFFFFD0] =	vst v26;
	v11 =	vld [tilespmem:s11+$0xFFFFFF80]  }
0x7f: {  	[tilespmem:s6+$0xE0] =	vst v20  }
0x80: {  	[tilespmem:s6+$0x20] =	vst v18  }
0x81: {  	[tilespmem:s6+$0xFFFFFF90] =	vst v12  }
0x82: {  	v19 =	vadd.f32 v19, v23;
	[tilespmem:s25+$0xB0] =	vst v4  }
0x83: {  	v18 =	vadd.f32 v21, v22;
	[tilespmem:s25+$0xF0] =	vst v5  }
0x84: {  	v21 =	vshll.u32 v7, $0x10;
	v8 =	vadd.f32 v10, v8;
	[tilespmem:s14+$0x40] =	vst v19  }
0x85: {  	v5 =	vand.u32 $0xFFFF0000, v6;
	v9 =	vand.u32 $0xFFFF0000, v9;
	v1 =	vadd.f32 v1, v2;
	[tilespmem:s14+$0x0] =	vst v18  }
0x86: {  	v20 =	vld [tilespmem:s13+$0x50];
	v12 =	vshll.u32 v15, $0x10;
	v5 =	vadd.f32 v5, v9;
	v18 =	vshll.u32 v16, $0x10;
	[tilespmem:s6+$0xFFFFFF50] =	vst v8  }
0x87: {  	v4 =	vld [tilespmem:s23+$0xFFFFFFF0];
	v3 =	vshll.u32 v3, $0x10;
	v19 =	vshll.u32 v6, $0x10;
	[tilespmem:s6+$0x60] =	vst v1;
	v12 =	vadd.f32 v18, v12  }
0x88: {  	v9 =	vand.u32 $0xFFFF0000, v14;
	v18 =	vshll.u32 v14, $0x10;
	v17 =	vadd.f32 v19, v17;
	v14 =	vld [tilespmem:s13+$0x10];
	[tilespmem:s14+$0xFFFFFF40] =	vst v5  }
0x89: {  	v6 =	vadd.f32 v21, v18;
	v18 =	vld [tilespmem:s10+$0xFFFFFFE0];
	[tilespmem:s25+$0xFFFFFF20] =	vst v12;
	v12 =	vand.u32 $0xFFFF0000, v15;
	v15 =	vand.u32 $0xFFFF0000, v16  }
0x8a: {  	v7 =	vand.u32 $0xFFFF0000, v7;
	v0 =	vadd.f32 v3, v0;
	v16 =	vld [tilespmem:s9+$0xFFFFFF70];
	[tilespmem:s14+$0xFFFFFF00] =	vst v17;
	v12 =	vadd.f32 v15, v12  }
0x8b: {  	[tilespmem:s14+$0xFFFFFF80] =	vst v6;
	v6 =	vadd.f32 v7, v9;
	v7 =	vshll.u32 v13, $0x10;
	v9 =	vshll.u32 v20, $0x10;
	v15 =	vld [tilespmem:s26+$0xFFFFFFA0]  }
0x8c: {  	v5 =	vand.u32 $0xFFFF0000, v13;
	v17 =	vand.u32 $0xFFFF0000, v20;
	v13 =	vld [tilespmem:s23+$0x30];
	v7 =	vadd.f32 v7, v9;
	[tilespmem:s25+$0xFFFFFF60] =	vst v12  }
0x8d: {  	v5 =	vadd.f32 v5, v17;
	v9 =	vshll.u32 v11, $0x10;
	v11 =	vand.u32 $0xFFFF0000, v11;
	[tilespmem:s14+$0xFFFFFFC0] =	vst v6;
	v6 =	vld [tilespmem:s11+$0xFFFFFF40]  }
0x8e: {  	v12 =	vshll.u32 v4, $0x10;
	v4 =	vand.u32 $0xFFFF0000, v4;
	[tilespmem:s14+$0x90] =	vst v7;
	v7 =	vld [tilespmem:s23+$0xFFFFFFB0];
	v17 =	vand.u32 $0xFFFF0000, v18  }
0x8f: {  	[tilespmem:s14+$0xD0] =	vst v5;
	v5 =	vadd.f32 v9, v12;
	v4 =	vadd.f32 v11, v4;
	v19 =	vand.u32 $0xFFFF0000, v16  }
0x90: {  	v10 =	vld [tilespmem:s11+$0xFFFFFFC0];
	[tilespmem:s6+$0xFFFFFF10] =	vst v0;
	v9 =	vshll.u32 v14, $0x10;
	v12 =	vadd.f32 v19, v17;
	v17 =	vshll.u32 v15, $0x10  }
0x91: {  	v8 =	vand.u32 $0xFFFF0000, v14;
	v11 =	vld [tilespmem:s26+$0xFFFFFF60];
	v14 =	vand.u32 $0xFFFF0000, v15;
	[tilespmem:s25+$0xFFFFFFF0] =	vst v4;
	v9 =	vadd.f32 v17, v9  }
0x92: {  	v4 =	vand.u32 $0xFFFF0000, v13;
	v8 =	vadd.f32 v14, v8;
	v14 =	vshll.u32 v13, $0x10;
	v13 =	vld [tilespmem:s22+$0xFFFFFFD0];
	[tilespmem:s6+$0xFFFFFFE0] =	vst v12  }
0x93: {  	v3 =	vld [tilespmem:s26+$0xFFFFFF20];
	v12 =	vshll.u32 v6, $0x10;
	[tilespmem:s14+$0x10] =	vst v9;
	v9 =	vshll.u32 v7, $0x10  }
0x94: {  	v15 =	vld [tilespmem:s22+$0x60];
	[tilespmem:s14+$0x50] =	vst v8;
	v7 =	vand.u32 $0xFFFF0000, v7;
	v6 =	vand.u32 $0xFFFF0000, v6;
	v8 =	vadd.f32 v12, v9  }
0x95: {  	[tilespmem:s25+$0xFFFFFFB0] =	vst v5;
	v9 =	vshll.u32 v10, $0x10;
	v12 =	vld [tilespmem:s26+$0xFFFFFFF0];
	v6 =	vadd.f32 v6, v7  }
0x96: {  	v5 =	vld [tilespmem:s10+$0x70];
	v10 =	vand.u32 $0xFFFF0000, v10;
	v9 =	vadd.f32 v9, v14;
	[tilespmem:s25+$0xFFFFFF30] =	vst v8  }
0x97: {  	v2 =	vld [tilespmem:s22+$0x20];
	v4 =	vadd.f32 v10, v4;
	[tilespmem:s25+$0xFFFFFF70] =	vst v6;
	v6 =	vand.u32 $0xFFFF0000, v11;
	v10 =	vand.u32 $0xFFFF0000, v13  }
0x98: {  	v1 =	vshll.u32 v11, $0x10;
	v8 =	vld [tilespmem:s22+$0xFFFFFF90];
	v11 =	vshll.u32 v13, $0x10;
	[tilespmem:s25+$0x30] =	vst v9;
	v6 =	vadd.f32 v6, v10  }
0x99: {  	v7 =	vshll.u32 v18, $0x10;
	[tilespmem:s25+$0x70] =	vst v4;
	v4 =	vshll.u32 v16, $0x10;
	v9 =	vld [tilespmem:s26+$0xFFFFFFB0];
	v1 =	vadd.f32 v1, v11  }
0x9a: {  	v10 =	vld [tilespmem:s9+$0xFFFFFF30];
	v0 =	vadd.f32 v4, v7;
	v4 =	vshll.u32 v15, $0x10;
	v7 =	vshll.u32 v12, $0x10;
	[tilespmem:s24+$0xFFFFFFD0] =	vst v6  }
0x9b: {  	[tilespmem:s24+$0xFFFFFF90] =	vst v1;
	v4 =	vadd.f32 v7, v4;
	v7 =	vld [tilespmem:s10+$0xFFFFFFA0]  }
0x9c: {  	v11 =	vand.u32 $0xFFFF0000, v15;
	v12 =	vand.u32 $0xFFFF0000, v12;
	[tilespmem:s6+$0xFFFFFFA0] =	vst v0;
	v0 =	vld [tilespmem:s9+$0x0]  }
0x9d: {  	v14 =	vld [tilespmem:s26+$0xFFFFFF70];
	[tilespmem:s24+$0xA0] =	vst v4;
	v4 =	vadd.f32 v12, v11;
	v11 =	vand.u32 $0xFFFF0000, v8;
	v12 =	vand.u32 $0xFFFF0000, v3  }
0x9e: {  	v1 =	vshll.u32 v3, $0x10;
	v6 =	vld [tilespmem:s9+$0xFFFFFF80];
	v8 =	vshll.u32 v8, $0x10;
	v3 =	vadd.f32 v12, v11  }
0x9f: {  	v13 =	vld [tilespmem:s10+$0xFFFFFFF0];
	v11 =	vshll.u32 v9, $0x10;
	v12 =	vshll.u32 v2, $0x10;
	v1 =	vadd.f32 v1, v8;
	[tilespmem:s24+$0xE0] =	vst v4  }
0xa0: {  	v4 =	vld [tilespmem:s22+$0xFFFFFFE0];
	v8 =	vadd.f32 v11, v12;
	v12 =	vshll.u32 v10, $0x10;
	v11 =	vshll.u32 v7, $0x10;
	[tilespmem:s24+$0xFFFFFF50] =	vst v3  }
0xa1: {  	v3 =	vand.u32 $0xFFFF0000, v7;
	v7 =	vand.u32 $0xFFFF0000, v10;
	[tilespmem:s24+$0xFFFFFF10] =	vst v1;
	v10 =	vadd.f32 v12, v11  }
0xa2: {  	v1 =	vshll.u32 v0, $0x10;
	v11 =	vshll.u32 v5, $0x10;
	[tilespmem:s24+$0x20] =	vst v8;
	v3 =	vadd.f32 v7, v3;
	v7 =	vld [tilespmem:s22+$0xFFFFFFA0]  }
0xa3: {  	v0 =	vand.u32 $0xFFFF0000, v0;
	v5 =	vand.u32 $0xFFFF0000, v5;
	v8 =	vld [tilespmem:s26+$0xFFFFFF30];
	v1 =	vadd.f32 v1, v11;
	[tilespmem:s6+$0xFFFFFF20] =	vst v10  }
0xa4: {  	v0 =	vadd.f32 v0, v5;
	v5 =	vshll.u32 v6, $0x10;
	v10 =	vld [tilespmem:s10+$0x30];
	[tilespmem:s6+$0xFFFFFF60] =	vst v3;
	v3 =	vshll.u32 v13, $0x10  }
0xa5: {  	v11 =	vand.u32 $0xFFFF0000, v14;
	[tilespmem:s6+$0xB0] =	vst v1;
	v1 =	vand.u32 $0xFFFF0000, v4;
	v12 =	vld [tilespmem:s9+$0xFFFFFF40];
	v3 =	vadd.f32 v5, v3  }
0xa6: {  	[tilespmem:s6+$0xF0] =	vst v0;
	v0 =	vshll.u32 v14, $0x10;
	v4 =	vshll.u32 v4, $0x10;
	v5 =	vld [tilespmem:s10+$0xFFFFFFB0];
	v1 =	vadd.f32 v11, v1  }
0xa7: {  	v9 =	vand.u32 $0xFFFF0000, v9;
	v2 =	vand.u32 $0xFFFF0000, v2;
	v11 =	vld [tilespmem:s9+$0xFFFFFFC0];
	v0 =	vadd.f32 v0, v4;
	[tilespmem:s6+$0xFFFFFFB0] =	vst v3  }
0xa8: {  	v3 =	vld [tilespmem:s22+$0x70];
	v4 =	vshll.u32 v8, $0x10;
	[tilespmem:s24+$0xFFFFFFE0] =	vst v1;
	v1 =	vadd.f32 v9, v2;
	v2 =	vshll.u32 v7, $0x10  }
0xa9: {  	v9 =	vld [tilespmem:s26+$0x0];
	[tilespmem:s24+$0xFFFFFFA0] =	vst v0;
	v0 =	vand.u32 $0xFFFF0000, v7;
	v7 =	vand.u32 $0xFFFF0000, v8;
	v2 =	vadd.f32 v4, v2  }
0xaa: {  	v4 =	vand.u32 $0xFFFF0000, v6;
	v6 =	vand.u32 $0xFFFF0000, v13;
	v0 =	vadd.f32 v7, v0;
	v8 =	vld [tilespmem:s22+$0xFFFFFFF0];
	[tilespmem:s24+$0x60] =	vst v1  }
0xab: {  	v1 =	vld [tilespmem:s26+$0xFFFFFF80];
	v4 =	vadd.f32 v4, v6;
	v6 =	vshll.u32 v12, $0x10;
	v7 =	vshll.u32 v5, $0x10;
	[tilespmem:s24+$0xFFFFFF20] =	vst v2  }
0xac: {  	v2 =	vshll.u32 v10, $0x10;
	v6 =	vadd.f32 v6, v7;
	v7 =	vshll.u32 v11, $0x10;
	v13 =	vld [tilespmem:s22+$0x30];
	[tilespmem:s24+$0xFFFFFF60] =	vst v0  }
0xad: {  	v0 =	vand.u32 $0xFFFF0000, v11;
	[tilespmem:s6+$0xFFFFFFF0] =	vst v4;
	v4 =	vand.u32 $0xFFFF0000, v10;
	v2 =	vadd.f32 v7, v2;
	v7 =	vld [tilespmem:s26+$0xFFFFFF40]  }
0xae: {  	v5 =	vand.u32 $0xFFFF0000, v5;
	v10 =	vand.u32 $0xFFFF0000, v12;
	[tilespmem:s6+$0xFFFFFF30] =	vst v6;
	v0 =	vadd.f32 v0, v4;
	v4 =	vld [tilespmem:s22+$0xFFFFFFB0]  }
0xaf: {  	v11 =	vshll.u32 v3, $0x10;
	v6 =	vshll.u32 v9, $0x10;
	v5 =	vadd.f32 v10, v5;
	[tilespmem:s6+$0x30] =	vst v2;
	v2 =	vld [tilespmem:s26+$0xFFFFFFC0]  }
0xb0: {  	v3 =	vand.u32 $0xFFFF0000, v3;
	v9 =	vand.u32 $0xFFFF0000, v9;
	v6 =	vadd.f32 v6, v11;
	[tilespmem:s6+$0x70] =	vst v0  }
0xb1: {  	v0 =	vadd.f32 v9, v3;
	[tilespmem:s6+$0xFFFFFF70] =	vst v5;
	v3 =	vshll.u32 v1, $0x10;
	v5 =	vshll.u32 v8, $0x10  }
0xb2: {  	v1 =	vand.u32 $0xFFFF0000, v1;
	[tilespmem:s24+$0xB0] =	vst v6;
	v6 =	vand.u32 $0xFFFF0000, v8;
	v3 =	vadd.f32 v3, v5  }
0xb3: {  	[tilespmem:s24+$0xF0] =	vst v0;
	v0 =	vadd.f32 v1, v6;
	v1 =	vshll.u32 v7, $0x10;
	v5 =	vshll.u32 v4, $0x10  }
0xb4: {  	v6 =	vshll.u32 v13, $0x10;
	[tilespmem:s24+$0xFFFFFFB0] =	vst v3;
	v1 =	vadd.f32 v1, v5;
	v3 =	vshll.u32 v2, $0x10  }
0xb5: {  	v2 =	vand.u32 $0xFFFF0000, v2;
	[tilespmem:s24+$0xFFFFFFF0] =	vst v0;
	v0 =	vand.u32 $0xFFFF0000, v13;
	v3 =	vadd.f32 v3, v6  }
0xb6: {  	s22 =	smul.u32 $0x600, s12;
	v4 =	vand.u32 $0xFFFF0000, v4;
	v5 =	vand.u32 $0xFFFF0000, v7;
	v0 =	vadd.f32 v2, v0;
	[tilespmem:s24+$0xFFFFFF30] =	vst v1  }
0xb7: {  	v1 =	vadd.f32 v5, v4;
	[tilespmem:s24+$0x30] =	vst v3  }
0xb8: {  	s25 =	sadd.s32 s4, s15;
	s6 =	sshra.s32 s22, $0x2;
	[tilespmem:s24+$0x70] =	vst v0  }
0xb9: {  	s9 =	sshll.u32 s25, $0x4;
	s23 =	sadd.s32 $0x180, s6;
	[tilespmem:s24+$0xFFFFFF70] =	vst v1;
	s24 =	simm.s32 $0x6400  }
0xba: {  	[tilespmem:s24], [sflag:$0x1] =	stream.indirect.gather [hbm4b:s5+s2], $0x40, s23, s2, $0xb8;
	[tilespmem:$0x1E800] =	vst v63  }
0xbb: {  	s9 =	sadd.s32 s21, s9;
	s26 =	simm.s32 $0xC400  }
0xbc: {  	[hbm4b:s9+s3] =	stream.linear.scatter [tilespmem:s26], [sflag:$0x4], $0x4000, $0x38;
	[tilespmem:$0x1E800] =	vst v63  }
0xbd: {  	s9 =	simm.s32 @!p0 $0x5  }
0xbe: {  	_ =	swait.ge @!p0 [sflag:s9], $0x4000  }
0xbf: {  	[sflag:s9] =	ssyncset.done @!p0 $0x0  }
0xc0: {  	[sflag:s9] =	ssyncadd.s32 @!p0 $0xFFFFC000  }
0xc1: {  	_ =	swait.ge [sflag:s19], $0x2000  }
0xc2: {  	[sflag:s19] =	ssyncset.done $0x0  }
0xc3: {  	[sflag:s19] =	ssyncadd.s32 $0xFFFFE000  }
0xc4: {  	s23 =	simm.s32 $0x84F0;
	v0 =	vld [tilespmem:s8+$0xC0]  }
0xc5: {  	v1 =	vld [tilespmem:s23+$0xFFFFFFD0];
	_ =	sdelay $0x4  }
0xc6: {  	v4 =	vld [tilespmem:s8+$0x80];
	v2 =	vshll.u32 v0, $0x10;
	v3 =	vshll.u32 v1, $0x10  }
0xc7: {  	v1 =	vand.u32 $0xFFFF0000, v1;
	v0 =	vand.u32 $0xFFFF0000, v0;
	v2 =	vadd.f32 v2, v3;
	v3 =	vld [tilespmem:s23+$0xFFFFFF90]  }
0xc8: {  	s11 =	simm.s32 $0x105F0;
	v0 =	vadd.f32 v0, v1  }
0xc9: {  	v1 =	vld [tilespmem:s8+$0x40];
	[tilespmem:s11+$0xFFFFFF90] =	vst v2  }
0xca: {  	[tilespmem:s11+$0xFFFFFFD0] =	vst v0;
	v0 =	vld [tilespmem:s23+$0xFFFFFF50]  }
0xcb: {  	v2 =	vld [tilespmem:s8+$0xD0]  }
0xcc: {  	v5 =	vand.u32 $0xFFFF0000, v4;
	v7 =	vld [tilespmem:s23+$0xFFFFFFE0];
	v6 =	vand.u32 $0xFFFF0000, v3  }
0xcd: {  	s10 =	sadd.s32 $0x100, s8;
	v8 =	vld [tilespmem:s8+$0x0];
	v4 =	vshll.u32 v4, $0x10;
	v3 =	vshll.u32 v3, $0x10;
	v5 =	vadd.f32 v5, v6  }
0xce: {  	s25 =	simm.s32 $0x85F0;
	v10 =	vld [tilespmem:s10+$0x0];
	v3 =	vadd.f32 v4, v3  }
0xcf: {  	v12 =	vld [tilespmem:s25+$0xFFFFFF90];
	v9 =	vshll.u32 v1, $0x10;
	v4 =	vshll.u32 v0, $0x10;
	[tilespmem:s11+$0xFFFFFF50] =	vst v5  }
0xd0: {  	v1 =	vand.u32 $0xFFFF0000, v1;
	v6 =	vld [tilespmem:s23+$0xFFFFFF10];
	v0 =	vand.u32 $0xFFFF0000, v0;
	v4 =	vadd.f32 v9, v4;
	[tilespmem:s11+$0xFFFFFF10] =	vst v3  }
0xd1: {  	v0 =	vadd.f32 v1, v0;
	v3 =	vshll.u32 v2, $0x10;
	v5 =	vshll.u32 v7, $0x10;
	v1 =	vld [tilespmem:s23+$0xFFFFFFA0]  }
0xd2: {  	v2 =	vand.u32 $0xFFFF0000, v2;
	v7 =	vand.u32 $0xFFFF0000, v7;
	v3 =	vadd.f32 v3, v5;
	[tilespmem:s11+$0xFFFFFE90] =	vst v4;
	v4 =	vld [tilespmem:s8+$0x90]  }
0xd3: {  	v16 =	vld [tilespmem:s10+$0x40];
	v2 =	vadd.f32 v2, v7;
	[tilespmem:s11+$0xFFFFFED0] =	vst v0  }
0xd4: {  	v7 =	vld [tilespmem:s10+$0xC0];
	[tilespmem:s11+$0xFFFFFFA0] =	vst v3  }
0xd5: {  	v9 =	vshll.u32 v8, $0x10;
	v0 =	vand.u32 $0xFFFF0000, v8;
	v8 =	vld [tilespmem:s25+$0xFFFFFFD0];
	v5 =	vshll.u32 v6, $0x10;
	[tilespmem:s11+$0xFFFFFFE0] =	vst v2  }
0xd6: {  	v6 =	vand.u32 $0xFFFF0000, v6;
	v5 =	vadd.f32 v9, v5;
	v2 =	vld [tilespmem:s23+$0xFFFFFFF0]  }
0xd7: {  	v3 =	vld [tilespmem:s8+$0x50];
	v0 =	vadd.f32 v0, v6;
	v6 =	vshll.u32 v1, $0x10;
	v9 =	vshll.u32 v4, $0x10  }
0xd8: {  	[tilespmem:s11+$0xFFFFFE10] =	vst v5;
	v1 =	vand.u32 $0xFFFF0000, v1;
	v4 =	vand.u32 $0xFFFF0000, v4;
	v6 =	vadd.f32 v9, v6;
	v9 =	vld [tilespmem:s8+$0xE0]  }
0xd9: {  	[tilespmem:s11+$0xFFFFFE50] =	vst v0;
	v0 =	vld [tilespmem:s23+$0xFFFFFF60];
	v1 =	vadd.f32 v4, v1  }
0xda: {  	v11 =	vshll.u32 v7, $0x10;
	v7 =	vand.u32 $0xFFFF0000, v7;
	v5 =	vld [tilespmem:s23+$0xFFFFFF20];
	[tilespmem:s11+$0xFFFFFF20] =	vst v6  }
0xdb: {  	v14 =	vshll.u32 v2, $0x10;
	v2 =	vand.u32 $0xFFFF0000, v2;
	v6 =	vld [tilespmem:s10+$0x80];
	[tilespmem:s11+$0xFFFFFF60] =	vst v1;
	v1 =	vshll.u32 v8, $0x10  }
0xdc: {  	s22 =	sadd.s32 $0x100, s10;
	v8 =	vand.u32 $0xFFFF0000, v8;
	v13 =	vld [tilespmem:s8+$0xA0];
	v1 =	vadd.f32 v11, v1;
	v11 =	vshll.u32 v3, $0x10  }
0xdd: {  	s9 =	simm.s32 $0x107F0;
	v24 =	vld [tilespmem:s22+$0x80];
	v7 =	vadd.f32 v7, v8;
	v3 =	vand.u32 $0xFFFF0000, v3;
	v15 =	vshll.u32 v9, $0x10  }
0xde: {  	v8 =	vld [tilespmem:s23+$0xFFFFFFB0];
	[tilespmem:s9+$0xFFFFFF90] =	vst v1;
	v1 =	vshll.u32 v0, $0x10;
	v0 =	vand.u32 $0xFFFF0000, v0;
	v14 =	vadd.f32 v15, v14  }
0xdf: {  	v4 =	vld [tilespmem:s8+$0x10];
	[tilespmem:s9+$0xFFFFFFD0] =	vst v7;
	v0 =	vadd.f32 v3, v0;
	v3 =	vand.u32 $0xFFFF0000, v9;
	v1 =	vadd.f32 v11, v1  }
0xe0: {  	v7 =	vld [tilespmem:s25+$0xFFFFFF50];
	v9 =	vand.u32 $0xFFFF0000, v6;
	v2 =	vadd.f32 v3, v2;
	v3 =	vand.u32 $0xFFFF0000, v12;
	[tilespmem:s11+$0xFFFFFFB0] =	vst v14  }
0xe1: {  	v15 =	vld [tilespmem:s25+$0xFFFFFF10];
	v14 =	vshll.u32 v5, $0x10;
	[tilespmem:s11+$0xFFFFFEE0] =	vst v0;
	v0 =	vadd.f32 v9, v3;
	v9 =	vand.u32 $0xFFFF0000, v13  }
0xe2: {  	v11 =	vld [tilespmem:s10+$0xD0];
	v3 =	vshll.u32 v6, $0x10;
	v6 =	vshll.u32 v12, $0x10;
	v12 =	vshll.u32 v13, $0x10;
	[tilespmem:s11+$0xFFFFFEA0] =	vst v1  }
0xe3: {  	v13 =	vshll.u32 v8, $0x10;
	v18 =	vand.u32 $0xFFFF0000, v8;
	[tilespmem:s11+$0xFFFFFFF0] =	vst v2;
	v2 =	vld [tilespmem:s25+$0xFFFFFFE0];
	v3 =	vadd.f32 v3, v6  }
0xe4: {  	v1 =	vand.u32 $0xFFFF0000, v5;
	v20 =	vld [tilespmem:s8+$0x60];
	v9 =	vadd.f32 v9, v18;
	[tilespmem:s9+$0xFFFFFF50] =	vst v0;
	v0 =	vadd.f32 v12, v13  }
0xe5: {  	v17 =	vld [tilespmem:s23+$0x0];
	v5 =	vshll.u32 v7, $0x10;
	v13 =	vand.u32 $0xFFFF0000, v16;
	v7 =	vand.u32 $0xFFFF0000, v7  }
0xe6: {  	v12 =	vshll.u32 v16, $0x10;
	v6 =	vshll.u32 v15, $0x10;
	[tilespmem:s9+$0xFFFFFF10] =	vst v3;
	v3 =	vld [tilespmem:s23+$0xFFFFFF70];
	v7 =	vadd.f32 v13, v7  }
0xe7: {  	v5 =	vadd.f32 v12, v5;
	v13 =	vshll.u32 v11, $0x10;
	v11 =	vand.u32 $0xFFFF0000, v11;
	v12 =	vld [tilespmem:s25+$0xFFFFFFA0]  }
0xe8: {  	v19 =	vld [tilespmem:s10+$0x90];
	[tilespmem:s9+$0xFFFFFED0] =	vst v7;
	v7 =	vand.u32 $0xFFFF0000, v10;
	v16 =	vshll.u32 v2, $0x10;
	v2 =	vand.u32 $0xFFFF0000, v2  }
0xe9: {  	v8 =	vld [tilespmem:s8+$0xF0];
	[tilespmem:s9+$0xFFFFFE90] =	vst v5;
	v22 =	vshll.u32 v20, $0x10;
	v5 =	vadd.f32 v13, v16;
	v13 =	vand.u32 $0xFFFF0000, v4  }
0xea: {  	s14 =	simm.s32 $0x86F0;
	v16 =	vshll.u32 v10, $0x10;
	v2 =	vadd.f32 v11, v2;
	v11 =	vld [tilespmem:s22+$0xC0];
	v10 =	vand.u32 $0xFFFF0000, v15  }
0xeb: {  	v15 =	vld [tilespmem:s14+$0xFFFFFFD0];
	v6 =	vadd.f32 v16, v6;
	v16 =	vshll.u32 v4, $0x10;
	v4 =	vadd.f32 v7, v10;
	[tilespmem:s9+$0xFFFFFFA0] =	vst v5  }
0xec: {  	v7 =	vld [tilespmem:s10+$0x50];
	v1 =	vadd.f32 v13, v1;
	v13 =	vand.u32 $0xFFFF0000, v20;
	v5 =	vand.u32 $0xFFFF0000, v17;
	[tilespmem:s9+$0xFFFFFFE0] =	vst v2  }
0xed: {  	v2 =	vand.u32 $0xFFFF0000, v3;
	v10 =	vshll.u32 v19, $0x10;
	[tilespmem:s9+$0xFFFFFE10] =	vst v6;
	v6 =	vshll.u32 v12, $0x10;
	v21 =	vld [tilespmem:s25+$0xFFFFFFF0]  }
0xee: {  	[tilespmem:s9+$0xFFFFFE50] =	vst v4;
	v4 =	vand.u32 $0xFFFF0000, v12;
	v12 =	vand.u32 $0xFFFF0000, v19;
	v19 =	vld [tilespmem:s25+$0xFFFFFF60];
	v10 =	vadd.f32 v10, v6  }
0xef: {  	v3 =	vshll.u32 v3, $0x10;
	v14 =	vadd.f32 v16, v14;
	v23 =	vld [tilespmem:s25+$0xFFFFFF20];
	v4 =	vadd.f32 v12, v4  }
0xf0: {  	v22 =	vadd.f32 v22, v3;
	v12 =	vshll.u32 v8, $0x10;
	v6 =	vld [tilespmem:s22+$0x0];
	v8 =	vand.u32 $0xFFFF0000, v8;
	[tilespmem:s9+$0xFFFFFF20] =	vst v10  }
0xf1: {  	v2 =	vadd.f32 v13, v2;
	v3 =	vld [tilespmem:s10+$0x10];
	v5 =	vadd.f32 v8, v5;
	[tilespmem:s9+$0xFFFFFF60] =	vst v4  }
0xf2: {  	[tilespmem:s11+$0xFFFFFF30] =	vst v0;
	v8 =	vshll.u32 v15, $0x10;
	v0 =	vand.u32 $0xFFFF0000, v11;
	v10 =	vshll.u32 v17, $0x10;
	v13 =	vld [tilespmem:s10+$0xA0]  }
0xf3: {  	[tilespmem:s11+$0xFFFFFE60] =	vst v1;
	v4 =	vadd.f32 v12, v10;
	v10 =	vshll.u32 v11, $0x10;
	v12 =	vand.u32 $0xFFFF0000, v15;
	v15 =	vld [tilespmem:s10+$0xE0]  }
0xf4: {  	[tilespmem:s11+$0xFFFFFE20] =	vst v14;
	v14 =	vld [tilespmem:s14+$0xFFFFFF50];
	v11 =	vshll.u32 v7, $0x10;
	v7 =	vand.u32 $0xFFFF0000, v7;
	v10 =	vadd.f32 v10, v8  }
0xf5: {  	[tilespmem:s11+$0xFFFFFEF0] =	vst v2;
	v20 =	vld [tilespmem:s25+$0xFFFFFFB0];
	v17 =	vadd.f32 v0, v12;
	v1 =	vshll.u32 v19, $0x10;
	v2 =	vand.u32 $0xFFFF0000, v19  }
0xf6: {  	s18 =	simm.s32 $0x109F0;
	[tilespmem:s11+$0xFFFFFF70] =	vst v9;
	v16 =	vshll.u32 v21, $0x10;
	v19 =	vand.u32 $0xFFFF0000, v24;
	v12 =	vadd.f32 v11, v1;
	v11 =	vld [tilespmem:s14+$0xFFFFFF90]  }
0xf7: {  	v0 =	vshll.u32 v23, $0x10;
	v25 =	vadd.f32 v7, v2;
	v9 =	vand.u32 $0xFFFF0000, v3;
	[tilespmem:s18+$0xFFFFFF90] =	vst v10;
	v10 =	vld [tilespmem:s14+$0xFFFFFF10]  }
0xf8: {  	v8 =	vld [tilespmem:s22+$0x40];
	[tilespmem:s18+$0xFFFFFFD0] =	vst v17;
	v17 =	vand.u32 $0xFFFF0000, v21;
	v1 =	vand.u32 $0xFFFF0000, v13;
	v7 =	vshll.u32 v15, $0x10  }
0xf9: {  	v13 =	vshll.u32 v13, $0x10;
	v15 =	vand.u32 $0xFFFF0000, v15;
	v26 =	vadd.f32 v7, v16;
	v16 =	vld [tilespmem:s23+$0xFFFFFF30]  }
0xfa: {  	[tilespmem:s11+$0xFFFFFEB0] =	vst v22;
	v18 =	vshll.u32 v20, $0x10;
	v2 =	vand.u32 $0xFFFF0000, v20;
	v20 =	vadd.f32 v15, v17;
	v15 =	vld [tilespmem:s8+$0x20]  }
0xfb: {  	s17 =	simm.s32 $0x8;
	s13 =	simm.s32 $0x86F0;
	v21 =	vshll.u32 v24, $0x10;
	[tilespmem:s9+$0xFFFFFEE0] =	vst v25;
	v18 =	vadd.f32 v13, v18;
	v13 =	vld [tilespmem:s22+$0xD0];
	v7 =	vand.u32 $0xFFFF0000, v23  }
0xfc: {  	s20 =	smov.u32 s22;
	s24 =	sadd.s32 $0x80, s15;
	s26 =	simm.s32 $0x109F0;
	v22 =	vshll.u32 v11, $0x10;
	v23 =	vand.u32 $0xFFFF0000, v11;
	v11 =	vld [tilespmem:s8+$0x70];
	v17 =	vshll.u32 v10, $0x10;
	[tilespmem:s9+$0xFFFFFFB0] =	vst v26  }
.LBB2_5:
0xfd: {  	s17 =	sadd.s32 $0x4, s17;
	v24 =	vand.u32 $0xFFFF0000, v8;
	v21 =	vadd.f32 v21, v22;
	v19 =	vadd.f32 v19, v23;
	[tilespmem:s9+$0xFFFFFFF0] =	vst v20;
	v20 =	vld [tilespmem:s23+$0xFFFFFF80]  }
0xfe: {  	v22 =	vshll.u32 v14, $0x10;
	v14 =	vand.u32 $0xFFFF0000, v14;
	p1 =	slt.u32 s17, $0x7C;
	[tilespmem:s9+$0xFFFFFF30] =	vst v18;
	v18 =	vld [tilespmem:s25+$0x0];
	v23 =	vand.u32 $0xFFFF0000, v16  }
0xff: {  	v25 =	vshll.u32 v6, $0x10;
	v8 =	vshll.u32 v8, $0x10;
	v16 =	vshll.u32 v16, $0x10;
	[tilespmem:s18+$0xFFFFFF50] =	vst v19;
	v19 =	vld [tilespmem:s10+$0xF0]  }
0x100: {  	v6 =	vand.u32 $0xFFFF0000, v6;
	v8 =	vadd.f32 v8, v22;
	v22 =	vld [tilespmem:s14+$0xFFFFFFE0];
	[tilespmem:s9+$0xFFFFFEA0] =	vst v12;
	v12 =	vand.u32 $0xFFFF0000, v15  }
0x101: {  	v10 =	vand.u32 $0xFFFF0000, v10;
	v17 =	vadd.f32 v25, v17;
	v15 =	vshll.u32 v15, $0x10;
	[tilespmem:s18+$0xFFFFFF10] =	vst v21;
	v21 =	vld [tilespmem:s25+$0xFFFFFF70]  }
0x102: {  	v14 =	vadd.f32 v24, v14;
	v24 =	vshll.u32 v3, $0x10;
	v15 =	vadd.f32 v15, v16;
	v3 =	vld [tilespmem:s10+$0x60];
	[tilespmem:s11+$0xFFFFFFC0] =	vst v4  }
0x103: {  	v12 =	vadd.f32 v12, v23;
	v4 =	vadd.f32 v6, v10;
	v6 =	vld [tilespmem:s14+$0xFFFFFFA0];
	v10 =	vand.u32 $0xFFFF0000, v18;
	[tilespmem:s11+$0x0] =	vst v5  }
0x104: {  	s22 =	sadd.s32 $0x100, s22;
	v5 =	vshll.u32 v13, $0x10;
	v13 =	vand.u32 $0xFFFF0000, v13;
	[tilespmem:s11+$0xFFFFFE30] =	vst v15;
	v15 =	vshll.u32 v11, $0x10;
	v16 =	vld [tilespmem:s23+$0xFFFFFFC0]  }
0x105: {  	s14 =	sadd.s32 $0x100, s14;
	v11 =	vand.u32 $0xFFFF0000, v11;
	[tilespmem:s18+$0xFFFFFE10] =	vst v17;
	v17 =	vshll.u32 v22, $0x10;
	v22 =	vand.u32 $0xFFFF0000, v22;
	v23 =	vld [tilespmem:s8+$0xB0]  }
0x106: {  	v25 =	vand.u32 $0xFFFF0000, v20;
	[tilespmem:s18+$0xFFFFFE90] =	vst v8;
	v8 =	vld [tilespmem:s20+$0x90];
	v13 =	vadd.f32 v13, v22;
	v22 =	vand.u32 $0xFFFF0000, v21  }
0x107: {  	v11 =	vadd.f32 v11, v25;
	v26 =	vld [tilespmem:s22+$0xC0];
	[tilespmem:s18+$0xFFFFFE50] =	vst v4;
	v4 =	vadd.f32 v5, v17;
	v5 =	vshll.u32 v3, $0x10  }
0x108: {  	v25 =	vshll.u32 v19, $0x10;
	v21 =	vshll.u32 v21, $0x10;
	v17 =	vld [tilespmem:s14+$0xFFFFFFD0];
	[tilespmem:s11+$0xFFFFFE70] =	vst v12;
	v12 =	vshll.u32 v20, $0x10  }
0x109: {  	v7 =	vadd.f32 v9, v7;
	v3 =	vand.u32 $0xFFFF0000, v3;
	v9 =	vadd.f32 v5, v21;
	[tilespmem:s18+$0xFFFFFED0] =	vst v14;
	v14 =	vld [tilespmem:s8+$0x30];
	s8 =	smov.u32 s10;
	s10 =	smov.u32 s20;
	s20 =	smov.u32 s22  }
0x10a: {  	v5 =	vshll.u32 v6, $0x10;
	v3 =	vadd.f32 v3, v22;
	v21 =	vshll.u32 v16, $0x10;
	[tilespmem:s18+$0xFFFFFFA0] =	vst v4;
	v20 =	vld [tilespmem:s23+$0xFFFFFF40];
	s23 =	smov.u32 s25;
	s25 =	smov.u32 s13;
	s13 =	smov.u32 s14  }
0x10b: {  	v6 =	vand.u32 $0xFFFF0000, v6;
	v12 =	vadd.f32 v15, v12;
	v4 =	vshll.u32 v18, $0x10;
	v22 =	vld [tilespmem:s10+$0x50];
	[tilespmem:s18+$0xFFFFFFE0] =	vst v13  }
0x10c: {  	v13 =	vshll.u32 v8, $0x10;
	v8 =	vand.u32 $0xFFFF0000, v8;
	v15 =	vld [tilespmem:s25+$0xFFFFFFF0];
	[tilespmem:s9+$0xFFFFFE60] =	vst v7;
	v7 =	vand.u32 $0xFFFF0000, v23  }
0x10d: {  	v4 =	vadd.f32 v25, v4;
	v5 =	vadd.f32 v13, v5;
	v13 =	vand.u32 $0xFFFF0000, v19;
	v18 =	vld [tilespmem:s25+$0xFFFFFF60];
	[tilespmem:s11+$0xFFFFFEC0] =	vst v12  }
0x10e: {  	v8 =	vadd.f32 v8, v6;
	v12 =	vshll.u32 v26, $0x10;
	v25 =	vld [tilespmem:s25+$0xFFFFFF20];
	[tilespmem:s9+$0xFFFFFEF0] =	vst v3;
	v19 =	vshll.u32 v14, $0x10  }
0x10f: {  	v6 =	vld [tilespmem:s22+$0x0];
	[tilespmem:s18+$0xFFFFFF20] =	vst v5;
	v5 =	vadd.f32 v13, v10;
	v10 =	vshll.u32 v20, $0x10;
	v13 =	vand.u32 $0xFFFF0000, v20  }
0x110: {  	v3 =	vld [tilespmem:s10+$0x10];
	[tilespmem:s18+$0xFFFFFF60] =	vst v8;
	v8 =	vand.u32 $0xFFFF0000, v14;
	v10 =	vadd.f32 v19, v10;
	v14 =	vshll.u32 v23, $0x10  }
0x111: {  	v19 =	vld [tilespmem:s10+$0xA0];
	v13 =	vadd.f32 v8, v13;
	[tilespmem:s11+$0xFFFFFF00] =	vst v11;
	v8 =	vand.u32 $0xFFFF0000, v16;
	v11 =	vadd.f32 v14, v21  }
0x112: {  	v14 =	vshll.u32 v17, $0x10;
	v16 =	vand.u32 $0xFFFF0000, v17;
	v17 =	vld [tilespmem:s10+$0xE0];
	[tilespmem:s11+$0xFFFFFE40] =	vst v10;
	v7 =	vadd.f32 v7, v8  }
0x113: {  	v8 =	vand.u32 $0xFFFF0000, v26;
	v10 =	vadd.f32 v12, v14;
	v12 =	vshll.u32 v22, $0x10;
	v21 =	vld [tilespmem:s22+$0x80];
	[tilespmem:s11+$0xFFFFFF40] =	vst v11  }
0x114: {  	s18 =	sadd.s32 $0x200, s18;
	v11 =	vadd.f32 v8, v16;
	v14 =	vshll.u32 v25, $0x10;
	v16 =	vand.u32 $0xFFFF0000, v22;
	v20 =	vld [tilespmem:s25+$0xFFFFFFB0];
	[tilespmem:s11+$0xFFFFFF80] =	vst v7  }
0x115: {  	v22 =	vadd.f32 v24, v0;
	v7 =	vshll.u32 v18, $0x10;
	v18 =	vand.u32 $0xFFFF0000, v18;
	v0 =	vmovc v14;
	v8 =	vld [tilespmem:s22+$0x40];
	[tilespmem:s18+$0xFFFFFF90] =	vst v10  }
0x116: {  	v12 =	vadd.f32 v12, v7;
	v7 =	vadd.f32 v1, v2;
	v10 =	vld [tilespmem:s14+$0xFFFFFF10];
	[tilespmem:s18+$0xFFFFFFD0] =	vst v11;
	v1 =	vand.u32 $0xFFFF0000, v19  }
0x117: {  	v23 =	vshll.u32 v19, $0x10;
	v19 =	vshll.u32 v15, $0x10;
	v15 =	vand.u32 $0xFFFF0000, v15;
	v11 =	vld [tilespmem:s14+$0xFFFFFF90];
	[tilespmem:s9+$0xFFFFFE20] =	vst v22  }
.Ltmp1:
0x118: {  	v24 =	vadd.f32 v16, v18;
	v16 =	vshll.u32 v17, $0x10;
	v17 =	vand.u32 $0xFFFF0000, v17;
	v14 =	vld [tilespmem:s14+$0xFFFFFF50];
	[tilespmem:s11+$0xFFFFFE80] =	vst v13;
	s11 =	smov.u32 s9;
	s9 =	smov.u32 s26;
	(pc) =	sbr.rel @p1 .LBB2_5-.Ltmp1, $4  }
0x119: {  	v22 =	vadd.f32 v16, v19;
	s26 =	smov.u32 s18;
	v13 =	vshll.u32 v20, $0x10;
	v2 =	vand.u32 $0xFFFF0000, v20;
	v16 =	vld [tilespmem:s23+$0xFFFFFF30];
	[tilespmem:s11+$0xFFFFFF70] =	vst v7  }
0x11a: {  	v19 =	vand.u32 $0xFFFF0000, v21;
	v20 =	vadd.f32 v17, v15;
	v18 =	vadd.f32 v23, v13;
	v15 =	vld [tilespmem:s8+$0x20];
	[tilespmem:s11+$0xFFFFFEB0] =	vst v9  }
0x11b: {  	v21 =	vshll.u32 v21, $0x10;
	v7 =	vand.u32 $0xFFFF0000, v25;
	v17 =	vshll.u32 v10, $0x10;
	v13 =	vld [tilespmem:s22+$0xD0];
	[tilespmem:s9+$0xFFFFFFB0] =	vst v22  }
0x11c: {  	v9 =	vand.u32 $0xFFFF0000, v3;
	v22 =	vshll.u32 v11, $0x10;
	v23 =	vand.u32 $0xFFFF0000, v11;
	[tilespmem:s9+$0xFFFFFEE0] =	vst v24;
	v11 =	vld [tilespmem:s8+$0x70]  }
0x11d: {  	[tilespmem:s9+$0xFFFFFFF0] =	vst v20  }
0x11e: {  	[tilespmem:s9+$0xFFFFFF30] =	vst v18  }
0x11f: {  	[tilespmem:s9+$0xFFFFFEA0] =	vst v12  }
0x120: {  	v19 =	vadd.f32 v19, v23;
	[tilespmem:s11+$0xFFFFFFC0] =	vst v4  }
0x121: {  	v18 =	vadd.f32 v21, v22;
	v21 =	vshll.u32 v8, $0x10;
	[tilespmem:s11+$0x0] =	vst v5  }
0x122: {  	v5 =	vand.u32 $0xFFFF0000, v6;
	v10 =	vand.u32 $0xFFFF0000, v10;
	v7 =	vadd.f32 v9, v7;
	[tilespmem:s18+$0xFFFFFF50] =	vst v19  }
0x123: {  	v20 =	vld [tilespmem:s14+$0xFFFFFFE0];
	v12 =	vshll.u32 v16, $0x10;
	v5 =	vadd.f32 v5, v10;
	[tilespmem:s18+$0xFFFFFF10] =	vst v18;
	v18 =	vshll.u32 v15, $0x10  }
0x124: {  	v4 =	vld [tilespmem:s23+$0xFFFFFF80];
	v3 =	vshll.u32 v3, $0x10;
	v19 =	vshll.u32 v6, $0x10;
	[tilespmem:s9+$0xFFFFFE60] =	vst v7;
	v12 =	vadd.f32 v18, v12  }
0x125: {  	v10 =	vand.u32 $0xFFFF0000, v14;
	v18 =	vshll.u32 v14, $0x10;
	v17 =	vadd.f32 v19, v17;
	v14 =	vld [tilespmem:s14+$0xFFFFFFA0];
	[tilespmem:s18+$0xFFFFFE50] =	vst v5  }
0x126: {  	v15 =	vand.u32 $0xFFFF0000, v15;
	v6 =	vadd.f32 v21, v18;
	v18 =	vld [tilespmem:s25+$0xFFFFFF70];
	[tilespmem:s11+$0xFFFFFE30] =	vst v12;
	v12 =	vand.u32 $0xFFFF0000, v16  }
0x127: {  	v8 =	vand.u32 $0xFFFF0000, v8;
	v0 =	vadd.f32 v3, v0;
	v16 =	vld [tilespmem:s10+$0x60];
	[tilespmem:s18+$0xFFFFFE10] =	vst v17;
	v12 =	vadd.f32 v15, v12  }
0x128: {  	[tilespmem:s18+$0xFFFFFE90] =	vst v6;
	v6 =	vadd.f32 v8, v10;
	v8 =	vshll.u32 v13, $0x10;
	v10 =	vshll.u32 v20, $0x10;
	v15 =	vld [tilespmem:s20+$0x90]  }
0x129: {  	v5 =	vand.u32 $0xFFFF0000, v13;
	v17 =	vand.u32 $0xFFFF0000, v20;
	v13 =	vld [tilespmem:s23+$0xFFFFFFC0];
	v8 =	vadd.f32 v8, v10;
	[tilespmem:s11+$0xFFFFFE70] =	vst v12  }
0x12a: {  	v5 =	vadd.f32 v5, v17;
	v10 =	vshll.u32 v11, $0x10;
	v11 =	vand.u32 $0xFFFF0000, v11;
	[tilespmem:s18+$0xFFFFFED0] =	vst v6;
	v6 =	vld [tilespmem:s8+$0x30]  }
0x12b: {  	v12 =	vshll.u32 v4, $0x10;
	v4 =	vand.u32 $0xFFFF0000, v4;
	[tilespmem:s18+$0xFFFFFFA0] =	vst v8;
	v8 =	vld [tilespmem:s23+$0xFFFFFF40];
	v17 =	vand.u32 $0xFFFF0000, v18  }
0x12c: {  	[tilespmem:s18+$0xFFFFFFE0] =	vst v5;
	v5 =	vadd.f32 v10, v12;
	v4 =	vadd.f32 v11, v4;
	v19 =	vand.u32 $0xFFFF0000, v16  }
0x12d: {  	v9 =	vld [tilespmem:s8+$0xB0];
	[tilespmem:s9+$0xFFFFFE20] =	vst v0;
	v10 =	vshll.u32 v14, $0x10;
	v12 =	vadd.f32 v19, v17;
	v17 =	vshll.u32 v15, $0x10  }
0x12e: {  	v3 =	vld [tilespmem:s20+$0x10];
	v7 =	vand.u32 $0xFFFF0000, v14;
	v14 =	vand.u32 $0xFFFF0000, v15;
	[tilespmem:s11+$0xFFFFFF00] =	vst v4;
	v10 =	vadd.f32 v17, v10  }
0x12f: {  	v11 =	vld [tilespmem:s20+$0x50];
	v4 =	vand.u32 $0xFFFF0000, v13;
	v7 =	vadd.f32 v14, v7;
	[tilespmem:s9+$0xFFFFFEF0] =	vst v12  }
0x130: {  	v15 =	vld [tilespmem:s13+$0xFFFFFFF0];
	v14 =	vshll.u32 v13, $0x10;
	v12 =	vshll.u32 v6, $0x10;
	[tilespmem:s18+$0xFFFFFF20] =	vst v10;
	v10 =	vshll.u32 v8, $0x10  }
0x131: {  	v13 =	vld [tilespmem:s13+$0xFFFFFF60];
	[tilespmem:s18+$0xFFFFFF60] =	vst v7;
	v8 =	vand.u32 $0xFFFF0000, v8;
	v6 =	vand.u32 $0xFFFF0000, v6;
	v7 =	vadd.f32 v12, v10  }
0x132: {  	[tilespmem:s11+$0xFFFFFEC0] =	vst v5;
	v10 =	vshll.u32 v9, $0x10;
	v9 =	vand.u32 $0xFFFF0000, v9;
	v12 =	vld [tilespmem:s20+$0xE0];
	v6 =	vadd.f32 v6, v8  }
0x133: {  	v5 =	vld [tilespmem:s25+$0x0];
	v4 =	vadd.f32 v9, v4;
	[tilespmem:s11+$0xFFFFFE40] =	vst v7  }
0x134: {  	v1 =	vadd.f32 v1, v2;
	v2 =	vld [tilespmem:s13+$0xFFFFFFB0];
	v10 =	vadd.f32 v10, v14;
	[tilespmem:s11+$0xFFFFFE80] =	vst v6  }
0x135: {  	v8 =	vshll.u32 v18, $0x10;
	v7 =	vld [tilespmem:s13+$0xFFFFFF20];
	[tilespmem:s11+$0xFFFFFF80] =	vst v4;
	v4 =	vshll.u32 v16, $0x10  }
0x136: {  	v9 =	vld [tilespmem:s20+$0xA0];
	v6 =	vand.u32 $0xFFFF0000, v11;
	[tilespmem:s11+$0xFFFFFF40] =	vst v10;
	v10 =	vand.u32 $0xFFFF0000, v13;
	v0 =	vadd.f32 v4, v8  }
0x137: {  	[tilespmem:s9+$0xFFFFFF70] =	vst v1;
	v4 =	vshll.u32 v15, $0x10;
	v6 =	vadd.f32 v6, v10;
	v10 =	vld [tilespmem:s10+$0x20];
	v8 =	vshll.u32 v12, $0x10  }
0x138: {  	v1 =	vshll.u32 v11, $0x10;
	v11 =	vshll.u32 v13, $0x10;
	v4 =	vadd.f32 v8, v4;
	v8 =	vld [tilespmem:s25+$0xFFFFFF30];
	[tilespmem:s9+$0xFFFFFEB0] =	vst v0  }
0x139: {  	v1 =	vadd.f32 v1, v11;
	v11 =	vand.u32 $0xFFFF0000, v15;
	v12 =	vand.u32 $0xFFFF0000, v12;
	v0 =	vld [tilespmem:s10+$0xF0];
	[tilespmem:s26+$0xFFFFFEE0] =	vst v6  }
0x13a: {  	v6 =	vld [tilespmem:s10+$0x70];
	[tilespmem:s26+$0xFFFFFFB0] =	vst v4;
	v4 =	vadd.f32 v12, v11;
	v11 =	vand.u32 $0xFFFF0000, v7;
	v12 =	vand.u32 $0xFFFF0000, v3  }
0x13b: {  	[tilespmem:s26+$0xFFFFFEA0] =	vst v1;
	v1 =	vshll.u32 v3, $0x10;
	v13 =	vld [tilespmem:s25+$0xFFFFFF80];
	v7 =	vshll.u32 v7, $0x10;
	v3 =	vadd.f32 v12, v11  }
0x13c: {  	v14 =	vld [tilespmem:s20+$0x60];
	v11 =	vshll.u32 v9, $0x10;
	v12 =	vshll.u32 v2, $0x10;
	v1 =	vadd.f32 v1, v7;
	[tilespmem:s26+$0xFFFFFFF0] =	vst v4  }
0x13d: {  	v4 =	vld [tilespmem:s13+$0xFFFFFF70];
	v7 =	vadd.f32 v11, v12;
	v12 =	vshll.u32 v10, $0x10;
	v11 =	vshll.u32 v8, $0x10;
	[tilespmem:s26+$0xFFFFFE60] =	vst v3  }
0x13e: {  	v3 =	vand.u32 $0xFFFF0000, v8;
	v8 =	vand.u32 $0xFFFF0000, v10;
	[tilespmem:s26+$0xFFFFFE20] =	vst v1;
	v10 =	vadd.f32 v12, v11  }
0x13f: {  	v1 =	vshll.u32 v0, $0x10;
	v11 =	vshll.u32 v5, $0x10;
	[tilespmem:s26+$0xFFFFFF30] =	vst v7;
	v3 =	vadd.f32 v8, v3;
	v7 =	vld [tilespmem:s13+$0xFFFFFF30]  }
0x140: {  	v0 =	vand.u32 $0xFFFF0000, v0;
	v5 =	vand.u32 $0xFFFF0000, v5;
	v8 =	vld [tilespmem:s20+$0x20];
	v1 =	vadd.f32 v1, v11;
	[tilespmem:s9+$0xFFFFFE30] =	vst v10  }
0x141: {  	v0 =	vadd.f32 v0, v5;
	v5 =	vshll.u32 v6, $0x10;
	v10 =	vld [tilespmem:s25+$0xFFFFFFC0];
	[tilespmem:s9+$0xFFFFFE70] =	vst v3;
	v3 =	vshll.u32 v13, $0x10  }
0x142: {  	v11 =	vand.u32 $0xFFFF0000, v14;
	[tilespmem:s9+$0xFFFFFFC0] =	vst v1;
	v1 =	vand.u32 $0xFFFF0000, v4;
	v12 =	vld [tilespmem:s10+$0x30];
	v3 =	vadd.f32 v5, v3  }
0x143: {  	[tilespmem:s9+$0x0] =	vst v0;
	v0 =	vshll.u32 v14, $0x10;
	v4 =	vshll.u32 v4, $0x10;
	v5 =	vld [tilespmem:s25+$0xFFFFFF40];
	v1 =	vadd.f32 v11, v1  }
0x144: {  	v9 =	vand.u32 $0xFFFF0000, v9;
	v2 =	vand.u32 $0xFFFF0000, v2;
	v11 =	vld [tilespmem:s10+$0xB0];
	v0 =	vadd.f32 v0, v4;
	[tilespmem:s9+$0xFFFFFEC0] =	vst v3  }
0x145: {  	v3 =	vld [tilespmem:s13+$0x0];
	v4 =	vshll.u32 v8, $0x10;
	[tilespmem:s26+$0xFFFFFEF0] =	vst v1;
	v1 =	vadd.f32 v9, v2;
	v2 =	vshll.u32 v7, $0x10  }
0x146: {  	v9 =	vld [tilespmem:s20+$0xF0];
	[tilespmem:s26+$0xFFFFFEB0] =	vst v0;
	v0 =	vand.u32 $0xFFFF0000, v7;
	v7 =	vand.u32 $0xFFFF0000, v8;
	v2 =	vadd.f32 v4, v2  }
0x147: {  	v4 =	vand.u32 $0xFFFF0000, v6;
	v6 =	vand.u32 $0xFFFF0000, v13;
	v0 =	vadd.f32 v7, v0;
	v8 =	vld [tilespmem:s13+$0xFFFFFF80];
	[tilespmem:s26+$0xFFFFFF70] =	vst v1  }
0x148: {  	v1 =	vld [tilespmem:s20+$0x70];
	v4 =	vadd.f32 v4, v6;
	v6 =	vshll.u32 v12, $0x10;
	v7 =	vshll.u32 v5, $0x10;
	[tilespmem:s26+$0xFFFFFE30] =	vst v2  }
0x149: {  	v2 =	vshll.u32 v10, $0x10;
	v6 =	vadd.f32 v6, v7;
	v7 =	vshll.u32 v11, $0x10;
	v13 =	vld [tilespmem:s13+$0xFFFFFFC0];
	[tilespmem:s26+$0xFFFFFE70] =	vst v0  }
0x14a: {  	v0 =	vand.u32 $0xFFFF0000, v11;
	[tilespmem:s9+$0xFFFFFF00] =	vst v4;
	v4 =	vand.u32 $0xFFFF0000, v10;
	v2 =	vadd.f32 v7, v2;
	v7 =	vld [tilespmem:s20+$0x30]  }
0x14b: {  	v5 =	vand.u32 $0xFFFF0000, v5;
	v10 =	vand.u32 $0xFFFF0000, v12;
	[tilespmem:s9+$0xFFFFFE40] =	vst v6;
	v0 =	vadd.f32 v0, v4;
	v4 =	vld [tilespmem:s13+$0xFFFFFF40]  }
0x14c: {  	v11 =	vshll.u32 v3, $0x10;
	v6 =	vshll.u32 v9, $0x10;
	v5 =	vadd.f32 v10, v5;
	[tilespmem:s9+$0xFFFFFF40] =	vst v2;
	v2 =	vld [tilespmem:s20+$0xB0]  }
0x14d: {  	v3 =	vand.u32 $0xFFFF0000, v3;
	v9 =	vand.u32 $0xFFFF0000, v9;
	v6 =	vadd.f32 v6, v11;
	[tilespmem:s9+$0xFFFFFF80] =	vst v0  }
0x14e: {  	v0 =	vadd.f32 v9, v3;
	[tilespmem:s9+$0xFFFFFE80] =	vst v5;
	v3 =	vshll.u32 v1, $0x10;
	v5 =	vshll.u32 v8, $0x10  }
0x14f: {  	v1 =	vand.u32 $0xFFFF0000, v1;
	[tilespmem:s26+$0xFFFFFFC0] =	vst v6;
	v6 =	vand.u32 $0xFFFF0000, v8;
	v3 =	vadd.f32 v3, v5  }
0x150: {  	[tilespmem:s26+$0x0] =	vst v0;
	v0 =	vadd.f32 v1, v6;
	v1 =	vshll.u32 v7, $0x10;
	v5 =	vshll.u32 v4, $0x10  }
0x151: {  	v6 =	vshll.u32 v13, $0x10;
	[tilespmem:s26+$0xFFFFFEC0] =	vst v3;
	v1 =	vadd.f32 v1, v5;
	v3 =	vshll.u32 v2, $0x10  }
0x152: {  	v2 =	vand.u32 $0xFFFF0000, v2;
	[tilespmem:s26+$0xFFFFFF00] =	vst v0;
	v0 =	vand.u32 $0xFFFF0000, v13;
	v3 =	vadd.f32 v3, v6  }
0x153: {  	v4 =	vand.u32 $0xFFFF0000, v4;
	v5 =	vand.u32 $0xFFFF0000, v7;
	v0 =	vadd.f32 v2, v0;
	[tilespmem:s26+$0xFFFFFE40] =	vst v1  }
0x154: {  	s23 =	sadd.s32 s4, s24;
	v1 =	vadd.f32 v5, v4;
	[tilespmem:s26+$0xFFFFFF40] =	vst v3  }
0x155: {  	s8 =	sshll.u32 s23, $0x4;
	[tilespmem:s26+$0xFFFFFF80] =	vst v0  }
0x156: {  	s22 =	simm.s32 $0x8400;
	s8 =	sand.u32 $0x1FFFF800, s8;
	s20 =	sadd.s32 $0x200, s6;
	[tilespmem:s26+$0xFFFFFE80] =	vst v1  }
0x157: {  	[tilespmem:s22], [sflag:$0x2] =	stream.indirect.gather [hbm4b:s5+s2], $0x40, s20, s2, $0xb8;
	[tilespmem:$0x1E800] =	vst v63  }
0x158: {  	s24 =	simm.s32 $0x10400;
	s8 =	sadd.s32 s21, s8  }
0x159: {  	[hbm4b:s8+s3] =	stream.linear.scatter [tilespmem:s24], [sflag:$0x5], $0x4000, $0x38;
	[tilespmem:$0x1E800] =	vst v63  }
0x15a: {  	s8 =	simm.s32 @!p0 $0x6  }
0x15b: {  	_ =	swait.ge @!p0 [sflag:s8], $0x4000  }
0x15c: {  	[sflag:s8] =	ssyncset.done @!p0 $0x0  }
0x15d: {  	s25 =	simm.s32 $0x3;
	v0 =	vmov s7;
	[sflag:s8] =	ssyncadd.s32 @!p0 $0xFFFFC000  }
0x15e: {  	_ =	swait.ge [sflag:s25], $0x2000  }
0x15f: {  	[sflag:s25] =	ssyncset.done $0x0  }
0x160: {  	s26 =	simm.s32 $0x0;
	[sflag:s25] =	ssyncadd.s32 $0xFFFFE000  }
0x161: {  	v1 =	vld [tilespmem:s26+$0xA4C0]  }
0x162: {  	v2 =	vld.idx.msk [tilespmem:v0+s26+$0xC0 ss:$0x1], $0xffff;
	_ =	sdelay $0x4  }
0x163: {  	v3 =	vld.idx.msk [tilespmem:v0+s26+$0x0 ss:$0x1], $0xffff;
	v4 =	vshll.u32 v1, $0x10;
	v5 =	vshll.u32 v2, $0x10  }
0x164: {  	v6 =	vld [tilespmem:s26+$0xA400];
	v1 =	vand.u32 $0xFFFF0000, v1;
	v2 =	vand.u32 $0xFFFF0000, v2;
	v4 =	vadd.f32 v5, v4  }
0x165: {  	s7 =	simm.s32 $0x145F0;
	v5 =	vld.idx.msk [tilespmem:v0+s26+$0x40 ss:$0x1], $0xffff;
	v1 =	vadd.f32 v2, v1  }
0x166: {  	v2 =	vld [tilespmem:s26+$0xA440];
	[tilespmem:s7+$0xFFFFFF90] =	vst v4  }
0x167: {  	[tilespmem:s7+$0xFFFFFFD0] =	vst v1  }
0x168: {  	v1 =	vld.idx.msk [tilespmem:v0+s26+$0xD0 ss:$0x1], $0xffff  }
0x169: {  	v7 =	vshll.u32 v6, $0x10;
	v4 =	vshll.u32 v3, $0x10;
	v8 =	vld [tilespmem:s26+$0xA4D0]  }
0x16a: {  	v6 =	vand.u32 $0xFFFF0000, v6;
	v3 =	vand.u32 $0xFFFF0000, v3;
	v4 =	vadd.f32 v4, v7  }
0x16b: {  	v3 =	vadd.f32 v3, v6;
	v7 =	vshll.u32 v5, $0x10;
	v9 =	vshll.u32 v2, $0x10  }
0x16c: {  	v6 =	vld.idx.msk [tilespmem:v0+s26+$0x80 ss:$0x1], $0xffff;
	v5 =	vand.u32 $0xFFFF0000, v5;
	v2 =	vand.u32 $0xFFFF0000, v2;
	[tilespmem:s7+$0xFFFFFE10] =	vst v4;
	v7 =	vadd.f32 v7, v9  }
0x16d: {  	v4 =	vld [tilespmem:s26+$0xA480];
	[tilespmem:s7+$0xFFFFFE50] =	vst v3;
	v2 =	vadd.f32 v5, v2  }
0x16e: {  	v3 =	vld.idx.msk [tilespmem:v0+s26+$0x10 ss:$0x1], $0xffff;
	[tilespmem:s7+$0xFFFFFE90] =	vst v7;
	v5 =	vshll.u32 v8, $0x10;
	v7 =	vshll.u32 v1, $0x10  }
0x16f: {  	v9 =	vld [tilespmem:s26+$0xA410];
	[tilespmem:s7+$0xFFFFFED0] =	vst v2;
	v2 =	vand.u32 $0xFFFF0000, v8;
	v1 =	vand.u32 $0xFFFF0000, v1;
	v5 =	vadd.f32 v7, v5  }
0x170: {  	v7 =	vld.idx.msk [tilespmem:v0+s26+$0x50 ss:$0x1], $0xffff;
	v1 =	vadd.f32 v1, v2  }
0x171: {  	v2 =	vld [tilespmem:s26+$0xA450];
	[tilespmem:s7+$0xFFFFFFA0] =	vst v5  }
0x172: {  	v8 =	vshll.u32 v4, $0x10;
	v5 =	vshll.u32 v6, $0x10;
	[tilespmem:s7+$0xFFFFFFE0] =	vst v1  }
0x173: {  	v4 =	vand.u32 $0xFFFF0000, v4;
	v1 =	vand.u32 $0xFFFF0000, v6;
	v5 =	vadd.f32 v5, v8;
	v6 =	vld.idx.msk [tilespmem:v0+s26+$0xE0 ss:$0x1], $0xffff  }
0x174: {  	v1 =	vadd.f32 v1, v4;
	v4 =	vshll.u32 v9, $0x10;
	v8 =	vshll.u32 v3, $0x10;
	v10 =	vld [tilespmem:s26+$0xA4E0]  }
0x175: {  	s9 =	simm.s32 $0x100;
	v3 =	vand.u32 $0xFFFF0000, v3;
	v4 =	vadd.f32 v8, v4;
	[tilespmem:s7+$0xFFFFFF10] =	vst v5;
	v5 =	vand.u32 $0xFFFF0000, v9  }
0x176: {  	v12 =	vld.idx.msk [tilespmem:v0+s9+$0x0 ss:$0x1], $0xffff;
	[tilespmem:s7+$0xFFFFFF50] =	vst v1;
	v1 =	vshll.u32 v2, $0x10;
	v8 =	vshll.u32 v7, $0x10;
	v3 =	vadd.f32 v3, v5  }
0x177: {  	v7 =	vand.u32 $0xFFFF0000, v7;
	v2 =	vand.u32 $0xFFFF0000, v2;
	v5 =	vld.idx.msk [tilespmem:v0+s26+$0x90 ss:$0x1], $0xffff;
	[tilespmem:s7+$0xFFFFFE20] =	vst v4;
	v1 =	vadd.f32 v8, v1  }
0x178: {  	v4 =	vld [tilespmem:s26+$0xA490];
	v2 =	vadd.f32 v7, v2;
	[tilespmem:s7+$0xFFFFFE60] =	vst v3  }
0x179: {  	[tilespmem:s7+$0xFFFFFEA0] =	vst v1;
	v1 =	vshll.u32 v10, $0x10;
	v7 =	vshll.u32 v6, $0x10;
	v3 =	vld.idx.msk [tilespmem:v0+s26+$0x20 ss:$0x1], $0xffff  }
0x17a: {  	[tilespmem:s7+$0xFFFFFEE0] =	vst v2;
	v2 =	vand.u32 $0xFFFF0000, v10;
	v6 =	vand.u32 $0xFFFF0000, v6;
	v8 =	vld [tilespmem:s26+$0xA420];
	v1 =	vadd.f32 v7, v1  }
0x17b: {  	v2 =	vadd.f32 v6, v2;
	v6 =	vld [tilespmem:s9+$0xA4C0]  }
0x17c: {  	[tilespmem:s7+$0xFFFFFFB0] =	vst v1;
	v1 =	vld.idx.msk [tilespmem:v0+s9+$0xC0 ss:$0x1], $0xffff  }
0x17d: {  	v7 =	vld.idx.msk [tilespmem:v0+s26+$0x60 ss:$0x1], $0xffff;
	[tilespmem:s7+$0xFFFFFFF0] =	vst v2;
	v9 =	vshll.u32 v4, $0x10  }
0x17e: {  	v11 =	vshll.u32 v5, $0x10;
	v5 =	vand.u32 $0xFFFF0000, v5;
	v4 =	vand.u32 $0xFFFF0000, v4;
	v2 =	vld.idx.msk [tilespmem:v0+s26+$0xF0 ss:$0x1], $0xffff  }
0x17f: {  	v10 =	vld [tilespmem:s26+$0xA4F0];
	v9 =	vadd.f32 v11, v9;
	v4 =	vadd.f32 v5, v4;
	v5 =	vshll.u32 v8, $0x10  }
0x180: {  	v11 =	vld.idx.msk [tilespmem:v0+s9+$0x40 ss:$0x1], $0xffff;
	v13 =	vshll.u32 v3, $0x10;
	v3 =	vand.u32 $0xFFFF0000, v3;
	v8 =	vand.u32 $0xFFFF0000, v8  }
0x181: {  	v15 =	vshll.u32 v6, $0x10;
	[tilespmem:s7+$0xFFFFFF20] =	vst v9;
	v5 =	vadd.f32 v13, v5;
	v13 =	vld [tilespmem:s9+$0xA400];
	v16 =	vshll.u32 v1, $0x10  }
0x182: {  	v14 =	vld.idx.msk [tilespmem:v0+s9+$0x80 ss:$0x1], $0xffff;
	v6 =	vand.u32 $0xFFFF0000, v6;
	[tilespmem:s7+$0xFFFFFF60] =	vst v4;
	v1 =	vand.u32 $0xFFFF0000, v1;
	v15 =	vadd.f32 v16, v15  }
0x183: {  	s8 =	simm.s32 $0x147F0;
	v9 =	vld [tilespmem:s9+$0xA440];
	v3 =	vadd.f32 v3, v8;
	v1 =	vadd.f32 v1, v6;
	[tilespmem:s7+$0xFFFFFE30] =	vst v5  }
0x184: {  	v17 =	vld [tilespmem:s26+$0xA460];
	v6 =	vshll.u32 v7, $0x10;
	v8 =	vand.u32 $0xFFFF0000, v10;
	v16 =	vand.u32 $0xFFFF0000, v2;
	[tilespmem:s8+$0xFFFFFF90] =	vst v15  }
0x185: {  	v4 =	vld [tilespmem:s9+$0xA480];
	v7 =	vand.u32 $0xFFFF0000, v7;
	v5 =	vand.u32 $0xFFFF0000, v11;
	v8 =	vadd.f32 v16, v8;
	[tilespmem:s8+$0xFFFFFFD0] =	vst v1  }
0x186: {  	v16 =	vshll.u32 v12, $0x10;
	v1 =	vand.u32 $0xFFFF0000, v12;
	v18 =	vshll.u32 v13, $0x10;
	v19 =	vld.idx.msk [tilespmem:v0+s9+$0xD0 ss:$0x1], $0xffff  }
0x187: {  	v12 =	vshll.u32 v11, $0x10;
	v11 =	vand.u32 $0xFFFF0000, v13;
	v13 =	vadd.f32 v16, v18;
	v16 =	vld [tilespmem:s9+$0xA4D0]  }
0x188: {  	[tilespmem:s7+$0xFFFFFE70] =	vst v3;
	v3 =	vshll.u32 v2, $0x10;
	v2 =	vld [tilespmem:s26+$0xA4A0];
	v18 =	vshll.u32 v9, $0x10;
	v1 =	vadd.f32 v1, v11  }
0x189: {  	v15 =	vld.idx.msk [tilespmem:v0+s26+$0xA0 ss:$0x1], $0xffff;
	v11 =	vshll.u32 v14, $0x10;
	v9 =	vand.u32 $0xFFFF0000, v9;
	v12 =	vadd.f32 v12, v18;
	[tilespmem:s8+$0xFFFFFE10] =	vst v13  }
0x18a: {  	v18 =	vld.idx.msk [tilespmem:v0+s26+$0x30 ss:$0x1], $0xffff;
	v5 =	vadd.f32 v5, v9;
	v13 =	vand.u32 $0xFFFF0000, v14;
	v14 =	vshll.u32 v4, $0x10;
	[tilespmem:s8+$0xFFFFFE50] =	vst v1  }
0x18b: {  	v9 =	vld [tilespmem:s26+$0xA430];
	v1 =	vand.u32 $0xFFFF0000, v4;
	v4 =	vshll.u32 v10, $0x10;
	v10 =	vadd.f32 v11, v14;
	[tilespmem:s8+$0xFFFFFE90] =	vst v12  }
0x18c: {  	v11 =	vld.idx.msk [tilespmem:v0+s9+$0x10 ss:$0x1], $0xffff;
	v1 =	vadd.f32 v13, v1;
	[tilespmem:s8+$0xFFFFFED0] =	vst v5;
	v13 =	vshll.u32 v19, $0x10;
	v5 =	vshll.u32 v16, $0x10  }
0x18d: {  	v12 =	vld [tilespmem:s9+$0xA410];
	[tilespmem:s8+$0xFFFFFF10] =	vst v10;
	v10 =	vand.u32 $0xFFFF0000, v16;
	v16 =	vand.u32 $0xFFFF0000, v19;
	v5 =	vadd.f32 v13, v5  }
0x18e: {  	v14 =	vld.idx.msk [tilespmem:v0+s9+$0x50 ss:$0x1], $0xffff;
	v19 =	vshll.u32 v17, $0x10;
	[tilespmem:s8+$0xFFFFFF50] =	vst v1;
	v13 =	vshll.u32 v15, $0x10;
	v1 =	vadd.f32 v16, v10  }
0x18f: {  	v20 =	vld [tilespmem:s9+$0xA450];
	v10 =	vand.u32 $0xFFFF0000, v15;
	v15 =	vand.u32 $0xFFFF0000, v17;
	v6 =	vadd.f32 v6, v19;
	[tilespmem:s8+$0xFFFFFFA0] =	vst v5  }
0x190: {  	v7 =	vadd.f32 v7, v15;
	v5 =	vshll.u32 v2, $0x10;
	v2 =	vand.u32 $0xFFFF0000, v2;
	[tilespmem:s8+$0xFFFFFFE0] =	vst v1  }
0x191: {  	v16 =	vld.idx.msk [tilespmem:v0+s9+$0x90 ss:$0x1], $0xffff;
	[tilespmem:s7+$0xFFFFFEB0] =	vst v6;
	v6 =	vshll.u32 v18, $0x10;
	v18 =	vand.u32 $0xFFFF0000, v18;
	v1 =	vadd.f32 v13, v5  }
0x192: {  	v15 =	vld [tilespmem:s9+$0xA490];
	v5 =	vshll.u32 v12, $0x10;
	v13 =	vshll.u32 v11, $0x10;
	[tilespmem:s7+$0xFFFFFEF0] =	vst v7;
	v2 =	vadd.f32 v10, v2  }
0x193: {  	v17 =	vld.idx.msk [tilespmem:v0+s9+$0xE0 ss:$0x1], $0xffff;
	v7 =	vand.u32 $0xFFFF0000, v11;
	v10 =	vand.u32 $0xFFFF0000, v12;
	v5 =	vadd.f32 v13, v5;
	[tilespmem:s7+$0xFFFFFF30] =	vst v1  }
0x194: {  	v11 =	vshll.u32 v14, $0x10;
	v13 =	vld [tilespmem:s9+$0xA4E0];
	v1 =	vshll.u32 v20, $0x10;
	[tilespmem:s7+$0xFFFFFF70] =	vst v2;
	v2 =	vshll.u32 v9, $0x10  }
0x195: {  	v12 =	vld.idx.msk [tilespmem:v0+s26+$0x70 ss:$0x1], $0xffff;
	v9 =	vand.u32 $0xFFFF0000, v9;
	[tilespmem:s8+$0xFFFFFE20] =	vst v5;
	v5 =	vadd.f32 v7, v10;
	v7 =	vand.u32 $0xFFFF0000, v14  }
0x196: {  	v10 =	vand.u32 $0xFFFF0000, v20;
	v1 =	vadd.f32 v11, v1;
	v11 =	vld [tilespmem:s26+$0xA470];
	v9 =	vadd.f32 v18, v9  }
0x197: {  	s10 =	simm.s32 $0x200;
	[tilespmem:s8+$0xFFFFFE60] =	vst v5;
	v5 =	vadd.f32 v7, v10;
	v7 =	vld.idx.msk [tilespmem:v0+s26+$0xB0 ss:$0x1], $0xffff  }
0x198: {  	v4 =	vadd.f32 v3, v4;
	v14 =	vshll.u32 v15, $0x10;
	v15 =	vand.u32 $0xFFFF0000, v15;
	[tilespmem:s7+$0xFFFFFE80] =	vst v9;
	v9 =	vld [tilespmem:s10+$0xA400]  }
0x199: {  	v10 =	vshll.u32 v16, $0x10;
	[tilespmem:s8+$0xFFFFFEA0] =	vst v1;
	v20 =	vshll.u32 v17, $0x10;
	v19 =	vld.idx.msk [tilespmem:v0+s9+$0x20 ss:$0x1], $0xffff;
	v1 =	vshll.u32 v13, $0x10  }
0x19a: {  	v21 =	vld [tilespmem:s9+$0xA420];
	[tilespmem:s8+$0xFFFFFEE0] =	vst v5;
	v5 =	vand.u32 $0xFFFF0000, v13;
	v13 =	vand.u32 $0xFFFF0000, v17;
	v1 =	vadd.f32 v20, v1  }
0x19b: {  	[tilespmem:s7+$0x0] =	vst v8;
	v16 =	vand.u32 $0xFFFF0000, v16;
	v10 =	vadd.f32 v10, v14;
	v14 =	vld [tilespmem:s10+$0xA4C0];
	v5 =	vadd.f32 v13, v5  }
0x19c: {  	v6 =	vadd.f32 v6, v2;
	v17 =	vld.idx.msk [tilespmem:v0+s9+$0x60 ss:$0x1], $0xffff;
	v13 =	vadd.f32 v16, v15;
	v2 =	vshll.u32 v11, $0x10;
	[tilespmem:s8+$0xFFFFFFB0] =	vst v1  }
0x19d: {  	v15 =	vld.idx.msk [tilespmem:v0+s10+$0xC0 ss:$0x1], $0xffff;
	v1 =	vshll.u32 v12, $0x10;
	v12 =	vand.u32 $0xFFFF0000, v12;
	[tilespmem:s8+$0xFFFFFFF0] =	vst v5;
	v5 =	vand.u32 $0xFFFF0000, v11  }
0x19e: {  	[tilespmem:s7+$0xFFFFFFC0] =	vst v4;
	v16 =	vld.idx.msk [tilespmem:v0+s10+$0x0 ss:$0x1], $0xffff;
	v8 =	vadd.f32 v1, v2;
	v2 =	vshll.u32 v7, $0x10;
	v1 =	vand.u32 $0xFFFF0000, v7  }
0x19f: {  	[tilespmem:s8+$0xFFFFFF20] =	vst v10;
	v11 =	vld.idx.msk [tilespmem:v0+s9+$0xF0 ss:$0x1], $0xffff;
	v5 =	vadd.f32 v12, v5;
	v7 =	vshll.u32 v21, $0x10;
	v10 =	vshll.u32 v19, $0x10  }
0x1a0: {  	[tilespmem:s8+$0xFFFFFF60] =	vst v13;
	v12 =	vld [tilespmem:s9+$0xA4F0];
	v13 =	vand.u32 $0xFFFF0000, v19;
	v18 =	vand.u32 $0xFFFF0000, v21;
	v3 =	vshll.u32 v14, $0x10  }
0x1a1: {  	[tilespmem:s7+$0xFFFFFE40] =	vst v6;
	v14 =	vand.u32 $0xFFFF0000, v14;
	v7 =	vadd.f32 v10, v7;
	v10 =	vld.idx.msk [tilespmem:v0+s10+$0x40 ss:$0x1], $0xffff;
	v6 =	vadd.f32 v13, v18  }
0x1a2: {  	v18 =	vld.idx.msk [tilespmem:v0+s10+$0x80 ss:$0x1], $0xffff;
	[tilespmem:s7+$0xFFFFFEC0] =	vst v8;
	v13 =	vshll.u32 v17, $0x10;
	v17 =	vand.u32 $0xFFFF0000, v17;
	v19 =	vshll.u32 v15, $0x10  }
0x1a3: {  	v8 =	vld [tilespmem:s10+$0xA440];
	v15 =	vand.u32 $0xFFFF0000, v15;
	[tilespmem:s7+$0xFFFFFF00] =	vst v5;
	v5 =	vand.u32 $0xFFFF0000, v9;
	v3 =	vadd.f32 v19, v3  }
0x1a4: {  	v21 =	vld [tilespmem:s9+$0xA460];
	[tilespmem:s8+$0xFFFFFE70] =	vst v6;
	v6 =	vshll.u32 v16, $0x10;
	v16 =	vand.u32 $0xFFFF0000, v16;
	v14 =	vadd.f32 v15, v14  }
0x1a5: {  	s11 =	simm.s32 $0x149F0;
	[tilespmem:s8+$0xFFFFFE30] =	vst v7;
	v7 =	vld [tilespmem:s10+$0xA480];
	v5 =	vadd.f32 v16, v5;
	v19 =	vand.u32 $0xFFFF0000, v12;
	v20 =	vand.u32 $0xFFFF0000, v11  }
0x1a6: {  	v15 =	vld.idx.msk [tilespmem:v0+s9+$0xA0 ss:$0x1], $0xffff;
	[tilespmem:s11+$0xFFFFFF90] =	vst v3;
	v3 =	vshll.u32 v11, $0x10;
	v11 =	vshll.u32 v9, $0x10;
	v4 =	vshll.u32 v12, $0x10  }
0x1a7: {  	[tilespmem:s11+$0xFFFFFFD0] =	vst v14;
	v14 =	vld [tilespmem:s9+$0xA4A0];
	v19 =	vadd.f32 v20, v19;
	v20 =	vshll.u32 v10, $0x10;
	v10 =	vand.u32 $0xFFFF0000, v10  }
0x1a8: {  	v22 =	vshll.u32 v18, $0x10;
	v9 =	vshll.u32 v8, $0x10;
	v23 =	vld.idx.msk [tilespmem:v0+s10+$0xD0 ss:$0x1], $0xffff;
	v6 =	vadd.f32 v6, v11  }
0x1a9: {  	v18 =	vand.u32 $0xFFFF0000, v18;
	v8 =	vand.u32 $0xFFFF0000, v8;
	v9 =	vadd.f32 v20, v9;
	[tilespmem:s8+$0x0] =	vst v19;
	v19 =	vld [tilespmem:s10+$0xA4D0]  }
0x1aa: {  	v16 =	vld.idx.msk [tilespmem:v0+s9+$0x30 ss:$0x1], $0xffff;
	v11 =	vshll.u32 v7, $0x10;
	v7 =	vand.u32 $0xFFFF0000, v7;
	[tilespmem:s11+$0xFFFFFE10] =	vst v6;
	v6 =	vadd.f32 v10, v8  }
0x1ab: {  	[tilespmem:s11+$0xFFFFFE50] =	vst v5;
	v10 =	vld [tilespmem:s9+$0xA430];
	v12 =	vand.u32 $0xFFFF0000, v15;
	v8 =	vadd.f32 v22, v11;
	v11 =	vshll.u32 v15, $0x10  }
0x1ac: {  	v5 =	vadd.f32 v18, v7;
	v7 =	vshll.u32 v21, $0x10;
	v15 =	vld [tilespmem:s26+$0xA4B0];
	[tilespmem:s11+$0xFFFFFE90] =	vst v9;
	v9 =	vand.u32 $0xFFFF0000, v21  }
0x1ad: {  	v18 =	vld.idx.msk [tilespmem:v0+s10+$0x10 ss:$0x1], $0xffff;
	v20 =	vshll.u32 v14, $0x10;
	v14 =	vand.u32 $0xFFFF0000, v14;
	[tilespmem:s11+$0xFFFFFED0] =	vst v6;
	v13 =	vadd.f32 v13, v7  }
0x1ae: {  	v21 =	vld [tilespmem:s10+$0xA410];
	v9 =	vadd.f32 v17, v9;
	v22 =	vshll.u32 v23, $0x10;
	[tilespmem:s11+$0xFFFFFF10] =	vst v8;
	v6 =	vshll.u32 v19, $0x10  }
0x1af: {  	v24 =	vld.idx.msk [tilespmem:v0+s10+$0x50 ss:$0x1], $0xffff;
	v8 =	vand.u32 $0xFFFF0000, v23;
	[tilespmem:s11+$0xFFFFFF50] =	vst v5;
	v7 =	vand.u32 $0xFFFF0000, v19;
	v6 =	vadd.f32 v22, v6  }
0x1b0: {  	v14 =	vadd.f32 v12, v14;
	v17 =	vld.idx.msk [tilespmem:v0+s10+$0x90 ss:$0x1], $0xffff;
	v5 =	vadd.f32 v8, v7  }
0x1b1: {  	v19 =	vld [tilespmem:s10+$0xA450];
	v8 =	vshll.u32 v16, $0x10;
	v7 =	vand.u32 $0xFFFF0000, v16;
	v16 =	vadd.f32 v11, v20;
	[tilespmem:s11+$0xFFFFFFA0] =	vst v6  }
0x1b2: {  	v20 =	vld [tilespmem:s10+$0xA490];
	v11 =	vshll.u32 v10, $0x10;
	v10 =	vand.u32 $0xFFFF0000, v10;
	v12 =	vshll.u32 v18, $0x10;
	[tilespmem:s11+$0xFFFFFFE0] =	vst v5  }
0x1b3: {  	[tilespmem:s8+$0xFFFFFEB0] =	vst v13;
	v18 =	vand.u32 $0xFFFF0000, v18;
	v13 =	vand.u32 $0xFFFF0000, v21;
	v5 =	vshll.u32 v21, $0x10;
	v22 =	vld.idx.msk [tilespmem:v0+s10+$0xE0 ss:$0x1], $0xffff  }
0x1b4: {  	v6 =	vshll.u32 v15, $0x10;
	[tilespmem:s8+$0xFFFFFF30] =	vst v16;
	v16 =	vadd.f32 v18, v13;
	v21 =	vadd.f32 v12, v5;
	v23 =	vld [tilespmem:s10+$0xA4E0]  }
0x1b5: {  	[tilespmem:s8+$0xFFFFFEF0] =	vst v9;
	v5 =	vand.u32 $0xFFFF0000, v15;
	v15 =	vshll.u32 v24, $0x10;
	v24 =	vand.u32 $0xFFFF0000, v24  }
0x1b6: {  	[tilespmem:s8+$0xFFFFFF70] =	vst v14;
	v12 =	vld.idx.msk [tilespmem:v0+s9+$0x70 ss:$0x1], $0xffff;
	v9 =	vshll.u32 v19, $0x10;
	v18 =	vand.u32 $0xFFFF0000, v19;
	v19 =	vshll.u32 v17, $0x10  }
0x1b7: {  	v13 =	vld [tilespmem:s9+$0xA470];
	[tilespmem:s11+$0xFFFFFE20] =	vst v21;
	v15 =	vadd.f32 v15, v9;
	v9 =	vshll.u32 v20, $0x10;
	v21 =	vand.u32 $0xFFFF0000, v17  }
0x1b8: {  	[tilespmem:s11+$0xFFFFFE60] =	vst v16;
	v18 =	vadd.f32 v24, v18;
	v16 =	vand.u32 $0xFFFF0000, v20;
	v17 =	vadd.f32 v19, v9;
	v9 =	vld.idx.msk [tilespmem:v0+s9+$0xB0 ss:$0x1], $0xffff  }
0x1b9: {  	s17 =	simm.s32 $0xC00;
	v14 =	vld.idx.msk [tilespmem:v0+s10+$0x20 ss:$0x1], $0xffff;
	v16 =	vadd.f32 v21, v16;
	[tilespmem:s11+$0xFFFFFEA0] =	vst v15;
	v21 =	vshll.u32 v23, $0x10;
	v63 =	vshll.u32 v22, $0x10  }
0x1ba: {  	s14 =	simm.s32 $0x149F0;
	s13 =	sadd.s32 $0x100, s15;
	s15 =	simm.s32 $0x8;
	v15 =	vld [tilespmem:s10+$0xA420];
	[tilespmem:s11+$0xFFFFFEE0] =	vst v18;
	v19 =	vand.u32 $0xFFFF0000, v23;
	v20 =	vand.u32 $0xFFFF0000, v22;
	v18 =	vadd.f32 v63, v21  }
.LBB2_7:
0x1bb: {  	s18 =	sshra.s32 s17, $0x2;
	v21 =	vld.idx.msk [tilespmem:v0+s10+$0x60 ss:$0x1], $0xffff;
	[tilespmem:s11+$0xFFFFFF20] =	vst v17;
	v17 =	vadd.f32 v20, v19;
	v19 =	vshll.u32 v12, $0x10;
	v12 =	vand.u32 $0xFFFF0000, v12  }
0x1bc: {  	v8 =	vadd.f32 v8, v11;
	v11 =	vshll.u32 v13, $0x10;
	v13 =	vand.u32 $0xFFFF0000, v13;
	v20 =	vld [tilespmem:s18+$0xA4C0];
	[tilespmem:s11+$0xFFFFFFB0] =	vst v18  }
0x1bd: {  	v7 =	vadd.f32 v7, v10;
	v10 =	vadd.f32 v19, v11;
	v18 =	vld.idx.msk [tilespmem:v0+s18+$0xC0 ss:$0x1], $0xffff;
	[tilespmem:s11+$0xFFFFFFF0] =	vst v17  }
0x1be: {  	v12 =	vadd.f32 v12, v13;
	v13 =	vshll.u32 v9, $0x10;
	v9 =	vand.u32 $0xFFFF0000, v9;
	[tilespmem:s11+$0xFFFFFF60] =	vst v16;
	v11 =	vld.idx.msk [tilespmem:v0+s10+$0xF0 ss:$0x1], $0xffff  }
0x1bf: {  	v17 =	vshll.u32 v14, $0x10;
	v14 =	vand.u32 $0xFFFF0000, v14;
	v16 =	vshll.u32 v15, $0x10;
	v19 =	vld [tilespmem:s10+$0xA4F0];
	[tilespmem:s8+$0xFFFFFE40] =	vst v8  }
0x1c0: {  	s15 =	sadd.s32 $0x4, s15;
	v6 =	vadd.f32 v2, v6;
	v15 =	vand.u32 $0xFFFF0000, v15;
	v8 =	vld.idx.msk [tilespmem:v0+s18+$0x0 ss:$0x1], $0xffff;
	v16 =	vadd.f32 v17, v16;
	[tilespmem:s8+$0xFFFFFE80] =	vst v7  }
0x1c1: {  	p0 =	slt.u32 s15, $0x7C;
	v2 =	vmovc v13;
	v14 =	vadd.f32 v14, v15;
	v15 =	vshll.u32 v21, $0x10;
	v17 =	vand.u32 $0xFFFF0000, v21;
	v7 =	vld.idx.msk [tilespmem:v0+s18+$0x40 ss:$0x1], $0xffff;
	[tilespmem:s8+$0xFFFFFEC0] =	vst v10  }
0x1c2: {  	v4 =	vadd.f32 v3, v4;
	v5 =	vadd.f32 v1, v5;
	v1 =	vmov v9;
	v10 =	vld.idx.msk [tilespmem:v0+s18+$0x80 ss:$0x1], $0xffff;
	[tilespmem:s11+$0xFFFFFE30] =	vst v16  }
0x1c3: {  	v3 =	vshll.u32 v20, $0x10;
	v13 =	vshll.u32 v18, $0x10;
	v9 =	vld [tilespmem:s18+$0xA400];
	[tilespmem:s11+$0xFFFFFE70] =	vst v14  }
0x1c4: {  	v3 =	vadd.f32 v13, v3;
	v16 =	vand.u32 $0xFFFF0000, v11;
	v14 =	vld [tilespmem:s18+$0xA440];
	v13 =	vand.u32 $0xFFFF0000, v19;
	[tilespmem:s8+$0xFFFFFF00] =	vst v12  }
0x1c5: {  	v20 =	vand.u32 $0xFFFF0000, v20;
	v18 =	vand.u32 $0xFFFF0000, v18;
	s11 =	sadd.s32 $0x200, s11;
	v12 =	vld [tilespmem:s18+$0xA480];
	v13 =	vadd.f32 v16, v13;
	[tilespmem:s7+$0xFFFFFF40] =	vst v6  }
0x1c6: {  	v6 =	vshll.u32 v8, $0x10;
	v8 =	vand.u32 $0xFFFF0000, v8;
	v16 =	vadd.f32 v18, v20;
	[tilespmem:s11+$0xFFFFFF90] =	vst v3;
	v18 =	vld.idx.msk [tilespmem:v0+s10+$0xA0 ss:$0x1], $0xffff  }
0x1c7: {  	v20 =	vshll.u32 v7, $0x10;
	v7 =	vand.u32 $0xFFFF0000, v7;
	v3 =	vshll.u32 v11, $0x10;
	v21 =	vld [tilespmem:s10+$0xA460];
	[tilespmem:s14+$0x0] =	vst v13  }
0x1c8: {  	v13 =	vshll.u32 v10, $0x10;
	v10 =	vand.u32 $0xFFFF0000, v10;
	v11 =	vshll.u32 v9, $0x10;
	[tilespmem:s11+$0xFFFFFFD0] =	vst v16;
	v16 =	vld [tilespmem:s10+$0xA4A0]  }
0x1c9: {  	v9 =	vand.u32 $0xFFFF0000, v9;
	v22 =	vshll.u32 v14, $0x10;
	v14 =	vand.u32 $0xFFFF0000, v14;
	v23 =	vld.idx.msk [tilespmem:v0+s18+$0xD0 ss:$0x1], $0xffff;
	[tilespmem:s7+$0xFFFFFF80] =	vst v5;
	s7 =	smov.u32 s8;
	s8 =	smov.u32 s14;
	s14 =	smov.u32 s11  }
0x1ca: {  	v5 =	vadd.f32 v6, v11;
	v6 =	vshll.u32 v12, $0x10;
	v11 =	vand.u32 $0xFFFF0000, v12;
	v12 =	vld [tilespmem:s18+$0xA4D0];
	[tilespmem:s7+$0xFFFFFFC0] =	vst v4  }
0x1cb: {  	v8 =	vadd.f32 v8, v9;
	v9 =	vadd.f32 v20, v22;
	v4 =	vshll.u32 v19, $0x10;
	v20 =	vld.idx.msk [tilespmem:v0+s10+$0x30 ss:$0x1], $0xffff  }
0x1cc: {  	v6 =	vadd.f32 v13, v6;
	[tilespmem:s11+$0xFFFFFE10] =	vst v5;
	v5 =	vadd.f32 v7, v14;
	v13 =	vld [tilespmem:s10+$0xA430];
	v14 =	vshll.u32 v18, $0x10  }
0x1cd: {  	v7 =	vadd.f32 v10, v11;
	v10 =	vand.u32 $0xFFFF0000, v18;
	[tilespmem:s11+$0xFFFFFE50] =	vst v8;
	v8 =	vshll.u32 v21, $0x10;
	v18 =	vld [tilespmem:s9+$0xA4B0];
	s9 =	smov.u32 s10;
	s10 =	smov.u32 s18  }
0x1ce: {  	v11 =	vshll.u32 v16, $0x10;
	v16 =	vand.u32 $0xFFFF0000, v16;
	v19 =	vld.idx.msk [tilespmem:v0+s10+$0x10 ss:$0x1], $0xffff;
	[tilespmem:s11+$0xFFFFFE90] =	vst v9;
	v9 =	vand.u32 $0xFFFF0000, v21  }
0x1cf: {  	v22 =	vshll.u32 v23, $0x10;
	v15 =	vadd.f32 v15, v8;
	v21 =	vld [tilespmem:s10+$0xA410];
	[tilespmem:s11+$0xFFFFFED0] =	vst v5;
	v5 =	vshll.u32 v12, $0x10  }
0x1d0: {  	v8 =	vand.u32 $0xFFFF0000, v23;
	v24 =	vld.idx.msk [tilespmem:v0+s10+$0x50 ss:$0x1], $0xffff;
	[tilespmem:s11+$0xFFFFFF10] =	vst v6;
	v6 =	vand.u32 $0xFFFF0000, v12;
	v5 =	vadd.f32 v22, v5  }
0x1d1: {  	v9 =	vadd.f32 v17, v9;
	v22 =	vld [tilespmem:s10+$0xA450];
	[tilespmem:s11+$0xFFFFFF50] =	vst v7;
	v6 =	vadd.f32 v8, v6;
	v8 =	vshll.u32 v20, $0x10  }
0x1d2: {  	v14 =	vadd.f32 v14, v11;
	v16 =	vadd.f32 v10, v16;
	v7 =	vand.u32 $0xFFFF0000, v20;
	v17 =	vld.idx.msk [tilespmem:v0+s10+$0x90 ss:$0x1], $0xffff;
	[tilespmem:s11+$0xFFFFFFA0] =	vst v5  }
0x1d3: {  	v11 =	vshll.u32 v13, $0x10;
	v10 =	vand.u32 $0xFFFF0000, v13;
	v20 =	vld [tilespmem:s10+$0xA490];
	[tilespmem:s11+$0xFFFFFFE0] =	vst v6;
	v6 =	vshll.u32 v18, $0x10  }
0x1d4: {  	v12 =	vshll.u32 v19, $0x10;
	v13 =	vand.u32 $0xFFFF0000, v19;
	v5 =	vshll.u32 v21, $0x10;
	v23 =	vld.idx.msk [tilespmem:v0+s10+$0xE0 ss:$0x1], $0xffff;
	[tilespmem:s8+$0xFFFFFEB0] =	vst v15  }
0x1d5: {  	v15 =	vand.u32 $0xFFFF0000, v21;
	v19 =	vadd.f32 v12, v5;
	v21 =	vld [tilespmem:s10+$0xA4E0];
	[tilespmem:s8+$0xFFFFFEF0] =	vst v9;
	v5 =	vand.u32 $0xFFFF0000, v18  }
0x1d6: {  	v18 =	vshll.u32 v24, $0x10;
	v24 =	vand.u32 $0xFFFF0000, v24;
	v9 =	vshll.u32 v22, $0x10;
	v12 =	vld.idx.msk [tilespmem:v0+s9+$0x70 ss:$0x1], $0xffff;
	[tilespmem:s8+$0xFFFFFF30] =	vst v14  }
.Ltmp2:
0x1d7: {  	v14 =	vadd.f32 v13, v15;
	v15 =	vand.u32 $0xFFFF0000, v22;
	[tilespmem:s11+$0xFFFFFE20] =	vst v19;
	v18 =	vadd.f32 v18, v9;
	v13 =	vld [tilespmem:s9+$0xA470];
	(pc) =	sbr.rel @p0 .LBB2_7-.Ltmp2, $4  }
0x1d8: {  	v19 =	vshll.u32 v17, $0x10;
	v22 =	vand.u32 $0xFFFF0000, v17;
	v9 =	vshll.u32 v20, $0x10;
	[tilespmem:s8+$0xFFFFFF70] =	vst v16  }
0x1d9: {  	v24 =	vadd.f32 v24, v15;
	v15 =	vand.u32 $0xFFFF0000, v20;
	[tilespmem:s11+$0xFFFFFE60] =	vst v14;
	v17 =	vadd.f32 v19, v9;
	v9 =	vld.idx.msk [tilespmem:v0+s9+$0xB0 ss:$0x1], $0xffff  }
0x1da: {  	v16 =	vadd.f32 v22, v15;
	v22 =	vshll.u32 v23, $0x10;
	v14 =	vld.idx.msk [tilespmem:v0+s10+$0x20 ss:$0x1], $0xffff;
	[tilespmem:s11+$0xFFFFFEA0] =	vst v18;
	v18 =	vshll.u32 v21, $0x10  }
0x1db: {  	s17 =	sadd.s32 $0x400, s17;
	v20 =	vand.u32 $0xFFFF0000, v23;
	v19 =	vand.u32 $0xFFFF0000, v21;
	v15 =	vld [tilespmem:s10+$0xA420];
	[tilespmem:s11+$0xFFFFFEE0] =	vst v24;
	v18 =	vadd.f32 v22, v18  }
0x1dc: {  	_ =	sdelay $0x3  }
0x1dd: {  	v21 =	vld.idx.msk [tilespmem:v0+s10+$0x60 ss:$0x1], $0xffff;
	[tilespmem:s11+$0xFFFFFF20] =	vst v17  }
0x1de: {  	v56 =	vadd.f32 v20, v19;
	v57 =	vld [tilespmem:s10+$0xA460];
	[tilespmem:s11+$0xFFFFFF60] =	vst v16  }
0x1df: {  	v8 =	vadd.f32 v8, v11;
	[tilespmem:s11+$0xFFFFFFB0] =	vst v18  }
0x1e0: {  	v7 =	vadd.f32 v7, v10;
	[tilespmem:s11+$0xFFFFFFF0] =	vst v56  }
0x1e1: {  	v2 =	vadd.f32 v2, v6;
	v25 =	vld.idx.msk [tilespmem:v0+s10+$0xA0 ss:$0x1], $0xffff;
	[tilespmem:s8+$0xFFFFFE40] =	vst v8;
	v62 =	vshll.u32 v14, $0x10;
	v61 =	vshll.u32 v15, $0x10  }
0x1e2: {  	v27 =	vld [tilespmem:s10+$0xA4A0];
	[tilespmem:s8+$0xFFFFFE80] =	vst v7;
	v22 =	vand.u32 $0xFFFF0000, v14;
	v23 =	vand.u32 $0xFFFF0000, v15;
	v24 =	vadd.f32 v62, v61  }
0x1e3: {  	v44 =	vld [tilespmem:s9+$0xA4B0];
	[tilespmem:s7+$0xFFFFFF40] =	vst v2;
	v8 =	vadd.f32 v22, v23;
	v26 =	vshll.u32 v21, $0x10;
	v28 =	vshll.u32 v57, $0x10  }
0x1e4: {  	v60 =	vld.idx.msk [tilespmem:v0+s10+$0xF0 ss:$0x1], $0xffff;
	v29 =	vand.u32 $0xFFFF0000, v21;
	v30 =	vand.u32 $0xFFFF0000, v57;
	v14 =	vadd.f32 v26, v28;
	[tilespmem:s11+$0xFFFFFE30] =	vst v24  }
0x1e5: {  	v63 =	vld [tilespmem:s10+$0xA4F0];
	v33 =	vadd.f32 v29, v30;
	[tilespmem:s11+$0xFFFFFE70] =	vst v8  }
0x1e6: {  	v58 =	vshll.u32 v12, $0x10;
	v59 =	vshll.u32 v13, $0x10;
	v1 =	vadd.f32 v1, v5;
	v34 =	vld.idx.msk [tilespmem:v0+s10+$0x30 ss:$0x1], $0xffff;
	[tilespmem:s14+$0xFFFFFEB0] =	vst v14  }
0x1e7: {  	v3 =	vadd.f32 v3, v4;
	v38 =	vshll.u32 v25, $0x10;
	v39 =	vshll.u32 v27, $0x10;
	v37 =	vld [tilespmem:s10+$0xA430];
	[tilespmem:s14+$0xFFFFFEF0] =	vst v33  }
0x1e8: {  	[tilespmem:s7+$0xFFFFFF80] =	vst v1;
	v41 =	vand.u32 $0xFFFF0000, v25;
	v42 =	vand.u32 $0xFFFF0000, v27;
	v8 =	vadd.f32 v38, v39;
	v40 =	vld.idx.msk [tilespmem:v0+s10+$0x70 ss:$0x1], $0xffff  }
0x1e9: {  	v31 =	vand.u32 $0xFFFF0000, v12;
	v32 =	vand.u32 $0xFFFF0000, v13;
	[tilespmem:s8+$0xFFFFFFC0] =	vst v3;
	v2 =	vadd.f32 v41, v42;
	v43 =	vld [tilespmem:s10+$0xA470]  }
0x1ea: {  	v11 =	vadd.f32 v58, v59;
	v12 =	vadd.f32 v31, v32;
	v55 =	vshll.u32 v9, $0x10;
	[tilespmem:s14+$0xFFFFFF30] =	vst v8  }
0x1eb: {  	v56 =	vshll.u32 v44, $0x10;
	v35 =	vand.u32 $0xFFFF0000, v63;
	v36 =	vand.u32 $0xFFFF0000, v60;
	[tilespmem:s14+$0xFFFFFF70] =	vst v2  }
0x1ec: {  	[tilespmem:s8+$0xFFFFFEC0] =	vst v11;
	v6 =	vadd.f32 v36, v35;
	v49 =	vld.idx.msk [tilespmem:v0+s10+$0xB0 ss:$0x1], $0xffff;
	v45 =	vshll.u32 v34, $0x10;
	v46 =	vshll.u32 v37, $0x10  }
0x1ed: {  	[tilespmem:s8+$0xFFFFFF00] =	vst v12;
	v52 =	vld [tilespmem:s10+$0xA4B0];
	v47 =	vand.u32 $0xFFFF0000, v34;
	v48 =	vand.u32 $0xFFFF0000, v37;
	v4 =	vadd.f32 v45, v46  }
0x1ee: {  	[tilespmem:s14+$0x0] =	vst v6;
	v50 =	vshll.u32 v40, $0x10;
	v51 =	vshll.u32 v43, $0x10;
	v1 =	vadd.f32 v47, v48  }
0x1ef: {  	v53 =	vand.u32 $0xFFFF0000, v40;
	v54 =	vand.u32 $0xFFFF0000, v43;
	v3 =	vadd.f32 v50, v51;
	[tilespmem:s14+$0xFFFFFE40] =	vst v4  }
0x1f0: {  	v57 =	vand.u32 $0xFFFF0000, v9;
	v5 =	vand.u32 $0xFFFF0000, v44;
	v7 =	vadd.f32 v53, v54;
	[tilespmem:s14+$0xFFFFFE80] =	vst v1  }
0x1f1: {  	v58 =	vshll.u32 v60, $0x10;
	v59 =	vshll.u32 v63, $0x10;
	v4 =	vadd.f32 v55, v56;
	[tilespmem:s14+$0xFFFFFEC0] =	vst v3  }
0x1f2: {  	v60 =	vshll.u32 v49, $0x10;
	v61 =	vshll.u32 v52, $0x10;
	v1 =	vadd.f32 v57, v5;
	[tilespmem:s14+$0xFFFFFF00] =	vst v7  }
0x1f3: {  	v0 =	vand.u32 $0xFFFF0000, v49;
	v62 =	vand.u32 $0xFFFF0000, v52;
	v63 =	vadd.f32 v60, v61;
	[tilespmem:s8+$0xFFFFFF40] =	vst v4  }
0x1f4: {  	v0 =	vadd.f32 v0, v62;
	[tilespmem:s8+$0xFFFFFF80] =	vst v1  }
0x1f5: {  	v3 =	vadd.f32 v58, v59;
	[tilespmem:s14+$0xFFFFFF40] =	vst v63  }
0x1f6: {  	p0 =	seq.s32 s12, $0x41;
	s12 =	sadd.s32 $0x1, s12;
	[tilespmem:s14+$0xFFFFFF80] =	vst v0  }
0x1f7: {  	s6 =	sadd.s32 @!p0 $0x280, s6;
	s7 =	simm.s32 @!p0 $0x80;
	s8 =	simm.s32 @!p0 $0xA400;
	[tilespmem:s14+$0xFFFFFFC0] =	vst v3  }
0x1f8: {  	[tilespmem:s8], [sflag:$0x3] =	stream.indirect.gather @!p0 [hbm4b:s5+s7], $0x40, s6, s7, $0xb8;
	[tilespmem:$0x1E800] =	vst v63  }
0x1f9: {  	p0 =	sne.s32 s12, $0x42  }
.Ltmp3:
0x1fa: {  	s25 =	sadd.s32 s4, s13;
	s26 =	simm.s32 $0x14400;
	(pc) =	sbr.rel @p0 .LBB2_2-.Ltmp3, $4  }
0x1fb: {  	s29 =	sadd.s32 $0x6000, s29;
	s0 =	sadd.s32 $0x180, s0;
	s6 =	sshll.u32 s25, $0x4  }
0x1fc: {  	s30 =	sadd.s32 $0x6000, s30;
	s1 =	sadd.s32 $0x180, s1;
	s6 =	sand.u32 $0x1FFFF800, s6  }
0x1fd: {  	s31 =	sadd.s32 $0x6000, s31;
	s28 =	sadd.s32 $0x180, s28;
	s6 =	sadd.s32 s21, s6  }
0x1fe: {  	[hbm4b:s6+s3] =	stream.linear.scatter [tilespmem:s26], [sflag:$0x6], $0x4000, $0x38;
	[tilespmem:$0x1E800] =	vst v63  }
0x1ff: {  	s2 =	simm.s32 $0x4  }
0x200: {  	_ =	swait.ge [sflag:s2], $0x4000  }
0x201: {  	[sflag:s2] =	ssyncset.done $0x0  }
0x202: {  	[sflag:s2] =	ssyncadd.s32 $0xFFFFC000  }
0x203: {  	_ =	swait.ge [sflag:s16], $0x2000  }
0x204: {  	[sflag:s16] =	ssyncset.done $0x0  }
0x205: {  	s8 =	simm.s32 $0x1A8F0;
	[sflag:s16] =	ssyncadd.s32 $0xFFFFE000  }
0x206: {  	s9 =	simm.s32 $0x6480;
	v0 =	vld [tilespmem:s8+$0xFFFFFFD0]  }
0x207: {  	v1 =	vld [tilespmem:s9+$0x40];
	_ =	sdelay $0x4  }
0x208: {  	v4 =	vld [tilespmem:s8+$0xFFFFFF90];
	v2 =	vshll.u32 v0, $0x10;
	v3 =	vshll.u32 v1, $0x10  }
0x209: {  	v1 =	vand.u32 $0xFFFF0000, v1;
	v0 =	vand.u32 $0xFFFF0000, v0;
	v2 =	vadd.f32 v2, v3;
	v3 =	vld [tilespmem:s9+$0x0]  }
0x20a: {  	s7 =	simm.s32 $0xC500;
	v0 =	vadd.f32 v0, v1  }
0x20b: {  	v1 =	vld [tilespmem:s8+$0xFFFFFF50];
	[tilespmem:s7+$0x80] =	vst v2  }
0x20c: {  	[tilespmem:s7+$0xC0] =	vst v0;
	v0 =	vld [tilespmem:s9+$0xFFFFFFC0]  }
0x20d: {  	v2 =	vld [tilespmem:s8+$0xFFFFFFE0]  }
0x20e: {  	v5 =	vand.u32 $0xFFFF0000, v4;
	v7 =	vld [tilespmem:s9+$0x50];
	v6 =	vand.u32 $0xFFFF0000, v3  }
0x20f: {  	s1 =	simm.s32 $0x1A9F0;
	v8 =	vld [tilespmem:s8+$0xFFFFFF10];
	v4 =	vshll.u32 v4, $0x10;
	v3 =	vshll.u32 v3, $0x10;
	v5 =	vadd.f32 v5, v6  }
0x210: {  	s6 =	simm.s32 $0x6580;
	v10 =	vld [tilespmem:s1+$0xFFFFFF10];
	v3 =	vadd.f32 v4, v3  }
0x211: {  	v12 =	vld [tilespmem:s6+$0x0];
	v9 =	vshll.u32 v1, $0x10;
	v4 =	vshll.u32 v0, $0x10;
	[tilespmem:s7+$0x40] =	vst v5  }
0x212: {  	v1 =	vand.u32 $0xFFFF0000, v1;
	v6 =	vld [tilespmem:s9+$0xFFFFFF80];
	v0 =	vand.u32 $0xFFFF0000, v0;
	v4 =	vadd.f32 v9, v4;
	[tilespmem:s7+$0x0] =	vst v3  }
0x213: {  	v0 =	vadd.f32 v1, v0;
	v3 =	vshll.u32 v2, $0x10;
	v5 =	vshll.u32 v7, $0x10;
	v1 =	vld [tilespmem:s9+$0x10]  }
0x214: {  	v2 =	vand.u32 $0xFFFF0000, v2;
	v7 =	vand.u32 $0xFFFF0000, v7;
	v3 =	vadd.f32 v3, v5;
	[tilespmem:s7+$0xFFFFFF80] =	vst v4;
	v4 =	vld [tilespmem:s8+$0xFFFFFFA0]  }
0x215: {  	v16 =	vld [tilespmem:s1+$0xFFFFFF50];
	v2 =	vadd.f32 v2, v7;
	[tilespmem:s7+$0xFFFFFFC0] =	vst v0  }
0x216: {  	v7 =	vld [tilespmem:s1+$0xFFFFFFD0];
	[tilespmem:s7+$0x90] =	vst v3  }
0x217: {  	v9 =	vshll.u32 v8, $0x10;
	v0 =	vand.u32 $0xFFFF0000, v8;
	v8 =	vld [tilespmem:s6+$0x40];
	v5 =	vshll.u32 v6, $0x10;
	[tilespmem:s7+$0xD0] =	vst v2  }
0x218: {  	v6 =	vand.u32 $0xFFFF0000, v6;
	v5 =	vadd.f32 v9, v5;
	v2 =	vld [tilespmem:s9+$0x60]  }
0x219: {  	v3 =	vld [tilespmem:s8+$0xFFFFFF60];
	v0 =	vadd.f32 v0, v6;
	v6 =	vshll.u32 v1, $0x10;
	v9 =	vshll.u32 v4, $0x10  }
0x21a: {  	[tilespmem:s7+$0xFFFFFF00] =	vst v5;
	v1 =	vand.u32 $0xFFFF0000, v1;
	v4 =	vand.u32 $0xFFFF0000, v4;
	v6 =	vadd.f32 v9, v6;
	v9 =	vld [tilespmem:s8+$0xFFFFFFF0]  }
0x21b: {  	[tilespmem:s7+$0xFFFFFF40] =	vst v0;
	v0 =	vld [tilespmem:s9+$0xFFFFFFD0];
	v1 =	vadd.f32 v4, v1  }
0x21c: {  	v11 =	vshll.u32 v7, $0x10;
	v7 =	vand.u32 $0xFFFF0000, v7;
	v5 =	vld [tilespmem:s9+$0xFFFFFF90];
	[tilespmem:s7+$0x10] =	vst v6  }
0x21d: {  	v14 =	vshll.u32 v2, $0x10;
	v2 =	vand.u32 $0xFFFF0000, v2;
	v6 =	vld [tilespmem:s1+$0xFFFFFF90];
	[tilespmem:s7+$0x50] =	vst v1;
	v1 =	vshll.u32 v8, $0x10  }
0x21e: {  	s15 =	simm.s32 $0x1AAF0;
	v8 =	vand.u32 $0xFFFF0000, v8;
	v13 =	vld [tilespmem:s8+$0xFFFFFFB0];
	v1 =	vadd.f32 v11, v1;
	v11 =	vshll.u32 v3, $0x10  }
0x21f: {  	s0 =	simm.s32 $0xC700;
	v24 =	vld [tilespmem:s15+$0xFFFFFF90];
	v7 =	vadd.f32 v7, v8;
	v3 =	vand.u32 $0xFFFF0000, v3;
	v15 =	vshll.u32 v9, $0x10  }
0x220: {  	v8 =	vld [tilespmem:s9+$0x20];
	[tilespmem:s0+$0x80] =	vst v1;
	v1 =	vshll.u32 v0, $0x10;
	v0 =	vand.u32 $0xFFFF0000, v0;
	v14 =	vadd.f32 v15, v14  }
0x221: {  	[tilespmem:s0+$0xC0] =	vst v7;
	v7 =	vld [tilespmem:s6+$0xFFFFFFC0];
	v0 =	vadd.f32 v3, v0;
	v3 =	vand.u32 $0xFFFF0000, v9;
	v1 =	vadd.f32 v11, v1  }
0x222: {  	v4 =	vld [tilespmem:s8+$0xFFFFFF20];
	v9 =	vand.u32 $0xFFFF0000, v6;
	v2 =	vadd.f32 v3, v2;
	v3 =	vand.u32 $0xFFFF0000, v12;
	[tilespmem:s7+$0xA0] =	vst v14  }
0x223: {  	v15 =	vld [tilespmem:s6+$0xFFFFFF80];
	v14 =	vshll.u32 v5, $0x10;
	[tilespmem:s7+$0xFFFFFFD0] =	vst v0;
	v0 =	vadd.f32 v9, v3;
	v17 =	vand.u32 $0xFFFF0000, v13  }
0x224: {  	v11 =	vld [tilespmem:s1+$0xFFFFFFE0];
	v3 =	vshll.u32 v6, $0x10;
	v6 =	vshll.u32 v12, $0x10;
	v9 =	vshll.u32 v13, $0x10;
	[tilespmem:s7+$0xFFFFFF90] =	vst v1  }
0x225: {  	v12 =	vshll.u32 v8, $0x10;
	v8 =	vand.u32 $0xFFFF0000, v8;
	v1 =	vand.u32 $0xFFFF0000, v5;
	[tilespmem:s7+$0xE0] =	vst v2;
	v2 =	vld [tilespmem:s6+$0x50]  }
0x226: {  	v3 =	vadd.f32 v3, v6;
	v20 =	vld [tilespmem:s8+$0xFFFFFF70];
	[tilespmem:s0+$0x40] =	vst v0;
	v0 =	vadd.f32 v9, v12;
	v5 =	vshll.u32 v7, $0x10  }
0x227: {  	v13 =	vld [tilespmem:s9+$0x70];
	v12 =	vshll.u32 v16, $0x10;
	v16 =	vand.u32 $0xFFFF0000, v16;
	v7 =	vand.u32 $0xFFFF0000, v7  }
0x228: {  	v8 =	vadd.f32 v17, v8;
	v6 =	vshll.u32 v15, $0x10;
	[tilespmem:s0+$0x0] =	vst v3;
	v3 =	vld [tilespmem:s9+$0xFFFFFFE0];
	v7 =	vadd.f32 v16, v7  }
0x229: {  	v5 =	vadd.f32 v12, v5;
	v16 =	vshll.u32 v11, $0x10;
	v11 =	vand.u32 $0xFFFF0000, v11;
	v12 =	vld [tilespmem:s6+$0x10]  }
0x22a: {  	v19 =	vld [tilespmem:s1+$0xFFFFFFA0];
	[tilespmem:s0+$0xFFFFFFC0] =	vst v7;
	v7 =	vand.u32 $0xFFFF0000, v10;
	v18 =	vshll.u32 v2, $0x10;
	v2 =	vand.u32 $0xFFFF0000, v2  }
0x22b: {  	v9 =	vld [tilespmem:s8+$0x0];
	[tilespmem:s0+$0xFFFFFF80] =	vst v5;
	v22 =	vshll.u32 v20, $0x10;
	v5 =	vadd.f32 v16, v18;
	v16 =	vand.u32 $0xFFFF0000, v4  }
0x22c: {  	s13 =	simm.s32 $0x6680;
	v18 =	vshll.u32 v10, $0x10;
	v2 =	vadd.f32 v11, v2;
	v11 =	vld [tilespmem:s15+$0xFFFFFFD0];
	v10 =	vand.u32 $0xFFFF0000, v15  }
0x22d: {  	v15 =	vld [tilespmem:s13+$0x40];
	v6 =	vadd.f32 v18, v6;
	v18 =	vshll.u32 v4, $0x10;
	v4 =	vadd.f32 v7, v10;
	[tilespmem:s0+$0x90] =	vst v5  }
0x22e: {  	v7 =	vld [tilespmem:s1+$0xFFFFFF60];
	v1 =	vadd.f32 v16, v1;
	v16 =	vand.u32 $0xFFFF0000, v20;
	v5 =	vand.u32 $0xFFFF0000, v13;
	[tilespmem:s0+$0xD0] =	vst v2  }
0x22f: {  	v2 =	vand.u32 $0xFFFF0000, v3;
	v10 =	vshll.u32 v19, $0x10;
	[tilespmem:s0+$0xFFFFFF00] =	vst v6;
	v6 =	vshll.u32 v12, $0x10;
	v21 =	vld [tilespmem:s6+$0x60]  }
0x230: {  	[tilespmem:s0+$0xFFFFFF40] =	vst v4;
	v4 =	vand.u32 $0xFFFF0000, v12;
	v12 =	vand.u32 $0xFFFF0000, v19;
	v19 =	vld [tilespmem:s6+$0xFFFFFFD0];
	v10 =	vadd.f32 v10, v6  }
0x231: {  	v3 =	vshll.u32 v3, $0x10;
	v14 =	vadd.f32 v18, v14;
	v23 =	vld [tilespmem:s6+$0xFFFFFF90];
	v4 =	vadd.f32 v12, v4  }
0x232: {  	v22 =	vadd.f32 v22, v3;
	v12 =	vshll.u32 v9, $0x10;
	v6 =	vld [tilespmem:s15+$0xFFFFFF10];
	v9 =	vand.u32 $0xFFFF0000, v9;
	[tilespmem:s0+$0x10] =	vst v10  }
0x233: {  	v2 =	vadd.f32 v16, v2;
	v3 =	vld [tilespmem:s1+$0xFFFFFF20];
	v5 =	vadd.f32 v9, v5;
	[tilespmem:s0+$0x50] =	vst v4  }
0x234: {  	[tilespmem:s7+$0x20] =	vst v0;
	v9 =	vshll.u32 v15, $0x10;
	v0 =	vand.u32 $0xFFFF0000, v11;
	v10 =	vshll.u32 v13, $0x10;
	v13 =	vld [tilespmem:s1+$0xFFFFFFB0]  }
0x235: {  	[tilespmem:s7+$0xFFFFFF50] =	vst v1;
	v4 =	vadd.f32 v12, v10;
	v10 =	vshll.u32 v11, $0x10;
	v12 =	vand.u32 $0xFFFF0000, v15;
	v15 =	vld [tilespmem:s1+$0xFFFFFFF0]  }
0x236: {  	[tilespmem:s7+$0xFFFFFF10] =	vst v14;
	v14 =	vld [tilespmem:s13+$0xFFFFFFC0];
	v11 =	vshll.u32 v7, $0x10;
	v7 =	vand.u32 $0xFFFF0000, v7;
	v10 =	vadd.f32 v10, v9  }
0x237: {  	[tilespmem:s7+$0xFFFFFFE0] =	vst v2;
	v20 =	vld [tilespmem:s6+$0x20];
	v16 =	vadd.f32 v0, v12;
	v1 =	vshll.u32 v19, $0x10;
	v2 =	vand.u32 $0xFFFF0000, v19  }
0x238: {  	s14 =	simm.s32 $0xC900;
	[tilespmem:s7+$0x60] =	vst v8;
	v9 =	vld [tilespmem:s13+$0xFFFFFF80];
	v17 =	vand.u32 $0xFFFF0000, v21;
	v19 =	vand.u32 $0xFFFF0000, v24;
	v0 =	vshll.u32 v23, $0x10  }
0x239: {  	v12 =	vadd.f32 v11, v1;
	v11 =	vld [tilespmem:s13+$0x0];
	v25 =	vadd.f32 v7, v2;
	v8 =	vand.u32 $0xFFFF0000, v3;
	[tilespmem:s14+$0x80] =	vst v10  }
0x23a: {  	v10 =	vld [tilespmem:s15+$0xFFFFFF50];
	[tilespmem:s14+$0xC0] =	vst v16;
	v16 =	vshll.u32 v21, $0x10;
	v1 =	vand.u32 $0xFFFF0000, v13;
	v7 =	vshll.u32 v15, $0x10  }
0x23b: {  	v13 =	vshll.u32 v13, $0x10;
	v15 =	vand.u32 $0xFFFF0000, v15;
	v7 =	vadd.f32 v7, v16;
	v16 =	vld [tilespmem:s9+$0xFFFFFFA0]  }
0x23c: {  	[tilespmem:s7+$0xFFFFFFA0] =	vst v22;
	v18 =	vshll.u32 v20, $0x10;
	v2 =	vand.u32 $0xFFFF0000, v20;
	v20 =	vadd.f32 v15, v17;
	v15 =	vld [tilespmem:s8+$0xFFFFFF30]  }
0x23d: {  	s11 =	simm.s32 $0x1AAF0;
	v21 =	vshll.u32 v24, $0x10;
	[tilespmem:s0+$0xFFFFFFD0] =	vst v25;
	v18 =	vadd.f32 v13, v18;
	v17 =	vshll.u32 v9, $0x10;
	v13 =	vld [tilespmem:s15+$0xFFFFFFE0]  }
0x23e: {  	s18 =	simm.s32 $0x8;
	s12 =	simm.s32 $0x6680;
	s10 =	simm.s32 $0xC900;
	v22 =	vshll.u32 v11, $0x10;
	[tilespmem:s0+$0xA0] =	vst v7;
	v7 =	vand.u32 $0xFFFF0000, v23;
	v23 =	vand.u32 $0xFFFF0000, v11;
	v11 =	vld [tilespmem:s8+$0xFFFFFF80]  }
.LBB2_10:
0x23f: {  	s18 =	sadd.s32 $0x4, s18;
	v24 =	vand.u32 $0xFFFF0000, v10;
	v21 =	vadd.f32 v21, v22;
	v19 =	vadd.f32 v19, v23;
	[tilespmem:s0+$0xE0] =	vst v20;
	v20 =	vld [tilespmem:s9+$0xFFFFFFF0]  }
0x240: {  	v22 =	vshll.u32 v14, $0x10;
	v14 =	vand.u32 $0xFFFF0000, v14;
	p0 =	slt.u32 s18, $0x7C;
	[tilespmem:s0+$0x20] =	vst v18;
	v18 =	vld [tilespmem:s6+$0x70];
	v23 =	vand.u32 $0xFFFF0000, v16  }
0x241: {  	v25 =	vshll.u32 v6, $0x10;
	v10 =	vshll.u32 v10, $0x10;
	v16 =	vshll.u32 v16, $0x10;
	[tilespmem:s14+$0x40] =	vst v19;
	v19 =	vld [tilespmem:s1+$0x0]  }
0x242: {  	v6 =	vand.u32 $0xFFFF0000, v6;
	v10 =	vadd.f32 v10, v22;
	v22 =	vld [tilespmem:s13+$0x50];
	[tilespmem:s0+$0xFFFFFF90] =	vst v12;
	v12 =	vand.u32 $0xFFFF0000, v15  }
0x243: {  	v9 =	vand.u32 $0xFFFF0000, v9;
	v17 =	vadd.f32 v25, v17;
	v15 =	vshll.u32 v15, $0x10;
	[tilespmem:s14+$0x0] =	vst v21;
	v21 =	vld [tilespmem:s6+$0xFFFFFFE0]  }
0x244: {  	v14 =	vadd.f32 v24, v14;
	v24 =	vshll.u32 v3, $0x10;
	v15 =	vadd.f32 v15, v16;
	v3 =	vld [tilespmem:s1+$0xFFFFFF70];
	[tilespmem:s7+$0xB0] =	vst v4  }
0x245: {  	v12 =	vadd.f32 v12, v23;
	v4 =	vadd.f32 v6, v9;
	v6 =	vld [tilespmem:s13+$0x10];
	v9 =	vand.u32 $0xFFFF0000, v18;
	[tilespmem:s7+$0xF0] =	vst v5  }
0x246: {  	s15 =	sadd.s32 $0x100, s15;
	v5 =	vshll.u32 v13, $0x10;
	v13 =	vand.u32 $0xFFFF0000, v13;
	[tilespmem:s7+$0xFFFFFF20] =	vst v15;
	v15 =	vshll.u32 v11, $0x10;
	v16 =	vld [tilespmem:s9+$0x30]  }
0x247: {  	s13 =	sadd.s32 $0x100, s13;
	v11 =	vand.u32 $0xFFFF0000, v11;
	[tilespmem:s14+$0xFFFFFF00] =	vst v17;
	v17 =	vshll.u32 v22, $0x10;
	v22 =	vand.u32 $0xFFFF0000, v22;
	v23 =	vld [tilespmem:s8+$0xFFFFFFC0]  }
0x248: {  	v25 =	vand.u32 $0xFFFF0000, v20;
	[tilespmem:s14+$0xFFFFFF80] =	vst v10;
	v10 =	vld [tilespmem:s11+$0xFFFFFFA0];
	v13 =	vadd.f32 v13, v22;
	v22 =	vand.u32 $0xFFFF0000, v21  }
0x249: {  	v11 =	vadd.f32 v11, v25;
	v26 =	vld [tilespmem:s15+$0xFFFFFFD0];
	[tilespmem:s14+$0xFFFFFF40] =	vst v4;
	v4 =	vadd.f32 v5, v17;
	v5 =	vshll.u32 v3, $0x10  }
0x24a: {  	v25 =	vshll.u32 v19, $0x10;
	v21 =	vshll.u32 v21, $0x10;
	v17 =	vld [tilespmem:s13+$0x40];
	[tilespmem:s7+$0xFFFFFF60] =	vst v12;
	v12 =	vshll.u32 v20, $0x10  }
0x24b: {  	v7 =	vadd.f32 v8, v7;
	v3 =	vand.u32 $0xFFFF0000, v3;
	v8 =	vadd.f32 v5, v21;
	[tilespmem:s14+$0xFFFFFFC0] =	vst v14;
	v14 =	vld [tilespmem:s8+$0xFFFFFF40];
	s8 =	smov.u32 s1;
	s1 =	smov.u32 s11;
	s11 =	smov.u32 s15  }
0x24c: {  	v5 =	vshll.u32 v6, $0x10;
	v3 =	vadd.f32 v3, v22;
	v21 =	vshll.u32 v16, $0x10;
	[tilespmem:s14+$0x90] =	vst v4;
	v20 =	vld [tilespmem:s9+$0xFFFFFFB0];
	s9 =	smov.u32 s6;
	s6 =	smov.u32 s12;
	s12 =	smov.u32 s13  }
0x24d: {  	v6 =	vand.u32 $0xFFFF0000, v6;
	v12 =	vadd.f32 v15, v12;
	v4 =	vshll.u32 v18, $0x10;
	v22 =	vld [tilespmem:s1+$0xFFFFFF60];
	[tilespmem:s14+$0xD0] =	vst v13  }
0x24e: {  	v13 =	vshll.u32 v10, $0x10;
	v10 =	vand.u32 $0xFFFF0000, v10;
	v15 =	vld [tilespmem:s6+$0x60];
	[tilespmem:s0+$0xFFFFFF50] =	vst v7;
	v7 =	vand.u32 $0xFFFF0000, v23  }
0x24f: {  	v4 =	vadd.f32 v25, v4;
	v5 =	vadd.f32 v13, v5;
	v13 =	vand.u32 $0xFFFF0000, v19;
	v18 =	vld [tilespmem:s6+$0xFFFFFFD0];
	[tilespmem:s7+$0xFFFFFFB0] =	vst v12  }
0x250: {  	v10 =	vadd.f32 v10, v6;
	v12 =	vshll.u32 v26, $0x10;
	v25 =	vld [tilespmem:s6+$0xFFFFFF90];
	[tilespmem:s0+$0xFFFFFFE0] =	vst v3;
	v19 =	vshll.u32 v14, $0x10  }
0x251: {  	v6 =	vld [tilespmem:s15+$0xFFFFFF10];
	[tilespmem:s14+$0x10] =	vst v5;
	v5 =	vadd.f32 v13, v9;
	v9 =	vshll.u32 v20, $0x10;
	v13 =	vand.u32 $0xFFFF0000, v20  }
0x252: {  	v3 =	vld [tilespmem:s1+$0xFFFFFF20];
	[tilespmem:s14+$0x50] =	vst v10;
	v10 =	vand.u32 $0xFFFF0000, v14;
	v9 =	vadd.f32 v19, v9;
	v14 =	vshll.u32 v23, $0x10  }
0x253: {  	v19 =	vld [tilespmem:s1+$0xFFFFFFB0];
	v13 =	vadd.f32 v10, v13;
	[tilespmem:s7+$0xFFFFFFF0] =	vst v11;
	v10 =	vand.u32 $0xFFFF0000, v16;
	v11 =	vadd.f32 v14, v21  }
0x254: {  	v14 =	vshll.u32 v17, $0x10;
	v16 =	vand.u32 $0xFFFF0000, v17;
	v17 =	vld [tilespmem:s1+$0xFFFFFFF0];
	[tilespmem:s7+$0xFFFFFF30] =	vst v9;
	v7 =	vadd.f32 v7, v10  }
0x255: {  	v9 =	vand.u32 $0xFFFF0000, v26;
	v12 =	vadd.f32 v12, v14;
	v14 =	vshll.u32 v22, $0x10;
	v21 =	vld [tilespmem:s15+$0xFFFFFF90];
	[tilespmem:s7+$0x30] =	vst v11  }
0x256: {  	s14 =	sadd.s32 $0x200, s14;
	v11 =	vadd.f32 v9, v16;
	v9 =	vshll.u32 v25, $0x10;
	v16 =	vand.u32 $0xFFFF0000, v22;
	v20 =	vld [tilespmem:s6+$0x20];
	[tilespmem:s7+$0x70] =	vst v7  }
0x257: {  	v22 =	vadd.f32 v24, v0;
	v7 =	vshll.u32 v18, $0x10;
	v18 =	vand.u32 $0xFFFF0000, v18;
	v0 =	vmovc v9;
	v10 =	vld [tilespmem:s15+$0xFFFFFF50];
	[tilespmem:s14+$0x80] =	vst v12  }
0x258: {  	v12 =	vadd.f32 v14, v7;
	v7 =	vadd.f32 v1, v2;
	v9 =	vld [tilespmem:s13+$0xFFFFFF80];
	[tilespmem:s14+$0xC0] =	vst v11;
	v1 =	vand.u32 $0xFFFF0000, v19  }
0x259: {  	v23 =	vshll.u32 v19, $0x10;
	v19 =	vshll.u32 v15, $0x10;
	v15 =	vand.u32 $0xFFFF0000, v15;
	v11 =	vld [tilespmem:s13+$0x0];
	[tilespmem:s0+$0xFFFFFF10] =	vst v22  }
.Ltmp4:
0x25a: {  	v24 =	vadd.f32 v16, v18;
	v16 =	vshll.u32 v17, $0x10;
	v17 =	vand.u32 $0xFFFF0000, v17;
	v14 =	vld [tilespmem:s13+$0xFFFFFFC0];
	[tilespmem:s7+$0xFFFFFF70] =	vst v13;
	s7 =	smov.u32 s0;
	s0 =	smov.u32 s10;
	(pc) =	sbr.rel @p0 .LBB2_10-.Ltmp4, $4  }
0x25b: {  	v22 =	vadd.f32 v16, v19;
	s10 =	smov.u32 s14;
	v13 =	vshll.u32 v20, $0x10;
	v2 =	vand.u32 $0xFFFF0000, v20;
	v16 =	vld [tilespmem:s9+$0xFFFFFFA0];
	[tilespmem:s7+$0x60] =	vst v7  }
0x25c: {  	v19 =	vand.u32 $0xFFFF0000, v21;
	v20 =	vadd.f32 v17, v15;
	v18 =	vadd.f32 v23, v13;
	v15 =	vld [tilespmem:s8+$0xFFFFFF30];
	[tilespmem:s7+$0xFFFFFFA0] =	vst v8  }
0x25d: {  	v21 =	vshll.u32 v21, $0x10;
	v7 =	vand.u32 $0xFFFF0000, v25;
	v17 =	vshll.u32 v9, $0x10;
	v13 =	vld [tilespmem:s15+$0xFFFFFFE0];
	[tilespmem:s0+$0xA0] =	vst v22  }
0x25e: {  	v8 =	vand.u32 $0xFFFF0000, v3;
	v22 =	vshll.u32 v11, $0x10;
	v23 =	vand.u32 $0xFFFF0000, v11;
	[tilespmem:s0+$0xFFFFFFD0] =	vst v24;
	v11 =	vld [tilespmem:s8+$0xFFFFFF80]  }
0x25f: {  	[tilespmem:s0+$0xE0] =	vst v20  }
0x260: {  	[tilespmem:s0+$0x20] =	vst v18  }
0x261: {  	[tilespmem:s0+$0xFFFFFF90] =	vst v12  }
0x262: {  	v19 =	vadd.f32 v19, v23;
	[tilespmem:s7+$0xB0] =	vst v4  }
0x263: {  	v18 =	vadd.f32 v21, v22;
	v21 =	vshll.u32 v10, $0x10;
	[tilespmem:s7+$0xF0] =	vst v5;
	v5 =	vand.u32 $0xFFFF0000, v6  }
0x264: {  	v9 =	vand.u32 $0xFFFF0000, v9;
	v7 =	vadd.f32 v8, v7;
	v3 =	vshll.u32 v3, $0x10;
	[tilespmem:s14+$0x40] =	vst v19  }
0x265: {  	v20 =	vld [tilespmem:s13+$0x50];
	v12 =	vshll.u32 v16, $0x10;
	v5 =	vadd.f32 v5, v9;
	[tilespmem:s14+$0x0] =	vst v18;
	v18 =	vshll.u32 v15, $0x10  }
0x266: {  	v4 =	vld [tilespmem:s9+$0xFFFFFFF0];
	v9 =	vand.u32 $0xFFFF0000, v10;
	v19 =	vshll.u32 v6, $0x10;
	[tilespmem:s0+$0xFFFFFF50] =	vst v7;
	v12 =	vadd.f32 v18, v12  }
0x267: {  	v10 =	vand.u32 $0xFFFF0000, v14;
	v18 =	vshll.u32 v14, $0x10;
	v17 =	vadd.f32 v19, v17;
	v14 =	vld [tilespmem:s13+$0x10];
	[tilespmem:s14+$0xFFFFFF40] =	vst v5  }
0x268: {  	v15 =	vand.u32 $0xFFFF0000, v15;
	v6 =	vadd.f32 v21, v18;
	v18 =	vld [tilespmem:s6+$0xFFFFFFE0];
	[tilespmem:s7+$0xFFFFFF20] =	vst v12;
	v12 =	vand.u32 $0xFFFF0000, v16  }
0x269: {  	v0 =	vadd.f32 v3, v0;
	v16 =	vld [tilespmem:s1+$0xFFFFFF70];
	[tilespmem:s14+$0xFFFFFF00] =	vst v17;
	v12 =	vadd.f32 v15, v12  }
0x26a: {  	v5 =	vand.u32 $0xFFFF0000, v13;
	v17 =	vand.u32 $0xFFFF0000, v20;
	[tilespmem:s14+$0xFFFFFF80] =	vst v6;
	v6 =	vadd.f32 v9, v10;
	v15 =	vld [tilespmem:s11+$0xFFFFFFA0]  }
0x26b: {  	v9 =	vshll.u32 v13, $0x10;
	v10 =	vshll.u32 v20, $0x10;
	v13 =	vld [tilespmem:s9+$0x30];
	v5 =	vadd.f32 v5, v17;
	[tilespmem:s7+$0xFFFFFF60] =	vst v12  }
0x26c: {  	v9 =	vadd.f32 v9, v10;
	v10 =	vshll.u32 v11, $0x10;
	v11 =	vand.u32 $0xFFFF0000, v11;
	[tilespmem:s14+$0xFFFFFFC0] =	vst v6;
	v6 =	vld [tilespmem:s8+$0xFFFFFF40]  }
0x26d: {  	[tilespmem:s0+$0xFFFFFF10] =	vst v0;
	v12 =	vshll.u32 v4, $0x10;
	v4 =	vand.u32 $0xFFFF0000, v4;
	v8 =	vld [tilespmem:s9+$0xFFFFFFB0];
	v17 =	vand.u32 $0xFFFF0000, v18  }
0x26e: {  	[tilespmem:s14+$0xD0] =	vst v5;
	v5 =	vadd.f32 v10, v12;
	v4 =	vadd.f32 v11, v4;
	v19 =	vand.u32 $0xFFFF0000, v16  }
0x26f: {  	[tilespmem:s14+$0x90] =	vst v9;
	v9 =	vld [tilespmem:s8+$0xFFFFFFC0];
	v10 =	vshll.u32 v14, $0x10;
	v12 =	vadd.f32 v19, v17;
	v17 =	vshll.u32 v15, $0x10  }
0x270: {  	v3 =	vld [tilespmem:s11+$0xFFFFFF20];
	v7 =	vand.u32 $0xFFFF0000, v14;
	v14 =	vand.u32 $0xFFFF0000, v15;
	[tilespmem:s7+$0xFFFFFFF0] =	vst v4;
	v10 =	vadd.f32 v17, v10  }
0x271: {  	v11 =	vld [tilespmem:s11+$0xFFFFFF60];
	v4 =	vand.u32 $0xFFFF0000, v13;
	v7 =	vadd.f32 v14, v7;
	[tilespmem:s0+$0xFFFFFFE0] =	vst v12  }
0x272: {  	v15 =	vld [tilespmem:s12+$0x60];
	v14 =	vshll.u32 v13, $0x10;
	v12 =	vshll.u32 v6, $0x10;
	[tilespmem:s14+$0x10] =	vst v10;
	v10 =	vshll.u32 v8, $0x10  }
0x273: {  	v13 =	vld [tilespmem:s12+$0xFFFFFFD0];
	[tilespmem:s14+$0x50] =	vst v7;
	v8 =	vand.u32 $0xFFFF0000, v8;
	v6 =	vand.u32 $0xFFFF0000, v6;
	v7 =	vadd.f32 v12, v10  }
0x274: {  	[tilespmem:s7+$0xFFFFFFB0] =	vst v5;
	v10 =	vshll.u32 v9, $0x10;
	v9 =	vand.u32 $0xFFFF0000, v9;
	v12 =	vld [tilespmem:s11+$0xFFFFFFF0];
	v6 =	vadd.f32 v6, v8  }
0x275: {  	v5 =	vld [tilespmem:s6+$0x70];
	v4 =	vadd.f32 v9, v4;
	[tilespmem:s7+$0xFFFFFF30] =	vst v7  }
0x276: {  	v1 =	vadd.f32 v1, v2;
	v2 =	vld [tilespmem:s12+$0x20];
	v10 =	vadd.f32 v10, v14;
	[tilespmem:s7+$0xFFFFFF70] =	vst v6  }
0x277: {  	v8 =	vshll.u32 v18, $0x10;
	v7 =	vld [tilespmem:s12+$0xFFFFFF90];
	[tilespmem:s7+$0x70] =	vst v4;
	v4 =	vshll.u32 v16, $0x10  }
0x278: {  	v9 =	vld [tilespmem:s11+$0xFFFFFFB0];
	v6 =	vand.u32 $0xFFFF0000, v11;
	[tilespmem:s7+$0x30] =	vst v10;
	v10 =	vand.u32 $0xFFFF0000, v13;
	v0 =	vadd.f32 v4, v8  }
0x279: {  	[tilespmem:s0+$0x60] =	vst v1;
	v4 =	vshll.u32 v15, $0x10;
	v6 =	vadd.f32 v6, v10;
	v10 =	vld [tilespmem:s1+$0xFFFFFF30];
	v8 =	vshll.u32 v12, $0x10  }
0x27a: {  	v1 =	vshll.u32 v11, $0x10;
	v11 =	vshll.u32 v13, $0x10;
	v4 =	vadd.f32 v8, v4;
	v8 =	vld [tilespmem:s6+$0xFFFFFFA0];
	[tilespmem:s0+$0xFFFFFFA0] =	vst v0  }
0x27b: {  	v1 =	vadd.f32 v1, v11;
	v11 =	vand.u32 $0xFFFF0000, v15;
	v12 =	vand.u32 $0xFFFF0000, v12;
	v0 =	vld [tilespmem:s1+$0x0];
	[tilespmem:s10+$0xFFFFFFD0] =	vst v6  }
0x27c: {  	v6 =	vld [tilespmem:s1+$0xFFFFFF80];
	[tilespmem:s10+$0xA0] =	vst v4;
	v4 =	vadd.f32 v12, v11;
	v11 =	vand.u32 $0xFFFF0000, v7;
	v12 =	vand.u32 $0xFFFF0000, v3  }
0x27d: {  	[tilespmem:s10+$0xFFFFFF90] =	vst v1;
	v1 =	vshll.u32 v3, $0x10;
	v13 =	vld [tilespmem:s6+$0xFFFFFFF0];
	v7 =	vshll.u32 v7, $0x10;
	v3 =	vadd.f32 v12, v11  }
0x27e: {  	v14 =	vld [tilespmem:s11+$0xFFFFFF70];
	v11 =	vshll.u32 v9, $0x10;
	v12 =	vshll.u32 v2, $0x10;
	v1 =	vadd.f32 v1, v7;
	[tilespmem:s10+$0xE0] =	vst v4  }
0x27f: {  	v4 =	vld [tilespmem:s12+$0xFFFFFFE0];
	v7 =	vadd.f32 v11, v12;
	v12 =	vshll.u32 v10, $0x10;
	v11 =	vshll.u32 v8, $0x10;
	[tilespmem:s10+$0xFFFFFF50] =	vst v3  }
0x280: {  	v3 =	vand.u32 $0xFFFF0000, v8;
	v8 =	vand.u32 $0xFFFF0000, v10;
	[tilespmem:s10+$0xFFFFFF10] =	vst v1;
	v10 =	vadd.f32 v12, v11  }
0x281: {  	v1 =	vshll.u32 v0, $0x10;
	v11 =	vshll.u32 v5, $0x10;
	[tilespmem:s10+$0x20] =	vst v7;
	v3 =	vadd.f32 v8, v3;
	v7 =	vld [tilespmem:s12+$0xFFFFFFA0]  }
0x282: {  	v0 =	vand.u32 $0xFFFF0000, v0;
	v5 =	vand.u32 $0xFFFF0000, v5;
	v8 =	vld [tilespmem:s11+$0xFFFFFF30];
	v1 =	vadd.f32 v1, v11;
	[tilespmem:s0+$0xFFFFFF20] =	vst v10  }
0x283: {  	v0 =	vadd.f32 v0, v5;
	v5 =	vshll.u32 v6, $0x10;
	v10 =	vld [tilespmem:s6+$0x30];
	[tilespmem:s0+$0xFFFFFF60] =	vst v3;
	v3 =	vshll.u32 v13, $0x10  }
0x284: {  	v11 =	vand.u32 $0xFFFF0000, v14;
	[tilespmem:s0+$0xB0] =	vst v1;
	v1 =	vand.u32 $0xFFFF0000, v4;
	v12 =	vld [tilespmem:s1+$0xFFFFFF40];
	v3 =	vadd.f32 v5, v3  }
0x285: {  	[tilespmem:s0+$0xF0] =	vst v0;
	v0 =	vshll.u32 v14, $0x10;
	v4 =	vshll.u32 v4, $0x10;
	v5 =	vld [tilespmem:s6+$0xFFFFFFB0];
	v1 =	vadd.f32 v11, v1  }
0x286: {  	v9 =	vand.u32 $0xFFFF0000, v9;
	v2 =	vand.u32 $0xFFFF0000, v2;
	v11 =	vld [tilespmem:s1+$0xFFFFFFC0];
	v0 =	vadd.f32 v0, v4;
	[tilespmem:s0+$0xFFFFFFB0] =	vst v3  }
0x287: {  	v3 =	vld [tilespmem:s12+$0x70];
	v4 =	vshll.u32 v8, $0x10;
	[tilespmem:s10+$0xFFFFFFE0] =	vst v1;
	v1 =	vadd.f32 v9, v2;
	v2 =	vshll.u32 v7, $0x10  }
0x288: {  	v9 =	vld [tilespmem:s11+$0x0];
	[tilespmem:s10+$0xFFFFFFA0] =	vst v0;
	v0 =	vand.u32 $0xFFFF0000, v7;
	v7 =	vand.u32 $0xFFFF0000, v8;
	v2 =	vadd.f32 v4, v2  }
0x289: {  	v4 =	vand.u32 $0xFFFF0000, v6;
	v6 =	vand.u32 $0xFFFF0000, v13;
	v0 =	vadd.f32 v7, v0;
	v8 =	vld [tilespmem:s12+$0xFFFFFFF0];
	[tilespmem:s10+$0x60] =	vst v1  }
0x28a: {  	v1 =	vld [tilespmem:s11+$0xFFFFFF80];
	v4 =	vadd.f32 v4, v6;
	v6 =	vshll.u32 v12, $0x10;
	v7 =	vshll.u32 v5, $0x10;
	[tilespmem:s10+$0xFFFFFF20] =	vst v2  }
0x28b: {  	v2 =	vshll.u32 v10, $0x10;
	v6 =	vadd.f32 v6, v7;
	v7 =	vshll.u32 v11, $0x10;
	v13 =	vld [tilespmem:s12+$0x30];
	[tilespmem:s10+$0xFFFFFF60] =	vst v0  }
0x28c: {  	v0 =	vand.u32 $0xFFFF0000, v11;
	[tilespmem:s0+$0xFFFFFFF0] =	vst v4;
	v4 =	vand.u32 $0xFFFF0000, v10;
	v2 =	vadd.f32 v7, v2;
	v7 =	vld [tilespmem:s11+$0xFFFFFF40]  }
0x28d: {  	v5 =	vand.u32 $0xFFFF0000, v5;
	v10 =	vand.u32 $0xFFFF0000, v12;
	[tilespmem:s0+$0xFFFFFF30] =	vst v6;
	v0 =	vadd.f32 v0, v4;
	v4 =	vld [tilespmem:s12+$0xFFFFFFB0]  }
0x28e: {  	v11 =	vshll.u32 v3, $0x10;
	v6 =	vshll.u32 v9, $0x10;
	v5 =	vadd.f32 v10, v5;
	[tilespmem:s0+$0x30] =	vst v2;
	v2 =	vld [tilespmem:s11+$0xFFFFFFC0]  }
0x28f: {  	v3 =	vand.u32 $0xFFFF0000, v3;
	v9 =	vand.u32 $0xFFFF0000, v9;
	v6 =	vadd.f32 v6, v11;
	[tilespmem:s0+$0x70] =	vst v0  }
0x290: {  	v0 =	vadd.f32 v9, v3;
	[tilespmem:s0+$0xFFFFFF70] =	vst v5;
	v3 =	vshll.u32 v1, $0x10;
	v5 =	vshll.u32 v8, $0x10  }
0x291: {  	v1 =	vand.u32 $0xFFFF0000, v1;
	[tilespmem:s10+$0xB0] =	vst v6;
	v6 =	vand.u32 $0xFFFF0000, v8;
	v3 =	vadd.f32 v3, v5  }
0x292: {  	[tilespmem:s10+$0xF0] =	vst v0;
	v0 =	vadd.f32 v1, v6;
	v1 =	vshll.u32 v7, $0x10;
	v5 =	vshll.u32 v4, $0x10  }
0x293: {  	v6 =	vshll.u32 v13, $0x10;
	[tilespmem:s10+$0xFFFFFFB0] =	vst v3;
	v1 =	vadd.f32 v1, v5;
	v3 =	vshll.u32 v2, $0x10  }
0x294: {  	v2 =	vand.u32 $0xFFFF0000, v2;
	[tilespmem:s10+$0xFFFFFFF0] =	vst v0;
	v0 =	vand.u32 $0xFFFF0000, v13;
	v3 =	vadd.f32 v3, v6  }
0x295: {  	v4 =	vand.u32 $0xFFFF0000, v4;
	v5 =	vand.u32 $0xFFFF0000, v7;
	v0 =	vadd.f32 v2, v0;
	[tilespmem:s10+$0xFFFFFF30] =	vst v1  }
0x296: {  	v1 =	vadd.f32 v5, v4;
	[tilespmem:s10+$0x30] =	vst v3  }
0x297: {  	[tilespmem:s10+$0x70] =	vst v0  }
0x298: {  	[tilespmem:s10+$0xFFFFFF70] =	vst v1  }
0x299: {  	s31 =	simm.s32 $0xC400;
	s17 =	simm.s32 $0x5;
	s0 =	rddreg [dreg:$0x5]  }
0x29a: {  	[hbm4b:s0+s3] =	stream.linear.scatter [tilespmem:s31], [sflag:$0x4], $0x4000, $0x38;
	[tilespmem:$0x1E800] =	vst v63  }
0x29b: {  	_ =	swait.ge [sflag:s17], $0x4000  }
0x29c: {  	[sflag:s17] =	ssyncset.done $0x0  }
0x29d: {  	[sflag:s17] =	ssyncadd.s32 $0xFFFFC000  }
0x29e: {  	_ =	swait.ge [sflag:s19], $0x2000  }
0x29f: {  	[sflag:s19] =	ssyncset.done $0x0  }
0x2a0: {  	s8 =	simm.s32 $0x196F0;
	[sflag:s19] =	ssyncadd.s32 $0xFFFFE000  }
0x2a1: {  	s9 =	simm.s32 $0x84F0;
	v0 =	vld [tilespmem:s8+$0xFFFFFFD0]  }
0x2a2: {  	v1 =	vld [tilespmem:s9+$0xFFFFFFD0];
	_ =	sdelay $0x4  }
0x2a3: {  	v4 =	vld [tilespmem:s8+$0xFFFFFF90];
	v2 =	vshll.u32 v0, $0x10;
	v3 =	vshll.u32 v1, $0x10  }
0x2a4: {  	v1 =	vand.u32 $0xFFFF0000, v1;
	v0 =	vand.u32 $0xFFFF0000, v0;
	v2 =	vadd.f32 v2, v3;
	v3 =	vld [tilespmem:s9+$0xFFFFFF90]  }
0x2a5: {  	s7 =	simm.s32 $0x105F0;
	v0 =	vadd.f32 v0, v1  }
0x2a6: {  	v1 =	vld [tilespmem:s8+$0xFFFFFF50];
	[tilespmem:s7+$0xFFFFFF90] =	vst v2  }
0x2a7: {  	[tilespmem:s7+$0xFFFFFFD0] =	vst v0;
	v0 =	vld [tilespmem:s9+$0xFFFFFF50]  }
0x2a8: {  	v2 =	vld [tilespmem:s8+$0xFFFFFFE0]  }
0x2a9: {  	v5 =	vand.u32 $0xFFFF0000, v4;
	v7 =	vld [tilespmem:s9+$0xFFFFFFE0];
	v6 =	vand.u32 $0xFFFF0000, v3  }
0x2aa: {  	s1 =	simm.s32 $0x197F0;
	v8 =	vld [tilespmem:s8+$0xFFFFFF10];
	v4 =	vshll.u32 v4, $0x10;
	v3 =	vshll.u32 v3, $0x10;
	v5 =	vadd.f32 v5, v6  }
0x2ab: {  	s6 =	simm.s32 $0x85F0;
	v10 =	vld [tilespmem:s1+$0xFFFFFF10];
	v3 =	vadd.f32 v4, v3  }
0x2ac: {  	v12 =	vld [tilespmem:s6+$0xFFFFFF90];
	v9 =	vshll.u32 v1, $0x10;
	v4 =	vshll.u32 v0, $0x10;
	[tilespmem:s7+$0xFFFFFF50] =	vst v5  }
0x2ad: {  	v1 =	vand.u32 $0xFFFF0000, v1;
	v6 =	vld [tilespmem:s9+$0xFFFFFF10];
	v0 =	vand.u32 $0xFFFF0000, v0;
	v4 =	vadd.f32 v9, v4;
	[tilespmem:s7+$0xFFFFFF10] =	vst v3  }
0x2ae: {  	v0 =	vadd.f32 v1, v0;
	v3 =	vshll.u32 v2, $0x10;
	v5 =	vshll.u32 v7, $0x10;
	v1 =	vld [tilespmem:s9+$0xFFFFFFA0]  }
0x2af: {  	v2 =	vand.u32 $0xFFFF0000, v2;
	v7 =	vand.u32 $0xFFFF0000, v7;
	v3 =	vadd.f32 v3, v5;
	[tilespmem:s7+$0xFFFFFE90] =	vst v4;
	v4 =	vld [tilespmem:s8+$0xFFFFFFA0]  }
0x2b0: {  	v16 =	vld [tilespmem:s1+$0xFFFFFF50];
	v2 =	vadd.f32 v2, v7;
	[tilespmem:s7+$0xFFFFFED0] =	vst v0  }
0x2b1: {  	v7 =	vld [tilespmem:s1+$0xFFFFFFD0];
	[tilespmem:s7+$0xFFFFFFA0] =	vst v3  }
0x2b2: {  	v9 =	vshll.u32 v8, $0x10;
	v0 =	vand.u32 $0xFFFF0000, v8;
	v8 =	vld [tilespmem:s6+$0xFFFFFFD0];
	v5 =	vshll.u32 v6, $0x10;
	[tilespmem:s7+$0xFFFFFFE0] =	vst v2  }
0x2b3: {  	v6 =	vand.u32 $0xFFFF0000, v6;
	v5 =	vadd.f32 v9, v5;
	v2 =	vld [tilespmem:s9+$0xFFFFFFF0]  }
0x2b4: {  	v3 =	vld [tilespmem:s8+$0xFFFFFF60];
	v0 =	vadd.f32 v0, v6;
	v6 =	vshll.u32 v1, $0x10;
	v9 =	vshll.u32 v4, $0x10  }
0x2b5: {  	[tilespmem:s7+$0xFFFFFE10] =	vst v5;
	v1 =	vand.u32 $0xFFFF0000, v1;
	v4 =	vand.u32 $0xFFFF0000, v4;
	v6 =	vadd.f32 v9, v6;
	v9 =	vld [tilespmem:s8+$0xFFFFFFF0]  }
0x2b6: {  	[tilespmem:s7+$0xFFFFFE50] =	vst v0;
	v0 =	vld [tilespmem:s9+$0xFFFFFF60];
	v1 =	vadd.f32 v4, v1  }
0x2b7: {  	v11 =	vshll.u32 v7, $0x10;
	v7 =	vand.u32 $0xFFFF0000, v7;
	v5 =	vld [tilespmem:s9+$0xFFFFFF20];
	[tilespmem:s7+$0xFFFFFF20] =	vst v6  }
0x2b8: {  	v14 =	vshll.u32 v2, $0x10;
	v2 =	vand.u32 $0xFFFF0000, v2;
	v6 =	vld [tilespmem:s1+$0xFFFFFF90];
	[tilespmem:s7+$0xFFFFFF60] =	vst v1;
	v1 =	vshll.u32 v8, $0x10  }
0x2b9: {  	s15 =	simm.s32 $0x198F0;
	v8 =	vand.u32 $0xFFFF0000, v8;
	v13 =	vld [tilespmem:s8+$0xFFFFFFB0];
	v1 =	vadd.f32 v11, v1;
	v11 =	vshll.u32 v3, $0x10  }
0x2ba: {  	s0 =	simm.s32 $0x107F0;
	v24 =	vld [tilespmem:s15+$0xFFFFFF90];
	v7 =	vadd.f32 v7, v8;
	v3 =	vand.u32 $0xFFFF0000, v3;
	v15 =	vshll.u32 v9, $0x10  }
0x2bb: {  	v8 =	vld [tilespmem:s9+$0xFFFFFFB0];
	[tilespmem:s0+$0xFFFFFF90] =	vst v1;
	v1 =	vshll.u32 v0, $0x10;
	v0 =	vand.u32 $0xFFFF0000, v0;
	v14 =	vadd.f32 v15, v14  }
0x2bc: {  	[tilespmem:s0+$0xFFFFFFD0] =	vst v7;
	v7 =	vld [tilespmem:s6+$0xFFFFFF50];
	v0 =	vadd.f32 v3, v0;
	v3 =	vand.u32 $0xFFFF0000, v9;
	v1 =	vadd.f32 v11, v1  }
0x2bd: {  	v4 =	vld [tilespmem:s8+$0xFFFFFF20];
	v9 =	vand.u32 $0xFFFF0000, v6;
	v2 =	vadd.f32 v3, v2;
	v3 =	vand.u32 $0xFFFF0000, v12;
	[tilespmem:s7+$0xFFFFFFB0] =	vst v14  }
0x2be: {  	v15 =	vld [tilespmem:s6+$0xFFFFFF10];
	v14 =	vshll.u32 v5, $0x10;
	[tilespmem:s7+$0xFFFFFEE0] =	vst v0;
	v0 =	vadd.f32 v9, v3;
	v17 =	vand.u32 $0xFFFF0000, v13  }
0x2bf: {  	v11 =	vld [tilespmem:s1+$0xFFFFFFE0];
	v3 =	vshll.u32 v6, $0x10;
	v6 =	vshll.u32 v12, $0x10;
	v9 =	vshll.u32 v13, $0x10;
	[tilespmem:s7+$0xFFFFFEA0] =	vst v1  }
0x2c0: {  	v12 =	vshll.u32 v8, $0x10;
	v8 =	vand.u32 $0xFFFF0000, v8;
	v1 =	vand.u32 $0xFFFF0000, v5;
	[tilespmem:s7+$0xFFFFFFF0] =	vst v2;
	v2 =	vld [tilespmem:s6+$0xFFFFFFE0]  }
0x2c1: {  	v3 =	vadd.f32 v3, v6;
	v20 =	vld [tilespmem:s8+$0xFFFFFF70];
	[tilespmem:s0+$0xFFFFFF50] =	vst v0;
	v0 =	vadd.f32 v9, v12;
	v5 =	vshll.u32 v7, $0x10  }
0x2c2: {  	v13 =	vld [tilespmem:s9+$0x0];
	v12 =	vshll.u32 v16, $0x10;
	v16 =	vand.u32 $0xFFFF0000, v16;
	v7 =	vand.u32 $0xFFFF0000, v7  }
0x2c3: {  	v8 =	vadd.f32 v17, v8;
	v6 =	vshll.u32 v15, $0x10;
	[tilespmem:s0+$0xFFFFFF10] =	vst v3;
	v3 =	vld [tilespmem:s9+$0xFFFFFF70];
	v7 =	vadd.f32 v16, v7  }
0x2c4: {  	v5 =	vadd.f32 v12, v5;
	v16 =	vshll.u32 v11, $0x10;
	v11 =	vand.u32 $0xFFFF0000, v11;
	v12 =	vld [tilespmem:s6+$0xFFFFFFA0]  }
0x2c5: {  	v19 =	vld [tilespmem:s1+$0xFFFFFFA0];
	[tilespmem:s0+$0xFFFFFED0] =	vst v7;
	v7 =	vand.u32 $0xFFFF0000, v10;
	v18 =	vshll.u32 v2, $0x10;
	v2 =	vand.u32 $0xFFFF0000, v2  }
0x2c6: {  	v9 =	vld [tilespmem:s8+$0x0];
	[tilespmem:s0+$0xFFFFFE90] =	vst v5;
	v22 =	vshll.u32 v20, $0x10;
	v5 =	vadd.f32 v16, v18;
	v16 =	vand.u32 $0xFFFF0000, v4  }
0x2c7: {  	s13 =	simm.s32 $0x86F0;
	v18 =	vshll.u32 v10, $0x10;
	v2 =	vadd.f32 v11, v2;
	v11 =	vld [tilespmem:s15+$0xFFFFFFD0];
	v10 =	vand.u32 $0xFFFF0000, v15  }
0x2c8: {  	v15 =	vld [tilespmem:s13+$0xFFFFFFD0];
	v6 =	vadd.f32 v18, v6;
	v18 =	vshll.u32 v4, $0x10;
	v4 =	vadd.f32 v7, v10;
	[tilespmem:s0+$0xFFFFFFA0] =	vst v5  }
0x2c9: {  	v7 =	vld [tilespmem:s1+$0xFFFFFF60];
	v1 =	vadd.f32 v16, v1;
	v16 =	vand.u32 $0xFFFF0000, v20;
	v5 =	vand.u32 $0xFFFF0000, v13;
	[tilespmem:s0+$0xFFFFFFE0] =	vst v2  }
0x2ca: {  	v2 =	vand.u32 $0xFFFF0000, v3;
	v10 =	vshll.u32 v19, $0x10;
	[tilespmem:s0+$0xFFFFFE10] =	vst v6;
	v6 =	vshll.u32 v12, $0x10;
	v21 =	vld [tilespmem:s6+$0xFFFFFFF0]  }
0x2cb: {  	[tilespmem:s0+$0xFFFFFE50] =	vst v4;
	v4 =	vand.u32 $0xFFFF0000, v12;
	v12 =	vand.u32 $0xFFFF0000, v19;
	v19 =	vld [tilespmem:s6+$0xFFFFFF60];
	v10 =	vadd.f32 v10, v6  }
0x2cc: {  	v3 =	vshll.u32 v3, $0x10;
	v14 =	vadd.f32 v18, v14;
	v23 =	vld [tilespmem:s6+$0xFFFFFF20];
	v4 =	vadd.f32 v12, v4  }
0x2cd: {  	v22 =	vadd.f32 v22, v3;
	v12 =	vshll.u32 v9, $0x10;
	v6 =	vld [tilespmem:s15+$0xFFFFFF10];
	v9 =	vand.u32 $0xFFFF0000, v9;
	[tilespmem:s0+$0xFFFFFF20] =	vst v10  }
0x2ce: {  	v2 =	vadd.f32 v16, v2;
	v3 =	vld [tilespmem:s1+$0xFFFFFF20];
	v5 =	vadd.f32 v9, v5;
	[tilespmem:s0+$0xFFFFFF60] =	vst v4  }
0x2cf: {  	[tilespmem:s7+$0xFFFFFF30] =	vst v0;
	v9 =	vshll.u32 v15, $0x10;
	v0 =	vand.u32 $0xFFFF0000, v11;
	v10 =	vshll.u32 v13, $0x10;
	v13 =	vld [tilespmem:s1+$0xFFFFFFB0]  }
0x2d0: {  	[tilespmem:s7+$0xFFFFFE60] =	vst v1;
	v4 =	vadd.f32 v12, v10;
	v10 =	vshll.u32 v11, $0x10;
	v12 =	vand.u32 $0xFFFF0000, v15;
	v15 =	vld [tilespmem:s1+$0xFFFFFFF0]  }
0x2d1: {  	[tilespmem:s7+$0xFFFFFE20] =	vst v14;
	v14 =	vld [tilespmem:s13+$0xFFFFFF50];
	v11 =	vshll.u32 v7, $0x10;
	v7 =	vand.u32 $0xFFFF0000, v7;
	v10 =	vadd.f32 v10, v9  }
0x2d2: {  	[tilespmem:s7+$0xFFFFFEF0] =	vst v2;
	v20 =	vld [tilespmem:s6+$0xFFFFFFB0];
	v16 =	vadd.f32 v0, v12;
	v1 =	vshll.u32 v19, $0x10;
	v2 =	vand.u32 $0xFFFF0000, v19  }
0x2d3: {  	s14 =	simm.s32 $0x109F0;
	[tilespmem:s7+$0xFFFFFF70] =	vst v8;
	v9 =	vld [tilespmem:s13+$0xFFFFFF10];
	v17 =	vand.u32 $0xFFFF0000, v21;
	v19 =	vand.u32 $0xFFFF0000, v24;
	v0 =	vshll.u32 v23, $0x10  }
0x2d4: {  	v12 =	vadd.f32 v11, v1;
	v11 =	vld [tilespmem:s13+$0xFFFFFF90];
	v25 =	vadd.f32 v7, v2;
	v8 =	vand.u32 $0xFFFF0000, v3;
	[tilespmem:s14+$0xFFFFFF90] =	vst v10  }
0x2d5: {  	v10 =	vld [tilespmem:s15+$0xFFFFFF50];
	[tilespmem:s14+$0xFFFFFFD0] =	vst v16;
	v16 =	vshll.u32 v21, $0x10;
	v1 =	vand.u32 $0xFFFF0000, v13;
	v7 =	vshll.u32 v15, $0x10  }
0x2d6: {  	v13 =	vshll.u32 v13, $0x10;
	v15 =	vand.u32 $0xFFFF0000, v15;
	v7 =	vadd.f32 v7, v16;
	v16 =	vld [tilespmem:s9+$0xFFFFFF30]  }
0x2d7: {  	[tilespmem:s7+$0xFFFFFEB0] =	vst v22;
	v18 =	vshll.u32 v20, $0x10;
	v2 =	vand.u32 $0xFFFF0000, v20;
	v20 =	vadd.f32 v15, v17;
	v15 =	vld [tilespmem:s8+$0xFFFFFF30]  }
0x2d8: {  	s12 =	simm.s32 $0x86F0;
	v21 =	vshll.u32 v24, $0x10;
	[tilespmem:s0+$0xFFFFFEE0] =	vst v25;
	v18 =	vadd.f32 v13, v18;
	v17 =	vshll.u32 v9, $0x10;
	v13 =	vld [tilespmem:s15+$0xFFFFFFE0]  }
0x2d9: {  	s18 =	simm.s32 $0x8;
	s11 =	simm.s32 $0x198F0;
	s10 =	simm.s32 $0x109F0;
	v22 =	vshll.u32 v11, $0x10;
	[tilespmem:s0+$0xFFFFFFB0] =	vst v7;
	v7 =	vand.u32 $0xFFFF0000, v23;
	v23 =	vand.u32 $0xFFFF0000, v11;
	v11 =	vld [tilespmem:s8+$0xFFFFFF80]  }
.LBB2_12:
0x2da: {  	s18 =	sadd.s32 $0x4, s18;
	v24 =	vand.u32 $0xFFFF0000, v10;
	v21 =	vadd.f32 v21, v22;
	v19 =	vadd.f32 v19, v23;
	[tilespmem:s0+$0xFFFFFFF0] =	vst v20;
	v20 =	vld [tilespmem:s9+$0xFFFFFF80]  }
0x2db: {  	v22 =	vshll.u32 v14, $0x10;
	v14 =	vand.u32 $0xFFFF0000, v14;
	p0 =	slt.u32 s18, $0x7C;
	[tilespmem:s0+$0xFFFFFF30] =	vst v18;
	v18 =	vld [tilespmem:s6+$0x0];
	v23 =	vand.u32 $0xFFFF0000, v16  }
0x2dc: {  	v25 =	vshll.u32 v6, $0x10;
	v10 =	vshll.u32 v10, $0x10;
	v16 =	vshll.u32 v16, $0x10;
	[tilespmem:s14+$0xFFFFFF50] =	vst v19;
	v19 =	vld [tilespmem:s1+$0x0]  }
0x2dd: {  	v6 =	vand.u32 $0xFFFF0000, v6;
	v10 =	vadd.f32 v10, v22;
	v22 =	vld [tilespmem:s13+$0xFFFFFFE0];
	[tilespmem:s0+$0xFFFFFEA0] =	vst v12;
	v12 =	vand.u32 $0xFFFF0000, v15  }
0x2de: {  	v9 =	vand.u32 $0xFFFF0000, v9;
	v17 =	vadd.f32 v25, v17;
	v15 =	vshll.u32 v15, $0x10;
	[tilespmem:s14+$0xFFFFFF10] =	vst v21;
	v21 =	vld [tilespmem:s6+$0xFFFFFF70]  }
0x2df: {  	v14 =	vadd.f32 v24, v14;
	v24 =	vshll.u32 v3, $0x10;
	v15 =	vadd.f32 v15, v16;
	v3 =	vld [tilespmem:s1+$0xFFFFFF70];
	[tilespmem:s7+$0xFFFFFFC0] =	vst v4  }
0x2e0: {  	v12 =	vadd.f32 v12, v23;
	v4 =	vadd.f32 v6, v9;
	v6 =	vld [tilespmem:s13+$0xFFFFFFA0];
	v9 =	vand.u32 $0xFFFF0000, v18;
	[tilespmem:s7+$0x0] =	vst v5  }
0x2e1: {  	s15 =	sadd.s32 $0x100, s15;
	v5 =	vshll.u32 v13, $0x10;
	v13 =	vand.u32 $0xFFFF0000, v13;
	[tilespmem:s7+$0xFFFFFE30] =	vst v15;
	v15 =	vshll.u32 v11, $0x10;
	v16 =	vld [tilespmem:s9+$0xFFFFFFC0]  }
0x2e2: {  	s13 =	sadd.s32 $0x100, s13;
	v11 =	vand.u32 $0xFFFF0000, v11;
	[tilespmem:s14+$0xFFFFFE10] =	vst v17;
	v17 =	vshll.u32 v22, $0x10;
	v22 =	vand.u32 $0xFFFF0000, v22;
	v23 =	vld [tilespmem:s8+$0xFFFFFFC0]  }
0x2e3: {  	v25 =	vand.u32 $0xFFFF0000, v20;
	[tilespmem:s14+$0xFFFFFE90] =	vst v10;
	v10 =	vld [tilespmem:s11+$0xFFFFFFA0];
	v13 =	vadd.f32 v13, v22;
	v22 =	vand.u32 $0xFFFF0000, v21  }
0x2e4: {  	v11 =	vadd.f32 v11, v25;
	v26 =	vld [tilespmem:s15+$0xFFFFFFD0];
	[tilespmem:s14+$0xFFFFFE50] =	vst v4;
	v4 =	vadd.f32 v5, v17;
	v5 =	vshll.u32 v3, $0x10  }
0x2e5: {  	v25 =	vshll.u32 v19, $0x10;
	v21 =	vshll.u32 v21, $0x10;
	v17 =	vld [tilespmem:s13+$0xFFFFFFD0];
	[tilespmem:s7+$0xFFFFFE70] =	vst v12;
	v12 =	vshll.u32 v20, $0x10  }
0x2e6: {  	v7 =	vadd.f32 v8, v7;
	v3 =	vand.u32 $0xFFFF0000, v3;
	v8 =	vadd.f32 v5, v21;
	[tilespmem:s14+$0xFFFFFED0] =	vst v14;
	v14 =	vld [tilespmem:s8+$0xFFFFFF40];
	s8 =	smov.u32 s1;
	s1 =	smov.u32 s11;
	s11 =	smov.u32 s15  }
0x2e7: {  	v5 =	vshll.u32 v6, $0x10;
	v3 =	vadd.f32 v3, v22;
	v21 =	vshll.u32 v16, $0x10;
	[tilespmem:s14+$0xFFFFFFA0] =	vst v4;
	v20 =	vld [tilespmem:s9+$0xFFFFFF40];
	s9 =	smov.u32 s6;
	s6 =	smov.u32 s12;
	s12 =	smov.u32 s13  }
0x2e8: {  	v6 =	vand.u32 $0xFFFF0000, v6;
	v12 =	vadd.f32 v15, v12;
	v4 =	vshll.u32 v18, $0x10;
	v22 =	vld [tilespmem:s1+$0xFFFFFF60];
	[tilespmem:s14+$0xFFFFFFE0] =	vst v13  }
0x2e9: {  	v13 =	vshll.u32 v10, $0x10;
	v10 =	vand.u32 $0xFFFF0000, v10;
	v15 =	vld [tilespmem:s6+$0xFFFFFFF0];
	[tilespmem:s0+$0xFFFFFE60] =	vst v7;
	v7 =	vand.u32 $0xFFFF0000, v23  }
0x2ea: {  	v4 =	vadd.f32 v25, v4;
	v5 =	vadd.f32 v13, v5;
	v13 =	vand.u32 $0xFFFF0000, v19;
	v18 =	vld [tilespmem:s6+$0xFFFFFF60];
	[tilespmem:s7+$0xFFFFFEC0] =	vst v12  }
0x2eb: {  	v10 =	vadd.f32 v10, v6;
	v12 =	vshll.u32 v26, $0x10;
	v25 =	vld [tilespmem:s6+$0xFFFFFF20];
	[tilespmem:s0+$0xFFFFFEF0] =	vst v3;
	v19 =	vshll.u32 v14, $0x10  }
0x2ec: {  	v6 =	vld [tilespmem:s15+$0xFFFFFF10];
	[tilespmem:s14+$0xFFFFFF20] =	vst v5;
	v5 =	vadd.f32 v13, v9;
	v9 =	vshll.u32 v20, $0x10;
	v13 =	vand.u32 $0xFFFF0000, v20  }
0x2ed: {  	v3 =	vld [tilespmem:s1+$0xFFFFFF20];
	[tilespmem:s14+$0xFFFFFF60] =	vst v10;
	v10 =	vand.u32 $0xFFFF0000, v14;
	v9 =	vadd.f32 v19, v9;
	v14 =	vshll.u32 v23, $0x10  }
0x2ee: {  	v19 =	vld [tilespmem:s1+$0xFFFFFFB0];
	v13 =	vadd.f32 v10, v13;
	[tilespmem:s7+$0xFFFFFF00] =	vst v11;
	v10 =	vand.u32 $0xFFFF0000, v16;
	v11 =	vadd.f32 v14, v21  }
0x2ef: {  	v14 =	vshll.u32 v17, $0x10;
	v16 =	vand.u32 $0xFFFF0000, v17;
	v17 =	vld [tilespmem:s1+$0xFFFFFFF0];
	[tilespmem:s7+$0xFFFFFE40] =	vst v9;
	v7 =	vadd.f32 v7, v10  }
0x2f0: {  	v9 =	vand.u32 $0xFFFF0000, v26;
	v12 =	vadd.f32 v12, v14;
	v14 =	vshll.u32 v22, $0x10;
	v21 =	vld [tilespmem:s15+$0xFFFFFF90];
	[tilespmem:s7+$0xFFFFFF40] =	vst v11  }
0x2f1: {  	s14 =	sadd.s32 $0x200, s14;
	v11 =	vadd.f32 v9, v16;
	v9 =	vshll.u32 v25, $0x10;
	v16 =	vand.u32 $0xFFFF0000, v22;
	v20 =	vld [tilespmem:s6+$0xFFFFFFB0];
	[tilespmem:s7+$0xFFFFFF80] =	vst v7  }
0x2f2: {  	v22 =	vadd.f32 v24, v0;
	v7 =	vshll.u32 v18, $0x10;
	v18 =	vand.u32 $0xFFFF0000, v18;
	v0 =	vmovc v9;
	v10 =	vld [tilespmem:s15+$0xFFFFFF50];
	[tilespmem:s14+$0xFFFFFF90] =	vst v12  }
0x2f3: {  	v12 =	vadd.f32 v14, v7;
	v7 =	vadd.f32 v1, v2;
	v9 =	vld [tilespmem:s13+$0xFFFFFF10];
	[tilespmem:s14+$0xFFFFFFD0] =	vst v11;
	v1 =	vand.u32 $0xFFFF0000, v19  }
0x2f4: {  	v23 =	vshll.u32 v19, $0x10;
	v19 =	vshll.u32 v15, $0x10;
	v15 =	vand.u32 $0xFFFF0000, v15;
	v11 =	vld [tilespmem:s13+$0xFFFFFF90];
	[tilespmem:s0+$0xFFFFFE20] =	vst v22  }
.Ltmp5:
0x2f5: {  	v24 =	vadd.f32 v16, v18;
	v16 =	vshll.u32 v17, $0x10;
	v17 =	vand.u32 $0xFFFF0000, v17;
	v14 =	vld [tilespmem:s13+$0xFFFFFF50];
	[tilespmem:s7+$0xFFFFFE80] =	vst v13;
	s7 =	smov.u32 s0;
	s0 =	smov.u32 s10;
	(pc) =	sbr.rel @p0 .LBB2_12-.Ltmp5, $4  }
0x2f6: {  	v22 =	vadd.f32 v16, v19;
	s10 =	smov.u32 s14;
	v13 =	vshll.u32 v20, $0x10;
	v2 =	vand.u32 $0xFFFF0000, v20;
	v16 =	vld [tilespmem:s9+$0xFFFFFF30];
	[tilespmem:s7+$0xFFFFFF70] =	vst v7  }
0x2f7: {  	v19 =	vand.u32 $0xFFFF0000, v21;
	v20 =	vadd.f32 v17, v15;
	v18 =	vadd.f32 v23, v13;
	v15 =	vld [tilespmem:s8+$0xFFFFFF30];
	[tilespmem:s7+$0xFFFFFEB0] =	vst v8  }
0x2f8: {  	v21 =	vshll.u32 v21, $0x10;
	v7 =	vand.u32 $0xFFFF0000, v25;
	v17 =	vshll.u32 v9, $0x10;
	v13 =	vld [tilespmem:s15+$0xFFFFFFE0];
	[tilespmem:s0+$0xFFFFFFB0] =	vst v22  }
0x2f9: {  	v8 =	vand.u32 $0xFFFF0000, v3;
	v22 =	vshll.u32 v11, $0x10;
	v23 =	vand.u32 $0xFFFF0000, v11;
	[tilespmem:s0+$0xFFFFFEE0] =	vst v24;
	v11 =	vld [tilespmem:s8+$0xFFFFFF80]  }
0x2fa: {  	[tilespmem:s0+$0xFFFFFFF0] =	vst v20  }
0x2fb: {  	[tilespmem:s0+$0xFFFFFF30] =	vst v18  }
0x2fc: {  	[tilespmem:s0+$0xFFFFFEA0] =	vst v12  }
0x2fd: {  	v19 =	vadd.f32 v19, v23;
	[tilespmem:s7+$0xFFFFFFC0] =	vst v4  }
0x2fe: {  	v27 =	vadd.f32 v21, v22;
	[tilespmem:s7+$0x0] =	vst v5  }
0x2ff: {  	v30 =	vshll.u32 v6, $0x10;
	v7 =	vadd.f32 v8, v7;
	[tilespmem:s14+$0xFFFFFF50] =	vst v19  }
0x300: {  	v31 =	vld [tilespmem:s13+$0xFFFFFFE0];
	v33 =	vshll.u32 v14, $0x10;
	v34 =	vshll.u32 v10, $0x10;
	v1 =	vadd.f32 v1, v2;
	[tilespmem:s14+$0xFFFFFF10] =	vst v27  }
0x301: {  	v32 =	vld [tilespmem:s9+$0xFFFFFF80];
	v35 =	vand.u32 $0xFFFF0000, v6;
	v9 =	vand.u32 $0xFFFF0000, v9;
	v17 =	vadd.f32 v30, v17;
	[tilespmem:s0+$0xFFFFFE60] =	vst v7  }
0x302: {  	v41 =	vand.u32 $0xFFFF0000, v10;
	v42 =	vand.u32 $0xFFFF0000, v14;
	v49 =	vld [tilespmem:s9+$0xFFFFFFC0];
	v36 =	vadd.f32 v34, v33;
	[tilespmem:s0+$0xFFFFFF70] =	vst v1  }
0x303: {  	v55 =	vld [tilespmem:s8+$0xFFFFFFC0];
	v3 =	vshll.u32 v3, $0x10;
	v28 =	vshll.u32 v16, $0x10;
	v5 =	vadd.f32 v35, v9;
	[tilespmem:s14+$0xFFFFFE10] =	vst v17  }
0x304: {  	v37 =	vld [tilespmem:s6+$0xFFFFFF70];
	v38 =	vand.u32 $0xFFFF0000, v16;
	v44 =	vadd.f32 v41, v42;
	v29 =	vshll.u32 v15, $0x10;
	[tilespmem:s14+$0xFFFFFE90] =	vst v36  }
0x305: {  	v40 =	vld [tilespmem:s1+$0xFFFFFF70];
	v0 =	vadd.f32 v3, v0;
	v39 =	vand.u32 $0xFFFF0000, v15;
	v12 =	vadd.f32 v29, v28;
	[tilespmem:s14+$0xFFFFFE50] =	vst v5  }
0x306: {  	v19 =	vld [tilespmem:s6+$0x0];
	v45 =	vshll.u32 v13, $0x10;
	v48 =	vand.u32 $0xFFFF0000, v13;
	[tilespmem:s14+$0xFFFFFED0] =	vst v44;
	v52 =	vshll.u32 v11, $0x10  }
0x307: {  	v43 =	vld [tilespmem:s13+$0xFFFFFFA0];
	v20 =	vand.u32 $0xFFFF0000, v11;
	[tilespmem:s7+$0xFFFFFE30] =	vst v12;
	v12 =	vadd.f32 v39, v38;
	v46 =	vshll.u32 v31, $0x10  }
0x308: {  	v47 =	vld [tilespmem:s11+$0xFFFFFFA0];
	[tilespmem:s0+$0xFFFFFE20] =	vst v0;
	v50 =	vand.u32 $0xFFFF0000, v31;
	v53 =	vshll.u32 v32, $0x10;
	v9 =	vadd.f32 v45, v46  }
0x309: {  	v21 =	vld [tilespmem:s11+$0xFFFFFF60];
	v4 =	vand.u32 $0xFFFF0000, v32;
	v24 =	vshll.u32 v49, $0x10;
	v5 =	vadd.f32 v48, v50;
	[tilespmem:s7+$0xFFFFFE70] =	vst v12  }
0x30a: {  	v30 =	vld [tilespmem:s12+$0xFFFFFF60];
	v27 =	vshll.u32 v55, $0x10;
	v28 =	vand.u32 $0xFFFF0000, v49;
	v58 =	vadd.f32 v52, v53;
	[tilespmem:s14+$0xFFFFFFA0] =	vst v9  }
0x30b: {  	v42 =	vld [tilespmem:s6+$0xFFFFFF30];
	v56 =	vand.u32 $0xFFFF0000, v37;
	v57 =	vand.u32 $0xFFFF0000, v40;
	v4 =	vadd.f32 v20, v4;
	[tilespmem:s14+$0xFFFFFFE0] =	vst v5  }
0x30c: {  	v31 =	vld [tilespmem:s12+$0xFFFFFF20];
	v33 =	vshll.u32 v40, $0x10;
	v34 =	vshll.u32 v37, $0x10;
	v60 =	vadd.f32 v57, v56;
	[tilespmem:s7+$0xFFFFFEC0] =	vst v58  }
0x30d: {  	v32 =	vld [tilespmem:s11+$0xFFFFFF20];
	v36 =	vadd.f32 v33, v34;
	v59 =	vshll.u32 v43, $0x10;
	v61 =	vshll.u32 v47, $0x10;
	[tilespmem:s7+$0xFFFFFF00] =	vst v4  }
0x30e: {  	v45 =	vld [tilespmem:s1+$0xFFFFFF30];
	v62 =	vand.u32 $0xFFFF0000, v43;
	v63 =	vand.u32 $0xFFFF0000, v47;
	v10 =	vadd.f32 v61, v59;
	[tilespmem:s0+$0xFFFFFEF0] =	vst v60  }
0x30f: {  	v16 =	vshll.u32 v19, $0x10;
	v54 =	vld [tilespmem:s9+$0xFFFFFF40];
	v9 =	vand.u32 $0xFFFF0000, v55;
	v7 =	vadd.f32 v63, v62;
	[tilespmem:s0+$0xFFFFFEB0] =	vst v36  }
0x310: {  	v51 =	vld [tilespmem:s8+$0xFFFFFF40];
	v4 =	vadd.f32 v9, v28;
	v43 =	vshll.u32 v21, $0x10;
	v44 =	vshll.u32 v30, $0x10;
	[tilespmem:s14+$0xFFFFFF20] =	vst v10  }
0x311: {  	v46 =	vld [tilespmem:s1+$0x0];
	v5 =	vand.u32 $0xFFFF0000, v19;
	v62 =	vand.u32 $0xFFFF0000, v42;
	v1 =	vadd.f32 v43, v44;
	[tilespmem:s14+$0xFFFFFF60] =	vst v7  }
0x312: {  	v20 =	vld [tilespmem:s6+$0xFFFFFFC0];
	v53 =	vshll.u32 v32, $0x10;
	v10 =	vadd.f32 v27, v24;
	[tilespmem:s7+$0xFFFFFF80] =	vst v4;
	v7 =	vshll.u32 v31, $0x10  }
0x313: {  	v25 =	vld [tilespmem:s12+$0xFFFFFFF0];
	v49 =	vand.u32 $0xFFFF0000, v31;
	v63 =	vand.u32 $0xFFFF0000, v45;
	[tilespmem:s10+$0xFFFFFEA0] =	vst v1;
	v1 =	vadd.f32 v53, v7  }
0x314: {  	v29 =	vld [tilespmem:s11+$0xFFFFFFF0];
	v50 =	vand.u32 $0xFFFF0000, v32;
	v3 =	vadd.f32 v63, v62;
	v23 =	vshll.u32 v54, $0x10;
	[tilespmem:s7+$0xFFFFFF40] =	vst v10  }
0x315: {  	v52 =	vld [tilespmem:s6+$0xFFFFFF80];
	v8 =	vand.u32 $0xFFFF0000, v54;
	v6 =	vand.u32 $0xFFFF0000, v51;
	v54 =	vadd.f32 v50, v49;
	[tilespmem:s10+$0xFFFFFE20] =	vst v1  }
0x316: {  	v40 =	vand.u32 $0xFFFF0000, v21;
	v0 =	vand.u32 $0xFFFF0000, v46;
	v35 =	vld [tilespmem:s11+$0xFFFFFFB0];
	v6 =	vadd.f32 v6, v8;
	[tilespmem:s0+$0xFFFFFE70] =	vst v3  }
0x317: {  	v41 =	vand.u32 $0xFFFF0000, v30;
	v59 =	vshll.u32 v42, $0x10;
	v37 =	vld [tilespmem:s12+$0xFFFFFFB0];
	v0 =	vadd.f32 v0, v5;
	[tilespmem:s10+$0xFFFFFE60] =	vst v54  }
0x318: {  	v60 =	vshll.u32 v45, $0x10;
	v22 =	vshll.u32 v51, $0x10;
	v51 =	vld [tilespmem:s1+$0xFFFFFF80];
	[tilespmem:s7+$0xFFFFFE80] =	vst v6;
	v6 =	vadd.f32 v40, v41  }
0x319: {  	v26 =	vadd.f32 v22, v23;
	v47 =	vand.u32 $0xFFFF0000, v25;
	v12 =	vand.u32 $0xFFFF0000, v29;
	[tilespmem:s0+$0x0] =	vst v0;
	v17 =	vld [tilespmem:s12+$0xFFFFFF30]  }
0x31a: {  	v15 =	vshll.u32 v46, $0x10;
	v48 =	vadd.f32 v12, v47;
	v12 =	vadd.f32 v60, v59;
	v18 =	vld [tilespmem:s11+$0xFFFFFF30];
	[tilespmem:s10+$0xFFFFFEE0] =	vst v6  }
0x31b: {  	v38 =	vshll.u32 v25, $0x10;
	v39 =	vshll.u32 v29, $0x10;
	v1 =	vadd.f32 v15, v16;
	[tilespmem:s7+$0xFFFFFE40] =	vst v26;
	v57 =	vld [tilespmem:s12+$0xFFFFFF70]  }
0x31c: {  	v4 =	vadd.f32 v39, v38;
	[tilespmem:s0+$0xFFFFFE30] =	vst v12;
	v61 =	vld [tilespmem:s11+$0xFFFFFF70]  }
0x31d: {  	v21 =	vshll.u32 v52, $0x10;
	[tilespmem:s0+$0xFFFFFFC0] =	vst v1;
	v55 =	vshll.u32 v35, $0x10;
	v56 =	vshll.u32 v37, $0x10;
	v24 =	vld [tilespmem:s1+$0xFFFFFF40]  }
0x31e: {  	[tilespmem:s10+$0xFFFFFFB0] =	vst v4;
	v9 =	vand.u32 $0xFFFF0000, v35;
	v2 =	vand.u32 $0xFFFF0000, v37;
	v58 =	vadd.f32 v55, v56;
	v26 =	vld [tilespmem:s6+$0xFFFFFF40]  }
0x31f: {  	v41 =	vshll.u32 v20, $0x10;
	[tilespmem:s10+$0xFFFFFFF0] =	vst v48;
	v19 =	vshll.u32 v51, $0x10;
	v29 =	vadd.f32 v9, v2  }
0x320: {  	v27 =	vld [tilespmem:s1+$0xFFFFFFC0];
	v3 =	vadd.f32 v19, v21;
	[tilespmem:s10+$0xFFFFFF30] =	vst v58;
	v30 =	vshll.u32 v17, $0x10;
	v31 =	vshll.u32 v18, $0x10  }
0x321: {  	v28 =	vld [tilespmem:s12+$0x0];
	[tilespmem:s10+$0xFFFFFF70] =	vst v29;
	v2 =	vadd.f32 v31, v30;
	v22 =	vand.u32 $0xFFFF0000, v57;
	v23 =	vand.u32 $0xFFFF0000, v61  }
0x322: {  	v32 =	vld [tilespmem:s11+$0x0];
	[tilespmem:s0+$0xFFFFFEC0] =	vst v3;
	v25 =	vshll.u32 v61, $0x10;
	v4 =	vshll.u32 v57, $0x10;
	v1 =	vadd.f32 v23, v22  }
0x323: {  	v38 =	vshll.u32 v24, $0x10;
	v39 =	vshll.u32 v26, $0x10;
	[tilespmem:s10+$0xFFFFFE30] =	vst v2;
	v0 =	vadd.f32 v25, v4  }
0x324: {  	v33 =	vand.u32 $0xFFFF0000, v17;
	v34 =	vand.u32 $0xFFFF0000, v18;
	v43 =	vld [tilespmem:s12+$0xFFFFFFC0];
	v6 =	vadd.f32 v38, v39;
	[tilespmem:s10+$0xFFFFFEF0] =	vst v1  }
0x325: {  	v42 =	vshll.u32 v27, $0x10;
	v35 =	vand.u32 $0xFFFF0000, v51;
	v51 =	vld [tilespmem:s11+$0xFFFFFFC0];
	[tilespmem:s10+$0xFFFFFEB0] =	vst v0;
	v0 =	vadd.f32 v34, v33  }
0x326: {  	v5 =	vand.u32 $0xFFFF0000, v26;
	v47 =	vand.u32 $0xFFFF0000, v24;
	v2 =	vadd.f32 v42, v41;
	[tilespmem:s0+$0xFFFFFE40] =	vst v6;
	v37 =	vld [tilespmem:s11+$0xFFFFFF80]  }
0x327: {  	v3 =	vand.u32 $0xFFFF0000, v28;
	v9 =	vand.u32 $0xFFFF0000, v32;
	v5 =	vadd.f32 v47, v5;
	v40 =	vld [tilespmem:s12+$0xFFFFFF80];
	[tilespmem:s10+$0xFFFFFE70] =	vst v0  }
0x328: {  	v36 =	vand.u32 $0xFFFF0000, v52;
	v52 =	vadd.f32 v9, v3;
	[tilespmem:s0+$0xFFFFFF40] =	vst v2;
	v46 =	vld [tilespmem:s11+$0xFFFFFF40]  }
0x329: {  	v45 =	vand.u32 $0xFFFF0000, v20;
	v44 =	vand.u32 $0xFFFF0000, v27;
	v4 =	vadd.f32 v35, v36;
	[tilespmem:s0+$0xFFFFFE80] =	vst v5;
	v48 =	vld [tilespmem:s12+$0xFFFFFF40]  }
0x32a: {  	v49 =	vshll.u32 v32, $0x10;
	v50 =	vshll.u32 v28, $0x10;
	[tilespmem:s10+$0x0] =	vst v52;
	v0 =	vadd.f32 v44, v45  }
0x32b: {  	v6 =	vadd.f32 v49, v50;
	v2 =	vand.u32 $0xFFFF0000, v51;
	v61 =	vand.u32 $0xFFFF0000, v43;
	[tilespmem:s0+$0xFFFFFF00] =	vst v4  }
0x32c: {  	[tilespmem:s0+$0xFFFFFF80] =	vst v0;
	v0 =	vadd.f32 v2, v61;
	v53 =	vshll.u32 v37, $0x10;
	v54 =	vshll.u32 v40, $0x10  }
0x32d: {  	[tilespmem:s10+$0xFFFFFFC0] =	vst v6;
	v1 =	vand.u32 $0xFFFF0000, v37;
	v55 =	vand.u32 $0xFFFF0000, v40;
	v3 =	vadd.f32 v53, v54  }
0x32e: {  	[tilespmem:s10+$0xFFFFFF80] =	vst v0;
	v56 =	vadd.f32 v1, v55;
	v57 =	vshll.u32 v46, $0x10;
	v58 =	vshll.u32 v48, $0x10  }
0x32f: {  	v59 =	vshll.u32 v43, $0x10;
	v60 =	vshll.u32 v51, $0x10;
	[tilespmem:s10+$0xFFFFFEC0] =	vst v3;
	v1 =	vadd.f32 v57, v58  }
0x330: {  	v4 =	vand.u32 $0xFFFF0000, v48;
	v62 =	vand.u32 $0xFFFF0000, v46;
	[tilespmem:s10+$0xFFFFFF00] =	vst v56;
	v3 =	vadd.f32 v60, v59  }
0x331: {  	v63 =	vadd.f32 v62, v4;
	[tilespmem:s10+$0xFFFFFE40] =	vst v1  }
0x332: {  	[tilespmem:s10+$0xFFFFFF40] =	vst v3  }
0x333: {  	[tilespmem:s10+$0xFFFFFE80] =	vst v63  }
0x334: {  	s28 =	simm.s32 $0x10400;
	s29 =	simm.s32 $0x6;
	s0 =	rddreg [dreg:$0x6]  }
0x335: {  	[hbm4b:s0+s3] =	stream.linear.scatter [tilespmem:s28], [sflag:$0x5], $0x4000, $0x38;
	[tilespmem:$0x1E800] =	vst v63  }
0x336: {  	_ =	swait.ge [sflag:s29], $0x4000  }
0x337: {  	[sflag:s29] =	ssyncset.done $0x0  }
0x338: {  	[sflag:s29] =	ssyncadd.s32 $0xFFFFC000  }
0x339: {  	_ =	swait.ge [sflag:s2], $0x4000  }
0x33a: {  	[sflag:s2] =	ssyncset.done $0x0  }
0x33b: {  	[sflag:s2] =	ssyncadd.s32 $0xFFFFC000  }
0x33c: {  	_ =	swait.ge [sflag:s17], $0x4000  }
0x33d: {  	s30 =	rddreg [dreg:$0x8]  }
0x33e: {  	s31 =	rddreg [dreg:$0x7];
	s1 =	sadd.s32 $0x1, s30  }
0x33f: {  	p0 =	sne.s32 s1, s31  }
.Ltmp6:
0x340: {  	_ = 	snop;
	(pc) =	sbr.rel @p0 .LBB2_1-.Ltmp6, $3  }
0x341: {  	_ =	sdelay $0x1  }
0x342: {  	[sflag:s17] =	ssyncset.done $0x0  }
0x343: {  	[sflag:s17] =	ssyncadd.s32 $0xFFFFC000  }
0x344: {  	_ =	sfence.sel $0x180000  }
0x345: {  	[bflag:$0x0] =	sbarrier.arrive $0xFFFF  }
0x346: {  	_ =	strace $0x9000004A  }
0x347: {  	s0 =	stileid.u32;
	[bflag:$0x2] =	sbarrier.arrive $0xFFFF  }
0x348: {  	p0 =	sne.s32 s0, $0x0;
	s0 =	rddreg [dreg:$0x2]  }
0x349: {  	s0 =	sadd.s32 @!p0 $0x100000, s0  }
0x34a: {  	[sflag:s0] =	ssyncadd.tile.s32 @!p0 $0x1;
	_ =	shalt  }
.Lfunc_end2:
_tile_overlayer_lowered:
.L_overlay_start_2:
0x34b: {  	(tag) =	ssettag $0x2  }
0x34c: {  	s0 =	rddreg [dreg:$0x0];
	s2 =	stileid.u32  }
0x34d: {  	s1 =	rddreg [dreg:$0x1];
	p0 =	sne.s32 s2, $0x0  }
0x34e: {  	s3 =	rddreg [dreg:$0x2];
	[bflag:$0x3] =	sbarrier.arrive $0xFFFF;
	s2 =	simm.s32 @!p0 $0x1C07  }
0x34f: {  	[timem:s3], [sflag:s2] =	dma.local @!p0 [hbm:s0], s1  }
0x350: {  	s0 =	simm.s32 @!p0 $0x7  }
0x351: {  	_ =	swait.ge @!p0 [sflag:s0], s1  }
0x352: {  	s1 =	ssub.s32 @!p0 $0x0, s1;
	[sflag:s0] =	ssyncset.done @!p0 $0x0  }
0x353: {  	[sflag:s0] =	ssyncadd.s32 @!p0 s1  }
0x354: {  	[bflag:$0x3] =	sbarrier.arrive $0xFFFF  }
0x355: {  	_ =	shalt  }

</sc_bundles>
